<compile_context>
chip_gen: v7x
topology: tpu7x:2x2x1
jax: 0.10.2.dev20260603
libtpu: 0.0.44.dev20260713+nightly
codegen_flags: <defaults>
</compile_context>

<pallas_src>
import functools

import jax
import jax.numpy as jnp
from jax import lax
from jax.experimental import pallas as pl
from jax.experimental.pallas import tpu as pltpu
from jax.experimental.pallas import tpu_sc as plsc

N = 10000
E = 320000
D = 128

NC, NS, L = 2, 16, 16
NW = NC * NS
CH = 128
NCHUNKS = E // CH
CPW = NCHUNKS // NW
NLEFT = NCHUNKS - CPW * NW
ZR = 80


def _segment_sum_sc(x, e2):
    mesh = plsc.VectorSubcoreMesh(
        core_axis_name="c", subcore_axis_name="s", num_cores=NC, num_subcores=NS
    )

    @functools.partial(
        pl.kernel,
        out_type=jax.ShapeDtypeStruct((NC, N, D), jnp.float32),
        mesh=mesh,
        scratch_types=[
            [pltpu.VMEM((CH,), jnp.int32) for _ in range(4)],
            [pltpu.VMEM((CH,), jnp.int32) for _ in range(4)],
            [pltpu.VMEM((CH, D), jnp.float32) for _ in range(2)],
            pltpu.VMEM((ZR, D), jnp.float32),
            pltpu.VMEM_SHARED((N, D), jnp.float32),
            [pltpu.SemaphoreType.DMA for _ in range(4)],
            [pltpu.SemaphoreType.DMA for _ in range(4)],
            [pltpu.SemaphoreType.DMA for _ in range(2)],
            [pltpu.SemaphoreType.DMA for _ in range(2)],
            [pltpu.SemaphoreType.DMA for _ in range(8)],
        ],
    )
    def k(x_hbm, e_hbm, out_hbm,
          sidx, didx, rows, zbuf, acc, sis, dis, sg, ss, ds):
        src_hbm = e_hbm.at[0]
        dst_hbm = e_hbm.at[1]
        cid = lax.axis_index("c")
        sid = lax.axis_index("s")
        wid = sid * NC + cid
        start = wid * CPW
        nz = jnp.where(sid == NS - 1, (N // ZR) - 8 * (NS - 1), 8)

        def issue_idx(c, q):
            pltpu.async_copy(src_hbm.at[pl.ds(c * CH, CH)], sidx[q], sis[q])
            pltpu.async_copy(dst_hbm.at[pl.ds(c * CH, CH)], didx[q], dis[q])

        def wait_idx(c, q):
            pltpu.make_async_copy(src_hbm.at[pl.ds(c * CH, CH)], sidx[q], sis[q]).wait()
            pltpu.make_async_copy(dst_hbm.at[pl.ds(c * CH, CH)], didx[q], dis[q]).wait()

        def issue_gather(q, b):
            pltpu.async_copy(x_hbm.at[sidx[q]], rows[b], sg[b])

        def wait_gather(q, b):
            pltpu.make_async_copy(x_hbm.at[sidx[q]], rows[b], sg[b]).wait()

        def issue_scatter(q, b):
            pltpu.async_copy(rows[b], acc.at[didx[q]], ss[b], add=True)

        def wait_scatter(q, b):
            pltpu.make_async_copy(rows[b], acc.at[didx[q]], ss[b]).wait()

        for q in range(3):
            issue_idx(start + q, q)

        zv = jnp.zeros((L,), jnp.float32)

        def zero_body(i, _):
            zbuf[i // (D // L), pl.ds((i % (D // L)) * L, L)] = zv
            return 0

        lax.fori_loop(0, ZR * (D // L), zero_body, 0)

        for j in range(8):
            @pl.when(j < nz)
            def _():
                r0 = pl.multiple_of((sid * 8 + j) * ZR, 8)
                pltpu.async_copy(zbuf, acc.at[pl.ds(r0, ZR)], ds[j])

        wait_idx(start, 0)
        issue_gather(0, 0)

        for j in range(8):
            @pl.when(j < nz)
            def _():
                r0 = pl.multiple_of((sid * 8 + j) * ZR, 8)
                pltpu.make_async_copy(zbuf, acc.at[pl.ds(r0, ZR)], ds[j]).wait()

        plsc.subcore_barrier()


        def chunk_body(c, k4, first, last):
            q, b = k4, k4 % 2
            qn, bn = (k4 + 1) % 4, (k4 + 1) % 2
            qp, bp = (k4 + 3) % 4, (k4 + 1) % 2
            if not first:
                wait_scatter(qp, bp)
                if last:
                    @pl.when(c + 3 < CPW)
                    def _():
                        issue_idx(start + c + 3, qp)
                else:
                    issue_idx(start + c + 3, qp)
            else:
                issue_idx(start + c + 3, (k4 + 3) % 4)
            wait_idx(start + c + 1, qn)
            issue_gather(qn, bn)
            wait_gather(q, b)
            issue_scatter(q, b)

        for k4 in range(4):
            chunk_body(k4, k4, first=(k4 == 0), last=False)

        def quad(i, _):
            j = 4 + i * 4
            for k4 in range(4):
                chunk_body(j + k4, k4, first=False, last=True)
            return 0

        lax.fori_loop(0, (CPW - 4 - 2) // 4, quad, 0)

        wait_scatter(3, 1)
        wait_idx(start + CPW - 1, 1)
        issue_gather(1, 1)
        wait_gather(0, 0)
        issue_scatter(0, 0)
        wait_scatter(0, 0)
        wait_gather(1, 1)
        issue_scatter(1, 1)
        wait_scatter(1, 1)

        @pl.when(wid < NLEFT)
        def _():
            c = NW * CPW + wid
            issue_idx(c, 2)
            wait_idx(c, 2)
            issue_gather(2, 0)
            wait_gather(2, 0)
            issue_scatter(2, 0)
            wait_scatter(2, 0)

        plsc.subcore_barrier()

        for j in range(8):
            @pl.when(j < nz)
            def _():
                r0 = pl.multiple_of((sid * 8 + j) * ZR, 8)
                pltpu.async_copy(
                    acc.at[pl.ds(r0, ZR)], out_hbm.at[cid, pl.ds(r0, ZR)], ds[j]
                )

        for j in range(8):
            @pl.when(j < nz)
            def _():
                r0 = pl.multiple_of((sid * 8 + j) * ZR, 8)
                pltpu.make_async_copy(
                    acc.at[pl.ds(r0, ZR)], out_hbm.at[cid, pl.ds(r0, ZR)], ds[j]
                ).wait()

    return k(x, e2)


def _linear_kernel(act):
    def body(x_ref, p_ref, w_ref, b_ref, o_ref):
        h = x_ref[...] + p_ref[0] + p_ref[1]
        z = jnp.dot(h, w_ref[...], preferred_element_type=jnp.float32)
        z = z + b_ref[...]
        if act == "relu":
            o_ref[...] = jnp.maximum(z, 0.0)
        else:
            m = jnp.max(z, axis=1, keepdims=True)
            e = jnp.exp(z - m)
            s = jnp.sum(e, axis=1, keepdims=True)
            o_ref[...] = (z - m) - jnp.log(s)

    return body


def _linear(x, parts, wt, b, act):
    BLK = 1000
    grid = (N // BLK,)
    row_spec = pl.BlockSpec((BLK, D), lambda i: (i, 0))
    parts_spec = pl.BlockSpec((2, BLK, D), lambda i: (0, i, 0))
    full_spec = pl.BlockSpec((D, D), lambda i: (0, 0))
    bias_spec = pl.BlockSpec((1, D), lambda i: (0, 0))
    return pl.pallas_call(
        _linear_kernel(act),
        grid=grid,
        in_specs=[row_spec, parts_spec, full_spec, bias_spec],
        out_specs=row_spec,
        out_shape=jax.ShapeDtypeStruct((N, D), jnp.float32),
    )(x, parts, wt, b)


def kernel(x, edge_index, W1, b1, W2, b2):
    agg1 = _segment_sum_sc(x, edge_index)
    h1 = _linear(x, agg1, W1.T, b1.reshape(1, D), "relu")
    agg2 = _segment_sum_sc(h1, edge_index)
    return _linear(h1, agg2, W2.T, b2.reshape(1, D), "logsoftmax")

# --- scband reference (transcript-rebuilt; emitter-appended) ---
"""Pipeline reference for scband-gin-model-ben2-45792941310040 (READ-ONLY COPY).

The authoritative reference and input builder live on the scoring server;
editing this copy changes nothing except your own understanding.
"""

import jax, jax.numpy as jnp
import numpy as np

N = 10000
E = 320000
D_IN = 128
D_HID = 128
D_OUT = 128
EPS = 0.0  # GINConv default eps


def setup_inputs(seed: int = 0) -> dict:
    key = jax.random.key(seed)
    k1, k2, k3, k4, k5, k6 = jax.random.split(key, 6)
    x = jax.random.normal(k1, (N, D_IN), dtype=jnp.float32)
    edge_index = jax.random.randint(k2, (2, E), 0, N)
    # Linear layer params (PyTorch convention: W [out, in], b [out])
    W1 = jax.random.normal(k3, (D_HID, D_IN), dtype=jnp.float32) * (1.0 / np.sqrt(D_IN))
    b1 = jax.random.normal(k4, (D_HID,), dtype=jnp.float32) * 0.01
    W2 = jax.random.normal(k5, (D_OUT, D_HID), dtype=jnp.float32) * (1.0 / np.sqrt(D_HID))
    b2 = jax.random.normal(k6, (D_OUT,), dtype=jnp.float32) * 0.01
    return {"x": x, "edge_index": edge_index, "W1": W1, "b1": b1, "W2": W2, "b2": b2}


def _gin_conv(x, src, dst, W, b, eps):
    # GINConv: nn((1+eps)*x_i + sum_{j in N(i)} x_j)
    msgs = jnp.take(x, src, axis=0)
    agg = jax.ops.segment_sum(msgs, dst, num_segments=N)
    h = (1.0 + eps) * x + agg
    return h @ W.T + b


def reference(x, edge_index, W1, b1, W2, b2):
    src = edge_index[0]
    dst = edge_index[1]
    h = _gin_conv(x, src, dst, W1, b1, EPS)
    h = jax.nn.relu(h)
    # dropout is identity in eval mode
    h = _gin_conv(h, src, dst, W2, b2, EPS)
    return jax.nn.log_softmax(h, axis=1)

if __name__ == "__main__":
    import jax
    _d = setup_inputs()
    print(jax.jit(kernel)(*tuple(_d.values())))

</pallas_src>

<mosaic_0001>
#map = affine_map<(d0, d1) -> (0, 0)>
#map1 = affine_map<(d0, d1) -> (0, 0, 0)>
module attributes {stable_mosaic.version = 14 : i64} {
  func.func @k(%arg0: i32, %arg1: i32, %arg2: memref<10000x128xf32, #tpu.memory_space<hbm>>, %arg3: memref<2x320000xi32, #tpu.memory_space<hbm>>, %arg4: memref<2x10000x128xf32, #tpu.memory_space<hbm>>, %arg5: memref<128xi32, #tpu.memory_space<vmem>>, %arg6: memref<128xi32, #tpu.memory_space<vmem>>, %arg7: memref<128xi32, #tpu.memory_space<vmem>>, %arg8: memref<128xi32, #tpu.memory_space<vmem>>, %arg9: memref<128xi32, #tpu.memory_space<vmem>>, %arg10: memref<128xi32, #tpu.memory_space<vmem>>, %arg11: memref<128xi32, #tpu.memory_space<vmem>>, %arg12: memref<128xi32, #tpu.memory_space<vmem>>, %arg13: memref<128x128xf32, #tpu.memory_space<vmem>>, %arg14: memref<128x128xf32, #tpu.memory_space<vmem>>, %arg15: memref<80x128xf32, #tpu.memory_space<vmem>>, %arg16: memref<10000x128xf32, #tpu.memory_space<vmem_shared>>, %arg17: memref<!tpu.dma_semaphore, #tpu.memory_space<semaphore_mem>>, %arg18: memref<!tpu.dma_semaphore, #tpu.memory_space<semaphore_mem>>, %arg19: memref<!tpu.dma_semaphore, #tpu.memory_space<semaphore_mem>>, %arg20: memref<!tpu.dma_semaphore, #tpu.memory_space<semaphore_mem>>, %arg21: memref<!tpu.dma_semaphore, #tpu.memory_space<semaphore_mem>>, %arg22: memref<!tpu.dma_semaphore, #tpu.memory_space<semaphore_mem>>, %arg23: memref<!tpu.dma_semaphore, #tpu.memory_space<semaphore_mem>>, %arg24: memref<!tpu.dma_semaphore, #tpu.memory_space<semaphore_mem>>, %arg25: memref<!tpu.dma_semaphore, #tpu.memory_space<semaphore_mem>>, %arg26: memref<!tpu.dma_semaphore, #tpu.memory_space<semaphore_mem>>, %arg27: memref<!tpu.dma_semaphore, #tpu.memory_space<semaphore_mem>>, %arg28: memref<!tpu.dma_semaphore, #tpu.memory_space<semaphore_mem>>, %arg29: memref<!tpu.dma_semaphore, #tpu.memory_space<semaphore_mem>>, %arg30: memref<!tpu.dma_semaphore, #tpu.memory_space<semaphore_mem>>, %arg31: memref<!tpu.dma_semaphore, #tpu.memory_space<semaphore_mem>>, %arg32: memref<!tpu.dma_semaphore, #tpu.memory_space<semaphore_mem>>, %arg33: memref<!tpu.dma_semaphore, #tpu.memory_space<semaphore_mem>>, %arg34: memref<!tpu.dma_semaphore, #tpu.memory_space<semaphore_mem>>, %arg35: memref<!tpu.dma_semaphore, #tpu.memory_space<semaphore_mem>>, %arg36: memref<!tpu.dma_semaphore, #tpu.memory_space<semaphore_mem>>) attributes {dimension_semantics = [#tpu.dimension_semantics<core_parallel>, #tpu.dimension_semantics<subcore_parallel>], iteration_bounds = array<i64: 2, 16>, scalar_prefetch = 0 : i64, scratch_operands = 32 : i64, tpu.core_type = #tpu.core_type<sc_vector_subcore>, window_params = [{transform_indices = #map}, {transform_indices = #map}, {transform_indices = #map1}]} {
    %mul3A = arith.constant 2 : i32
    %mul3A_0 = arith.muli %arg1, %mul3A : i32
    %add3A = arith.addi %mul3A_0, %arg0 : i32
    %mul3A_1 = arith.constant 78 : i32
    %mul3A_2 = arith.muli %add3A, %mul3A_1 : i32
    %eq3A = arith.constant 15 : i32
    %eq3A_3 = arith.cmpi eq, %arg1, %eq3A : i32
    %jit3A = arith.constant 5 : i32
    %jit3A_4 = arith.constant 8 : i32
    %select_n3A = arith.select %eq3A_3, %jit3A, %jit3A_4 : i32
    %add3A_5 = arith.constant 0 : i32
    %add3A_6 = arith.addi %mul3A_2, %add3A_5 : i32
    %mul3A_7 = arith.constant 128 : i32
    %mul3A_8 = arith.muli %add3A_6, %mul3A_7 : i32
    %dma_start3A = arith.constant 0 : i32
    %dma_start3A_9 = arith.constant 0 : i32
    %dma_start3A_10 = tpu.memref_slice %arg3[%dma_start3A, %dma_start3A_9] : memref<2x320000xi32, #tpu.memory_space<hbm>> -> memref<1x320000xi32, #tpu.memory_space<hbm>>
    %dma_start3A_11 = tpu.memref_squeeze %dma_start3A_10 : memref<1x320000xi32, #tpu.memory_space<hbm>> -> memref<320000xi32, #tpu.memory_space<hbm>>
    %dma_start3A_12 = tpu.memref_slice %dma_start3A_11[%mul3A_8] : memref<320000xi32, #tpu.memory_space<hbm>> -> memref<128xi32, #tpu.memory_space<hbm>>
    %dma_start3A_13 = arith.constant 0 : i32
    %dma_start3A_14 = tpu.memref_slice %arg3[%dma_start3A, %dma_start3A_13] : memref<2x320000xi32, #tpu.memory_space<hbm>> -> memref<1x320000xi32, #tpu.memory_space<hbm>>
    %dma_start3A_15 = tpu.memref_squeeze %dma_start3A_14 : memref<1x320000xi32, #tpu.memory_space<hbm>> -> memref<320000xi32, #tpu.memory_space<hbm>>
    %dma_start3A_16 = tpu.memref_slice %dma_start3A_15[%mul3A_8] : memref<320000xi32, #tpu.memory_space<hbm>> -> memref<128xi32, #tpu.memory_space<hbm>>
    tpu.enqueue_dma source(%dma_start3A_16 : memref<128xi32, #tpu.memory_space<hbm>>) target(%arg5 : memref<128xi32, #tpu.memory_space<vmem>>) target_semaphore(%arg17 : memref<!tpu.dma_semaphore, #tpu.memory_space<semaphore_mem>>)
    %mul3A_17 = arith.constant 128 : i32
    %mul3A_18 = arith.muli %add3A_6, %mul3A_17 : i32
    %dma_start3A_19 = arith.constant 1 : i32
    %dma_start3A_20 = arith.constant 0 : i32
    %dma_start3A_21 = tpu.memref_slice %arg3[%dma_start3A_19, %dma_start3A_20] : memref<2x320000xi32, #tpu.memory_space<hbm>> -> memref<1x320000xi32, #tpu.memory_space<hbm>>
    %dma_start3A_22 = tpu.memref_squeeze %dma_start3A_21 : memref<1x320000xi32, #tpu.memory_space<hbm>> -> memref<320000xi32, #tpu.memory_space<hbm>>
    %dma_start3A_23 = tpu.memref_slice %dma_start3A_22[%mul3A_18] : memref<320000xi32, #tpu.memory_space<hbm>> -> memref<128xi32, #tpu.memory_space<hbm>>
    %dma_start3A_24 = arith.constant 0 : i32
    %dma_start3A_25 = tpu.memref_slice %arg3[%dma_start3A_19, %dma_start3A_24] : memref<2x320000xi32, #tpu.memory_space<hbm>> -> memref<1x320000xi32, #tpu.memory_space<hbm>>
    %dma_start3A_26 = tpu.memref_squeeze %dma_start3A_25 : memref<1x320000xi32, #tpu.memory_space<hbm>> -> memref<320000xi32, #tpu.memory_space<hbm>>
    %dma_start3A_27 = tpu.memref_slice %dma_start3A_26[%mul3A_18] : memref<320000xi32, #tpu.memory_space<hbm>> -> memref<128xi32, #tpu.memory_space<hbm>>
    tpu.enqueue_dma source(%dma_start3A_27 : memref<128xi32, #tpu.memory_space<hbm>>) target(%arg9 : memref<128xi32, #tpu.memory_space<vmem>>) target_semaphore(%arg21 : memref<!tpu.dma_semaphore, #tpu.memory_space<semaphore_mem>>)
    %add3A_28 = arith.constant 1 : i32
    %add3A_29 = arith.addi %mul3A_2, %add3A_28 : i32
    %mul3A_30 = arith.constant 128 : i32
    %mul3A_31 = arith.muli %add3A_29, %mul3A_30 : i32
    %dma_start3A_32 = arith.constant 0 : i32
    %dma_start3A_33 = arith.constant 0 : i32
    %dma_start3A_34 = tpu.memref_slice %arg3[%dma_start3A_32, %dma_start3A_33] : memref<2x320000xi32, #tpu.memory_space<hbm>> -> memref<1x320000xi32, #tpu.memory_space<hbm>>
    %dma_start3A_35 = tpu.memref_squeeze %dma_start3A_34 : memref<1x320000xi32, #tpu.memory_space<hbm>> -> memref<320000xi32, #tpu.memory_space<hbm>>
    %dma_start3A_36 = tpu.memref_slice %dma_start3A_35[%mul3A_31] : memref<320000xi32, #tpu.memory_space<hbm>> -> memref<128xi32, #tpu.memory_space<hbm>>
    %dma_start3A_37 = arith.constant 0 : i32
    %dma_start3A_38 = tpu.memref_slice %arg3[%dma_start3A_32, %dma_start3A_37] : memref<2x320000xi32, #tpu.memory_space<hbm>> -> memref<1x320000xi32, #tpu.memory_space<hbm>>
    %dma_start3A_39 = tpu.memref_squeeze %dma_start3A_38 : memref<1x320000xi32, #tpu.memory_space<hbm>> -> memref<320000xi32, #tpu.memory_space<hbm>>
    %dma_start3A_40 = tpu.memref_slice %dma_start3A_39[%mul3A_31] : memref<320000xi32, #tpu.memory_space<hbm>> -> memref<128xi32, #tpu.memory_space<hbm>>
    tpu.enqueue_dma source(%dma_start3A_40 : memref<128xi32, #tpu.memory_space<hbm>>) target(%arg6 : memref<128xi32, #tpu.memory_space<vmem>>) target_semaphore(%arg18 : memref<!tpu.dma_semaphore, #tpu.memory_space<semaphore_mem>>)
    %mul3A_41 = arith.constant 128 : i32
    %mul3A_42 = arith.muli %add3A_29, %mul3A_41 : i32
    %dma_start3A_43 = arith.constant 1 : i32
    %dma_start3A_44 = arith.constant 0 : i32
    %dma_start3A_45 = tpu.memref_slice %arg3[%dma_start3A_43, %dma_start3A_44] : memref<2x320000xi32, #tpu.memory_space<hbm>> -> memref<1x320000xi32, #tpu.memory_space<hbm>>
    %dma_start3A_46 = tpu.memref_squeeze %dma_start3A_45 : memref<1x320000xi32, #tpu.memory_space<hbm>> -> memref<320000xi32, #tpu.memory_space<hbm>>
    %dma_start3A_47 = tpu.memref_slice %dma_start3A_46[%mul3A_42] : memref<320000xi32, #tpu.memory_space<hbm>> -> memref<128xi32, #tpu.memory_space<hbm>>
    %dma_start3A_48 = arith.constant 0 : i32
    %dma_start3A_49 = tpu.memref_slice %arg3[%dma_start3A_43, %dma_start3A_48] : memref<2x320000xi32, #tpu.memory_space<hbm>> -> memref<1x320000xi32, #tpu.memory_space<hbm>>
    %dma_start3A_50 = tpu.memref_squeeze %dma_start3A_49 : memref<1x320000xi32, #tpu.memory_space<hbm>> -> memref<320000xi32, #tpu.memory_space<hbm>>
    %dma_start3A_51 = tpu.memref_slice %dma_start3A_50[%mul3A_42] : memref<320000xi32, #tpu.memory_space<hbm>> -> memref<128xi32, #tpu.memory_space<hbm>>
    tpu.enqueue_dma source(%dma_start3A_51 : memref<128xi32, #tpu.memory_space<hbm>>) target(%arg10 : memref<128xi32, #tpu.memory_space<vmem>>) target_semaphore(%arg22 : memref<!tpu.dma_semaphore, #tpu.memory_space<semaphore_mem>>)
    %add3A_52 = arith.constant 2 : i32
    %add3A_53 = arith.addi %mul3A_2, %add3A_52 : i32
    %mul3A_54 = arith.constant 128 : i32
    %mul3A_55 = arith.muli %add3A_53, %mul3A_54 : i32
    %dma_start3A_56 = arith.constant 0 : i32
    %dma_start3A_57 = arith.constant 0 : i32
    %dma_start3A_58 = tpu.memref_slice %arg3[%dma_start3A_56, %dma_start3A_57] : memref<2x320000xi32, #tpu.memory_space<hbm>> -> memref<1x320000xi32, #tpu.memory_space<hbm>>
    %dma_start3A_59 = tpu.memref_squeeze %dma_start3A_58 : memref<1x320000xi32, #tpu.memory_space<hbm>> -> memref<320000xi32, #tpu.memory_space<hbm>>
    %dma_start3A_60 = tpu.memref_slice %dma_start3A_59[%mul3A_55] : memref<320000xi32, #tpu.memory_space<hbm>> -> memref<128xi32, #tpu.memory_space<hbm>>
    %dma_start3A_61 = arith.constant 0 : i32
    %dma_start3A_62 = tpu.memref_slice %arg3[%dma_start3A_56, %dma_start3A_61] : memref<2x320000xi32, #tpu.memory_space<hbm>> -> memref<1x320000xi32, #tpu.memory_space<hbm>>
    %dma_start3A_63 = tpu.memref_squeeze %dma_start3A_62 : memref<1x320000xi32, #tpu.memory_space<hbm>> -> memref<320000xi32, #tpu.memory_space<hbm>>
    %dma_start3A_64 = tpu.memref_slice %dma_start3A_63[%mul3A_55] : memref<320000xi32, #tpu.memory_space<hbm>> -> memref<128xi32, #tpu.memory_space<hbm>>
    tpu.enqueue_dma source(%dma_start3A_64 : memref<128xi32, #tpu.memory_space<hbm>>) target(%arg7 : memref<128xi32, #tpu.memory_space<vmem>>) target_semaphore(%arg19 : memref<!tpu.dma_semaphore, #tpu.memory_space<semaphore_mem>>)
    %mul3A_65 = arith.constant 128 : i32
    %mul3A_66 = arith.muli %add3A_53, %mul3A_65 : i32
    %dma_start3A_67 = arith.constant 1 : i32
    %dma_start3A_68 = arith.constant 0 : i32
    %dma_start3A_69 = tpu.memref_slice %arg3[%dma_start3A_67, %dma_start3A_68] : memref<2x320000xi32, #tpu.memory_space<hbm>> -> memref<1x320000xi32, #tpu.memory_space<hbm>>
    %dma_start3A_70 = tpu.memref_squeeze %dma_start3A_69 : memref<1x320000xi32, #tpu.memory_space<hbm>> -> memref<320000xi32, #tpu.memory_space<hbm>>
    %dma_start3A_71 = tpu.memref_slice %dma_start3A_70[%mul3A_66] : memref<320000xi32, #tpu.memory_space<hbm>> -> memref<128xi32, #tpu.memory_space<hbm>>
    %dma_start3A_72 = arith.constant 0 : i32
    %dma_start3A_73 = tpu.memref_slice %arg3[%dma_start3A_67, %dma_start3A_72] : memref<2x320000xi32, #tpu.memory_space<hbm>> -> memref<1x320000xi32, #tpu.memory_space<hbm>>
    %dma_start3A_74 = tpu.memref_squeeze %dma_start3A_73 : memref<1x320000xi32, #tpu.memory_space<hbm>> -> memref<320000xi32, #tpu.memory_space<hbm>>
    %dma_start3A_75 = tpu.memref_slice %dma_start3A_74[%mul3A_66] : memref<320000xi32, #tpu.memory_space<hbm>> -> memref<128xi32, #tpu.memory_space<hbm>>
    tpu.enqueue_dma source(%dma_start3A_75 : memref<128xi32, #tpu.memory_space<hbm>>) target(%arg11 : memref<128xi32, #tpu.memory_space<vmem>>) target_semaphore(%arg23 : memref<!tpu.dma_semaphore, #tpu.memory_space<semaphore_mem>>)
    %broadcast_in_dim3A = arith.constant 0.000000e+00 : f32
    %broadcast_in_dim3A_76 = vector.broadcast %broadcast_in_dim3A : f32 to vector<16xf32>
    %scan3A = arith.constant 0 : i32
    %scan3A_77 = arith.constant 0 : i32
    %scan3A_78 = arith.constant 640 : i32
    %scan3A_79 = arith.addi %scan3A_77, %scan3A_78 : i32
    %scan3A_80 = arith.constant 1 : i32
    %scan3A_81 = scf.for %scan3A_582 = %scan3A_77 to %scan3A_79 step %scan3A_80 iter_args(%scan3A_583 = %scan3A) -> (i32)  : i32 {
      %jit3A_584 = arith.constant 8 : i32
      %div3A = arith.divsi %scan3A_582, %jit3A_584 : i32
      %sign3A = arith.constant 0 : i32
      %sign3A_585 = arith.cmpi sgt, %scan3A_582, %sign3A : i32
      %sign3A_586 = arith.extui %sign3A_585 : i1 to i32
      %sign3A_587 = arith.constant 0 : i32
      %sign3A_588 = arith.cmpi slt, %scan3A_582, %sign3A_587 : i32
      %sign3A_589 = arith.extui %sign3A_588 : i1 to i32
      %sign3A_590 = arith.subi %sign3A_586, %sign3A_589 : i32
      %sign3A_591 = arith.constant 0 : i32
      %sign3A_592 = arith.cmpi sgt, %jit3A_584, %sign3A_591 : i32
      %sign3A_593 = arith.extui %sign3A_592 : i1 to i32
      %sign3A_594 = arith.constant 0 : i32
      %sign3A_595 = arith.cmpi slt, %jit3A_584, %sign3A_594 : i32
      %sign3A_596 = arith.extui %sign3A_595 : i1 to i32
      %sign3A_597 = arith.subi %sign3A_593, %sign3A_596 : i32
      %ne3A = arith.cmpi ne, %sign3A_590, %sign3A_597 : i32
      %rem3A = arith.remsi %scan3A_582, %jit3A_584 : i32
      %ne3A_598 = arith.constant 0 : i32
      %ne3A_599 = arith.cmpi ne, %rem3A, %ne3A_598 : i32
      %and3A = arith.andi %ne3A, %ne3A_599 : i1
      %sub3A_600 = arith.constant 1 : i32
      %sub3A_601 = arith.subi %div3A, %sub3A_600 : i32
      %select_n3A_602 = arith.select %and3A, %sub3A_601, %div3A : i32
      %jit3A_603 = arith.constant 8 : i32
      %eq3A_604 = arith.constant 0 : i32
      %eq3A_605 = arith.cmpi eq, %jit3A_603, %eq3A_604 : i32
      %jit3A_606 = arith.constant 1 : i32
      %select_n3A_607 = arith.select %eq3A_605, %jit3A_606, %jit3A_603 : i32
      %rem3A_608 = arith.remsi %scan3A_582, %select_n3A_607 : i32
      %ne3A_609 = arith.constant 0 : i32
      %ne3A_610 = arith.cmpi ne, %rem3A_608, %ne3A_609 : i32
      %lt3A_611 = arith.constant 0 : i32
      %lt3A_612 = arith.cmpi slt, %rem3A_608, %lt3A_611 : i32
      %lt3A_613 = arith.constant 0 : i32
      %lt3A_614 = arith.cmpi slt, %select_n3A_607, %lt3A_613 : i32
      %ne3A_615 = arith.xori %lt3A_612, %lt3A_614 : i1
      %and3A_616 = arith.andi %ne3A_615, %ne3A_610 : i1
      %add3A_617 = arith.addi %rem3A_608, %select_n3A_607 : i32
      %select_n3A_618 = arith.select %and3A_616, %add3A_617, %rem3A_608 : i32
      %mul3A_619 = arith.constant 16 : i32
      %mul3A_620 = arith.muli %select_n3A_618, %mul3A_619 : i32
      %swap3A = arith.index_cast %select_n3A_602 : i32 to index
      %swap3A_621 = arith.index_cast %mul3A_620 : i32 to index
      %swap3A_622 = tpu.vector_load %arg15[%swap3A, %swap3A_621] {strides = array<i32>} : memref<80x128xf32, #tpu.memory_space<vmem>>, vector<1x16xf32>,
      %swap3A_623 = vector.shape_cast %swap3A_622 : vector<1x16xf32> to vector<16xf32>
      %swap3A_624 = vector.shape_cast %broadcast_in_dim3A_76 : vector<16xf32> to vector<1x16xf32>
      tpu.vector_store %arg15[%swap3A, %swap3A_621], %swap3A_624 {strides = array<i32>} : memref<80x128xf32, #tpu.memory_space<vmem>>, vector<1x16xf32>,
      %scan3A_625 = arith.constant 0 : i32
      scf.yield %scan3A_625 : i32
    }
    %scan3A_82 = arith.constant 640 : i32
    %gt3A = arith.constant 0 : i32
    %gt3A_83 = arith.cmpi sgt, %select_n3A, %gt3A : i32
    %convert_element_type3A = arith.extui %gt3A_83 : i1 to i32
    %cond3A = arith.constant 0 : i32
    %cond3A_84 = arith.cmpi ne, %convert_element_type3A, %cond3A : i32
    scf.if %cond3A_84 {
      %mul3A_582 = arith.constant 8 : i32
      %mul3A_583 = arith.muli %arg1, %mul3A_582 : i32
      %add3A_584 = arith.constant 0 : i32
      %add3A_585 = arith.addi %mul3A_583, %add3A_584 : i32
      %mul3A_586 = arith.constant 80 : i32
      %mul3A_587 = arith.muli %add3A_585, %mul3A_586 : i32
      %multiple_of3A = tpu.assume_multiple %mul3A_587, 8 : i32
      %dma_start3A_588 = arith.constant 0 : i32
      %dma_start3A_589 = tpu.memref_slice %arg16[%multiple_of3A, %dma_start3A_588] : memref<10000x128xf32, #tpu.memory_space<vmem_shared>> -> memref<80x128xf32, #tpu.memory_space<vmem_shared>>
      %dma_start3A_590 = arith.constant 0 : i32
      %dma_start3A_591 = tpu.memref_slice %arg16[%multiple_of3A, %dma_start3A_590] : memref<10000x128xf32, #tpu.memory_space<vmem_shared>> -> memref<80x128xf32, #tpu.memory_space<vmem_shared>>
      tpu.enqueue_dma source(%arg15 : memref<80x128xf32, #tpu.memory_space<vmem>>) target(%dma_start3A_591 : memref<80x128xf32, #tpu.memory_space<vmem_shared>>) target_semaphore(%arg29 : memref<!tpu.dma_semaphore, #tpu.memory_space<semaphore_mem>>)
    } else {
    }
    %gt3A_85 = arith.constant 1 : i32
    %gt3A_86 = arith.cmpi sgt, %select_n3A, %gt3A_85 : i32
    %convert_element_type3A_87 = arith.extui %gt3A_86 : i1 to i32
    %cond3A_88 = arith.constant 0 : i32
    %cond3A_89 = arith.cmpi ne, %convert_element_type3A_87, %cond3A_88 : i32
    scf.if %cond3A_89 {
      %mul3A_582 = arith.constant 8 : i32
      %mul3A_583 = arith.muli %arg1, %mul3A_582 : i32
      %add3A_584 = arith.constant 1 : i32
      %add3A_585 = arith.addi %mul3A_583, %add3A_584 : i32
      %mul3A_586 = arith.constant 80 : i32
      %mul3A_587 = arith.muli %add3A_585, %mul3A_586 : i32
      %multiple_of3A = tpu.assume_multiple %mul3A_587, 8 : i32
      %dma_start3A_588 = arith.constant 0 : i32
      %dma_start3A_589 = tpu.memref_slice %arg16[%multiple_of3A, %dma_start3A_588] : memref<10000x128xf32, #tpu.memory_space<vmem_shared>> -> memref<80x128xf32, #tpu.memory_space<vmem_shared>>
      %dma_start3A_590 = arith.constant 0 : i32
      %dma_start3A_591 = tpu.memref_slice %arg16[%multiple_of3A, %dma_start3A_590] : memref<10000x128xf32, #tpu.memory_space<vmem_shared>> -> memref<80x128xf32, #tpu.memory_space<vmem_shared>>
      tpu.enqueue_dma source(%arg15 : memref<80x128xf32, #tpu.memory_space<vmem>>) target(%dma_start3A_591 : memref<80x128xf32, #tpu.memory_space<vmem_shared>>) target_semaphore(%arg30 : memref<!tpu.dma_semaphore, #tpu.memory_space<semaphore_mem>>)
    } else {
    }
    %gt3A_90 = arith.constant 2 : i32
    %gt3A_91 = arith.cmpi sgt, %select_n3A, %gt3A_90 : i32
    %convert_element_type3A_92 = arith.extui %gt3A_91 : i1 to i32
    %cond3A_93 = arith.constant 0 : i32
    %cond3A_94 = arith.cmpi ne, %convert_element_type3A_92, %cond3A_93 : i32
    scf.if %cond3A_94 {
      %mul3A_582 = arith.constant 8 : i32
      %mul3A_583 = arith.muli %arg1, %mul3A_582 : i32
      %add3A_584 = arith.constant 2 : i32
      %add3A_585 = arith.addi %mul3A_583, %add3A_584 : i32
      %mul3A_586 = arith.constant 80 : i32
      %mul3A_587 = arith.muli %add3A_585, %mul3A_586 : i32
      %multiple_of3A = tpu.assume_multiple %mul3A_587, 8 : i32
      %dma_start3A_588 = arith.constant 0 : i32
      %dma_start3A_589 = tpu.memref_slice %arg16[%multiple_of3A, %dma_start3A_588] : memref<10000x128xf32, #tpu.memory_space<vmem_shared>> -> memref<80x128xf32, #tpu.memory_space<vmem_shared>>
      %dma_start3A_590 = arith.constant 0 : i32
      %dma_start3A_591 = tpu.memref_slice %arg16[%multiple_of3A, %dma_start3A_590] : memref<10000x128xf32, #tpu.memory_space<vmem_shared>> -> memref<80x128xf32, #tpu.memory_space<vmem_shared>>
      tpu.enqueue_dma source(%arg15 : memref<80x128xf32, #tpu.memory_space<vmem>>) target(%dma_start3A_591 : memref<80x128xf32, #tpu.memory_space<vmem_shared>>) target_semaphore(%arg31 : memref<!tpu.dma_semaphore, #tpu.memory_space<semaphore_mem>>)
    } else {
    }
    %gt3A_95 = arith.constant 3 : i32
    %gt3A_96 = arith.cmpi sgt, %select_n3A, %gt3A_95 : i32
    %convert_element_type3A_97 = arith.extui %gt3A_96 : i1 to i32
    %cond3A_98 = arith.constant 0 : i32
    %cond3A_99 = arith.cmpi ne, %convert_element_type3A_97, %cond3A_98 : i32
    scf.if %cond3A_99 {
      %mul3A_582 = arith.constant 8 : i32
      %mul3A_583 = arith.muli %arg1, %mul3A_582 : i32
      %add3A_584 = arith.constant 3 : i32
      %add3A_585 = arith.addi %mul3A_583, %add3A_584 : i32
      %mul3A_586 = arith.constant 80 : i32
      %mul3A_587 = arith.muli %add3A_585, %mul3A_586 : i32
      %multiple_of3A = tpu.assume_multiple %mul3A_587, 8 : i32
      %dma_start3A_588 = arith.constant 0 : i32
      %dma_start3A_589 = tpu.memref_slice %arg16[%multiple_of3A, %dma_start3A_588] : memref<10000x128xf32, #tpu.memory_space<vmem_shared>> -> memref<80x128xf32, #tpu.memory_space<vmem_shared>>
      %dma_start3A_590 = arith.constant 0 : i32
      %dma_start3A_591 = tpu.memref_slice %arg16[%multiple_of3A, %dma_start3A_590] : memref<10000x128xf32, #tpu.memory_space<vmem_shared>> -> memref<80x128xf32, #tpu.memory_space<vmem_shared>>
      tpu.enqueue_dma source(%arg15 : memref<80x128xf32, #tpu.memory_space<vmem>>) target(%dma_start3A_591 : memref<80x128xf32, #tpu.memory_space<vmem_shared>>) target_semaphore(%arg32 : memref<!tpu.dma_semaphore, #tpu.memory_space<semaphore_mem>>)
    } else {
    }
    %gt3A_100 = arith.constant 4 : i32
    %gt3A_101 = arith.cmpi sgt, %select_n3A, %gt3A_100 : i32
    %convert_element_type3A_102 = arith.extui %gt3A_101 : i1 to i32
    %cond3A_103 = arith.constant 0 : i32
    %cond3A_104 = arith.cmpi ne, %convert_element_type3A_102, %cond3A_103 : i32
    scf.if %cond3A_104 {
      %mul3A_582 = arith.constant 8 : i32
      %mul3A_583 = arith.muli %arg1, %mul3A_582 : i32
      %add3A_584 = arith.constant 4 : i32
      %add3A_585 = arith.addi %mul3A_583, %add3A_584 : i32
      %mul3A_586 = arith.constant 80 : i32
      %mul3A_587 = arith.muli %add3A_585, %mul3A_586 : i32
      %multiple_of3A = tpu.assume_multiple %mul3A_587, 8 : i32
      %dma_start3A_588 = arith.constant 0 : i32
      %dma_start3A_589 = tpu.memref_slice %arg16[%multiple_of3A, %dma_start3A_588] : memref<10000x128xf32, #tpu.memory_space<vmem_shared>> -> memref<80x128xf32, #tpu.memory_space<vmem_shared>>
      %dma_start3A_590 = arith.constant 0 : i32
      %dma_start3A_591 = tpu.memref_slice %arg16[%multiple_of3A, %dma_start3A_590] : memref<10000x128xf32, #tpu.memory_space<vmem_shared>> -> memref<80x128xf32, #tpu.memory_space<vmem_shared>>
      tpu.enqueue_dma source(%arg15 : memref<80x128xf32, #tpu.memory_space<vmem>>) target(%dma_start3A_591 : memref<80x128xf32, #tpu.memory_space<vmem_shared>>) target_semaphore(%arg33 : memref<!tpu.dma_semaphore, #tpu.memory_space<semaphore_mem>>)
    } else {
    }
    %gt3A_105 = arith.constant 5 : i32
    %gt3A_106 = arith.cmpi sgt, %select_n3A, %gt3A_105 : i32
    %convert_element_type3A_107 = arith.extui %gt3A_106 : i1 to i32
    %cond3A_108 = arith.constant 0 : i32
    %cond3A_109 = arith.cmpi ne, %convert_element_type3A_107, %cond3A_108 : i32
    scf.if %cond3A_109 {
      %mul3A_582 = arith.constant 8 : i32
      %mul3A_583 = arith.muli %arg1, %mul3A_582 : i32
      %add3A_584 = arith.constant 5 : i32
      %add3A_585 = arith.addi %mul3A_583, %add3A_584 : i32
      %mul3A_586 = arith.constant 80 : i32
      %mul3A_587 = arith.muli %add3A_585, %mul3A_586 : i32
      %multiple_of3A = tpu.assume_multiple %mul3A_587, 8 : i32
      %dma_start3A_588 = arith.constant 0 : i32
      %dma_start3A_589 = tpu.memref_slice %arg16[%multiple_of3A, %dma_start3A_588] : memref<10000x128xf32, #tpu.memory_space<vmem_shared>> -> memref<80x128xf32, #tpu.memory_space<vmem_shared>>
      %dma_start3A_590 = arith.constant 0 : i32
      %dma_start3A_591 = tpu.memref_slice %arg16[%multiple_of3A, %dma_start3A_590] : memref<10000x128xf32, #tpu.memory_space<vmem_shared>> -> memref<80x128xf32, #tpu.memory_space<vmem_shared>>
      tpu.enqueue_dma source(%arg15 : memref<80x128xf32, #tpu.memory_space<vmem>>) target(%dma_start3A_591 : memref<80x128xf32, #tpu.memory_space<vmem_shared>>) target_semaphore(%arg34 : memref<!tpu.dma_semaphore, #tpu.memory_space<semaphore_mem>>)
    } else {
    }
    %gt3A_110 = arith.constant 6 : i32
    %gt3A_111 = arith.cmpi sgt, %select_n3A, %gt3A_110 : i32
    %convert_element_type3A_112 = arith.extui %gt3A_111 : i1 to i32
    %cond3A_113 = arith.constant 0 : i32
    %cond3A_114 = arith.cmpi ne, %convert_element_type3A_112, %cond3A_113 : i32
    scf.if %cond3A_114 {
      %mul3A_582 = arith.constant 8 : i32
      %mul3A_583 = arith.muli %arg1, %mul3A_582 : i32
      %add3A_584 = arith.constant 6 : i32
      %add3A_585 = arith.addi %mul3A_583, %add3A_584 : i32
      %mul3A_586 = arith.constant 80 : i32
      %mul3A_587 = arith.muli %add3A_585, %mul3A_586 : i32
      %multiple_of3A = tpu.assume_multiple %mul3A_587, 8 : i32
      %dma_start3A_588 = arith.constant 0 : i32
      %dma_start3A_589 = tpu.memref_slice %arg16[%multiple_of3A, %dma_start3A_588] : memref<10000x128xf32, #tpu.memory_space<vmem_shared>> -> memref<80x128xf32, #tpu.memory_space<vmem_shared>>
      %dma_start3A_590 = arith.constant 0 : i32
      %dma_start3A_591 = tpu.memref_slice %arg16[%multiple_of3A, %dma_start3A_590] : memref<10000x128xf32, #tpu.memory_space<vmem_shared>> -> memref<80x128xf32, #tpu.memory_space<vmem_shared>>
      tpu.enqueue_dma source(%arg15 : memref<80x128xf32, #tpu.memory_space<vmem>>) target(%dma_start3A_591 : memref<80x128xf32, #tpu.memory_space<vmem_shared>>) target_semaphore(%arg35 : memref<!tpu.dma_semaphore, #tpu.memory_space<semaphore_mem>>)
    } else {
    }
    %gt3A_115 = arith.constant 7 : i32
    %gt3A_116 = arith.cmpi sgt, %select_n3A, %gt3A_115 : i32
    %convert_element_type3A_117 = arith.extui %gt3A_116 : i1 to i32
    %cond3A_118 = arith.constant 0 : i32
    %cond3A_119 = arith.cmpi ne, %convert_element_type3A_117, %cond3A_118 : i32
    scf.if %cond3A_119 {
      %mul3A_582 = arith.constant 8 : i32
      %mul3A_583 = arith.muli %arg1, %mul3A_582 : i32
      %add3A_584 = arith.constant 7 : i32
      %add3A_585 = arith.addi %mul3A_583, %add3A_584 : i32
      %mul3A_586 = arith.constant 80 : i32
      %mul3A_587 = arith.muli %add3A_585, %mul3A_586 : i32
      %multiple_of3A = tpu.assume_multiple %mul3A_587, 8 : i32
      %dma_start3A_588 = arith.constant 0 : i32
      %dma_start3A_589 = tpu.memref_slice %arg16[%multiple_of3A, %dma_start3A_588] : memref<10000x128xf32, #tpu.memory_space<vmem_shared>> -> memref<80x128xf32, #tpu.memory_space<vmem_shared>>
      %dma_start3A_590 = arith.constant 0 : i32
      %dma_start3A_591 = tpu.memref_slice %arg16[%multiple_of3A, %dma_start3A_590] : memref<10000x128xf32, #tpu.memory_space<vmem_shared>> -> memref<80x128xf32, #tpu.memory_space<vmem_shared>>
      tpu.enqueue_dma source(%arg15 : memref<80x128xf32, #tpu.memory_space<vmem>>) target(%dma_start3A_591 : memref<80x128xf32, #tpu.memory_space<vmem_shared>>) target_semaphore(%arg36 : memref<!tpu.dma_semaphore, #tpu.memory_space<semaphore_mem>>)
    } else {
    }
    %mul3A_120 = arith.constant 128 : i32
    %mul3A_121 = arith.muli %mul3A_2, %mul3A_120 : i32
    %dma_wait3A = arith.constant 0 : i32
    %dma_wait3A_122 = arith.constant 0 : i32
    %dma_wait3A_123 = tpu.memref_slice %arg3[%dma_wait3A, %dma_wait3A_122] : memref<2x320000xi32, #tpu.memory_space<hbm>> -> memref<1x320000xi32, #tpu.memory_space<hbm>>
    %dma_wait3A_124 = tpu.memref_squeeze %dma_wait3A_123 : memref<1x320000xi32, #tpu.memory_space<hbm>> -> memref<320000xi32, #tpu.memory_space<hbm>>
    %dma_wait3A_125 = tpu.memref_slice %dma_wait3A_124[%mul3A_121] : memref<320000xi32, #tpu.memory_space<hbm>> -> memref<128xi32, #tpu.memory_space<hbm>>
    %dma_wait3A_126 = arith.constant 0 : i32
    %dma_wait3A_127 = tpu.memref_slice %arg3[%dma_wait3A, %dma_wait3A_126] : memref<2x320000xi32, #tpu.memory_space<hbm>> -> memref<1x320000xi32, #tpu.memory_space<hbm>>
    %dma_wait3A_128 = tpu.memref_squeeze %dma_wait3A_127 : memref<1x320000xi32, #tpu.memory_space<hbm>> -> memref<320000xi32, #tpu.memory_space<hbm>>
    %dma_wait3A_129 = tpu.memref_slice %dma_wait3A_128[%mul3A_121] : memref<320000xi32, #tpu.memory_space<hbm>> -> memref<128xi32, #tpu.memory_space<hbm>>
    tpu.wait_dma2 semaphore(%arg17 : memref<!tpu.dma_semaphore, #tpu.memory_space<semaphore_mem>>) src(%dma_wait3A_129 : memref<128xi32, #tpu.memory_space<hbm>>) dst(%arg5 : memref<128xi32, #tpu.memory_space<vmem>>)
    %mul3A_130 = arith.constant 128 : i32
    %mul3A_131 = arith.muli %mul3A_2, %mul3A_130 : i32
    %dma_wait3A_132 = arith.constant 1 : i32
    %dma_wait3A_133 = arith.constant 0 : i32
    %dma_wait3A_134 = tpu.memref_slice %arg3[%dma_wait3A_132, %dma_wait3A_133] : memref<2x320000xi32, #tpu.memory_space<hbm>> -> memref<1x320000xi32, #tpu.memory_space<hbm>>
    %dma_wait3A_135 = tpu.memref_squeeze %dma_wait3A_134 : memref<1x320000xi32, #tpu.memory_space<hbm>> -> memref<320000xi32, #tpu.memory_space<hbm>>
    %dma_wait3A_136 = tpu.memref_slice %dma_wait3A_135[%mul3A_131] : memref<320000xi32, #tpu.memory_space<hbm>> -> memref<128xi32, #tpu.memory_space<hbm>>
    %dma_wait3A_137 = arith.constant 0 : i32
    %dma_wait3A_138 = tpu.memref_slice %arg3[%dma_wait3A_132, %dma_wait3A_137] : memref<2x320000xi32, #tpu.memory_space<hbm>> -> memref<1x320000xi32, #tpu.memory_space<hbm>>
    %dma_wait3A_139 = tpu.memref_squeeze %dma_wait3A_138 : memref<1x320000xi32, #tpu.memory_space<hbm>> -> memref<320000xi32, #tpu.memory_space<hbm>>
    %dma_wait3A_140 = tpu.memref_slice %dma_wait3A_139[%mul3A_131] : memref<320000xi32, #tpu.memory_space<hbm>> -> memref<128xi32, #tpu.memory_space<hbm>>
    tpu.wait_dma2 semaphore(%arg21 : memref<!tpu.dma_semaphore, #tpu.memory_space<semaphore_mem>>) src(%dma_wait3A_140 : memref<128xi32, #tpu.memory_space<hbm>>) dst(%arg9 : memref<128xi32, #tpu.memory_space<vmem>>)
    %dma_start3A_141 = arith.constant 0 : i32
    %dma_start3A_142 = arith.constant 0 : i32
    %dma_start3A_143 = tpu.memref_slice %arg2[%dma_start3A_141, %dma_start3A_142] : memref<10000x128xf32, #tpu.memory_space<hbm>> -> memref<10000x128xf32, #tpu.memory_space<hbm>>
    tpu.enqueue_indirect_dma source(%dma_start3A_143 : memref<10000x128xf32, #tpu.memory_space<hbm>>) target(%arg13 : memref<128x128xf32, #tpu.memory_space<vmem>>) offsets(%arg5 : memref<128xi32, #tpu.memory_space<vmem>>) semaphore(%arg25 : memref<!tpu.dma_semaphore, #tpu.memory_space<semaphore_mem>>)
    %gt3A_144 = arith.constant 0 : i32
    %gt3A_145 = arith.cmpi sgt, %select_n3A, %gt3A_144 : i32
    %convert_element_type3A_146 = arith.extui %gt3A_145 : i1 to i32
    %cond3A_147 = arith.constant 0 : i32
    %cond3A_148 = arith.cmpi ne, %convert_element_type3A_146, %cond3A_147 : i32
    scf.if %cond3A_148 {
      %mul3A_582 = arith.constant 8 : i32
      %mul3A_583 = arith.muli %arg1, %mul3A_582 : i32
      %add3A_584 = arith.constant 0 : i32
      %add3A_585 = arith.addi %mul3A_583, %add3A_584 : i32
      %mul3A_586 = arith.constant 80 : i32
      %mul3A_587 = arith.muli %add3A_585, %mul3A_586 : i32
      %multiple_of3A = tpu.assume_multiple %mul3A_587, 8 : i32
      %dma_wait3A_588 = arith.constant 0 : i32
      %dma_wait3A_589 = tpu.memref_slice %arg16[%multiple_of3A, %dma_wait3A_588] : memref<10000x128xf32, #tpu.memory_space<vmem_shared>> -> memref<80x128xf32, #tpu.memory_space<vmem_shared>>
      %dma_wait3A_590 = arith.constant 0 : i32
      %dma_wait3A_591 = tpu.memref_slice %arg16[%multiple_of3A, %dma_wait3A_590] : memref<10000x128xf32, #tpu.memory_space<vmem_shared>> -> memref<80x128xf32, #tpu.memory_space<vmem_shared>>
      tpu.wait_dma2 semaphore(%arg29 : memref<!tpu.dma_semaphore, #tpu.memory_space<semaphore_mem>>) src(%arg15 : memref<80x128xf32, #tpu.memory_space<vmem>>) dst(%dma_wait3A_591 : memref<80x128xf32, #tpu.memory_space<vmem_shared>>)
    } else {
    }
    %gt3A_149 = arith.constant 1 : i32
    %gt3A_150 = arith.cmpi sgt, %select_n3A, %gt3A_149 : i32
    %convert_element_type3A_151 = arith.extui %gt3A_150 : i1 to i32
    %cond3A_152 = arith.constant 0 : i32
    %cond3A_153 = arith.cmpi ne, %convert_element_type3A_151, %cond3A_152 : i32
    scf.if %cond3A_153 {
      %mul3A_582 = arith.constant 8 : i32
      %mul3A_583 = arith.muli %arg1, %mul3A_582 : i32
      %add3A_584 = arith.constant 1 : i32
      %add3A_585 = arith.addi %mul3A_583, %add3A_584 : i32
      %mul3A_586 = arith.constant 80 : i32
      %mul3A_587 = arith.muli %add3A_585, %mul3A_586 : i32
      %multiple_of3A = tpu.assume_multiple %mul3A_587, 8 : i32
      %dma_wait3A_588 = arith.constant 0 : i32
      %dma_wait3A_589 = tpu.memref_slice %arg16[%multiple_of3A, %dma_wait3A_588] : memref<10000x128xf32, #tpu.memory_space<vmem_shared>> -> memref<80x128xf32, #tpu.memory_space<vmem_shared>>
      %dma_wait3A_590 = arith.constant 0 : i32
      %dma_wait3A_591 = tpu.memref_slice %arg16[%multiple_of3A, %dma_wait3A_590] : memref<10000x128xf32, #tpu.memory_space<vmem_shared>> -> memref<80x128xf32, #tpu.memory_space<vmem_shared>>
      tpu.wait_dma2 semaphore(%arg30 : memref<!tpu.dma_semaphore, #tpu.memory_space<semaphore_mem>>) src(%arg15 : memref<80x128xf32, #tpu.memory_space<vmem>>) dst(%dma_wait3A_591 : memref<80x128xf32, #tpu.memory_space<vmem_shared>>)
    } else {
    }
    %gt3A_154 = arith.constant 2 : i32
    %gt3A_155 = arith.cmpi sgt, %select_n3A, %gt3A_154 : i32
    %convert_element_type3A_156 = arith.extui %gt3A_155 : i1 to i32
    %cond3A_157 = arith.constant 0 : i32
    %cond3A_158 = arith.cmpi ne, %convert_element_type3A_156, %cond3A_157 : i32
    scf.if %cond3A_158 {
      %mul3A_582 = arith.constant 8 : i32
      %mul3A_583 = arith.muli %arg1, %mul3A_582 : i32
      %add3A_584 = arith.constant 2 : i32
      %add3A_585 = arith.addi %mul3A_583, %add3A_584 : i32
      %mul3A_586 = arith.constant 80 : i32
      %mul3A_587 = arith.muli %add3A_585, %mul3A_586 : i32
      %multiple_of3A = tpu.assume_multiple %mul3A_587, 8 : i32
      %dma_wait3A_588 = arith.constant 0 : i32
      %dma_wait3A_589 = tpu.memref_slice %arg16[%multiple_of3A, %dma_wait3A_588] : memref<10000x128xf32, #tpu.memory_space<vmem_shared>> -> memref<80x128xf32, #tpu.memory_space<vmem_shared>>
      %dma_wait3A_590 = arith.constant 0 : i32
      %dma_wait3A_591 = tpu.memref_slice %arg16[%multiple_of3A, %dma_wait3A_590] : memref<10000x128xf32, #tpu.memory_space<vmem_shared>> -> memref<80x128xf32, #tpu.memory_space<vmem_shared>>
      tpu.wait_dma2 semaphore(%arg31 : memref<!tpu.dma_semaphore, #tpu.memory_space<semaphore_mem>>) src(%arg15 : memref<80x128xf32, #tpu.memory_space<vmem>>) dst(%dma_wait3A_591 : memref<80x128xf32, #tpu.memory_space<vmem_shared>>)
    } else {
    }
    %gt3A_159 = arith.constant 3 : i32
    %gt3A_160 = arith.cmpi sgt, %select_n3A, %gt3A_159 : i32
    %convert_element_type3A_161 = arith.extui %gt3A_160 : i1 to i32
    %cond3A_162 = arith.constant 0 : i32
    %cond3A_163 = arith.cmpi ne, %convert_element_type3A_161, %cond3A_162 : i32
    scf.if %cond3A_163 {
      %mul3A_582 = arith.constant 8 : i32
      %mul3A_583 = arith.muli %arg1, %mul3A_582 : i32
      %add3A_584 = arith.constant 3 : i32
      %add3A_585 = arith.addi %mul3A_583, %add3A_584 : i32
      %mul3A_586 = arith.constant 80 : i32
      %mul3A_587 = arith.muli %add3A_585, %mul3A_586 : i32
      %multiple_of3A = tpu.assume_multiple %mul3A_587, 8 : i32
      %dma_wait3A_588 = arith.constant 0 : i32
      %dma_wait3A_589 = tpu.memref_slice %arg16[%multiple_of3A, %dma_wait3A_588] : memref<10000x128xf32, #tpu.memory_space<vmem_shared>> -> memref<80x128xf32, #tpu.memory_space<vmem_shared>>
      %dma_wait3A_590 = arith.constant 0 : i32
      %dma_wait3A_591 = tpu.memref_slice %arg16[%multiple_of3A, %dma_wait3A_590] : memref<10000x128xf32, #tpu.memory_space<vmem_shared>> -> memref<80x128xf32, #tpu.memory_space<vmem_shared>>
      tpu.wait_dma2 semaphore(%arg32 : memref<!tpu.dma_semaphore, #tpu.memory_space<semaphore_mem>>) src(%arg15 : memref<80x128xf32, #tpu.memory_space<vmem>>) dst(%dma_wait3A_591 : memref<80x128xf32, #tpu.memory_space<vmem_shared>>)
    } else {
    }
    %gt3A_164 = arith.constant 4 : i32
    %gt3A_165 = arith.cmpi sgt, %select_n3A, %gt3A_164 : i32
    %convert_element_type3A_166 = arith.extui %gt3A_165 : i1 to i32
    %cond3A_167 = arith.constant 0 : i32
    %cond3A_168 = arith.cmpi ne, %convert_element_type3A_166, %cond3A_167 : i32
    scf.if %cond3A_168 {
      %mul3A_582 = arith.constant 8 : i32
      %mul3A_583 = arith.muli %arg1, %mul3A_582 : i32
      %add3A_584 = arith.constant 4 : i32
      %add3A_585 = arith.addi %mul3A_583, %add3A_584 : i32
      %mul3A_586 = arith.constant 80 : i32
      %mul3A_587 = arith.muli %add3A_585, %mul3A_586 : i32
      %multiple_of3A = tpu.assume_multiple %mul3A_587, 8 : i32
      %dma_wait3A_588 = arith.constant 0 : i32
      %dma_wait3A_589 = tpu.memref_slice %arg16[%multiple_of3A, %dma_wait3A_588] : memref<10000x128xf32, #tpu.memory_space<vmem_shared>> -> memref<80x128xf32, #tpu.memory_space<vmem_shared>>
      %dma_wait3A_590 = arith.constant 0 : i32
      %dma_wait3A_591 = tpu.memref_slice %arg16[%multiple_of3A, %dma_wait3A_590] : memref<10000x128xf32, #tpu.memory_space<vmem_shared>> -> memref<80x128xf32, #tpu.memory_space<vmem_shared>>
      tpu.wait_dma2 semaphore(%arg33 : memref<!tpu.dma_semaphore, #tpu.memory_space<semaphore_mem>>) src(%arg15 : memref<80x128xf32, #tpu.memory_space<vmem>>) dst(%dma_wait3A_591 : memref<80x128xf32, #tpu.memory_space<vmem_shared>>)
    } else {
    }
    %gt3A_169 = arith.constant 5 : i32
    %gt3A_170 = arith.cmpi sgt, %select_n3A, %gt3A_169 : i32
    %convert_element_type3A_171 = arith.extui %gt3A_170 : i1 to i32
    %cond3A_172 = arith.constant 0 : i32
    %cond3A_173 = arith.cmpi ne, %convert_element_type3A_171, %cond3A_172 : i32
    scf.if %cond3A_173 {
      %mul3A_582 = arith.constant 8 : i32
      %mul3A_583 = arith.muli %arg1, %mul3A_582 : i32
      %add3A_584 = arith.constant 5 : i32
      %add3A_585 = arith.addi %mul3A_583, %add3A_584 : i32
      %mul3A_586 = arith.constant 80 : i32
      %mul3A_587 = arith.muli %add3A_585, %mul3A_586 : i32
      %multiple_of3A = tpu.assume_multiple %mul3A_587, 8 : i32
      %dma_wait3A_588 = arith.constant 0 : i32
      %dma_wait3A_589 = tpu.memref_slice %arg16[%multiple_of3A, %dma_wait3A_588] : memref<10000x128xf32, #tpu.memory_space<vmem_shared>> -> memref<80x128xf32, #tpu.memory_space<vmem_shared>>
      %dma_wait3A_590 = arith.constant 0 : i32
      %dma_wait3A_591 = tpu.memref_slice %arg16[%multiple_of3A, %dma_wait3A_590] : memref<10000x128xf32, #tpu.memory_space<vmem_shared>> -> memref<80x128xf32, #tpu.memory_space<vmem_shared>>
      tpu.wait_dma2 semaphore(%arg34 : memref<!tpu.dma_semaphore, #tpu.memory_space<semaphore_mem>>) src(%arg15 : memref<80x128xf32, #tpu.memory_space<vmem>>) dst(%dma_wait3A_591 : memref<80x128xf32, #tpu.memory_space<vmem_shared>>)
    } else {
    }
    %gt3A_174 = arith.constant 6 : i32
    %gt3A_175 = arith.cmpi sgt, %select_n3A, %gt3A_174 : i32
    %convert_element_type3A_176 = arith.extui %gt3A_175 : i1 to i32
    %cond3A_177 = arith.constant 0 : i32
    %cond3A_178 = arith.cmpi ne, %convert_element_type3A_176, %cond3A_177 : i32
    scf.if %cond3A_178 {
      %mul3A_582 = arith.constant 8 : i32
      %mul3A_583 = arith.muli %arg1, %mul3A_582 : i32
      %add3A_584 = arith.constant 6 : i32
      %add3A_585 = arith.addi %mul3A_583, %add3A_584 : i32
      %mul3A_586 = arith.constant 80 : i32
      %mul3A_587 = arith.muli %add3A_585, %mul3A_586 : i32
      %multiple_of3A = tpu.assume_multiple %mul3A_587, 8 : i32
      %dma_wait3A_588 = arith.constant 0 : i32
      %dma_wait3A_589 = tpu.memref_slice %arg16[%multiple_of3A, %dma_wait3A_588] : memref<10000x128xf32, #tpu.memory_space<vmem_shared>> -> memref<80x128xf32, #tpu.memory_space<vmem_shared>>
      %dma_wait3A_590 = arith.constant 0 : i32
      %dma_wait3A_591 = tpu.memref_slice %arg16[%multiple_of3A, %dma_wait3A_590] : memref<10000x128xf32, #tpu.memory_space<vmem_shared>> -> memref<80x128xf32, #tpu.memory_space<vmem_shared>>
      tpu.wait_dma2 semaphore(%arg35 : memref<!tpu.dma_semaphore, #tpu.memory_space<semaphore_mem>>) src(%arg15 : memref<80x128xf32, #tpu.memory_space<vmem>>) dst(%dma_wait3A_591 : memref<80x128xf32, #tpu.memory_space<vmem_shared>>)
    } else {
    }
    %gt3A_179 = arith.constant 7 : i32
    %gt3A_180 = arith.cmpi sgt, %select_n3A, %gt3A_179 : i32
    %convert_element_type3A_181 = arith.extui %gt3A_180 : i1 to i32
    %cond3A_182 = arith.constant 0 : i32
    %cond3A_183 = arith.cmpi ne, %convert_element_type3A_181, %cond3A_182 : i32
    scf.if %cond3A_183 {
      %mul3A_582 = arith.constant 8 : i32
      %mul3A_583 = arith.muli %arg1, %mul3A_582 : i32
      %add3A_584 = arith.constant 7 : i32
      %add3A_585 = arith.addi %mul3A_583, %add3A_584 : i32
      %mul3A_586 = arith.constant 80 : i32
      %mul3A_587 = arith.muli %add3A_585, %mul3A_586 : i32
      %multiple_of3A = tpu.assume_multiple %mul3A_587, 8 : i32
      %dma_wait3A_588 = arith.constant 0 : i32
      %dma_wait3A_589 = tpu.memref_slice %arg16[%multiple_of3A, %dma_wait3A_588] : memref<10000x128xf32, #tpu.memory_space<vmem_shared>> -> memref<80x128xf32, #tpu.memory_space<vmem_shared>>
      %dma_wait3A_590 = arith.constant 0 : i32
      %dma_wait3A_591 = tpu.memref_slice %arg16[%multiple_of3A, %dma_wait3A_590] : memref<10000x128xf32, #tpu.memory_space<vmem_shared>> -> memref<80x128xf32, #tpu.memory_space<vmem_shared>>
      tpu.wait_dma2 semaphore(%arg36 : memref<!tpu.dma_semaphore, #tpu.memory_space<semaphore_mem>>) src(%arg15 : memref<80x128xf32, #tpu.memory_space<vmem>>) dst(%dma_wait3A_591 : memref<80x128xf32, #tpu.memory_space<vmem_shared>>)
    } else {
    }
    %barrier3A = arith.constant 0 : index
    tpu.barrier barrier_id(%barrier3A)
    %add3A_184 = arith.constant 0 : i32
    %add3A_185 = arith.addi %mul3A_2, %add3A_184 : i32
    %add3A_186 = arith.constant 3 : i32
    %add3A_187 = arith.addi %add3A_185, %add3A_186 : i32
    %mul3A_188 = arith.constant 128 : i32
    %mul3A_189 = arith.muli %add3A_187, %mul3A_188 : i32
    %dma_start3A_190 = arith.constant 0 : i32
    %dma_start3A_191 = arith.constant 0 : i32
    %dma_start3A_192 = tpu.memref_slice %arg3[%dma_start3A_190, %dma_start3A_191] : memref<2x320000xi32, #tpu.memory_space<hbm>> -> memref<1x320000xi32, #tpu.memory_space<hbm>>
    %dma_start3A_193 = tpu.memref_squeeze %dma_start3A_192 : memref<1x320000xi32, #tpu.memory_space<hbm>> -> memref<320000xi32, #tpu.memory_space<hbm>>
    %dma_start3A_194 = tpu.memref_slice %dma_start3A_193[%mul3A_189] : memref<320000xi32, #tpu.memory_space<hbm>> -> memref<128xi32, #tpu.memory_space<hbm>>
    %dma_start3A_195 = arith.constant 0 : i32
    %dma_start3A_196 = tpu.memref_slice %arg3[%dma_start3A_190, %dma_start3A_195] : memref<2x320000xi32, #tpu.memory_space<hbm>> -> memref<1x320000xi32, #tpu.memory_space<hbm>>
    %dma_start3A_197 = tpu.memref_squeeze %dma_start3A_196 : memref<1x320000xi32, #tpu.memory_space<hbm>> -> memref<320000xi32, #tpu.memory_space<hbm>>
    %dma_start3A_198 = tpu.memref_slice %dma_start3A_197[%mul3A_189] : memref<320000xi32, #tpu.memory_space<hbm>> -> memref<128xi32, #tpu.memory_space<hbm>>
    tpu.enqueue_dma source(%dma_start3A_198 : memref<128xi32, #tpu.memory_space<hbm>>) target(%arg8 : memref<128xi32, #tpu.memory_space<vmem>>) target_semaphore(%arg20 : memref<!tpu.dma_semaphore, #tpu.memory_space<semaphore_mem>>)
    %mul3A_199 = arith.constant 128 : i32
    %mul3A_200 = arith.muli %add3A_187, %mul3A_199 : i32
    %dma_start3A_201 = arith.constant 1 : i32
    %dma_start3A_202 = arith.constant 0 : i32
    %dma_start3A_203 = tpu.memref_slice %arg3[%dma_start3A_201, %dma_start3A_202] : memref<2x320000xi32, #tpu.memory_space<hbm>> -> memref<1x320000xi32, #tpu.memory_space<hbm>>
    %dma_start3A_204 = tpu.memref_squeeze %dma_start3A_203 : memref<1x320000xi32, #tpu.memory_space<hbm>> -> memref<320000xi32, #tpu.memory_space<hbm>>
    %dma_start3A_205 = tpu.memref_slice %dma_start3A_204[%mul3A_200] : memref<320000xi32, #tpu.memory_space<hbm>> -> memref<128xi32, #tpu.memory_space<hbm>>
    %dma_start3A_206 = arith.constant 0 : i32
    %dma_start3A_207 = tpu.memref_slice %arg3[%dma_start3A_201, %dma_start3A_206] : memref<2x320000xi32, #tpu.memory_space<hbm>> -> memref<1x320000xi32, #tpu.memory_space<hbm>>
    %dma_start3A_208 = tpu.memref_squeeze %dma_start3A_207 : memref<1x320000xi32, #tpu.memory_space<hbm>> -> memref<320000xi32, #tpu.memory_space<hbm>>
    %dma_start3A_209 = tpu.memref_slice %dma_start3A_208[%mul3A_200] : memref<320000xi32, #tpu.memory_space<hbm>> -> memref<128xi32, #tpu.memory_space<hbm>>
    tpu.enqueue_dma source(%dma_start3A_209 : memref<128xi32, #tpu.memory_space<hbm>>) target(%arg12 : memref<128xi32, #tpu.memory_space<vmem>>) target_semaphore(%arg24 : memref<!tpu.dma_semaphore, #tpu.memory_space<semaphore_mem>>)
    %add3A_210 = arith.constant 0 : i32
    %add3A_211 = arith.addi %mul3A_2, %add3A_210 : i32
    %add3A_212 = arith.constant 1 : i32
    %add3A_213 = arith.addi %add3A_211, %add3A_212 : i32
    %mul3A_214 = arith.constant 128 : i32
    %mul3A_215 = arith.muli %add3A_213, %mul3A_214 : i32
    %dma_wait3A_216 = arith.constant 0 : i32
    %dma_wait3A_217 = arith.constant 0 : i32
    %dma_wait3A_218 = tpu.memref_slice %arg3[%dma_wait3A_216, %dma_wait3A_217] : memref<2x320000xi32, #tpu.memory_space<hbm>> -> memref<1x320000xi32, #tpu.memory_space<hbm>>
    %dma_wait3A_219 = tpu.memref_squeeze %dma_wait3A_218 : memref<1x320000xi32, #tpu.memory_space<hbm>> -> memref<320000xi32, #tpu.memory_space<hbm>>
    %dma_wait3A_220 = tpu.memref_slice %dma_wait3A_219[%mul3A_215] : memref<320000xi32, #tpu.memory_space<hbm>> -> memref<128xi32, #tpu.memory_space<hbm>>
    %dma_wait3A_221 = arith.constant 0 : i32
    %dma_wait3A_222 = tpu.memref_slice %arg3[%dma_wait3A_216, %dma_wait3A_221] : memref<2x320000xi32, #tpu.memory_space<hbm>> -> memref<1x320000xi32, #tpu.memory_space<hbm>>
    %dma_wait3A_223 = tpu.memref_squeeze %dma_wait3A_222 : memref<1x320000xi32, #tpu.memory_space<hbm>> -> memref<320000xi32, #tpu.memory_space<hbm>>
    %dma_wait3A_224 = tpu.memref_slice %dma_wait3A_223[%mul3A_215] : memref<320000xi32, #tpu.memory_space<hbm>> -> memref<128xi32, #tpu.memory_space<hbm>>
    tpu.wait_dma2 semaphore(%arg18 : memref<!tpu.dma_semaphore, #tpu.memory_space<semaphore_mem>>) src(%dma_wait3A_224 : memref<128xi32, #tpu.memory_space<hbm>>) dst(%arg6 : memref<128xi32, #tpu.memory_space<vmem>>)
    %mul3A_225 = arith.constant 128 : i32
    %mul3A_226 = arith.muli %add3A_213, %mul3A_225 : i32
    %dma_wait3A_227 = arith.constant 1 : i32
    %dma_wait3A_228 = arith.constant 0 : i32
    %dma_wait3A_229 = tpu.memref_slice %arg3[%dma_wait3A_227, %dma_wait3A_228] : memref<2x320000xi32, #tpu.memory_space<hbm>> -> memref<1x320000xi32, #tpu.memory_space<hbm>>
    %dma_wait3A_230 = tpu.memref_squeeze %dma_wait3A_229 : memref<1x320000xi32, #tpu.memory_space<hbm>> -> memref<320000xi32, #tpu.memory_space<hbm>>
    %dma_wait3A_231 = tpu.memref_slice %dma_wait3A_230[%mul3A_226] : memref<320000xi32, #tpu.memory_space<hbm>> -> memref<128xi32, #tpu.memory_space<hbm>>
    %dma_wait3A_232 = arith.constant 0 : i32
    %dma_wait3A_233 = tpu.memref_slice %arg3[%dma_wait3A_227, %dma_wait3A_232] : memref<2x320000xi32, #tpu.memory_space<hbm>> -> memref<1x320000xi32, #tpu.memory_space<hbm>>
    %dma_wait3A_234 = tpu.memref_squeeze %dma_wait3A_233 : memref<1x320000xi32, #tpu.memory_space<hbm>> -> memref<320000xi32, #tpu.memory_space<hbm>>
    %dma_wait3A_235 = tpu.memref_slice %dma_wait3A_234[%mul3A_226] : memref<320000xi32, #tpu.memory_space<hbm>> -> memref<128xi32, #tpu.memory_space<hbm>>
    tpu.wait_dma2 semaphore(%arg22 : memref<!tpu.dma_semaphore, #tpu.memory_space<semaphore_mem>>) src(%dma_wait3A_235 : memref<128xi32, #tpu.memory_space<hbm>>) dst(%arg10 : memref<128xi32, #tpu.memory_space<vmem>>)
    %dma_start3A_236 = arith.constant 0 : i32
    %dma_start3A_237 = arith.constant 0 : i32
    %dma_start3A_238 = tpu.memref_slice %arg2[%dma_start3A_236, %dma_start3A_237] : memref<10000x128xf32, #tpu.memory_space<hbm>> -> memref<10000x128xf32, #tpu.memory_space<hbm>>
    tpu.enqueue_indirect_dma source(%dma_start3A_238 : memref<10000x128xf32, #tpu.memory_space<hbm>>) target(%arg14 : memref<128x128xf32, #tpu.memory_space<vmem>>) offsets(%arg6 : memref<128xi32, #tpu.memory_space<vmem>>) semaphore(%arg26 : memref<!tpu.dma_semaphore, #tpu.memory_space<semaphore_mem>>)
    %dma_wait3A_239 = arith.constant 0 : i32
    %dma_wait3A_240 = arith.constant 0 : i32
    %dma_wait3A_241 = tpu.memref_slice %arg2[%dma_wait3A_239, %dma_wait3A_240] : memref<10000x128xf32, #tpu.memory_space<hbm>> -> memref<10000x128xf32, #tpu.memory_space<hbm>>
    tpu.wait_indirect_dma semaphore(%arg25 : memref<!tpu.dma_semaphore, #tpu.memory_space<semaphore_mem>>) src(%dma_wait3A_241 : memref<10000x128xf32, #tpu.memory_space<hbm>>) dst(%arg13 : memref<128x128xf32, #tpu.memory_space<vmem>>)
    %dma_start3A_242 = arith.constant 0 : i32
    %dma_start3A_243 = arith.constant 0 : i32
    %dma_start3A_244 = tpu.memref_slice %arg16[%dma_start3A_242, %dma_start3A_243] : memref<10000x128xf32, #tpu.memory_space<vmem_shared>> -> memref<10000x128xf32, #tpu.memory_space<vmem_shared>>
    tpu.enqueue_indirect_dma source(%arg13 : memref<128x128xf32, #tpu.memory_space<vmem>>) target(%dma_start3A_244 : memref<10000x128xf32, #tpu.memory_space<vmem_shared>>) offsets(%arg9 : memref<128xi32, #tpu.memory_space<vmem>>) semaphore(%arg27 : memref<!tpu.dma_semaphore, #tpu.memory_space<semaphore_mem>>) {add = true}
    %dma_wait3A_245 = arith.constant 0 : i32
    %dma_wait3A_246 = arith.constant 0 : i32
    %dma_wait3A_247 = tpu.memref_slice %arg16[%dma_wait3A_245, %dma_wait3A_246] : memref<10000x128xf32, #tpu.memory_space<vmem_shared>> -> memref<10000x128xf32, #tpu.memory_space<vmem_shared>>
    tpu.wait_indirect_dma semaphore(%arg27 : memref<!tpu.dma_semaphore, #tpu.memory_space<semaphore_mem>>) src(%arg13 : memref<128x128xf32, #tpu.memory_space<vmem>>) dst(%dma_wait3A_247 : memref<10000x128xf32, #tpu.memory_space<vmem_shared>>)
    %add3A_248 = arith.constant 1 : i32
    %add3A_249 = arith.addi %mul3A_2, %add3A_248 : i32
    %add3A_250 = arith.constant 3 : i32
    %add3A_251 = arith.addi %add3A_249, %add3A_250 : i32
    %mul3A_252 = arith.constant 128 : i32
    %mul3A_253 = arith.muli %add3A_251, %mul3A_252 : i32
    %dma_start3A_254 = arith.constant 0 : i32
    %dma_start3A_255 = arith.constant 0 : i32
    %dma_start3A_256 = tpu.memref_slice %arg3[%dma_start3A_254, %dma_start3A_255] : memref<2x320000xi32, #tpu.memory_space<hbm>> -> memref<1x320000xi32, #tpu.memory_space<hbm>>
    %dma_start3A_257 = tpu.memref_squeeze %dma_start3A_256 : memref<1x320000xi32, #tpu.memory_space<hbm>> -> memref<320000xi32, #tpu.memory_space<hbm>>
    %dma_start3A_258 = tpu.memref_slice %dma_start3A_257[%mul3A_253] : memref<320000xi32, #tpu.memory_space<hbm>> -> memref<128xi32, #tpu.memory_space<hbm>>
    %dma_start3A_259 = arith.constant 0 : i32
    %dma_start3A_260 = tpu.memref_slice %arg3[%dma_start3A_254, %dma_start3A_259] : memref<2x320000xi32, #tpu.memory_space<hbm>> -> memref<1x320000xi32, #tpu.memory_space<hbm>>
    %dma_start3A_261 = tpu.memref_squeeze %dma_start3A_260 : memref<1x320000xi32, #tpu.memory_space<hbm>> -> memref<320000xi32, #tpu.memory_space<hbm>>
    %dma_start3A_262 = tpu.memref_slice %dma_start3A_261[%mul3A_253] : memref<320000xi32, #tpu.memory_space<hbm>> -> memref<128xi32, #tpu.memory_space<hbm>>
    tpu.enqueue_dma source(%dma_start3A_262 : memref<128xi32, #tpu.memory_space<hbm>>) target(%arg5 : memref<128xi32, #tpu.memory_space<vmem>>) target_semaphore(%arg17 : memref<!tpu.dma_semaphore, #tpu.memory_space<semaphore_mem>>)
    %mul3A_263 = arith.constant 128 : i32
    %mul3A_264 = arith.muli %add3A_251, %mul3A_263 : i32
    %dma_start3A_265 = arith.constant 1 : i32
    %dma_start3A_266 = arith.constant 0 : i32
    %dma_start3A_267 = tpu.memref_slice %arg3[%dma_start3A_265, %dma_start3A_266] : memref<2x320000xi32, #tpu.memory_space<hbm>> -> memref<1x320000xi32, #tpu.memory_space<hbm>>
    %dma_start3A_268 = tpu.memref_squeeze %dma_start3A_267 : memref<1x320000xi32, #tpu.memory_space<hbm>> -> memref<320000xi32, #tpu.memory_space<hbm>>
    %dma_start3A_269 = tpu.memref_slice %dma_start3A_268[%mul3A_264] : memref<320000xi32, #tpu.memory_space<hbm>> -> memref<128xi32, #tpu.memory_space<hbm>>
    %dma_start3A_270 = arith.constant 0 : i32
    %dma_start3A_271 = tpu.memref_slice %arg3[%dma_start3A_265, %dma_start3A_270] : memref<2x320000xi32, #tpu.memory_space<hbm>> -> memref<1x320000xi32, #tpu.memory_space<hbm>>
    %dma_start3A_272 = tpu.memref_squeeze %dma_start3A_271 : memref<1x320000xi32, #tpu.memory_space<hbm>> -> memref<320000xi32, #tpu.memory_space<hbm>>
    %dma_start3A_273 = tpu.memref_slice %dma_start3A_272[%mul3A_264] : memref<320000xi32, #tpu.memory_space<hbm>> -> memref<128xi32, #tpu.memory_space<hbm>>
    tpu.enqueue_dma source(%dma_start3A_273 : memref<128xi32, #tpu.memory_space<hbm>>) target(%arg9 : memref<128xi32, #tpu.memory_space<vmem>>) target_semaphore(%arg21 : memref<!tpu.dma_semaphore, #tpu.memory_space<semaphore_mem>>)
    %add3A_274 = arith.constant 1 : i32
    %add3A_275 = arith.addi %mul3A_2, %add3A_274 : i32
    %add3A_276 = arith.constant 1 : i32
    %add3A_277 = arith.addi %add3A_275, %add3A_276 : i32
    %mul3A_278 = arith.constant 128 : i32
    %mul3A_279 = arith.muli %add3A_277, %mul3A_278 : i32
    %dma_wait3A_280 = arith.constant 0 : i32
    %dma_wait3A_281 = arith.constant 0 : i32
    %dma_wait3A_282 = tpu.memref_slice %arg3[%dma_wait3A_280, %dma_wait3A_281] : memref<2x320000xi32, #tpu.memory_space<hbm>> -> memref<1x320000xi32, #tpu.memory_space<hbm>>
    %dma_wait3A_283 = tpu.memref_squeeze %dma_wait3A_282 : memref<1x320000xi32, #tpu.memory_space<hbm>> -> memref<320000xi32, #tpu.memory_space<hbm>>
    %dma_wait3A_284 = tpu.memref_slice %dma_wait3A_283[%mul3A_279] : memref<320000xi32, #tpu.memory_space<hbm>> -> memref<128xi32, #tpu.memory_space<hbm>>
    %dma_wait3A_285 = arith.constant 0 : i32
    %dma_wait3A_286 = tpu.memref_slice %arg3[%dma_wait3A_280, %dma_wait3A_285] : memref<2x320000xi32, #tpu.memory_space<hbm>> -> memref<1x320000xi32, #tpu.memory_space<hbm>>
    %dma_wait3A_287 = tpu.memref_squeeze %dma_wait3A_286 : memref<1x320000xi32, #tpu.memory_space<hbm>> -> memref<320000xi32, #tpu.memory_space<hbm>>
    %dma_wait3A_288 = tpu.memref_slice %dma_wait3A_287[%mul3A_279] : memref<320000xi32, #tpu.memory_space<hbm>> -> memref<128xi32, #tpu.memory_space<hbm>>
    tpu.wait_dma2 semaphore(%arg19 : memref<!tpu.dma_semaphore, #tpu.memory_space<semaphore_mem>>) src(%dma_wait3A_288 : memref<128xi32, #tpu.memory_space<hbm>>) dst(%arg7 : memref<128xi32, #tpu.memory_space<vmem>>)
    %mul3A_289 = arith.constant 128 : i32
    %mul3A_290 = arith.muli %add3A_277, %mul3A_289 : i32
    %dma_wait3A_291 = arith.constant 1 : i32
    %dma_wait3A_292 = arith.constant 0 : i32
    %dma_wait3A_293 = tpu.memref_slice %arg3[%dma_wait3A_291, %dma_wait3A_292] : memref<2x320000xi32, #tpu.memory_space<hbm>> -> memref<1x320000xi32, #tpu.memory_space<hbm>>
    %dma_wait3A_294 = tpu.memref_squeeze %dma_wait3A_293 : memref<1x320000xi32, #tpu.memory_space<hbm>> -> memref<320000xi32, #tpu.memory_space<hbm>>
    %dma_wait3A_295 = tpu.memref_slice %dma_wait3A_294[%mul3A_290] : memref<320000xi32, #tpu.memory_space<hbm>> -> memref<128xi32, #tpu.memory_space<hbm>>
    %dma_wait3A_296 = arith.constant 0 : i32
    %dma_wait3A_297 = tpu.memref_slice %arg3[%dma_wait3A_291, %dma_wait3A_296] : memref<2x320000xi32, #tpu.memory_space<hbm>> -> memref<1x320000xi32, #tpu.memory_space<hbm>>
    %dma_wait3A_298 = tpu.memref_squeeze %dma_wait3A_297 : memref<1x320000xi32, #tpu.memory_space<hbm>> -> memref<320000xi32, #tpu.memory_space<hbm>>
    %dma_wait3A_299 = tpu.memref_slice %dma_wait3A_298[%mul3A_290] : memref<320000xi32, #tpu.memory_space<hbm>> -> memref<128xi32, #tpu.memory_space<hbm>>
    tpu.wait_dma2 semaphore(%arg23 : memref<!tpu.dma_semaphore, #tpu.memory_space<semaphore_mem>>) src(%dma_wait3A_299 : memref<128xi32, #tpu.memory_space<hbm>>) dst(%arg11 : memref<128xi32, #tpu.memory_space<vmem>>)
    %dma_start3A_300 = arith.constant 0 : i32
    %dma_start3A_301 = arith.constant 0 : i32
    %dma_start3A_302 = tpu.memref_slice %arg2[%dma_start3A_300, %dma_start3A_301] : memref<10000x128xf32, #tpu.memory_space<hbm>> -> memref<10000x128xf32, #tpu.memory_space<hbm>>
    tpu.enqueue_indirect_dma source(%dma_start3A_302 : memref<10000x128xf32, #tpu.memory_space<hbm>>) target(%arg13 : memref<128x128xf32, #tpu.memory_space<vmem>>) offsets(%arg7 : memref<128xi32, #tpu.memory_space<vmem>>) semaphore(%arg25 : memref<!tpu.dma_semaphore, #tpu.memory_space<semaphore_mem>>)
    %dma_wait3A_303 = arith.constant 0 : i32
    %dma_wait3A_304 = arith.constant 0 : i32
    %dma_wait3A_305 = tpu.memref_slice %arg2[%dma_wait3A_303, %dma_wait3A_304] : memref<10000x128xf32, #tpu.memory_space<hbm>> -> memref<10000x128xf32, #tpu.memory_space<hbm>>
    tpu.wait_indirect_dma semaphore(%arg26 : memref<!tpu.dma_semaphore, #tpu.memory_space<semaphore_mem>>) src(%dma_wait3A_305 : memref<10000x128xf32, #tpu.memory_space<hbm>>) dst(%arg14 : memref<128x128xf32, #tpu.memory_space<vmem>>)
    %dma_start3A_306 = arith.constant 0 : i32
    %dma_start3A_307 = arith.constant 0 : i32
    %dma_start3A_308 = tpu.memref_slice %arg16[%dma_start3A_306, %dma_start3A_307] : memref<10000x128xf32, #tpu.memory_space<vmem_shared>> -> memref<10000x128xf32, #tpu.memory_space<vmem_shared>>
    tpu.enqueue_indirect_dma source(%arg14 : memref<128x128xf32, #tpu.memory_space<vmem>>) target(%dma_start3A_308 : memref<10000x128xf32, #tpu.memory_space<vmem_shared>>) offsets(%arg10 : memref<128xi32, #tpu.memory_space<vmem>>) semaphore(%arg28 : memref<!tpu.dma_semaphore, #tpu.memory_space<semaphore_mem>>) {add = true}
    %dma_wait3A_309 = arith.constant 0 : i32
    %dma_wait3A_310 = arith.constant 0 : i32
    %dma_wait3A_311 = tpu.memref_slice %arg16[%dma_wait3A_309, %dma_wait3A_310] : memref<10000x128xf32, #tpu.memory_space<vmem_shared>> -> memref<10000x128xf32, #tpu.memory_space<vmem_shared>>
    tpu.wait_indirect_dma semaphore(%arg28 : memref<!tpu.dma_semaphore, #tpu.memory_space<semaphore_mem>>) src(%arg14 : memref<128x128xf32, #tpu.memory_space<vmem>>) dst(%dma_wait3A_311 : memref<10000x128xf32, #tpu.memory_space<vmem_shared>>)
    %add3A_312 = arith.constant 2 : i32
    %add3A_313 = arith.addi %mul3A_2, %add3A_312 : i32
    %add3A_314 = arith.constant 3 : i32
    %add3A_315 = arith.addi %add3A_313, %add3A_314 : i32
    %mul3A_316 = arith.constant 128 : i32
    %mul3A_317 = arith.muli %add3A_315, %mul3A_316 : i32
    %dma_start3A_318 = arith.constant 0 : i32
    %dma_start3A_319 = arith.constant 0 : i32
    %dma_start3A_320 = tpu.memref_slice %arg3[%dma_start3A_318, %dma_start3A_319] : memref<2x320000xi32, #tpu.memory_space<hbm>> -> memref<1x320000xi32, #tpu.memory_space<hbm>>
    %dma_start3A_321 = tpu.memref_squeeze %dma_start3A_320 : memref<1x320000xi32, #tpu.memory_space<hbm>> -> memref<320000xi32, #tpu.memory_space<hbm>>
    %dma_start3A_322 = tpu.memref_slice %dma_start3A_321[%mul3A_317] : memref<320000xi32, #tpu.memory_space<hbm>> -> memref<128xi32, #tpu.memory_space<hbm>>
    %dma_start3A_323 = arith.constant 0 : i32
    %dma_start3A_324 = tpu.memref_slice %arg3[%dma_start3A_318, %dma_start3A_323] : memref<2x320000xi32, #tpu.memory_space<hbm>> -> memref<1x320000xi32, #tpu.memory_space<hbm>>
    %dma_start3A_325 = tpu.memref_squeeze %dma_start3A_324 : memref<1x320000xi32, #tpu.memory_space<hbm>> -> memref<320000xi32, #tpu.memory_space<hbm>>
    %dma_start3A_326 = tpu.memref_slice %dma_start3A_325[%mul3A_317] : memref<320000xi32, #tpu.memory_space<hbm>> -> memref<128xi32, #tpu.memory_space<hbm>>
    tpu.enqueue_dma source(%dma_start3A_326 : memref<128xi32, #tpu.memory_space<hbm>>) target(%arg6 : memref<128xi32, #tpu.memory_space<vmem>>) target_semaphore(%arg18 : memref<!tpu.dma_semaphore, #tpu.memory_space<semaphore_mem>>)
    %mul3A_327 = arith.constant 128 : i32
    %mul3A_328 = arith.muli %add3A_315, %mul3A_327 : i32
    %dma_start3A_329 = arith.constant 1 : i32
    %dma_start3A_330 = arith.constant 0 : i32
    %dma_start3A_331 = tpu.memref_slice %arg3[%dma_start3A_329, %dma_start3A_330] : memref<2x320000xi32, #tpu.memory_space<hbm>> -> memref<1x320000xi32, #tpu.memory_space<hbm>>
    %dma_start3A_332 = tpu.memref_squeeze %dma_start3A_331 : memref<1x320000xi32, #tpu.memory_space<hbm>> -> memref<320000xi32, #tpu.memory_space<hbm>>
    %dma_start3A_333 = tpu.memref_slice %dma_start3A_332[%mul3A_328] : memref<320000xi32, #tpu.memory_space<hbm>> -> memref<128xi32, #tpu.memory_space<hbm>>
    %dma_start3A_334 = arith.constant 0 : i32
    %dma_start3A_335 = tpu.memref_slice %arg3[%dma_start3A_329, %dma_start3A_334] : memref<2x320000xi32, #tpu.memory_space<hbm>> -> memref<1x320000xi32, #tpu.memory_space<hbm>>
    %dma_start3A_336 = tpu.memref_squeeze %dma_start3A_335 : memref<1x320000xi32, #tpu.memory_space<hbm>> -> memref<320000xi32, #tpu.memory_space<hbm>>
    %dma_start3A_337 = tpu.memref_slice %dma_start3A_336[%mul3A_328] : memref<320000xi32, #tpu.memory_space<hbm>> -> memref<128xi32, #tpu.memory_space<hbm>>
    tpu.enqueue_dma source(%dma_start3A_337 : memref<128xi32, #tpu.memory_space<hbm>>) target(%arg10 : memref<128xi32, #tpu.memory_space<vmem>>) target_semaphore(%arg22 : memref<!tpu.dma_semaphore, #tpu.memory_space<semaphore_mem>>)
    %add3A_338 = arith.constant 2 : i32
    %add3A_339 = arith.addi %mul3A_2, %add3A_338 : i32
    %add3A_340 = arith.constant 1 : i32
    %add3A_341 = arith.addi %add3A_339, %add3A_340 : i32
    %mul3A_342 = arith.constant 128 : i32
    %mul3A_343 = arith.muli %add3A_341, %mul3A_342 : i32
    %dma_wait3A_344 = arith.constant 0 : i32
    %dma_wait3A_345 = arith.constant 0 : i32
    %dma_wait3A_346 = tpu.memref_slice %arg3[%dma_wait3A_344, %dma_wait3A_345] : memref<2x320000xi32, #tpu.memory_space<hbm>> -> memref<1x320000xi32, #tpu.memory_space<hbm>>
    %dma_wait3A_347 = tpu.memref_squeeze %dma_wait3A_346 : memref<1x320000xi32, #tpu.memory_space<hbm>> -> memref<320000xi32, #tpu.memory_space<hbm>>
    %dma_wait3A_348 = tpu.memref_slice %dma_wait3A_347[%mul3A_343] : memref<320000xi32, #tpu.memory_space<hbm>> -> memref<128xi32, #tpu.memory_space<hbm>>
    %dma_wait3A_349 = arith.constant 0 : i32
    %dma_wait3A_350 = tpu.memref_slice %arg3[%dma_wait3A_344, %dma_wait3A_349] : memref<2x320000xi32, #tpu.memory_space<hbm>> -> memref<1x320000xi32, #tpu.memory_space<hbm>>
    %dma_wait3A_351 = tpu.memref_squeeze %dma_wait3A_350 : memref<1x320000xi32, #tpu.memory_space<hbm>> -> memref<320000xi32, #tpu.memory_space<hbm>>
    %dma_wait3A_352 = tpu.memref_slice %dma_wait3A_351[%mul3A_343] : memref<320000xi32, #tpu.memory_space<hbm>> -> memref<128xi32, #tpu.memory_space<hbm>>
    tpu.wait_dma2 semaphore(%arg20 : memref<!tpu.dma_semaphore, #tpu.memory_space<semaphore_mem>>) src(%dma_wait3A_352 : memref<128xi32, #tpu.memory_space<hbm>>) dst(%arg8 : memref<128xi32, #tpu.memory_space<vmem>>)
    %mul3A_353 = arith.constant 128 : i32
    %mul3A_354 = arith.muli %add3A_341, %mul3A_353 : i32
    %dma_wait3A_355 = arith.constant 1 : i32
    %dma_wait3A_356 = arith.constant 0 : i32
    %dma_wait3A_357 = tpu.memref_slice %arg3[%dma_wait3A_355, %dma_wait3A_356] : memref<2x320000xi32, #tpu.memory_space<hbm>> -> memref<1x320000xi32, #tpu.memory_space<hbm>>
    %dma_wait3A_358 = tpu.memref_squeeze %dma_wait3A_357 : memref<1x320000xi32, #tpu.memory_space<hbm>> -> memref<320000xi32, #tpu.memory_space<hbm>>
    %dma_wait3A_359 = tpu.memref_slice %dma_wait3A_358[%mul3A_354] : memref<320000xi32, #tpu.memory_space<hbm>> -> memref<128xi32, #tpu.memory_space<hbm>>
    %dma_wait3A_360 = arith.constant 0 : i32
    %dma_wait3A_361 = tpu.memref_slice %arg3[%dma_wait3A_355, %dma_wait3A_360] : memref<2x320000xi32, #tpu.memory_space<hbm>> -> memref<1x320000xi32, #tpu.memory_space<hbm>>
    %dma_wait3A_362 = tpu.memref_squeeze %dma_wait3A_361 : memref<1x320000xi32, #tpu.memory_space<hbm>> -> memref<320000xi32, #tpu.memory_space<hbm>>
    %dma_wait3A_363 = tpu.memref_slice %dma_wait3A_362[%mul3A_354] : memref<320000xi32, #tpu.memory_space<hbm>> -> memref<128xi32, #tpu.memory_space<hbm>>
    tpu.wait_dma2 semaphore(%arg24 : memref<!tpu.dma_semaphore, #tpu.memory_space<semaphore_mem>>) src(%dma_wait3A_363 : memref<128xi32, #tpu.memory_space<hbm>>) dst(%arg12 : memref<128xi32, #tpu.memory_space<vmem>>)
    %dma_start3A_364 = arith.constant 0 : i32
    %dma_start3A_365 = arith.constant 0 : i32
    %dma_start3A_366 = tpu.memref_slice %arg2[%dma_start3A_364, %dma_start3A_365] : memref<10000x128xf32, #tpu.memory_space<hbm>> -> memref<10000x128xf32, #tpu.memory_space<hbm>>
    tpu.enqueue_indirect_dma source(%dma_start3A_366 : memref<10000x128xf32, #tpu.memory_space<hbm>>) target(%arg14 : memref<128x128xf32, #tpu.memory_space<vmem>>) offsets(%arg8 : memref<128xi32, #tpu.memory_space<vmem>>) semaphore(%arg26 : memref<!tpu.dma_semaphore, #tpu.memory_space<semaphore_mem>>)
    %dma_wait3A_367 = arith.constant 0 : i32
    %dma_wait3A_368 = arith.constant 0 : i32
    %dma_wait3A_369 = tpu.memref_slice %arg2[%dma_wait3A_367, %dma_wait3A_368] : memref<10000x128xf32, #tpu.memory_space<hbm>> -> memref<10000x128xf32, #tpu.memory_space<hbm>>
    tpu.wait_indirect_dma semaphore(%arg25 : memref<!tpu.dma_semaphore, #tpu.memory_space<semaphore_mem>>) src(%dma_wait3A_369 : memref<10000x128xf32, #tpu.memory_space<hbm>>) dst(%arg13 : memref<128x128xf32, #tpu.memory_space<vmem>>)
    %dma_start3A_370 = arith.constant 0 : i32
    %dma_start3A_371 = arith.constant 0 : i32
    %dma_start3A_372 = tpu.memref_slice %arg16[%dma_start3A_370, %dma_start3A_371] : memref<10000x128xf32, #tpu.memory_space<vmem_shared>> -> memref<10000x128xf32, #tpu.memory_space<vmem_shared>>
    tpu.enqueue_indirect_dma source(%arg13 : memref<128x128xf32, #tpu.memory_space<vmem>>) target(%dma_start3A_372 : memref<10000x128xf32, #tpu.memory_space<vmem_shared>>) offsets(%arg11 : memref<128xi32, #tpu.memory_space<vmem>>) semaphore(%arg27 : memref<!tpu.dma_semaphore, #tpu.memory_space<semaphore_mem>>) {add = true}
    %dma_wait3A_373 = arith.constant 0 : i32
    %dma_wait3A_374 = arith.constant 0 : i32
    %dma_wait3A_375 = tpu.memref_slice %arg16[%dma_wait3A_373, %dma_wait3A_374] : memref<10000x128xf32, #tpu.memory_space<vmem_shared>> -> memref<10000x128xf32, #tpu.memory_space<vmem_shared>>
    tpu.wait_indirect_dma semaphore(%arg27 : memref<!tpu.dma_semaphore, #tpu.memory_space<semaphore_mem>>) src(%arg13 : memref<128x128xf32, #tpu.memory_space<vmem>>) dst(%dma_wait3A_375 : memref<10000x128xf32, #tpu.memory_space<vmem_shared>>)
    %add3A_376 = arith.constant 3 : i32
    %add3A_377 = arith.addi %mul3A_2, %add3A_376 : i32
    %add3A_378 = arith.constant 3 : i32
    %add3A_379 = arith.addi %add3A_377, %add3A_378 : i32
    %mul3A_380 = arith.constant 128 : i32
    %mul3A_381 = arith.muli %add3A_379, %mul3A_380 : i32
    %dma_start3A_382 = arith.constant 0 : i32
    %dma_start3A_383 = arith.constant 0 : i32
    %dma_start3A_384 = tpu.memref_slice %arg3[%dma_start3A_382, %dma_start3A_383] : memref<2x320000xi32, #tpu.memory_space<hbm>> -> memref<1x320000xi32, #tpu.memory_space<hbm>>
    %dma_start3A_385 = tpu.memref_squeeze %dma_start3A_384 : memref<1x320000xi32, #tpu.memory_space<hbm>> -> memref<320000xi32, #tpu.memory_space<hbm>>
    %dma_start3A_386 = tpu.memref_slice %dma_start3A_385[%mul3A_381] : memref<320000xi32, #tpu.memory_space<hbm>> -> memref<128xi32, #tpu.memory_space<hbm>>
    %dma_start3A_387 = arith.constant 0 : i32
    %dma_start3A_388 = tpu.memref_slice %arg3[%dma_start3A_382, %dma_start3A_387] : memref<2x320000xi32, #tpu.memory_space<hbm>> -> memref<1x320000xi32, #tpu.memory_space<hbm>>
    %dma_start3A_389 = tpu.memref_squeeze %dma_start3A_388 : memref<1x320000xi32, #tpu.memory_space<hbm>> -> memref<320000xi32, #tpu.memory_space<hbm>>
    %dma_start3A_390 = tpu.memref_slice %dma_start3A_389[%mul3A_381] : memref<320000xi32, #tpu.memory_space<hbm>> -> memref<128xi32, #tpu.memory_space<hbm>>
    tpu.enqueue_dma source(%dma_start3A_390 : memref<128xi32, #tpu.memory_space<hbm>>) target(%arg7 : memref<128xi32, #tpu.memory_space<vmem>>) target_semaphore(%arg19 : memref<!tpu.dma_semaphore, #tpu.memory_space<semaphore_mem>>)
    %mul3A_391 = arith.constant 128 : i32
    %mul3A_392 = arith.muli %add3A_379, %mul3A_391 : i32
    %dma_start3A_393 = arith.constant 1 : i32
    %dma_start3A_394 = arith.constant 0 : i32
    %dma_start3A_395 = tpu.memref_slice %arg3[%dma_start3A_393, %dma_start3A_394] : memref<2x320000xi32, #tpu.memory_space<hbm>> -> memref<1x320000xi32, #tpu.memory_space<hbm>>
    %dma_start3A_396 = tpu.memref_squeeze %dma_start3A_395 : memref<1x320000xi32, #tpu.memory_space<hbm>> -> memref<320000xi32, #tpu.memory_space<hbm>>
    %dma_start3A_397 = tpu.memref_slice %dma_start3A_396[%mul3A_392] : memref<320000xi32, #tpu.memory_space<hbm>> -> memref<128xi32, #tpu.memory_space<hbm>>
    %dma_start3A_398 = arith.constant 0 : i32
    %dma_start3A_399 = tpu.memref_slice %arg3[%dma_start3A_393, %dma_start3A_398] : memref<2x320000xi32, #tpu.memory_space<hbm>> -> memref<1x320000xi32, #tpu.memory_space<hbm>>
    %dma_start3A_400 = tpu.memref_squeeze %dma_start3A_399 : memref<1x320000xi32, #tpu.memory_space<hbm>> -> memref<320000xi32, #tpu.memory_space<hbm>>
    %dma_start3A_401 = tpu.memref_slice %dma_start3A_400[%mul3A_392] : memref<320000xi32, #tpu.memory_space<hbm>> -> memref<128xi32, #tpu.memory_space<hbm>>
    tpu.enqueue_dma source(%dma_start3A_401 : memref<128xi32, #tpu.memory_space<hbm>>) target(%arg11 : memref<128xi32, #tpu.memory_space<vmem>>) target_semaphore(%arg23 : memref<!tpu.dma_semaphore, #tpu.memory_space<semaphore_mem>>)
    %add3A_402 = arith.constant 3 : i32
    %add3A_403 = arith.addi %mul3A_2, %add3A_402 : i32
    %add3A_404 = arith.constant 1 : i32
    %add3A_405 = arith.addi %add3A_403, %add3A_404 : i32
    %mul3A_406 = arith.constant 128 : i32
    %mul3A_407 = arith.muli %add3A_405, %mul3A_406 : i32
    %dma_wait3A_408 = arith.constant 0 : i32
    %dma_wait3A_409 = arith.constant 0 : i32
    %dma_wait3A_410 = tpu.memref_slice %arg3[%dma_wait3A_408, %dma_wait3A_409] : memref<2x320000xi32, #tpu.memory_space<hbm>> -> memref<1x320000xi32, #tpu.memory_space<hbm>>
    %dma_wait3A_411 = tpu.memref_squeeze %dma_wait3A_410 : memref<1x320000xi32, #tpu.memory_space<hbm>> -> memref<320000xi32, #tpu.memory_space<hbm>>
    %dma_wait3A_412 = tpu.memref_slice %dma_wait3A_411[%mul3A_407] : memref<320000xi32, #tpu.memory_space<hbm>> -> memref<128xi32, #tpu.memory_space<hbm>>
    %dma_wait3A_413 = arith.constant 0 : i32
    %dma_wait3A_414 = tpu.memref_slice %arg3[%dma_wait3A_408, %dma_wait3A_413] : memref<2x320000xi32, #tpu.memory_space<hbm>> -> memref<1x320000xi32, #tpu.memory_space<hbm>>
    %dma_wait3A_415 = tpu.memref_squeeze %dma_wait3A_414 : memref<1x320000xi32, #tpu.memory_space<hbm>> -> memref<320000xi32, #tpu.memory_space<hbm>>
    %dma_wait3A_416 = tpu.memref_slice %dma_wait3A_415[%mul3A_407] : memref<320000xi32, #tpu.memory_space<hbm>> -> memref<128xi32, #tpu.memory_space<hbm>>
    tpu.wait_dma2 semaphore(%arg17 : memref<!tpu.dma_semaphore, #tpu.memory_space<semaphore_mem>>) src(%dma_wait3A_416 : memref<128xi32, #tpu.memory_space<hbm>>) dst(%arg5 : memref<128xi32, #tpu.memory_space<vmem>>)
    %mul3A_417 = arith.constant 128 : i32
    %mul3A_418 = arith.muli %add3A_405, %mul3A_417 : i32
    %dma_wait3A_419 = arith.constant 1 : i32
    %dma_wait3A_420 = arith.constant 0 : i32
    %dma_wait3A_421 = tpu.memref_slice %arg3[%dma_wait3A_419, %dma_wait3A_420] : memref<2x320000xi32, #tpu.memory_space<hbm>> -> memref<1x320000xi32, #tpu.memory_space<hbm>>
    %dma_wait3A_422 = tpu.memref_squeeze %dma_wait3A_421 : memref<1x320000xi32, #tpu.memory_space<hbm>> -> memref<320000xi32, #tpu.memory_space<hbm>>
    %dma_wait3A_423 = tpu.memref_slice %dma_wait3A_422[%mul3A_418] : memref<320000xi32, #tpu.memory_space<hbm>> -> memref<128xi32, #tpu.memory_space<hbm>>
    %dma_wait3A_424 = arith.constant 0 : i32
    %dma_wait3A_425 = tpu.memref_slice %arg3[%dma_wait3A_419, %dma_wait3A_424] : memref<2x320000xi32, #tpu.memory_space<hbm>> -> memref<1x320000xi32, #tpu.memory_space<hbm>>
    %dma_wait3A_426 = tpu.memref_squeeze %dma_wait3A_425 : memref<1x320000xi32, #tpu.memory_space<hbm>> -> memref<320000xi32, #tpu.memory_space<hbm>>
    %dma_wait3A_427 = tpu.memref_slice %dma_wait3A_426[%mul3A_418] : memref<320000xi32, #tpu.memory_space<hbm>> -> memref<128xi32, #tpu.memory_space<hbm>>
    tpu.wait_dma2 semaphore(%arg21 : memref<!tpu.dma_semaphore, #tpu.memory_space<semaphore_mem>>) src(%dma_wait3A_427 : memref<128xi32, #tpu.memory_space<hbm>>) dst(%arg9 : memref<128xi32, #tpu.memory_space<vmem>>)
    %dma_start3A_428 = arith.constant 0 : i32
    %dma_start3A_429 = arith.constant 0 : i32
    %dma_start3A_430 = tpu.memref_slice %arg2[%dma_start3A_428, %dma_start3A_429] : memref<10000x128xf32, #tpu.memory_space<hbm>> -> memref<10000x128xf32, #tpu.memory_space<hbm>>
    tpu.enqueue_indirect_dma source(%dma_start3A_430 : memref<10000x128xf32, #tpu.memory_space<hbm>>) target(%arg13 : memref<128x128xf32, #tpu.memory_space<vmem>>) offsets(%arg5 : memref<128xi32, #tpu.memory_space<vmem>>) semaphore(%arg25 : memref<!tpu.dma_semaphore, #tpu.memory_space<semaphore_mem>>)
    %dma_wait3A_431 = arith.constant 0 : i32
    %dma_wait3A_432 = arith.constant 0 : i32
    %dma_wait3A_433 = tpu.memref_slice %arg2[%dma_wait3A_431, %dma_wait3A_432] : memref<10000x128xf32, #tpu.memory_space<hbm>> -> memref<10000x128xf32, #tpu.memory_space<hbm>>
    tpu.wait_indirect_dma semaphore(%arg26 : memref<!tpu.dma_semaphore, #tpu.memory_space<semaphore_mem>>) src(%dma_wait3A_433 : memref<10000x128xf32, #tpu.memory_space<hbm>>) dst(%arg14 : memref<128x128xf32, #tpu.memory_space<vmem>>)
    %dma_start3A_434 = arith.constant 0 : i32
    %dma_start3A_435 = arith.constant 0 : i32
    %dma_start3A_436 = tpu.memref_slice %arg16[%dma_start3A_434, %dma_start3A_435] : memref<10000x128xf32, #tpu.memory_space<vmem_shared>> -> memref<10000x128xf32, #tpu.memory_space<vmem_shared>>
    tpu.enqueue_indirect_dma source(%arg14 : memref<128x128xf32, #tpu.memory_space<vmem>>) target(%dma_start3A_436 : memref<10000x128xf32, #tpu.memory_space<vmem_shared>>) offsets(%arg12 : memref<128xi32, #tpu.memory_space<vmem>>) semaphore(%arg28 : memref<!tpu.dma_semaphore, #tpu.memory_space<semaphore_mem>>) {add = true}
    %scan3A_437 = arith.constant 0 : i32
    %scan3A_438 = arith.constant 1 : i32
    %scan3A_439 = arith.constant 0 : i32
    %scan3A_440 = arith.constant 0 : i32
    %scan3A_441 = arith.constant 18 : i32
    %scan3A_442 = arith.addi %scan3A_440, %scan3A_441 : i32
    %scan3A_443 = arith.constant 1 : i32
    %scan3A_444 = scf.for %scan3A_582 = %scan3A_440 to %scan3A_442 step %scan3A_443 iter_args(%scan3A_583 = %scan3A_439) -> (i32)  : i32 {
      %mul3A_584 = arith.constant 4 : i32
      %mul3A_585 = arith.muli %scan3A_582, %mul3A_584 : i32
      %add3A_586 = arith.constant 4 : i32
      %add3A_587 = arith.addi %add3A_586, %mul3A_585 : i32
      %add3A_588 = arith.constant 0 : i32
      %add3A_589 = arith.addi %add3A_587, %add3A_588 : i32
      %dma_wait3A_590 = arith.constant 0 : i32
      %dma_wait3A_591 = arith.constant 0 : i32
      %dma_wait3A_592 = tpu.memref_slice %arg16[%dma_wait3A_590, %dma_wait3A_591] : memref<10000x128xf32, #tpu.memory_space<vmem_shared>> -> memref<10000x128xf32, #tpu.memory_space<vmem_shared>>
      tpu.wait_indirect_dma semaphore(%arg28 : memref<!tpu.dma_semaphore, #tpu.memory_space<semaphore_mem>>) src(%arg14 : memref<128x128xf32, #tpu.memory_space<vmem>>) dst(%dma_wait3A_592 : memref<10000x128xf32, #tpu.memory_space<vmem_shared>>)
      %add3A_593 = arith.constant 3 : i32
      %add3A_594 = arith.addi %add3A_589, %add3A_593 : i32
      %lt3A_595 = arith.constant 78 : i32
      %lt3A_596 = arith.cmpi slt, %add3A_594, %lt3A_595 : i32
      %convert_element_type3A_597 = arith.extui %lt3A_596 : i1 to i32
      %cond3A_598 = arith.constant 0 : i32
      %cond3A_599 = arith.cmpi ne, %convert_element_type3A_597, %cond3A_598 : i32
      scf.if %cond3A_599 {
        %add3A_765 = arith.addi %mul3A_2, %add3A_589 : i32
        %add3A_766 = arith.constant 3 : i32
        %add3A_767 = arith.addi %add3A_765, %add3A_766 : i32
        %mul3A_768 = arith.constant 128 : i32
        %mul3A_769 = arith.muli %add3A_767, %mul3A_768 : i32
        %dma_start3A_770 = arith.constant 0 : i32
        %dma_start3A_771 = tpu.memref_slice %arg3[%scan3A_437, %dma_start3A_770] : memref<2x320000xi32, #tpu.memory_space<hbm>> -> memref<1x320000xi32, #tpu.memory_space<hbm>>
        %dma_start3A_772 = tpu.memref_squeeze %dma_start3A_771 : memref<1x320000xi32, #tpu.memory_space<hbm>> -> memref<320000xi32, #tpu.memory_space<hbm>>
        %dma_start3A_773 = tpu.memref_slice %dma_start3A_772[%mul3A_769] : memref<320000xi32, #tpu.memory_space<hbm>> -> memref<128xi32, #tpu.memory_space<hbm>>
        %dma_start3A_774 = arith.constant 0 : i32
        %dma_start3A_775 = tpu.memref_slice %arg3[%scan3A_437, %dma_start3A_774] : memref<2x320000xi32, #tpu.memory_space<hbm>> -> memref<1x320000xi32, #tpu.memory_space<hbm>>
        %dma_start3A_776 = tpu.memref_squeeze %dma_start3A_775 : memref<1x320000xi32, #tpu.memory_space<hbm>> -> memref<320000xi32, #tpu.memory_space<hbm>>
        %dma_start3A_777 = tpu.memref_slice %dma_start3A_776[%mul3A_769] : memref<320000xi32, #tpu.memory_space<hbm>> -> memref<128xi32, #tpu.memory_space<hbm>>
        tpu.enqueue_dma source(%dma_start3A_777 : memref<128xi32, #tpu.memory_space<hbm>>) target(%arg8 : memref<128xi32, #tpu.memory_space<vmem>>) target_semaphore(%arg20 : memref<!tpu.dma_semaphore, #tpu.memory_space<semaphore_mem>>)
        %mul3A_778 = arith.constant 128 : i32
        %mul3A_779 = arith.muli %add3A_767, %mul3A_778 : i32
        %dma_start3A_780 = arith.constant 0 : i32
        %dma_start3A_781 = tpu.memref_slice %arg3[%scan3A_438, %dma_start3A_780] : memref<2x320000xi32, #tpu.memory_space<hbm>> -> memref<1x320000xi32, #tpu.memory_space<hbm>>
        %dma_start3A_782 = tpu.memref_squeeze %dma_start3A_781 : memref<1x320000xi32, #tpu.memory_space<hbm>> -> memref<320000xi32, #tpu.memory_space<hbm>>
        %dma_start3A_783 = tpu.memref_slice %dma_start3A_782[%mul3A_779] : memref<320000xi32, #tpu.memory_space<hbm>> -> memref<128xi32, #tpu.memory_space<hbm>>
        %dma_start3A_784 = arith.constant 0 : i32
        %dma_start3A_785 = tpu.memref_slice %arg3[%scan3A_438, %dma_start3A_784] : memref<2x320000xi32, #tpu.memory_space<hbm>> -> memref<1x320000xi32, #tpu.memory_space<hbm>>
        %dma_start3A_786 = tpu.memref_squeeze %dma_start3A_785 : memref<1x320000xi32, #tpu.memory_space<hbm>> -> memref<320000xi32, #tpu.memory_space<hbm>>
        %dma_start3A_787 = tpu.memref_slice %dma_start3A_786[%mul3A_779] : memref<320000xi32, #tpu.memory_space<hbm>> -> memref<128xi32, #tpu.memory_space<hbm>>
        tpu.enqueue_dma source(%dma_start3A_787 : memref<128xi32, #tpu.memory_space<hbm>>) target(%arg12 : memref<128xi32, #tpu.memory_space<vmem>>) target_semaphore(%arg24 : memref<!tpu.dma_semaphore, #tpu.memory_space<semaphore_mem>>)
      } else {
      }
      %add3A_600 = arith.addi %mul3A_2, %add3A_589 : i32
      %add3A_601 = arith.constant 1 : i32
      %add3A_602 = arith.addi %add3A_600, %add3A_601 : i32
      %mul3A_603 = arith.constant 128 : i32
      %mul3A_604 = arith.muli %add3A_602, %mul3A_603 : i32
      %dma_wait3A_605 = arith.constant 0 : i32
      %dma_wait3A_606 = tpu.memref_slice %arg3[%scan3A_437, %dma_wait3A_605] : memref<2x320000xi32, #tpu.memory_space<hbm>> -> memref<1x320000xi32, #tpu.memory_space<hbm>>
      %dma_wait3A_607 = tpu.memref_squeeze %dma_wait3A_606 : memref<1x320000xi32, #tpu.memory_space<hbm>> -> memref<320000xi32, #tpu.memory_space<hbm>>
      %dma_wait3A_608 = tpu.memref_slice %dma_wait3A_607[%mul3A_604] : memref<320000xi32, #tpu.memory_space<hbm>> -> memref<128xi32, #tpu.memory_space<hbm>>
      %dma_wait3A_609 = arith.constant 0 : i32
      %dma_wait3A_610 = tpu.memref_slice %arg3[%scan3A_437, %dma_wait3A_609] : memref<2x320000xi32, #tpu.memory_space<hbm>> -> memref<1x320000xi32, #tpu.memory_space<hbm>>
      %dma_wait3A_611 = tpu.memref_squeeze %dma_wait3A_610 : memref<1x320000xi32, #tpu.memory_space<hbm>> -> memref<320000xi32, #tpu.memory_space<hbm>>
      %dma_wait3A_612 = tpu.memref_slice %dma_wait3A_611[%mul3A_604] : memref<320000xi32, #tpu.memory_space<hbm>> -> memref<128xi32, #tpu.memory_space<hbm>>
      tpu.wait_dma2 semaphore(%arg18 : memref<!tpu.dma_semaphore, #tpu.memory_space<semaphore_mem>>) src(%dma_wait3A_612 : memref<128xi32, #tpu.memory_space<hbm>>) dst(%arg6 : memref<128xi32, #tpu.memory_space<vmem>>)
      %mul3A_613 = arith.constant 128 : i32
      %mul3A_614 = arith.muli %add3A_602, %mul3A_613 : i32
      %dma_wait3A_615 = arith.constant 0 : i32
      %dma_wait3A_616 = tpu.memref_slice %arg3[%scan3A_438, %dma_wait3A_615] : memref<2x320000xi32, #tpu.memory_space<hbm>> -> memref<1x320000xi32, #tpu.memory_space<hbm>>
      %dma_wait3A_617 = tpu.memref_squeeze %dma_wait3A_616 : memref<1x320000xi32, #tpu.memory_space<hbm>> -> memref<320000xi32, #tpu.memory_space<hbm>>
      %dma_wait3A_618 = tpu.memref_slice %dma_wait3A_617[%mul3A_614] : memref<320000xi32, #tpu.memory_space<hbm>> -> memref<128xi32, #tpu.memory_space<hbm>>
      %dma_wait3A_619 = arith.constant 0 : i32
      %dma_wait3A_620 = tpu.memref_slice %arg3[%scan3A_438, %dma_wait3A_619] : memref<2x320000xi32, #tpu.memory_space<hbm>> -> memref<1x320000xi32, #tpu.memory_space<hbm>>
      %dma_wait3A_621 = tpu.memref_squeeze %dma_wait3A_620 : memref<1x320000xi32, #tpu.memory_space<hbm>> -> memref<320000xi32, #tpu.memory_space<hbm>>
      %dma_wait3A_622 = tpu.memref_slice %dma_wait3A_621[%mul3A_614] : memref<320000xi32, #tpu.memory_space<hbm>> -> memref<128xi32, #tpu.memory_space<hbm>>
      tpu.wait_dma2 semaphore(%arg22 : memref<!tpu.dma_semaphore, #tpu.memory_space<semaphore_mem>>) src(%dma_wait3A_622 : memref<128xi32, #tpu.memory_space<hbm>>) dst(%arg10 : memref<128xi32, #tpu.memory_space<vmem>>)
      %dma_start3A_623 = arith.constant 0 : i32
      %dma_start3A_624 = arith.constant 0 : i32
      %dma_start3A_625 = tpu.memref_slice %arg2[%dma_start3A_623, %dma_start3A_624] : memref<10000x128xf32, #tpu.memory_space<hbm>> -> memref<10000x128xf32, #tpu.memory_space<hbm>>
      tpu.enqueue_indirect_dma source(%dma_start3A_625 : memref<10000x128xf32, #tpu.memory_space<hbm>>) target(%arg14 : memref<128x128xf32, #tpu.memory_space<vmem>>) offsets(%arg6 : memref<128xi32, #tpu.memory_space<vmem>>) semaphore(%arg26 : memref<!tpu.dma_semaphore, #tpu.memory_space<semaphore_mem>>)
      %dma_wait3A_626 = arith.constant 0 : i32
      %dma_wait3A_627 = arith.constant 0 : i32
      %dma_wait3A_628 = tpu.memref_slice %arg2[%dma_wait3A_626, %dma_wait3A_627] : memref<10000x128xf32, #tpu.memory_space<hbm>> -> memref<10000x128xf32, #tpu.memory_space<hbm>>
      tpu.wait_indirect_dma semaphore(%arg25 : memref<!tpu.dma_semaphore, #tpu.memory_space<semaphore_mem>>) src(%dma_wait3A_628 : memref<10000x128xf32, #tpu.memory_space<hbm>>) dst(%arg13 : memref<128x128xf32, #tpu.memory_space<vmem>>)
      %dma_start3A_629 = arith.constant 0 : i32
      %dma_start3A_630 = arith.constant 0 : i32
      %dma_start3A_631 = tpu.memref_slice %arg16[%dma_start3A_629, %dma_start3A_630] : memref<10000x128xf32, #tpu.memory_space<vmem_shared>> -> memref<10000x128xf32, #tpu.memory_space<vmem_shared>>
      tpu.enqueue_indirect_dma source(%arg13 : memref<128x128xf32, #tpu.memory_space<vmem>>) target(%dma_start3A_631 : memref<10000x128xf32, #tpu.memory_space<vmem_shared>>) offsets(%arg9 : memref<128xi32, #tpu.memory_space<vmem>>) semaphore(%arg27 : memref<!tpu.dma_semaphore, #tpu.memory_space<semaphore_mem>>) {add = true}
      %add3A_632 = arith.constant 1 : i32
      %add3A_633 = arith.addi %add3A_587, %add3A_632 : i32
      %dma_wait3A_634 = arith.constant 0 : i32
      %dma_wait3A_635 = arith.constant 0 : i32
      %dma_wait3A_636 = tpu.memref_slice %arg16[%dma_wait3A_634, %dma_wait3A_635] : memref<10000x128xf32, #tpu.memory_space<vmem_shared>> -> memref<10000x128xf32, #tpu.memory_space<vmem_shared>>
      tpu.wait_indirect_dma semaphore(%arg27 : memref<!tpu.dma_semaphore, #tpu.memory_space<semaphore_mem>>) src(%arg13 : memref<128x128xf32, #tpu.memory_space<vmem>>) dst(%dma_wait3A_636 : memref<10000x128xf32, #tpu.memory_space<vmem_shared>>)
      %add3A_637 = arith.constant 3 : i32
      %add3A_638 = arith.addi %add3A_633, %add3A_637 : i32
      %lt3A_639 = arith.constant 78 : i32
      %lt3A_640 = arith.cmpi slt, %add3A_638, %lt3A_639 : i32
      %convert_element_type3A_641 = arith.extui %lt3A_640 : i1 to i32
      %cond3A_642 = arith.constant 0 : i32
      %cond3A_643 = arith.cmpi ne, %convert_element_type3A_641, %cond3A_642 : i32
      scf.if %cond3A_643 {
        %add3A_765 = arith.addi %mul3A_2, %add3A_633 : i32
        %add3A_766 = arith.constant 3 : i32
        %add3A_767 = arith.addi %add3A_765, %add3A_766 : i32
        %mul3A_768 = arith.constant 128 : i32
        %mul3A_769 = arith.muli %add3A_767, %mul3A_768 : i32
        %dma_start3A_770 = arith.constant 0 : i32
        %dma_start3A_771 = tpu.memref_slice %arg3[%scan3A_437, %dma_start3A_770] : memref<2x320000xi32, #tpu.memory_space<hbm>> -> memref<1x320000xi32, #tpu.memory_space<hbm>>
        %dma_start3A_772 = tpu.memref_squeeze %dma_start3A_771 : memref<1x320000xi32, #tpu.memory_space<hbm>> -> memref<320000xi32, #tpu.memory_space<hbm>>
        %dma_start3A_773 = tpu.memref_slice %dma_start3A_772[%mul3A_769] : memref<320000xi32, #tpu.memory_space<hbm>> -> memref<128xi32, #tpu.memory_space<hbm>>
        %dma_start3A_774 = arith.constant 0 : i32
        %dma_start3A_775 = tpu.memref_slice %arg3[%scan3A_437, %dma_start3A_774] : memref<2x320000xi32, #tpu.memory_space<hbm>> -> memref<1x320000xi32, #tpu.memory_space<hbm>>
        %dma_start3A_776 = tpu.memref_squeeze %dma_start3A_775 : memref<1x320000xi32, #tpu.memory_space<hbm>> -> memref<320000xi32, #tpu.memory_space<hbm>>
        %dma_start3A_777 = tpu.memref_slice %dma_start3A_776[%mul3A_769] : memref<320000xi32, #tpu.memory_space<hbm>> -> memref<128xi32, #tpu.memory_space<hbm>>
        tpu.enqueue_dma source(%dma_start3A_777 : memref<128xi32, #tpu.memory_space<hbm>>) target(%arg5 : memref<128xi32, #tpu.memory_space<vmem>>) target_semaphore(%arg17 : memref<!tpu.dma_semaphore, #tpu.memory_space<semaphore_mem>>)
        %mul3A_778 = arith.constant 128 : i32
        %mul3A_779 = arith.muli %add3A_767, %mul3A_778 : i32
        %dma_start3A_780 = arith.constant 0 : i32
        %dma_start3A_781 = tpu.memref_slice %arg3[%scan3A_438, %dma_start3A_780] : memref<2x320000xi32, #tpu.memory_space<hbm>> -> memref<1x320000xi32, #tpu.memory_space<hbm>>
        %dma_start3A_782 = tpu.memref_squeeze %dma_start3A_781 : memref<1x320000xi32, #tpu.memory_space<hbm>> -> memref<320000xi32, #tpu.memory_space<hbm>>
        %dma_start3A_783 = tpu.memref_slice %dma_start3A_782[%mul3A_779] : memref<320000xi32, #tpu.memory_space<hbm>> -> memref<128xi32, #tpu.memory_space<hbm>>
        %dma_start3A_784 = arith.constant 0 : i32
        %dma_start3A_785 = tpu.memref_slice %arg3[%scan3A_438, %dma_start3A_784] : memref<2x320000xi32, #tpu.memory_space<hbm>> -> memref<1x320000xi32, #tpu.memory_space<hbm>>
        %dma_start3A_786 = tpu.memref_squeeze %dma_start3A_785 : memref<1x320000xi32, #tpu.memory_space<hbm>> -> memref<320000xi32, #tpu.memory_space<hbm>>
        %dma_start3A_787 = tpu.memref_slice %dma_start3A_786[%mul3A_779] : memref<320000xi32, #tpu.memory_space<hbm>> -> memref<128xi32, #tpu.memory_space<hbm>>
        tpu.enqueue_dma source(%dma_start3A_787 : memref<128xi32, #tpu.memory_space<hbm>>) target(%arg9 : memref<128xi32, #tpu.memory_space<vmem>>) target_semaphore(%arg21 : memref<!tpu.dma_semaphore, #tpu.memory_space<semaphore_mem>>)
      } else {
      }
      %add3A_644 = arith.addi %mul3A_2, %add3A_633 : i32
      %add3A_645 = arith.constant 1 : i32
      %add3A_646 = arith.addi %add3A_644, %add3A_645 : i32
      %mul3A_647 = arith.constant 128 : i32
      %mul3A_648 = arith.muli %add3A_646, %mul3A_647 : i32
      %dma_wait3A_649 = arith.constant 0 : i32
      %dma_wait3A_650 = tpu.memref_slice %arg3[%scan3A_437, %dma_wait3A_649] : memref<2x320000xi32, #tpu.memory_space<hbm>> -> memref<1x320000xi32, #tpu.memory_space<hbm>>
      %dma_wait3A_651 = tpu.memref_squeeze %dma_wait3A_650 : memref<1x320000xi32, #tpu.memory_space<hbm>> -> memref<320000xi32, #tpu.memory_space<hbm>>
      %dma_wait3A_652 = tpu.memref_slice %dma_wait3A_651[%mul3A_648] : memref<320000xi32, #tpu.memory_space<hbm>> -> memref<128xi32, #tpu.memory_space<hbm>>
      %dma_wait3A_653 = arith.constant 0 : i32
      %dma_wait3A_654 = tpu.memref_slice %arg3[%scan3A_437, %dma_wait3A_653] : memref<2x320000xi32, #tpu.memory_space<hbm>> -> memref<1x320000xi32, #tpu.memory_space<hbm>>
      %dma_wait3A_655 = tpu.memref_squeeze %dma_wait3A_654 : memref<1x320000xi32, #tpu.memory_space<hbm>> -> memref<320000xi32, #tpu.memory_space<hbm>>
      %dma_wait3A_656 = tpu.memref_slice %dma_wait3A_655[%mul3A_648] : memref<320000xi32, #tpu.memory_space<hbm>> -> memref<128xi32, #tpu.memory_space<hbm>>
      tpu.wait_dma2 semaphore(%arg19 : memref<!tpu.dma_semaphore, #tpu.memory_space<semaphore_mem>>) src(%dma_wait3A_656 : memref<128xi32, #tpu.memory_space<hbm>>) dst(%arg7 : memref<128xi32, #tpu.memory_space<vmem>>)
      %mul3A_657 = arith.constant 128 : i32
      %mul3A_658 = arith.muli %add3A_646, %mul3A_657 : i32
      %dma_wait3A_659 = arith.constant 0 : i32
      %dma_wait3A_660 = tpu.memref_slice %arg3[%scan3A_438, %dma_wait3A_659] : memref<2x320000xi32, #tpu.memory_space<hbm>> -> memref<1x320000xi32, #tpu.memory_space<hbm>>
      %dma_wait3A_661 = tpu.memref_squeeze %dma_wait3A_660 : memref<1x320000xi32, #tpu.memory_space<hbm>> -> memref<320000xi32, #tpu.memory_space<hbm>>
      %dma_wait3A_662 = tpu.memref_slice %dma_wait3A_661[%mul3A_658] : memref<320000xi32, #tpu.memory_space<hbm>> -> memref<128xi32, #tpu.memory_space<hbm>>
      %dma_wait3A_663 = arith.constant 0 : i32
      %dma_wait3A_664 = tpu.memref_slice %arg3[%scan3A_438, %dma_wait3A_663] : memref<2x320000xi32, #tpu.memory_space<hbm>> -> memref<1x320000xi32, #tpu.memory_space<hbm>>
      %dma_wait3A_665 = tpu.memref_squeeze %dma_wait3A_664 : memref<1x320000xi32, #tpu.memory_space<hbm>> -> memref<320000xi32, #tpu.memory_space<hbm>>
      %dma_wait3A_666 = tpu.memref_slice %dma_wait3A_665[%mul3A_658] : memref<320000xi32, #tpu.memory_space<hbm>> -> memref<128xi32, #tpu.memory_space<hbm>>
      tpu.wait_dma2 semaphore(%arg23 : memref<!tpu.dma_semaphore, #tpu.memory_space<semaphore_mem>>) src(%dma_wait3A_666 : memref<128xi32, #tpu.memory_space<hbm>>) dst(%arg11 : memref<128xi32, #tpu.memory_space<vmem>>)
      %dma_start3A_667 = arith.constant 0 : i32
      %dma_start3A_668 = arith.constant 0 : i32
      %dma_start3A_669 = tpu.memref_slice %arg2[%dma_start3A_667, %dma_start3A_668] : memref<10000x128xf32, #tpu.memory_space<hbm>> -> memref<10000x128xf32, #tpu.memory_space<hbm>>
      tpu.enqueue_indirect_dma source(%dma_start3A_669 : memref<10000x128xf32, #tpu.memory_space<hbm>>) target(%arg13 : memref<128x128xf32, #tpu.memory_space<vmem>>) offsets(%arg7 : memref<128xi32, #tpu.memory_space<vmem>>) semaphore(%arg25 : memref<!tpu.dma_semaphore, #tpu.memory_space<semaphore_mem>>)
      %dma_wait3A_670 = arith.constant 0 : i32
      %dma_wait3A_671 = arith.constant 0 : i32
      %dma_wait3A_672 = tpu.memref_slice %arg2[%dma_wait3A_670, %dma_wait3A_671] : memref<10000x128xf32, #tpu.memory_space<hbm>> -> memref<10000x128xf32, #tpu.memory_space<hbm>>
      tpu.wait_indirect_dma semaphore(%arg26 : memref<!tpu.dma_semaphore, #tpu.memory_space<semaphore_mem>>) src(%dma_wait3A_672 : memref<10000x128xf32, #tpu.memory_space<hbm>>) dst(%arg14 : memref<128x128xf32, #tpu.memory_space<vmem>>)
      %dma_start3A_673 = arith.constant 0 : i32
      %dma_start3A_674 = arith.constant 0 : i32
      %dma_start3A_675 = tpu.memref_slice %arg16[%dma_start3A_673, %dma_start3A_674] : memref<10000x128xf32, #tpu.memory_space<vmem_shared>> -> memref<10000x128xf32, #tpu.memory_space<vmem_shared>>
      tpu.enqueue_indirect_dma source(%arg14 : memref<128x128xf32, #tpu.memory_space<vmem>>) target(%dma_start3A_675 : memref<10000x128xf32, #tpu.memory_space<vmem_shared>>) offsets(%arg10 : memref<128xi32, #tpu.memory_space<vmem>>) semaphore(%arg28 : memref<!tpu.dma_semaphore, #tpu.memory_space<semaphore_mem>>) {add = true}
      %add3A_676 = arith.constant 2 : i32
      %add3A_677 = arith.addi %add3A_587, %add3A_676 : i32
      %dma_wait3A_678 = arith.constant 0 : i32
      %dma_wait3A_679 = arith.constant 0 : i32
      %dma_wait3A_680 = tpu.memref_slice %arg16[%dma_wait3A_678, %dma_wait3A_679] : memref<10000x128xf32, #tpu.memory_space<vmem_shared>> -> memref<10000x128xf32, #tpu.memory_space<vmem_shared>>
      tpu.wait_indirect_dma semaphore(%arg28 : memref<!tpu.dma_semaphore, #tpu.memory_space<semaphore_mem>>) src(%arg14 : memref<128x128xf32, #tpu.memory_space<vmem>>) dst(%dma_wait3A_680 : memref<10000x128xf32, #tpu.memory_space<vmem_shared>>)
      %add3A_681 = arith.constant 3 : i32
      %add3A_682 = arith.addi %add3A_677, %add3A_681 : i32
      %lt3A_683 = arith.constant 78 : i32
      %lt3A_684 = arith.cmpi slt, %add3A_682, %lt3A_683 : i32
      %convert_element_type3A_685 = arith.extui %lt3A_684 : i1 to i32
      %cond3A_686 = arith.constant 0 : i32
      %cond3A_687 = arith.cmpi ne, %convert_element_type3A_685, %cond3A_686 : i32
      scf.if %cond3A_687 {
        %add3A_765 = arith.addi %mul3A_2, %add3A_677 : i32
        %add3A_766 = arith.constant 3 : i32
        %add3A_767 = arith.addi %add3A_765, %add3A_766 : i32
        %mul3A_768 = arith.constant 128 : i32
        %mul3A_769 = arith.muli %add3A_767, %mul3A_768 : i32
        %dma_start3A_770 = arith.constant 0 : i32
        %dma_start3A_771 = tpu.memref_slice %arg3[%scan3A_437, %dma_start3A_770] : memref<2x320000xi32, #tpu.memory_space<hbm>> -> memref<1x320000xi32, #tpu.memory_space<hbm>>
        %dma_start3A_772 = tpu.memref_squeeze %dma_start3A_771 : memref<1x320000xi32, #tpu.memory_space<hbm>> -> memref<320000xi32, #tpu.memory_space<hbm>>
        %dma_start3A_773 = tpu.memref_slice %dma_start3A_772[%mul3A_769] : memref<320000xi32, #tpu.memory_space<hbm>> -> memref<128xi32, #tpu.memory_space<hbm>>
        %dma_start3A_774 = arith.constant 0 : i32
        %dma_start3A_775 = tpu.memref_slice %arg3[%scan3A_437, %dma_start3A_774] : memref<2x320000xi32, #tpu.memory_space<hbm>> -> memref<1x320000xi32, #tpu.memory_space<hbm>>
        %dma_start3A_776 = tpu.memref_squeeze %dma_start3A_775 : memref<1x320000xi32, #tpu.memory_space<hbm>> -> memref<320000xi32, #tpu.memory_space<hbm>>
        %dma_start3A_777 = tpu.memref_slice %dma_start3A_776[%mul3A_769] : memref<320000xi32, #tpu.memory_space<hbm>> -> memref<128xi32, #tpu.memory_space<hbm>>
        tpu.enqueue_dma source(%dma_start3A_777 : memref<128xi32, #tpu.memory_space<hbm>>) target(%arg6 : memref<128xi32, #tpu.memory_space<vmem>>) target_semaphore(%arg18 : memref<!tpu.dma_semaphore, #tpu.memory_space<semaphore_mem>>)
        %mul3A_778 = arith.constant 128 : i32
        %mul3A_779 = arith.muli %add3A_767, %mul3A_778 : i32
        %dma_start3A_780 = arith.constant 0 : i32
        %dma_start3A_781 = tpu.memref_slice %arg3[%scan3A_438, %dma_start3A_780] : memref<2x320000xi32, #tpu.memory_space<hbm>> -> memref<1x320000xi32, #tpu.memory_space<hbm>>
        %dma_start3A_782 = tpu.memref_squeeze %dma_start3A_781 : memref<1x320000xi32, #tpu.memory_space<hbm>> -> memref<320000xi32, #tpu.memory_space<hbm>>
        %dma_start3A_783 = tpu.memref_slice %dma_start3A_782[%mul3A_779] : memref<320000xi32, #tpu.memory_space<hbm>> -> memref<128xi32, #tpu.memory_space<hbm>>
        %dma_start3A_784 = arith.constant 0 : i32
        %dma_start3A_785 = tpu.memref_slice %arg3[%scan3A_438, %dma_start3A_784] : memref<2x320000xi32, #tpu.memory_space<hbm>> -> memref<1x320000xi32, #tpu.memory_space<hbm>>
        %dma_start3A_786 = tpu.memref_squeeze %dma_start3A_785 : memref<1x320000xi32, #tpu.memory_space<hbm>> -> memref<320000xi32, #tpu.memory_space<hbm>>
        %dma_start3A_787 = tpu.memref_slice %dma_start3A_786[%mul3A_779] : memref<320000xi32, #tpu.memory_space<hbm>> -> memref<128xi32, #tpu.memory_space<hbm>>
        tpu.enqueue_dma source(%dma_start3A_787 : memref<128xi32, #tpu.memory_space<hbm>>) target(%arg10 : memref<128xi32, #tpu.memory_space<vmem>>) target_semaphore(%arg22 : memref<!tpu.dma_semaphore, #tpu.memory_space<semaphore_mem>>)
      } else {
      }
      %add3A_688 = arith.addi %mul3A_2, %add3A_677 : i32
      %add3A_689 = arith.constant 1 : i32
      %add3A_690 = arith.addi %add3A_688, %add3A_689 : i32
      %mul3A_691 = arith.constant 128 : i32
      %mul3A_692 = arith.muli %add3A_690, %mul3A_691 : i32
      %dma_wait3A_693 = arith.constant 0 : i32
      %dma_wait3A_694 = tpu.memref_slice %arg3[%scan3A_437, %dma_wait3A_693] : memref<2x320000xi32, #tpu.memory_space<hbm>> -> memref<1x320000xi32, #tpu.memory_space<hbm>>
      %dma_wait3A_695 = tpu.memref_squeeze %dma_wait3A_694 : memref<1x320000xi32, #tpu.memory_space<hbm>> -> memref<320000xi32, #tpu.memory_space<hbm>>
      %dma_wait3A_696 = tpu.memref_slice %dma_wait3A_695[%mul3A_692] : memref<320000xi32, #tpu.memory_space<hbm>> -> memref<128xi32, #tpu.memory_space<hbm>>
      %dma_wait3A_697 = arith.constant 0 : i32
      %dma_wait3A_698 = tpu.memref_slice %arg3[%scan3A_437, %dma_wait3A_697] : memref<2x320000xi32, #tpu.memory_space<hbm>> -> memref<1x320000xi32, #tpu.memory_space<hbm>>
      %dma_wait3A_699 = tpu.memref_squeeze %dma_wait3A_698 : memref<1x320000xi32, #tpu.memory_space<hbm>> -> memref<320000xi32, #tpu.memory_space<hbm>>
      %dma_wait3A_700 = tpu.memref_slice %dma_wait3A_699[%mul3A_692] : memref<320000xi32, #tpu.memory_space<hbm>> -> memref<128xi32, #tpu.memory_space<hbm>>
      tpu.wait_dma2 semaphore(%arg20 : memref<!tpu.dma_semaphore, #tpu.memory_space<semaphore_mem>>) src(%dma_wait3A_700 : memref<128xi32, #tpu.memory_space<hbm>>) dst(%arg8 : memref<128xi32, #tpu.memory_space<vmem>>)
      %mul3A_701 = arith.constant 128 : i32
      %mul3A_702 = arith.muli %add3A_690, %mul3A_701 : i32
      %dma_wait3A_703 = arith.constant 0 : i32
      %dma_wait3A_704 = tpu.memref_slice %arg3[%scan3A_438, %dma_wait3A_703] : memref<2x320000xi32, #tpu.memory_space<hbm>> -> memref<1x320000xi32, #tpu.memory_space<hbm>>
      %dma_wait3A_705 = tpu.memref_squeeze %dma_wait3A_704 : memref<1x320000xi32, #tpu.memory_space<hbm>> -> memref<320000xi32, #tpu.memory_space<hbm>>
      %dma_wait3A_706 = tpu.memref_slice %dma_wait3A_705[%mul3A_702] : memref<320000xi32, #tpu.memory_space<hbm>> -> memref<128xi32, #tpu.memory_space<hbm>>
      %dma_wait3A_707 = arith.constant 0 : i32
      %dma_wait3A_708 = tpu.memref_slice %arg3[%scan3A_438, %dma_wait3A_707] : memref<2x320000xi32, #tpu.memory_space<hbm>> -> memref<1x320000xi32, #tpu.memory_space<hbm>>
      %dma_wait3A_709 = tpu.memref_squeeze %dma_wait3A_708 : memref<1x320000xi32, #tpu.memory_space<hbm>> -> memref<320000xi32, #tpu.memory_space<hbm>>
      %dma_wait3A_710 = tpu.memref_slice %dma_wait3A_709[%mul3A_702] : memref<320000xi32, #tpu.memory_space<hbm>> -> memref<128xi32, #tpu.memory_space<hbm>>
      tpu.wait_dma2 semaphore(%arg24 : memref<!tpu.dma_semaphore, #tpu.memory_space<semaphore_mem>>) src(%dma_wait3A_710 : memref<128xi32, #tpu.memory_space<hbm>>) dst(%arg12 : memref<128xi32, #tpu.memory_space<vmem>>)
      %dma_start3A_711 = arith.constant 0 : i32
      %dma_start3A_712 = arith.constant 0 : i32
      %dma_start3A_713 = tpu.memref_slice %arg2[%dma_start3A_711, %dma_start3A_712] : memref<10000x128xf32, #tpu.memory_space<hbm>> -> memref<10000x128xf32, #tpu.memory_space<hbm>>
      tpu.enqueue_indirect_dma source(%dma_start3A_713 : memref<10000x128xf32, #tpu.memory_space<hbm>>) target(%arg14 : memref<128x128xf32, #tpu.memory_space<vmem>>) offsets(%arg8 : memref<128xi32, #tpu.memory_space<vmem>>) semaphore(%arg26 : memref<!tpu.dma_semaphore, #tpu.memory_space<semaphore_mem>>)
      %dma_wait3A_714 = arith.constant 0 : i32
      %dma_wait3A_715 = arith.constant 0 : i32
      %dma_wait3A_716 = tpu.memref_slice %arg2[%dma_wait3A_714, %dma_wait3A_715] : memref<10000x128xf32, #tpu.memory_space<hbm>> -> memref<10000x128xf32, #tpu.memory_space<hbm>>
      tpu.wait_indirect_dma semaphore(%arg25 : memref<!tpu.dma_semaphore, #tpu.memory_space<semaphore_mem>>) src(%dma_wait3A_716 : memref<10000x128xf32, #tpu.memory_space<hbm>>) dst(%arg13 : memref<128x128xf32, #tpu.memory_space<vmem>>)
      %dma_start3A_717 = arith.constant 0 : i32
      %dma_start3A_718 = arith.constant 0 : i32
      %dma_start3A_719 = tpu.memref_slice %arg16[%dma_start3A_717, %dma_start3A_718] : memref<10000x128xf32, #tpu.memory_space<vmem_shared>> -> memref<10000x128xf32, #tpu.memory_space<vmem_shared>>
      tpu.enqueue_indirect_dma source(%arg13 : memref<128x128xf32, #tpu.memory_space<vmem>>) target(%dma_start3A_719 : memref<10000x128xf32, #tpu.memory_space<vmem_shared>>) offsets(%arg11 : memref<128xi32, #tpu.memory_space<vmem>>) semaphore(%arg27 : memref<!tpu.dma_semaphore, #tpu.memory_space<semaphore_mem>>) {add = true}
      %add3A_720 = arith.constant 3 : i32
      %add3A_721 = arith.addi %add3A_587, %add3A_720 : i32
      %dma_wait3A_722 = arith.constant 0 : i32
      %dma_wait3A_723 = arith.constant 0 : i32
      %dma_wait3A_724 = tpu.memref_slice %arg16[%dma_wait3A_722, %dma_wait3A_723] : memref<10000x128xf32, #tpu.memory_space<vmem_shared>> -> memref<10000x128xf32, #tpu.memory_space<vmem_shared>>
      tpu.wait_indirect_dma semaphore(%arg27 : memref<!tpu.dma_semaphore, #tpu.memory_space<semaphore_mem>>) src(%arg13 : memref<128x128xf32, #tpu.memory_space<vmem>>) dst(%dma_wait3A_724 : memref<10000x128xf32, #tpu.memory_space<vmem_shared>>)
      %add3A_725 = arith.constant 3 : i32
      %add3A_726 = arith.addi %add3A_721, %add3A_725 : i32
      %lt3A_727 = arith.constant 78 : i32
      %lt3A_728 = arith.cmpi slt, %add3A_726, %lt3A_727 : i32
      %convert_element_type3A_729 = arith.extui %lt3A_728 : i1 to i32
      %cond3A_730 = arith.constant 0 : i32
      %cond3A_731 = arith.cmpi ne, %convert_element_type3A_729, %cond3A_730 : i32
      scf.if %cond3A_731 {
        %add3A_765 = arith.addi %mul3A_2, %add3A_721 : i32
        %add3A_766 = arith.constant 3 : i32
        %add3A_767 = arith.addi %add3A_765, %add3A_766 : i32
        %mul3A_768 = arith.constant 128 : i32
        %mul3A_769 = arith.muli %add3A_767, %mul3A_768 : i32
        %dma_start3A_770 = arith.constant 0 : i32
        %dma_start3A_771 = tpu.memref_slice %arg3[%scan3A_437, %dma_start3A_770] : memref<2x320000xi32, #tpu.memory_space<hbm>> -> memref<1x320000xi32, #tpu.memory_space<hbm>>
        %dma_start3A_772 = tpu.memref_squeeze %dma_start3A_771 : memref<1x320000xi32, #tpu.memory_space<hbm>> -> memref<320000xi32, #tpu.memory_space<hbm>>
        %dma_start3A_773 = tpu.memref_slice %dma_start3A_772[%mul3A_769] : memref<320000xi32, #tpu.memory_space<hbm>> -> memref<128xi32, #tpu.memory_space<hbm>>
        %dma_start3A_774 = arith.constant 0 : i32
        %dma_start3A_775 = tpu.memref_slice %arg3[%scan3A_437, %dma_start3A_774] : memref<2x320000xi32, #tpu.memory_space<hbm>> -> memref<1x320000xi32, #tpu.memory_space<hbm>>
        %dma_start3A_776 = tpu.memref_squeeze %dma_start3A_775 : memref<1x320000xi32, #tpu.memory_space<hbm>> -> memref<320000xi32, #tpu.memory_space<hbm>>
        %dma_start3A_777 = tpu.memref_slice %dma_start3A_776[%mul3A_769] : memref<320000xi32, #tpu.memory_space<hbm>> -> memref<128xi32, #tpu.memory_space<hbm>>
        tpu.enqueue_dma source(%dma_start3A_777 : memref<128xi32, #tpu.memory_space<hbm>>) target(%arg7 : memref<128xi32, #tpu.memory_space<vmem>>) target_semaphore(%arg19 : memref<!tpu.dma_semaphore, #tpu.memory_space<semaphore_mem>>)
        %mul3A_778 = arith.constant 128 : i32
        %mul3A_779 = arith.muli %add3A_767, %mul3A_778 : i32
        %dma_start3A_780 = arith.constant 0 : i32
        %dma_start3A_781 = tpu.memref_slice %arg3[%scan3A_438, %dma_start3A_780] : memref<2x320000xi32, #tpu.memory_space<hbm>> -> memref<1x320000xi32, #tpu.memory_space<hbm>>
        %dma_start3A_782 = tpu.memref_squeeze %dma_start3A_781 : memref<1x320000xi32, #tpu.memory_space<hbm>> -> memref<320000xi32, #tpu.memory_space<hbm>>
        %dma_start3A_783 = tpu.memref_slice %dma_start3A_782[%mul3A_779] : memref<320000xi32, #tpu.memory_space<hbm>> -> memref<128xi32, #tpu.memory_space<hbm>>
        %dma_start3A_784 = arith.constant 0 : i32
        %dma_start3A_785 = tpu.memref_slice %arg3[%scan3A_438, %dma_start3A_784] : memref<2x320000xi32, #tpu.memory_space<hbm>> -> memref<1x320000xi32, #tpu.memory_space<hbm>>
        %dma_start3A_786 = tpu.memref_squeeze %dma_start3A_785 : memref<1x320000xi32, #tpu.memory_space<hbm>> -> memref<320000xi32, #tpu.memory_space<hbm>>
        %dma_start3A_787 = tpu.memref_slice %dma_start3A_786[%mul3A_779] : memref<320000xi32, #tpu.memory_space<hbm>> -> memref<128xi32, #tpu.memory_space<hbm>>
        tpu.enqueue_dma source(%dma_start3A_787 : memref<128xi32, #tpu.memory_space<hbm>>) target(%arg11 : memref<128xi32, #tpu.memory_space<vmem>>) target_semaphore(%arg23 : memref<!tpu.dma_semaphore, #tpu.memory_space<semaphore_mem>>)
      } else {
      }
      %add3A_732 = arith.addi %mul3A_2, %add3A_721 : i32
      %add3A_733 = arith.constant 1 : i32
      %add3A_734 = arith.addi %add3A_732, %add3A_733 : i32
      %mul3A_735 = arith.constant 128 : i32
      %mul3A_736 = arith.muli %add3A_734, %mul3A_735 : i32
      %dma_wait3A_737 = arith.constant 0 : i32
      %dma_wait3A_738 = tpu.memref_slice %arg3[%scan3A_437, %dma_wait3A_737] : memref<2x320000xi32, #tpu.memory_space<hbm>> -> memref<1x320000xi32, #tpu.memory_space<hbm>>
      %dma_wait3A_739 = tpu.memref_squeeze %dma_wait3A_738 : memref<1x320000xi32, #tpu.memory_space<hbm>> -> memref<320000xi32, #tpu.memory_space<hbm>>
      %dma_wait3A_740 = tpu.memref_slice %dma_wait3A_739[%mul3A_736] : memref<320000xi32, #tpu.memory_space<hbm>> -> memref<128xi32, #tpu.memory_space<hbm>>
      %dma_wait3A_741 = arith.constant 0 : i32
      %dma_wait3A_742 = tpu.memref_slice %arg3[%scan3A_437, %dma_wait3A_741] : memref<2x320000xi32, #tpu.memory_space<hbm>> -> memref<1x320000xi32, #tpu.memory_space<hbm>>
      %dma_wait3A_743 = tpu.memref_squeeze %dma_wait3A_742 : memref<1x320000xi32, #tpu.memory_space<hbm>> -> memref<320000xi32, #tpu.memory_space<hbm>>
      %dma_wait3A_744 = tpu.memref_slice %dma_wait3A_743[%mul3A_736] : memref<320000xi32, #tpu.memory_space<hbm>> -> memref<128xi32, #tpu.memory_space<hbm>>
      tpu.wait_dma2 semaphore(%arg17 : memref<!tpu.dma_semaphore, #tpu.memory_space<semaphore_mem>>) src(%dma_wait3A_744 : memref<128xi32, #tpu.memory_space<hbm>>) dst(%arg5 : memref<128xi32, #tpu.memory_space<vmem>>)
      %mul3A_745 = arith.constant 128 : i32
      %mul3A_746 = arith.muli %add3A_734, %mul3A_745 : i32
      %dma_wait3A_747 = arith.constant 0 : i32
      %dma_wait3A_748 = tpu.memref_slice %arg3[%scan3A_438, %dma_wait3A_747] : memref<2x320000xi32, #tpu.memory_space<hbm>> -> memref<1x320000xi32, #tpu.memory_space<hbm>>
      %dma_wait3A_749 = tpu.memref_squeeze %dma_wait3A_748 : memref<1x320000xi32, #tpu.memory_space<hbm>> -> memref<320000xi32, #tpu.memory_space<hbm>>
      %dma_wait3A_750 = tpu.memref_slice %dma_wait3A_749[%mul3A_746] : memref<320000xi32, #tpu.memory_space<hbm>> -> memref<128xi32, #tpu.memory_space<hbm>>
      %dma_wait3A_751 = arith.constant 0 : i32
      %dma_wait3A_752 = tpu.memref_slice %arg3[%scan3A_438, %dma_wait3A_751] : memref<2x320000xi32, #tpu.memory_space<hbm>> -> memref<1x320000xi32, #tpu.memory_space<hbm>>
      %dma_wait3A_753 = tpu.memref_squeeze %dma_wait3A_752 : memref<1x320000xi32, #tpu.memory_space<hbm>> -> memref<320000xi32, #tpu.memory_space<hbm>>
      %dma_wait3A_754 = tpu.memref_slice %dma_wait3A_753[%mul3A_746] : memref<320000xi32, #tpu.memory_space<hbm>> -> memref<128xi32, #tpu.memory_space<hbm>>
      tpu.wait_dma2 semaphore(%arg21 : memref<!tpu.dma_semaphore, #tpu.memory_space<semaphore_mem>>) src(%dma_wait3A_754 : memref<128xi32, #tpu.memory_space<hbm>>) dst(%arg9 : memref<128xi32, #tpu.memory_space<vmem>>)
      %dma_start3A_755 = arith.constant 0 : i32
      %dma_start3A_756 = arith.constant 0 : i32
      %dma_start3A_757 = tpu.memref_slice %arg2[%dma_start3A_755, %dma_start3A_756] : memref<10000x128xf32, #tpu.memory_space<hbm>> -> memref<10000x128xf32, #tpu.memory_space<hbm>>
      tpu.enqueue_indirect_dma source(%dma_start3A_757 : memref<10000x128xf32, #tpu.memory_space<hbm>>) target(%arg13 : memref<128x128xf32, #tpu.memory_space<vmem>>) offsets(%arg5 : memref<128xi32, #tpu.memory_space<vmem>>) semaphore(%arg25 : memref<!tpu.dma_semaphore, #tpu.memory_space<semaphore_mem>>)
      %dma_wait3A_758 = arith.constant 0 : i32
      %dma_wait3A_759 = arith.constant 0 : i32
      %dma_wait3A_760 = tpu.memref_slice %arg2[%dma_wait3A_758, %dma_wait3A_759] : memref<10000x128xf32, #tpu.memory_space<hbm>> -> memref<10000x128xf32, #tpu.memory_space<hbm>>
      tpu.wait_indirect_dma semaphore(%arg26 : memref<!tpu.dma_semaphore, #tpu.memory_space<semaphore_mem>>) src(%dma_wait3A_760 : memref<10000x128xf32, #tpu.memory_space<hbm>>) dst(%arg14 : memref<128x128xf32, #tpu.memory_space<vmem>>)
      %dma_start3A_761 = arith.constant 0 : i32
      %dma_start3A_762 = arith.constant 0 : i32
      %dma_start3A_763 = tpu.memref_slice %arg16[%dma_start3A_761, %dma_start3A_762] : memref<10000x128xf32, #tpu.memory_space<vmem_shared>> -> memref<10000x128xf32, #tpu.memory_space<vmem_shared>>
      tpu.enqueue_indirect_dma source(%arg14 : memref<128x128xf32, #tpu.memory_space<vmem>>) target(%dma_start3A_763 : memref<10000x128xf32, #tpu.memory_space<vmem_shared>>) offsets(%arg12 : memref<128xi32, #tpu.memory_space<vmem>>) semaphore(%arg28 : memref<!tpu.dma_semaphore, #tpu.memory_space<semaphore_mem>>) {add = true}
      %scan3A_764 = arith.constant 0 : i32
      scf.yield %scan3A_764 : i32
    }
    %scan3A_445 = arith.constant 18 : i32
    %dma_wait3A_446 = arith.constant 0 : i32
    %dma_wait3A_447 = arith.constant 0 : i32
    %dma_wait3A_448 = tpu.memref_slice %arg16[%dma_wait3A_446, %dma_wait3A_447] : memref<10000x128xf32, #tpu.memory_space<vmem_shared>> -> memref<10000x128xf32, #tpu.memory_space<vmem_shared>>
    tpu.wait_indirect_dma semaphore(%arg28 : memref<!tpu.dma_semaphore, #tpu.memory_space<semaphore_mem>>) src(%arg14 : memref<128x128xf32, #tpu.memory_space<vmem>>) dst(%dma_wait3A_448 : memref<10000x128xf32, #tpu.memory_space<vmem_shared>>)
    %add3A_449 = arith.constant 78 : i32
    %add3A_450 = arith.addi %mul3A_2, %add3A_449 : i32
    %sub3A = arith.constant 1 : i32
    %sub3A_451 = arith.subi %add3A_450, %sub3A : i32
    %mul3A_452 = arith.constant 128 : i32
    %mul3A_453 = arith.muli %sub3A_451, %mul3A_452 : i32
    %dma_wait3A_454 = arith.constant 0 : i32
    %dma_wait3A_455 = arith.constant 0 : i32
    %dma_wait3A_456 = tpu.memref_slice %arg3[%dma_wait3A_454, %dma_wait3A_455] : memref<2x320000xi32, #tpu.memory_space<hbm>> -> memref<1x320000xi32, #tpu.memory_space<hbm>>
    %dma_wait3A_457 = tpu.memref_squeeze %dma_wait3A_456 : memref<1x320000xi32, #tpu.memory_space<hbm>> -> memref<320000xi32, #tpu.memory_space<hbm>>
    %dma_wait3A_458 = tpu.memref_slice %dma_wait3A_457[%mul3A_453] : memref<320000xi32, #tpu.memory_space<hbm>> -> memref<128xi32, #tpu.memory_space<hbm>>
    %dma_wait3A_459 = arith.constant 0 : i32
    %dma_wait3A_460 = tpu.memref_slice %arg3[%dma_wait3A_454, %dma_wait3A_459] : memref<2x320000xi32, #tpu.memory_space<hbm>> -> memref<1x320000xi32, #tpu.memory_space<hbm>>
    %dma_wait3A_461 = tpu.memref_squeeze %dma_wait3A_460 : memref<1x320000xi32, #tpu.memory_space<hbm>> -> memref<320000xi32, #tpu.memory_space<hbm>>
    %dma_wait3A_462 = tpu.memref_slice %dma_wait3A_461[%mul3A_453] : memref<320000xi32, #tpu.memory_space<hbm>> -> memref<128xi32, #tpu.memory_space<hbm>>
    tpu.wait_dma2 semaphore(%arg18 : memref<!tpu.dma_semaphore, #tpu.memory_space<semaphore_mem>>) src(%dma_wait3A_462 : memref<128xi32, #tpu.memory_space<hbm>>) dst(%arg6 : memref<128xi32, #tpu.memory_space<vmem>>)
    %mul3A_463 = arith.constant 128 : i32
    %mul3A_464 = arith.muli %sub3A_451, %mul3A_463 : i32
    %dma_wait3A_465 = arith.constant 1 : i32
    %dma_wait3A_466 = arith.constant 0 : i32
    %dma_wait3A_467 = tpu.memref_slice %arg3[%dma_wait3A_465, %dma_wait3A_466] : memref<2x320000xi32, #tpu.memory_space<hbm>> -> memref<1x320000xi32, #tpu.memory_space<hbm>>
    %dma_wait3A_468 = tpu.memref_squeeze %dma_wait3A_467 : memref<1x320000xi32, #tpu.memory_space<hbm>> -> memref<320000xi32, #tpu.memory_space<hbm>>
    %dma_wait3A_469 = tpu.memref_slice %dma_wait3A_468[%mul3A_464] : memref<320000xi32, #tpu.memory_space<hbm>> -> memref<128xi32, #tpu.memory_space<hbm>>
    %dma_wait3A_470 = arith.constant 0 : i32
    %dma_wait3A_471 = tpu.memref_slice %arg3[%dma_wait3A_465, %dma_wait3A_470] : memref<2x320000xi32, #tpu.memory_space<hbm>> -> memref<1x320000xi32, #tpu.memory_space<hbm>>
    %dma_wait3A_472 = tpu.memref_squeeze %dma_wait3A_471 : memref<1x320000xi32, #tpu.memory_space<hbm>> -> memref<320000xi32, #tpu.memory_space<hbm>>
    %dma_wait3A_473 = tpu.memref_slice %dma_wait3A_472[%mul3A_464] : memref<320000xi32, #tpu.memory_space<hbm>> -> memref<128xi32, #tpu.memory_space<hbm>>
    tpu.wait_dma2 semaphore(%arg22 : memref<!tpu.dma_semaphore, #tpu.memory_space<semaphore_mem>>) src(%dma_wait3A_473 : memref<128xi32, #tpu.memory_space<hbm>>) dst(%arg10 : memref<128xi32, #tpu.memory_space<vmem>>)
    %dma_start3A_474 = arith.constant 0 : i32
    %dma_start3A_475 = arith.constant 0 : i32
    %dma_start3A_476 = tpu.memref_slice %arg2[%dma_start3A_474, %dma_start3A_475] : memref<10000x128xf32, #tpu.memory_space<hbm>> -> memref<10000x128xf32, #tpu.memory_space<hbm>>
    tpu.enqueue_indirect_dma source(%dma_start3A_476 : memref<10000x128xf32, #tpu.memory_space<hbm>>) target(%arg14 : memref<128x128xf32, #tpu.memory_space<vmem>>) offsets(%arg6 : memref<128xi32, #tpu.memory_space<vmem>>) semaphore(%arg26 : memref<!tpu.dma_semaphore, #tpu.memory_space<semaphore_mem>>)
    %dma_wait3A_477 = arith.constant 0 : i32
    %dma_wait3A_478 = arith.constant 0 : i32
    %dma_wait3A_479 = tpu.memref_slice %arg2[%dma_wait3A_477, %dma_wait3A_478] : memref<10000x128xf32, #tpu.memory_space<hbm>> -> memref<10000x128xf32, #tpu.memory_space<hbm>>
    tpu.wait_indirect_dma semaphore(%arg25 : memref<!tpu.dma_semaphore, #tpu.memory_space<semaphore_mem>>) src(%dma_wait3A_479 : memref<10000x128xf32, #tpu.memory_space<hbm>>) dst(%arg13 : memref<128x128xf32, #tpu.memory_space<vmem>>)
    %dma_start3A_480 = arith.constant 0 : i32
    %dma_start3A_481 = arith.constant 0 : i32
    %dma_start3A_482 = tpu.memref_slice %arg16[%dma_start3A_480, %dma_start3A_481] : memref<10000x128xf32, #tpu.memory_space<vmem_shared>> -> memref<10000x128xf32, #tpu.memory_space<vmem_shared>>
    tpu.enqueue_indirect_dma source(%arg13 : memref<128x128xf32, #tpu.memory_space<vmem>>) target(%dma_start3A_482 : memref<10000x128xf32, #tpu.memory_space<vmem_shared>>) offsets(%arg9 : memref<128xi32, #tpu.memory_space<vmem>>) semaphore(%arg27 : memref<!tpu.dma_semaphore, #tpu.memory_space<semaphore_mem>>) {add = true}
    %dma_wait3A_483 = arith.constant 0 : i32
    %dma_wait3A_484 = arith.constant 0 : i32
    %dma_wait3A_485 = tpu.memref_slice %arg16[%dma_wait3A_483, %dma_wait3A_484] : memref<10000x128xf32, #tpu.memory_space<vmem_shared>> -> memref<10000x128xf32, #tpu.memory_space<vmem_shared>>
    tpu.wait_indirect_dma semaphore(%arg27 : memref<!tpu.dma_semaphore, #tpu.memory_space<semaphore_mem>>) src(%arg13 : memref<128x128xf32, #tpu.memory_space<vmem>>) dst(%dma_wait3A_485 : memref<10000x128xf32, #tpu.memory_space<vmem_shared>>)
    %dma_wait3A_486 = arith.constant 0 : i32
    %dma_wait3A_487 = arith.constant 0 : i32
    %dma_wait3A_488 = tpu.memref_slice %arg2[%dma_wait3A_486, %dma_wait3A_487] : memref<10000x128xf32, #tpu.memory_space<hbm>> -> memref<10000x128xf32, #tpu.memory_space<hbm>>
    tpu.wait_indirect_dma semaphore(%arg26 : memref<!tpu.dma_semaphore, #tpu.memory_space<semaphore_mem>>) src(%dma_wait3A_488 : memref<10000x128xf32, #tpu.memory_space<hbm>>) dst(%arg14 : memref<128x128xf32, #tpu.memory_space<vmem>>)
    %dma_start3A_489 = arith.constant 0 : i32
    %dma_start3A_490 = arith.constant 0 : i32
    %dma_start3A_491 = tpu.memref_slice %arg16[%dma_start3A_489, %dma_start3A_490] : memref<10000x128xf32, #tpu.memory_space<vmem_shared>> -> memref<10000x128xf32, #tpu.memory_space<vmem_shared>>
    tpu.enqueue_indirect_dma source(%arg14 : memref<128x128xf32, #tpu.memory_space<vmem>>) target(%dma_start3A_491 : memref<10000x128xf32, #tpu.memory_space<vmem_shared>>) offsets(%arg10 : memref<128xi32, #tpu.memory_space<vmem>>) semaphore(%arg28 : memref<!tpu.dma_semaphore, #tpu.memory_space<semaphore_mem>>) {add = true}
    %dma_wait3A_492 = arith.constant 0 : i32
    %dma_wait3A_493 = arith.constant 0 : i32
    %dma_wait3A_494 = tpu.memref_slice %arg16[%dma_wait3A_492, %dma_wait3A_493] : memref<10000x128xf32, #tpu.memory_space<vmem_shared>> -> memref<10000x128xf32, #tpu.memory_space<vmem_shared>>
    tpu.wait_indirect_dma semaphore(%arg28 : memref<!tpu.dma_semaphore, #tpu.memory_space<semaphore_mem>>) src(%arg14 : memref<128x128xf32, #tpu.memory_space<vmem>>) dst(%dma_wait3A_494 : memref<10000x128xf32, #tpu.memory_space<vmem_shared>>)
    %lt3A = arith.constant 4 : i32
    %lt3A_495 = arith.cmpi slt, %add3A, %lt3A : i32
    %convert_element_type3A_496 = arith.extui %lt3A_495 : i1 to i32
    %cond3A_497 = arith.constant 0 : i32
    %cond3A_498 = arith.constant 1 : i32
    %cond3A_499 = arith.constant 0 : i32
    %cond3A_500 = arith.cmpi ne, %convert_element_type3A_496, %cond3A_499 : i32
    scf.if %cond3A_500 {
      %add3A_582 = arith.constant 2496 : i32
      %add3A_583 = arith.addi %add3A_582, %add3A : i32
      %mul3A_584 = arith.constant 128 : i32
      %mul3A_585 = arith.muli %add3A_583, %mul3A_584 : i32
      %dma_start3A_586 = arith.constant 0 : i32
      %dma_start3A_587 = tpu.memref_slice %arg3[%cond3A_497, %dma_start3A_586] : memref<2x320000xi32, #tpu.memory_space<hbm>> -> memref<1x320000xi32, #tpu.memory_space<hbm>>
      %dma_start3A_588 = tpu.memref_squeeze %dma_start3A_587 : memref<1x320000xi32, #tpu.memory_space<hbm>> -> memref<320000xi32, #tpu.memory_space<hbm>>
      %dma_start3A_589 = tpu.memref_slice %dma_start3A_588[%mul3A_585] : memref<320000xi32, #tpu.memory_space<hbm>> -> memref<128xi32, #tpu.memory_space<hbm>>
      %dma_start3A_590 = arith.constant 0 : i32
      %dma_start3A_591 = tpu.memref_slice %arg3[%cond3A_497, %dma_start3A_590] : memref<2x320000xi32, #tpu.memory_space<hbm>> -> memref<1x320000xi32, #tpu.memory_space<hbm>>
      %dma_start3A_592 = tpu.memref_squeeze %dma_start3A_591 : memref<1x320000xi32, #tpu.memory_space<hbm>> -> memref<320000xi32, #tpu.memory_space<hbm>>
      %dma_start3A_593 = tpu.memref_slice %dma_start3A_592[%mul3A_585] : memref<320000xi32, #tpu.memory_space<hbm>> -> memref<128xi32, #tpu.memory_space<hbm>>
      tpu.enqueue_dma source(%dma_start3A_593 : memref<128xi32, #tpu.memory_space<hbm>>) target(%arg7 : memref<128xi32, #tpu.memory_space<vmem>>) target_semaphore(%arg19 : memref<!tpu.dma_semaphore, #tpu.memory_space<semaphore_mem>>)
      %mul3A_594 = arith.constant 128 : i32
      %mul3A_595 = arith.muli %add3A_583, %mul3A_594 : i32
      %dma_start3A_596 = arith.constant 0 : i32
      %dma_start3A_597 = tpu.memref_slice %arg3[%cond3A_498, %dma_start3A_596] : memref<2x320000xi32, #tpu.memory_space<hbm>> -> memref<1x320000xi32, #tpu.memory_space<hbm>>
      %dma_start3A_598 = tpu.memref_squeeze %dma_start3A_597 : memref<1x320000xi32, #tpu.memory_space<hbm>> -> memref<320000xi32, #tpu.memory_space<hbm>>
      %dma_start3A_599 = tpu.memref_slice %dma_start3A_598[%mul3A_595] : memref<320000xi32, #tpu.memory_space<hbm>> -> memref<128xi32, #tpu.memory_space<hbm>>
      %dma_start3A_600 = arith.constant 0 : i32
      %dma_start3A_601 = tpu.memref_slice %arg3[%cond3A_498, %dma_start3A_600] : memref<2x320000xi32, #tpu.memory_space<hbm>> -> memref<1x320000xi32, #tpu.memory_space<hbm>>
      %dma_start3A_602 = tpu.memref_squeeze %dma_start3A_601 : memref<1x320000xi32, #tpu.memory_space<hbm>> -> memref<320000xi32, #tpu.memory_space<hbm>>
      %dma_start3A_603 = tpu.memref_slice %dma_start3A_602[%mul3A_595] : memref<320000xi32, #tpu.memory_space<hbm>> -> memref<128xi32, #tpu.memory_space<hbm>>
      tpu.enqueue_dma source(%dma_start3A_603 : memref<128xi32, #tpu.memory_space<hbm>>) target(%arg11 : memref<128xi32, #tpu.memory_space<vmem>>) target_semaphore(%arg23 : memref<!tpu.dma_semaphore, #tpu.memory_space<semaphore_mem>>)
      %mul3A_604 = arith.constant 128 : i32
      %mul3A_605 = arith.muli %add3A_583, %mul3A_604 : i32
      %dma_wait3A_606 = arith.constant 0 : i32
      %dma_wait3A_607 = tpu.memref_slice %arg3[%cond3A_497, %dma_wait3A_606] : memref<2x320000xi32, #tpu.memory_space<hbm>> -> memref<1x320000xi32, #tpu.memory_space<hbm>>
      %dma_wait3A_608 = tpu.memref_squeeze %dma_wait3A_607 : memref<1x320000xi32, #tpu.memory_space<hbm>> -> memref<320000xi32, #tpu.memory_space<hbm>>
      %dma_wait3A_609 = tpu.memref_slice %dma_wait3A_608[%mul3A_605] : memref<320000xi32, #tpu.memory_space<hbm>> -> memref<128xi32, #tpu.memory_space<hbm>>
      %dma_wait3A_610 = arith.constant 0 : i32
      %dma_wait3A_611 = tpu.memref_slice %arg3[%cond3A_497, %dma_wait3A_610] : memref<2x320000xi32, #tpu.memory_space<hbm>> -> memref<1x320000xi32, #tpu.memory_space<hbm>>
      %dma_wait3A_612 = tpu.memref_squeeze %dma_wait3A_611 : memref<1x320000xi32, #tpu.memory_space<hbm>> -> memref<320000xi32, #tpu.memory_space<hbm>>
      %dma_wait3A_613 = tpu.memref_slice %dma_wait3A_612[%mul3A_605] : memref<320000xi32, #tpu.memory_space<hbm>> -> memref<128xi32, #tpu.memory_space<hbm>>
      tpu.wait_dma2 semaphore(%arg19 : memref<!tpu.dma_semaphore, #tpu.memory_space<semaphore_mem>>) src(%dma_wait3A_613 : memref<128xi32, #tpu.memory_space<hbm>>) dst(%arg7 : memref<128xi32, #tpu.memory_space<vmem>>)
      %mul3A_614 = arith.constant 128 : i32
      %mul3A_615 = arith.muli %add3A_583, %mul3A_614 : i32
      %dma_wait3A_616 = arith.constant 0 : i32
      %dma_wait3A_617 = tpu.memref_slice %arg3[%cond3A_498, %dma_wait3A_616] : memref<2x320000xi32, #tpu.memory_space<hbm>> -> memref<1x320000xi32, #tpu.memory_space<hbm>>
      %dma_wait3A_618 = tpu.memref_squeeze %dma_wait3A_617 : memref<1x320000xi32, #tpu.memory_space<hbm>> -> memref<320000xi32, #tpu.memory_space<hbm>>
      %dma_wait3A_619 = tpu.memref_slice %dma_wait3A_618[%mul3A_615] : memref<320000xi32, #tpu.memory_space<hbm>> -> memref<128xi32, #tpu.memory_space<hbm>>
      %dma_wait3A_620 = arith.constant 0 : i32
      %dma_wait3A_621 = tpu.memref_slice %arg3[%cond3A_498, %dma_wait3A_620] : memref<2x320000xi32, #tpu.memory_space<hbm>> -> memref<1x320000xi32, #tpu.memory_space<hbm>>
      %dma_wait3A_622 = tpu.memref_squeeze %dma_wait3A_621 : memref<1x320000xi32, #tpu.memory_space<hbm>> -> memref<320000xi32, #tpu.memory_space<hbm>>
      %dma_wait3A_623 = tpu.memref_slice %dma_wait3A_622[%mul3A_615] : memref<320000xi32, #tpu.memory_space<hbm>> -> memref<128xi32, #tpu.memory_space<hbm>>
      tpu.wait_dma2 semaphore(%arg23 : memref<!tpu.dma_semaphore, #tpu.memory_space<semaphore_mem>>) src(%dma_wait3A_623 : memref<128xi32, #tpu.memory_space<hbm>>) dst(%arg11 : memref<128xi32, #tpu.memory_space<vmem>>)
      %dma_start3A_624 = arith.constant 0 : i32
      %dma_start3A_625 = arith.constant 0 : i32
      %dma_start3A_626 = tpu.memref_slice %arg2[%dma_start3A_624, %dma_start3A_625] : memref<10000x128xf32, #tpu.memory_space<hbm>> -> memref<10000x128xf32, #tpu.memory_space<hbm>>
      tpu.enqueue_indirect_dma source(%dma_start3A_626 : memref<10000x128xf32, #tpu.memory_space<hbm>>) target(%arg13 : memref<128x128xf32, #tpu.memory_space<vmem>>) offsets(%arg7 : memref<128xi32, #tpu.memory_space<vmem>>) semaphore(%arg25 : memref<!tpu.dma_semaphore, #tpu.memory_space<semaphore_mem>>)
      %dma_wait3A_627 = arith.constant 0 : i32
      %dma_wait3A_628 = arith.constant 0 : i32
      %dma_wait3A_629 = tpu.memref_slice %arg2[%dma_wait3A_627, %dma_wait3A_628] : memref<10000x128xf32, #tpu.memory_space<hbm>> -> memref<10000x128xf32, #tpu.memory_space<hbm>>
      tpu.wait_indirect_dma semaphore(%arg25 : memref<!tpu.dma_semaphore, #tpu.memory_space<semaphore_mem>>) src(%dma_wait3A_629 : memref<10000x128xf32, #tpu.memory_space<hbm>>) dst(%arg13 : memref<128x128xf32, #tpu.memory_space<vmem>>)
      %dma_start3A_630 = arith.constant 0 : i32
      %dma_start3A_631 = arith.constant 0 : i32
      %dma_start3A_632 = tpu.memref_slice %arg16[%dma_start3A_630, %dma_start3A_631] : memref<10000x128xf32, #tpu.memory_space<vmem_shared>> -> memref<10000x128xf32, #tpu.memory_space<vmem_shared>>
      tpu.enqueue_indirect_dma source(%arg13 : memref<128x128xf32, #tpu.memory_space<vmem>>) target(%dma_start3A_632 : memref<10000x128xf32, #tpu.memory_space<vmem_shared>>) offsets(%arg11 : memref<128xi32, #tpu.memory_space<vmem>>) semaphore(%arg27 : memref<!tpu.dma_semaphore, #tpu.memory_space<semaphore_mem>>) {add = true}
      %dma_wait3A_633 = arith.constant 0 : i32
      %dma_wait3A_634 = arith.constant 0 : i32
      %dma_wait3A_635 = tpu.memref_slice %arg16[%dma_wait3A_633, %dma_wait3A_634] : memref<10000x128xf32, #tpu.memory_space<vmem_shared>> -> memref<10000x128xf32, #tpu.memory_space<vmem_shared>>
      tpu.wait_indirect_dma semaphore(%arg27 : memref<!tpu.dma_semaphore, #tpu.memory_space<semaphore_mem>>) src(%arg13 : memref<128x128xf32, #tpu.memory_space<vmem>>) dst(%dma_wait3A_635 : memref<10000x128xf32, #tpu.memory_space<vmem_shared>>)
    } else {
    }
    %barrier3A_501 = arith.constant 0 : index
    tpu.barrier barrier_id(%barrier3A_501)
    %gt3A_502 = arith.constant 0 : i32
    %gt3A_503 = arith.cmpi sgt, %select_n3A, %gt3A_502 : i32
    %convert_element_type3A_504 = arith.extui %gt3A_503 : i1 to i32
    %cond3A_505 = arith.constant 0 : i32
    %cond3A_506 = arith.cmpi ne, %convert_element_type3A_504, %cond3A_505 : i32
    scf.if %cond3A_506 {
      %mul3A_582 = arith.constant 8 : i32
      %mul3A_583 = arith.muli %arg1, %mul3A_582 : i32
      %add3A_584 = arith.constant 0 : i32
      %add3A_585 = arith.addi %mul3A_583, %add3A_584 : i32
      %mul3A_586 = arith.constant 80 : i32
      %mul3A_587 = arith.muli %add3A_585, %mul3A_586 : i32
      %multiple_of3A = tpu.assume_multiple %mul3A_587, 8 : i32
      %dma_start3A_588 = arith.constant 0 : i32
      %dma_start3A_589 = tpu.memref_slice %arg4[%arg0, %multiple_of3A, %dma_start3A_588] : memref<2x10000x128xf32, #tpu.memory_space<hbm>> -> memref<1x80x128xf32, #tpu.memory_space<hbm>>
      %dma_start3A_590 = tpu.memref_squeeze %dma_start3A_589 : memref<1x80x128xf32, #tpu.memory_space<hbm>> -> memref<80x128xf32, #tpu.memory_space<hbm>>
      %dma_start3A_591 = arith.constant 0 : i32
      %dma_start3A_592 = tpu.memref_slice %arg16[%multiple_of3A, %dma_start3A_591] : memref<10000x128xf32, #tpu.memory_space<vmem_shared>> -> memref<80x128xf32, #tpu.memory_space<vmem_shared>>
      tpu.enqueue_dma source(%dma_start3A_592 : memref<80x128xf32, #tpu.memory_space<vmem_shared>>) target(%dma_start3A_590 : memref<80x128xf32, #tpu.memory_space<hbm>>) target_semaphore(%arg29 : memref<!tpu.dma_semaphore, #tpu.memory_space<semaphore_mem>>)
    } else {
    }
    %gt3A_507 = arith.constant 1 : i32
    %gt3A_508 = arith.cmpi sgt, %select_n3A, %gt3A_507 : i32
    %convert_element_type3A_509 = arith.extui %gt3A_508 : i1 to i32
    %cond3A_510 = arith.constant 0 : i32
    %cond3A_511 = arith.cmpi ne, %convert_element_type3A_509, %cond3A_510 : i32
    scf.if %cond3A_511 {
      %mul3A_582 = arith.constant 8 : i32
      %mul3A_583 = arith.muli %arg1, %mul3A_582 : i32
      %add3A_584 = arith.constant 1 : i32
      %add3A_585 = arith.addi %mul3A_583, %add3A_584 : i32
      %mul3A_586 = arith.constant 80 : i32
      %mul3A_587 = arith.muli %add3A_585, %mul3A_586 : i32
      %multiple_of3A = tpu.assume_multiple %mul3A_587, 8 : i32
      %dma_start3A_588 = arith.constant 0 : i32
      %dma_start3A_589 = tpu.memref_slice %arg4[%arg0, %multiple_of3A, %dma_start3A_588] : memref<2x10000x128xf32, #tpu.memory_space<hbm>> -> memref<1x80x128xf32, #tpu.memory_space<hbm>>
      %dma_start3A_590 = tpu.memref_squeeze %dma_start3A_589 : memref<1x80x128xf32, #tpu.memory_space<hbm>> -> memref<80x128xf32, #tpu.memory_space<hbm>>
      %dma_start3A_591 = arith.constant 0 : i32
      %dma_start3A_592 = tpu.memref_slice %arg16[%multiple_of3A, %dma_start3A_591] : memref<10000x128xf32, #tpu.memory_space<vmem_shared>> -> memref<80x128xf32, #tpu.memory_space<vmem_shared>>
      tpu.enqueue_dma source(%dma_start3A_592 : memref<80x128xf32, #tpu.memory_space<vmem_shared>>) target(%dma_start3A_590 : memref<80x128xf32, #tpu.memory_space<hbm>>) target_semaphore(%arg30 : memref<!tpu.dma_semaphore, #tpu.memory_space<semaphore_mem>>)
    } else {
    }
    %gt3A_512 = arith.constant 2 : i32
    %gt3A_513 = arith.cmpi sgt, %select_n3A, %gt3A_512 : i32
    %convert_element_type3A_514 = arith.extui %gt3A_513 : i1 to i32
    %cond3A_515 = arith.constant 0 : i32
    %cond3A_516 = arith.cmpi ne, %convert_element_type3A_514, %cond3A_515 : i32
    scf.if %cond3A_516 {
      %mul3A_582 = arith.constant 8 : i32
      %mul3A_583 = arith.muli %arg1, %mul3A_582 : i32
      %add3A_584 = arith.constant 2 : i32
      %add3A_585 = arith.addi %mul3A_583, %add3A_584 : i32
      %mul3A_586 = arith.constant 80 : i32
      %mul3A_587 = arith.muli %add3A_585, %mul3A_586 : i32
      %multiple_of3A = tpu.assume_multiple %mul3A_587, 8 : i32
      %dma_start3A_588 = arith.constant 0 : i32
      %dma_start3A_589 = tpu.memref_slice %arg4[%arg0, %multiple_of3A, %dma_start3A_588] : memref<2x10000x128xf32, #tpu.memory_space<hbm>> -> memref<1x80x128xf32, #tpu.memory_space<hbm>>
      %dma_start3A_590 = tpu.memref_squeeze %dma_start3A_589 : memref<1x80x128xf32, #tpu.memory_space<hbm>> -> memref<80x128xf32, #tpu.memory_space<hbm>>
      %dma_start3A_591 = arith.constant 0 : i32
      %dma_start3A_592 = tpu.memref_slice %arg16[%multiple_of3A, %dma_start3A_591] : memref<10000x128xf32, #tpu.memory_space<vmem_shared>> -> memref<80x128xf32, #tpu.memory_space<vmem_shared>>
      tpu.enqueue_dma source(%dma_start3A_592 : memref<80x128xf32, #tpu.memory_space<vmem_shared>>) target(%dma_start3A_590 : memref<80x128xf32, #tpu.memory_space<hbm>>) target_semaphore(%arg31 : memref<!tpu.dma_semaphore, #tpu.memory_space<semaphore_mem>>)
    } else {
    }
    %gt3A_517 = arith.constant 3 : i32
    %gt3A_518 = arith.cmpi sgt, %select_n3A, %gt3A_517 : i32
    %convert_element_type3A_519 = arith.extui %gt3A_518 : i1 to i32
    %cond3A_520 = arith.constant 0 : i32
    %cond3A_521 = arith.cmpi ne, %convert_element_type3A_519, %cond3A_520 : i32
    scf.if %cond3A_521 {
      %mul3A_582 = arith.constant 8 : i32
      %mul3A_583 = arith.muli %arg1, %mul3A_582 : i32
      %add3A_584 = arith.constant 3 : i32
      %add3A_585 = arith.addi %mul3A_583, %add3A_584 : i32
      %mul3A_586 = arith.constant 80 : i32
      %mul3A_587 = arith.muli %add3A_585, %mul3A_586 : i32
      %multiple_of3A = tpu.assume_multiple %mul3A_587, 8 : i32
      %dma_start3A_588 = arith.constant 0 : i32
      %dma_start3A_589 = tpu.memref_slice %arg4[%arg0, %multiple_of3A, %dma_start3A_588] : memref<2x10000x128xf32, #tpu.memory_space<hbm>> -> memref<1x80x128xf32, #tpu.memory_space<hbm>>
      %dma_start3A_590 = tpu.memref_squeeze %dma_start3A_589 : memref<1x80x128xf32, #tpu.memory_space<hbm>> -> memref<80x128xf32, #tpu.memory_space<hbm>>
      %dma_start3A_591 = arith.constant 0 : i32
      %dma_start3A_592 = tpu.memref_slice %arg16[%multiple_of3A, %dma_start3A_591] : memref<10000x128xf32, #tpu.memory_space<vmem_shared>> -> memref<80x128xf32, #tpu.memory_space<vmem_shared>>
      tpu.enqueue_dma source(%dma_start3A_592 : memref<80x128xf32, #tpu.memory_space<vmem_shared>>) target(%dma_start3A_590 : memref<80x128xf32, #tpu.memory_space<hbm>>) target_semaphore(%arg32 : memref<!tpu.dma_semaphore, #tpu.memory_space<semaphore_mem>>)
    } else {
    }
    %gt3A_522 = arith.constant 4 : i32
    %gt3A_523 = arith.cmpi sgt, %select_n3A, %gt3A_522 : i32
    %convert_element_type3A_524 = arith.extui %gt3A_523 : i1 to i32
    %cond3A_525 = arith.constant 0 : i32
    %cond3A_526 = arith.cmpi ne, %convert_element_type3A_524, %cond3A_525 : i32
    scf.if %cond3A_526 {
      %mul3A_582 = arith.constant 8 : i32
      %mul3A_583 = arith.muli %arg1, %mul3A_582 : i32
      %add3A_584 = arith.constant 4 : i32
      %add3A_585 = arith.addi %mul3A_583, %add3A_584 : i32
      %mul3A_586 = arith.constant 80 : i32
      %mul3A_587 = arith.muli %add3A_585, %mul3A_586 : i32
      %multiple_of3A = tpu.assume_multiple %mul3A_587, 8 : i32
      %dma_start3A_588 = arith.constant 0 : i32
      %dma_start3A_589 = tpu.memref_slice %arg4[%arg0, %multiple_of3A, %dma_start3A_588] : memref<2x10000x128xf32, #tpu.memory_space<hbm>> -> memref<1x80x128xf32, #tpu.memory_space<hbm>>
      %dma_start3A_590 = tpu.memref_squeeze %dma_start3A_589 : memref<1x80x128xf32, #tpu.memory_space<hbm>> -> memref<80x128xf32, #tpu.memory_space<hbm>>
      %dma_start3A_591 = arith.constant 0 : i32
      %dma_start3A_592 = tpu.memref_slice %arg16[%multiple_of3A, %dma_start3A_591] : memref<10000x128xf32, #tpu.memory_space<vmem_shared>> -> memref<80x128xf32, #tpu.memory_space<vmem_shared>>
      tpu.enqueue_dma source(%dma_start3A_592 : memref<80x128xf32, #tpu.memory_space<vmem_shared>>) target(%dma_start3A_590 : memref<80x128xf32, #tpu.memory_space<hbm>>) target_semaphore(%arg33 : memref<!tpu.dma_semaphore, #tpu.memory_space<semaphore_mem>>)
    } else {
    }
    %gt3A_527 = arith.constant 5 : i32
    %gt3A_528 = arith.cmpi sgt, %select_n3A, %gt3A_527 : i32
    %convert_element_type3A_529 = arith.extui %gt3A_528 : i1 to i32
    %cond3A_530 = arith.constant 0 : i32
    %cond3A_531 = arith.cmpi ne, %convert_element_type3A_529, %cond3A_530 : i32
    scf.if %cond3A_531 {
      %mul3A_582 = arith.constant 8 : i32
      %mul3A_583 = arith.muli %arg1, %mul3A_582 : i32
      %add3A_584 = arith.constant 5 : i32
      %add3A_585 = arith.addi %mul3A_583, %add3A_584 : i32
      %mul3A_586 = arith.constant 80 : i32
      %mul3A_587 = arith.muli %add3A_585, %mul3A_586 : i32
      %multiple_of3A = tpu.assume_multiple %mul3A_587, 8 : i32
      %dma_start3A_588 = arith.constant 0 : i32
      %dma_start3A_589 = tpu.memref_slice %arg4[%arg0, %multiple_of3A, %dma_start3A_588] : memref<2x10000x128xf32, #tpu.memory_space<hbm>> -> memref<1x80x128xf32, #tpu.memory_space<hbm>>
      %dma_start3A_590 = tpu.memref_squeeze %dma_start3A_589 : memref<1x80x128xf32, #tpu.memory_space<hbm>> -> memref<80x128xf32, #tpu.memory_space<hbm>>
      %dma_start3A_591 = arith.constant 0 : i32
      %dma_start3A_592 = tpu.memref_slice %arg16[%multiple_of3A, %dma_start3A_591] : memref<10000x128xf32, #tpu.memory_space<vmem_shared>> -> memref<80x128xf32, #tpu.memory_space<vmem_shared>>
      tpu.enqueue_dma source(%dma_start3A_592 : memref<80x128xf32, #tpu.memory_space<vmem_shared>>) target(%dma_start3A_590 : memref<80x128xf32, #tpu.memory_space<hbm>>) target_semaphore(%arg34 : memref<!tpu.dma_semaphore, #tpu.memory_space<semaphore_mem>>)
    } else {
    }
    %gt3A_532 = arith.constant 6 : i32
    %gt3A_533 = arith.cmpi sgt, %select_n3A, %gt3A_532 : i32
    %convert_element_type3A_534 = arith.extui %gt3A_533 : i1 to i32
    %cond3A_535 = arith.constant 0 : i32
    %cond3A_536 = arith.cmpi ne, %convert_element_type3A_534, %cond3A_535 : i32
    scf.if %cond3A_536 {
      %mul3A_582 = arith.constant 8 : i32
      %mul3A_583 = arith.muli %arg1, %mul3A_582 : i32
      %add3A_584 = arith.constant 6 : i32
      %add3A_585 = arith.addi %mul3A_583, %add3A_584 : i32
      %mul3A_586 = arith.constant 80 : i32
      %mul3A_587 = arith.muli %add3A_585, %mul3A_586 : i32
      %multiple_of3A = tpu.assume_multiple %mul3A_587, 8 : i32
      %dma_start3A_588 = arith.constant 0 : i32
      %dma_start3A_589 = tpu.memref_slice %arg4[%arg0, %multiple_of3A, %dma_start3A_588] : memref<2x10000x128xf32, #tpu.memory_space<hbm>> -> memref<1x80x128xf32, #tpu.memory_space<hbm>>
      %dma_start3A_590 = tpu.memref_squeeze %dma_start3A_589 : memref<1x80x128xf32, #tpu.memory_space<hbm>> -> memref<80x128xf32, #tpu.memory_space<hbm>>
      %dma_start3A_591 = arith.constant 0 : i32
      %dma_start3A_592 = tpu.memref_slice %arg16[%multiple_of3A, %dma_start3A_591] : memref<10000x128xf32, #tpu.memory_space<vmem_shared>> -> memref<80x128xf32, #tpu.memory_space<vmem_shared>>
      tpu.enqueue_dma source(%dma_start3A_592 : memref<80x128xf32, #tpu.memory_space<vmem_shared>>) target(%dma_start3A_590 : memref<80x128xf32, #tpu.memory_space<hbm>>) target_semaphore(%arg35 : memref<!tpu.dma_semaphore, #tpu.memory_space<semaphore_mem>>)
    } else {
    }
    %gt3A_537 = arith.constant 7 : i32
    %gt3A_538 = arith.cmpi sgt, %select_n3A, %gt3A_537 : i32
    %convert_element_type3A_539 = arith.extui %gt3A_538 : i1 to i32
    %cond3A_540 = arith.constant 0 : i32
    %cond3A_541 = arith.cmpi ne, %convert_element_type3A_539, %cond3A_540 : i32
    scf.if %cond3A_541 {
      %mul3A_582 = arith.constant 8 : i32
      %mul3A_583 = arith.muli %arg1, %mul3A_582 : i32
      %add3A_584 = arith.constant 7 : i32
      %add3A_585 = arith.addi %mul3A_583, %add3A_584 : i32
      %mul3A_586 = arith.constant 80 : i32
      %mul3A_587 = arith.muli %add3A_585, %mul3A_586 : i32
      %multiple_of3A = tpu.assume_multiple %mul3A_587, 8 : i32
      %dma_start3A_588 = arith.constant 0 : i32
      %dma_start3A_589 = tpu.memref_slice %arg4[%arg0, %multiple_of3A, %dma_start3A_588] : memref<2x10000x128xf32, #tpu.memory_space<hbm>> -> memref<1x80x128xf32, #tpu.memory_space<hbm>>
      %dma_start3A_590 = tpu.memref_squeeze %dma_start3A_589 : memref<1x80x128xf32, #tpu.memory_space<hbm>> -> memref<80x128xf32, #tpu.memory_space<hbm>>
      %dma_start3A_591 = arith.constant 0 : i32
      %dma_start3A_592 = tpu.memref_slice %arg16[%multiple_of3A, %dma_start3A_591] : memref<10000x128xf32, #tpu.memory_space<vmem_shared>> -> memref<80x128xf32, #tpu.memory_space<vmem_shared>>
      tpu.enqueue_dma source(%dma_start3A_592 : memref<80x128xf32, #tpu.memory_space<vmem_shared>>) target(%dma_start3A_590 : memref<80x128xf32, #tpu.memory_space<hbm>>) target_semaphore(%arg36 : memref<!tpu.dma_semaphore, #tpu.memory_space<semaphore_mem>>)
    } else {
    }
    %gt3A_542 = arith.constant 0 : i32
    %gt3A_543 = arith.cmpi sgt, %select_n3A, %gt3A_542 : i32
    %convert_element_type3A_544 = arith.extui %gt3A_543 : i1 to i32
    %cond3A_545 = arith.constant 0 : i32
    %cond3A_546 = arith.cmpi ne, %convert_element_type3A_544, %cond3A_545 : i32
    scf.if %cond3A_546 {
      %mul3A_582 = arith.constant 8 : i32
      %mul3A_583 = arith.muli %arg1, %mul3A_582 : i32
      %add3A_584 = arith.constant 0 : i32
      %add3A_585 = arith.addi %mul3A_583, %add3A_584 : i32
      %mul3A_586 = arith.constant 80 : i32
      %mul3A_587 = arith.muli %add3A_585, %mul3A_586 : i32
      %multiple_of3A = tpu.assume_multiple %mul3A_587, 8 : i32
      %dma_wait3A_588 = arith.constant 0 : i32
      %dma_wait3A_589 = tpu.memref_slice %arg4[%arg0, %multiple_of3A, %dma_wait3A_588] : memref<2x10000x128xf32, #tpu.memory_space<hbm>> -> memref<1x80x128xf32, #tpu.memory_space<hbm>>
      %dma_wait3A_590 = tpu.memref_squeeze %dma_wait3A_589 : memref<1x80x128xf32, #tpu.memory_space<hbm>> -> memref<80x128xf32, #tpu.memory_space<hbm>>
      %dma_wait3A_591 = arith.constant 0 : i32
      %dma_wait3A_592 = tpu.memref_slice %arg16[%multiple_of3A, %dma_wait3A_591] : memref<10000x128xf32, #tpu.memory_space<vmem_shared>> -> memref<80x128xf32, #tpu.memory_space<vmem_shared>>
      tpu.wait_dma2 semaphore(%arg29 : memref<!tpu.dma_semaphore, #tpu.memory_space<semaphore_mem>>) src(%dma_wait3A_592 : memref<80x128xf32, #tpu.memory_space<vmem_shared>>) dst(%dma_wait3A_590 : memref<80x128xf32, #tpu.memory_space<hbm>>)
    } else {
    }
    %gt3A_547 = arith.constant 1 : i32
    %gt3A_548 = arith.cmpi sgt, %select_n3A, %gt3A_547 : i32
    %convert_element_type3A_549 = arith.extui %gt3A_548 : i1 to i32
    %cond3A_550 = arith.constant 0 : i32
    %cond3A_551 = arith.cmpi ne, %convert_element_type3A_549, %cond3A_550 : i32
    scf.if %cond3A_551 {
      %mul3A_582 = arith.constant 8 : i32
      %mul3A_583 = arith.muli %arg1, %mul3A_582 : i32
      %add3A_584 = arith.constant 1 : i32
      %add3A_585 = arith.addi %mul3A_583, %add3A_584 : i32
      %mul3A_586 = arith.constant 80 : i32
      %mul3A_587 = arith.muli %add3A_585, %mul3A_586 : i32
      %multiple_of3A = tpu.assume_multiple %mul3A_587, 8 : i32
      %dma_wait3A_588 = arith.constant 0 : i32
      %dma_wait3A_589 = tpu.memref_slice %arg4[%arg0, %multiple_of3A, %dma_wait3A_588] : memref<2x10000x128xf32, #tpu.memory_space<hbm>> -> memref<1x80x128xf32, #tpu.memory_space<hbm>>
      %dma_wait3A_590 = tpu.memref_squeeze %dma_wait3A_589 : memref<1x80x128xf32, #tpu.memory_space<hbm>> -> memref<80x128xf32, #tpu.memory_space<hbm>>
      %dma_wait3A_591 = arith.constant 0 : i32
      %dma_wait3A_592 = tpu.memref_slice %arg16[%multiple_of3A, %dma_wait3A_591] : memref<10000x128xf32, #tpu.memory_space<vmem_shared>> -> memref<80x128xf32, #tpu.memory_space<vmem_shared>>
      tpu.wait_dma2 semaphore(%arg30 : memref<!tpu.dma_semaphore, #tpu.memory_space<semaphore_mem>>) src(%dma_wait3A_592 : memref<80x128xf32, #tpu.memory_space<vmem_shared>>) dst(%dma_wait3A_590 : memref<80x128xf32, #tpu.memory_space<hbm>>)
    } else {
    }
    %gt3A_552 = arith.constant 2 : i32
    %gt3A_553 = arith.cmpi sgt, %select_n3A, %gt3A_552 : i32
    %convert_element_type3A_554 = arith.extui %gt3A_553 : i1 to i32
    %cond3A_555 = arith.constant 0 : i32
    %cond3A_556 = arith.cmpi ne, %convert_element_type3A_554, %cond3A_555 : i32
    scf.if %cond3A_556 {
      %mul3A_582 = arith.constant 8 : i32
      %mul3A_583 = arith.muli %arg1, %mul3A_582 : i32
      %add3A_584 = arith.constant 2 : i32
      %add3A_585 = arith.addi %mul3A_583, %add3A_584 : i32
      %mul3A_586 = arith.constant 80 : i32
      %mul3A_587 = arith.muli %add3A_585, %mul3A_586 : i32
      %multiple_of3A = tpu.assume_multiple %mul3A_587, 8 : i32
      %dma_wait3A_588 = arith.constant 0 : i32
      %dma_wait3A_589 = tpu.memref_slice %arg4[%arg0, %multiple_of3A, %dma_wait3A_588] : memref<2x10000x128xf32, #tpu.memory_space<hbm>> -> memref<1x80x128xf32, #tpu.memory_space<hbm>>
      %dma_wait3A_590 = tpu.memref_squeeze %dma_wait3A_589 : memref<1x80x128xf32, #tpu.memory_space<hbm>> -> memref<80x128xf32, #tpu.memory_space<hbm>>
      %dma_wait3A_591 = arith.constant 0 : i32
      %dma_wait3A_592 = tpu.memref_slice %arg16[%multiple_of3A, %dma_wait3A_591] : memref<10000x128xf32, #tpu.memory_space<vmem_shared>> -> memref<80x128xf32, #tpu.memory_space<vmem_shared>>
      tpu.wait_dma2 semaphore(%arg31 : memref<!tpu.dma_semaphore, #tpu.memory_space<semaphore_mem>>) src(%dma_wait3A_592 : memref<80x128xf32, #tpu.memory_space<vmem_shared>>) dst(%dma_wait3A_590 : memref<80x128xf32, #tpu.memory_space<hbm>>)
    } else {
    }
    %gt3A_557 = arith.constant 3 : i32
    %gt3A_558 = arith.cmpi sgt, %select_n3A, %gt3A_557 : i32
    %convert_element_type3A_559 = arith.extui %gt3A_558 : i1 to i32
    %cond3A_560 = arith.constant 0 : i32
    %cond3A_561 = arith.cmpi ne, %convert_element_type3A_559, %cond3A_560 : i32
    scf.if %cond3A_561 {
      %mul3A_582 = arith.constant 8 : i32
      %mul3A_583 = arith.muli %arg1, %mul3A_582 : i32
      %add3A_584 = arith.constant 3 : i32
      %add3A_585 = arith.addi %mul3A_583, %add3A_584 : i32
      %mul3A_586 = arith.constant 80 : i32
      %mul3A_587 = arith.muli %add3A_585, %mul3A_586 : i32
      %multiple_of3A = tpu.assume_multiple %mul3A_587, 8 : i32
      %dma_wait3A_588 = arith.constant 0 : i32
      %dma_wait3A_589 = tpu.memref_slice %arg4[%arg0, %multiple_of3A, %dma_wait3A_588] : memref<2x10000x128xf32, #tpu.memory_space<hbm>> -> memref<1x80x128xf32, #tpu.memory_space<hbm>>
      %dma_wait3A_590 = tpu.memref_squeeze %dma_wait3A_589 : memref<1x80x128xf32, #tpu.memory_space<hbm>> -> memref<80x128xf32, #tpu.memory_space<hbm>>
      %dma_wait3A_591 = arith.constant 0 : i32
      %dma_wait3A_592 = tpu.memref_slice %arg16[%multiple_of3A, %dma_wait3A_591] : memref<10000x128xf32, #tpu.memory_space<vmem_shared>> -> memref<80x128xf32, #tpu.memory_space<vmem_shared>>
      tpu.wait_dma2 semaphore(%arg32 : memref<!tpu.dma_semaphore, #tpu.memory_space<semaphore_mem>>) src(%dma_wait3A_592 : memref<80x128xf32, #tpu.memory_space<vmem_shared>>) dst(%dma_wait3A_590 : memref<80x128xf32, #tpu.memory_space<hbm>>)
    } else {
    }
    %gt3A_562 = arith.constant 4 : i32
    %gt3A_563 = arith.cmpi sgt, %select_n3A, %gt3A_562 : i32
    %convert_element_type3A_564 = arith.extui %gt3A_563 : i1 to i32
    %cond3A_565 = arith.constant 0 : i32
    %cond3A_566 = arith.cmpi ne, %convert_element_type3A_564, %cond3A_565 : i32
    scf.if %cond3A_566 {
      %mul3A_582 = arith.constant 8 : i32
      %mul3A_583 = arith.muli %arg1, %mul3A_582 : i32
      %add3A_584 = arith.constant 4 : i32
      %add3A_585 = arith.addi %mul3A_583, %add3A_584 : i32
      %mul3A_586 = arith.constant 80 : i32
      %mul3A_587 = arith.muli %add3A_585, %mul3A_586 : i32
      %multiple_of3A = tpu.assume_multiple %mul3A_587, 8 : i32
      %dma_wait3A_588 = arith.constant 0 : i32
      %dma_wait3A_589 = tpu.memref_slice %arg4[%arg0, %multiple_of3A, %dma_wait3A_588] : memref<2x10000x128xf32, #tpu.memory_space<hbm>> -> memref<1x80x128xf32, #tpu.memory_space<hbm>>
      %dma_wait3A_590 = tpu.memref_squeeze %dma_wait3A_589 : memref<1x80x128xf32, #tpu.memory_space<hbm>> -> memref<80x128xf32, #tpu.memory_space<hbm>>
      %dma_wait3A_591 = arith.constant 0 : i32
      %dma_wait3A_592 = tpu.memref_slice %arg16[%multiple_of3A, %dma_wait3A_591] : memref<10000x128xf32, #tpu.memory_space<vmem_shared>> -> memref<80x128xf32, #tpu.memory_space<vmem_shared>>
      tpu.wait_dma2 semaphore(%arg33 : memref<!tpu.dma_semaphore, #tpu.memory_space<semaphore_mem>>) src(%dma_wait3A_592 : memref<80x128xf32, #tpu.memory_space<vmem_shared>>) dst(%dma_wait3A_590 : memref<80x128xf32, #tpu.memory_space<hbm>>)
    } else {
    }
    %gt3A_567 = arith.constant 5 : i32
    %gt3A_568 = arith.cmpi sgt, %select_n3A, %gt3A_567 : i32
    %convert_element_type3A_569 = arith.extui %gt3A_568 : i1 to i32
    %cond3A_570 = arith.constant 0 : i32
    %cond3A_571 = arith.cmpi ne, %convert_element_type3A_569, %cond3A_570 : i32
    scf.if %cond3A_571 {
      %mul3A_582 = arith.constant 8 : i32
      %mul3A_583 = arith.muli %arg1, %mul3A_582 : i32
      %add3A_584 = arith.constant 5 : i32
      %add3A_585 = arith.addi %mul3A_583, %add3A_584 : i32
      %mul3A_586 = arith.constant 80 : i32
      %mul3A_587 = arith.muli %add3A_585, %mul3A_586 : i32
      %multiple_of3A = tpu.assume_multiple %mul3A_587, 8 : i32
      %dma_wait3A_588 = arith.constant 0 : i32
      %dma_wait3A_589 = tpu.memref_slice %arg4[%arg0, %multiple_of3A, %dma_wait3A_588] : memref<2x10000x128xf32, #tpu.memory_space<hbm>> -> memref<1x80x128xf32, #tpu.memory_space<hbm>>
      %dma_wait3A_590 = tpu.memref_squeeze %dma_wait3A_589 : memref<1x80x128xf32, #tpu.memory_space<hbm>> -> memref<80x128xf32, #tpu.memory_space<hbm>>
      %dma_wait3A_591 = arith.constant 0 : i32
      %dma_wait3A_592 = tpu.memref_slice %arg16[%multiple_of3A, %dma_wait3A_591] : memref<10000x128xf32, #tpu.memory_space<vmem_shared>> -> memref<80x128xf32, #tpu.memory_space<vmem_shared>>
      tpu.wait_dma2 semaphore(%arg34 : memref<!tpu.dma_semaphore, #tpu.memory_space<semaphore_mem>>) src(%dma_wait3A_592 : memref<80x128xf32, #tpu.memory_space<vmem_shared>>) dst(%dma_wait3A_590 : memref<80x128xf32, #tpu.memory_space<hbm>>)
    } else {
    }
    %gt3A_572 = arith.constant 6 : i32
    %gt3A_573 = arith.cmpi sgt, %select_n3A, %gt3A_572 : i32
    %convert_element_type3A_574 = arith.extui %gt3A_573 : i1 to i32
    %cond3A_575 = arith.constant 0 : i32
    %cond3A_576 = arith.cmpi ne, %convert_element_type3A_574, %cond3A_575 : i32
    scf.if %cond3A_576 {
      %mul3A_582 = arith.constant 8 : i32
      %mul3A_583 = arith.muli %arg1, %mul3A_582 : i32
      %add3A_584 = arith.constant 6 : i32
      %add3A_585 = arith.addi %mul3A_583, %add3A_584 : i32
      %mul3A_586 = arith.constant 80 : i32
      %mul3A_587 = arith.muli %add3A_585, %mul3A_586 : i32
      %multiple_of3A = tpu.assume_multiple %mul3A_587, 8 : i32
      %dma_wait3A_588 = arith.constant 0 : i32
      %dma_wait3A_589 = tpu.memref_slice %arg4[%arg0, %multiple_of3A, %dma_wait3A_588] : memref<2x10000x128xf32, #tpu.memory_space<hbm>> -> memref<1x80x128xf32, #tpu.memory_space<hbm>>
      %dma_wait3A_590 = tpu.memref_squeeze %dma_wait3A_589 : memref<1x80x128xf32, #tpu.memory_space<hbm>> -> memref<80x128xf32, #tpu.memory_space<hbm>>
      %dma_wait3A_591 = arith.constant 0 : i32
      %dma_wait3A_592 = tpu.memref_slice %arg16[%multiple_of3A, %dma_wait3A_591] : memref<10000x128xf32, #tpu.memory_space<vmem_shared>> -> memref<80x128xf32, #tpu.memory_space<vmem_shared>>
      tpu.wait_dma2 semaphore(%arg35 : memref<!tpu.dma_semaphore, #tpu.memory_space<semaphore_mem>>) src(%dma_wait3A_592 : memref<80x128xf32, #tpu.memory_space<vmem_shared>>) dst(%dma_wait3A_590 : memref<80x128xf32, #tpu.memory_space<hbm>>)
    } else {
    }
    %gt3A_577 = arith.constant 7 : i32
    %gt3A_578 = arith.cmpi sgt, %select_n3A, %gt3A_577 : i32
    %convert_element_type3A_579 = arith.extui %gt3A_578 : i1 to i32
    %cond3A_580 = arith.constant 0 : i32
    %cond3A_581 = arith.cmpi ne, %convert_element_type3A_579, %cond3A_580 : i32
    scf.if %cond3A_581 {
      %mul3A_582 = arith.constant 8 : i32
      %mul3A_583 = arith.muli %arg1, %mul3A_582 : i32
      %add3A_584 = arith.constant 7 : i32
      %add3A_585 = arith.addi %mul3A_583, %add3A_584 : i32
      %mul3A_586 = arith.constant 80 : i32
      %mul3A_587 = arith.muli %add3A_585, %mul3A_586 : i32
      %multiple_of3A = tpu.assume_multiple %mul3A_587, 8 : i32
      %dma_wait3A_588 = arith.constant 0 : i32
      %dma_wait3A_589 = tpu.memref_slice %arg4[%arg0, %multiple_of3A, %dma_wait3A_588] : memref<2x10000x128xf32, #tpu.memory_space<hbm>> -> memref<1x80x128xf32, #tpu.memory_space<hbm>>
      %dma_wait3A_590 = tpu.memref_squeeze %dma_wait3A_589 : memref<1x80x128xf32, #tpu.memory_space<hbm>> -> memref<80x128xf32, #tpu.memory_space<hbm>>
      %dma_wait3A_591 = arith.constant 0 : i32
      %dma_wait3A_592 = tpu.memref_slice %arg16[%multiple_of3A, %dma_wait3A_591] : memref<10000x128xf32, #tpu.memory_space<vmem_shared>> -> memref<80x128xf32, #tpu.memory_space<vmem_shared>>
      tpu.wait_dma2 semaphore(%arg36 : memref<!tpu.dma_semaphore, #tpu.memory_space<semaphore_mem>>) src(%dma_wait3A_592 : memref<80x128xf32, #tpu.memory_space<vmem_shared>>) dst(%dma_wait3A_590 : memref<80x128xf32, #tpu.memory_space<hbm>>)
    } else {
    }
    return
  }
}

#map = affine_map<(d0, d1) -> (0, 0)>
#map1 = affine_map<(d0, d1) -> (0, 0, 0)>
module attributes {stable_mosaic.version = 14 : i64} {
  func.func @k(%arg0: i32, %arg1: i32, %arg2: memref<10000x128xf32, #tpu.memory_space<hbm>>, %arg3: memref<2x320000xi32, #tpu.memory_space<hbm>>, %arg4: memref<2x10000x128xf32, #tpu.memory_space<hbm>>, %arg5: memref<128xi32, #tpu.memory_space<vmem>>, %arg6: memref<128xi32, #tpu.memory_space<vmem>>, %arg7: memref<128xi32, #tpu.memory_space<vmem>>, %arg8: memref<128xi32, #tpu.memory_space<vmem>>, %arg9: memref<128xi32, #tpu.memory_space<vmem>>, %arg10: memref<128xi32, #tpu.memory_space<vmem>>, %arg11: memref<128xi32, #tpu.memory_space<vmem>>, %arg12: memref<128xi32, #tpu.memory_space<vmem>>, %arg13: memref<128x128xf32, #tpu.memory_space<vmem>>, %arg14: memref<128x128xf32, #tpu.memory_space<vmem>>, %arg15: memref<80x128xf32, #tpu.memory_space<vmem>>, %arg16: memref<10000x128xf32, #tpu.memory_space<vmem_shared>>, %arg17: memref<!tpu.dma_semaphore, #tpu.memory_space<semaphore_mem>>, %arg18: memref<!tpu.dma_semaphore, #tpu.memory_space<semaphore_mem>>, %arg19: memref<!tpu.dma_semaphore, #tpu.memory_space<semaphore_mem>>, %arg20: memref<!tpu.dma_semaphore, #tpu.memory_space<semaphore_mem>>, %arg21: memref<!tpu.dma_semaphore, #tpu.memory_space<semaphore_mem>>, %arg22: memref<!tpu.dma_semaphore, #tpu.memory_space<semaphore_mem>>, %arg23: memref<!tpu.dma_semaphore, #tpu.memory_space<semaphore_mem>>, %arg24: memref<!tpu.dma_semaphore, #tpu.memory_space<semaphore_mem>>, %arg25: memref<!tpu.dma_semaphore, #tpu.memory_space<semaphore_mem>>, %arg26: memref<!tpu.dma_semaphore, #tpu.memory_space<semaphore_mem>>, %arg27: memref<!tpu.dma_semaphore, #tpu.memory_space<semaphore_mem>>, %arg28: memref<!tpu.dma_semaphore, #tpu.memory_space<semaphore_mem>>, %arg29: memref<!tpu.dma_semaphore, #tpu.memory_space<semaphore_mem>>, %arg30: memref<!tpu.dma_semaphore, #tpu.memory_space<semaphore_mem>>, %arg31: memref<!tpu.dma_semaphore, #tpu.memory_space<semaphore_mem>>, %arg32: memref<!tpu.dma_semaphore, #tpu.memory_space<semaphore_mem>>, %arg33: memref<!tpu.dma_semaphore, #tpu.memory_space<semaphore_mem>>, %arg34: memref<!tpu.dma_semaphore, #tpu.memory_space<semaphore_mem>>, %arg35: memref<!tpu.dma_semaphore, #tpu.memory_space<semaphore_mem>>, %arg36: memref<!tpu.dma_semaphore, #tpu.memory_space<semaphore_mem>>) attributes {dimension_semantics = [#tpu.dimension_semantics<core_parallel>, #tpu.dimension_semantics<subcore_parallel>], iteration_bounds = array<i64: 2, 16>, scalar_prefetch = 0 : i64, scratch_operands = 32 : i64, tpu.core_type = #tpu.core_type<sc_vector_subcore>, window_params = [{transform_indices = #map}, {transform_indices = #map}, {transform_indices = #map1}]} {
    %mul3A = arith.constant 2 : i32
    %mul3A_0 = arith.muli %arg1, %mul3A : i32
    %add3A = arith.addi %mul3A_0, %arg0 : i32
    %mul3A_1 = arith.constant 78 : i32
    %mul3A_2 = arith.muli %add3A, %mul3A_1 : i32
    %eq3A = arith.constant 15 : i32
    %eq3A_3 = arith.cmpi eq, %arg1, %eq3A : i32
    %jit3A = arith.constant 5 : i32
    %jit3A_4 = arith.constant 8 : i32
    %select_n3A = arith.select %eq3A_3, %jit3A, %jit3A_4 : i32
    %add3A_5 = arith.constant 0 : i32
    %add3A_6 = arith.addi %mul3A_2, %add3A_5 : i32
    %mul3A_7 = arith.constant 128 : i32
    %mul3A_8 = arith.muli %add3A_6, %mul3A_7 : i32
    %dma_start3A = arith.constant 0 : i32
    %dma_start3A_9 = arith.constant 0 : i32
    %dma_start3A_10 = tpu.memref_slice %arg3[%dma_start3A, %dma_start3A_9] : memref<2x320000xi32, #tpu.memory_space<hbm>> -> memref<1x320000xi32, #tpu.memory_space<hbm>>
    %dma_start3A_11 = tpu.memref_squeeze %dma_start3A_10 : memref<1x320000xi32, #tpu.memory_space<hbm>> -> memref<320000xi32, #tpu.memory_space<hbm>>
    %dma_start3A_12 = tpu.memref_slice %dma_start3A_11[%mul3A_8] : memref<320000xi32, #tpu.memory_space<hbm>> -> memref<128xi32, #tpu.memory_space<hbm>>
    %dma_start3A_13 = arith.constant 0 : i32
    %dma_start3A_14 = tpu.memref_slice %arg3[%dma_start3A, %dma_start3A_13] : memref<2x320000xi32, #tpu.memory_space<hbm>> -> memref<1x320000xi32, #tpu.memory_space<hbm>>
    %dma_start3A_15 = tpu.memref_squeeze %dma_start3A_14 : memref<1x320000xi32, #tpu.memory_space<hbm>> -> memref<320000xi32, #tpu.memory_space<hbm>>
    %dma_start3A_16 = tpu.memref_slice %dma_start3A_15[%mul3A_8] : memref<320000xi32, #tpu.memory_space<hbm>> -> memref<128xi32, #tpu.memory_space<hbm>>
    tpu.enqueue_dma source(%dma_start3A_16 : memref<128xi32, #tpu.memory_space<hbm>>) target(%arg5 : memref<128xi32, #tpu.memory_space<vmem>>) target_semaphore(%arg17 : memref<!tpu.dma_semaphore, #tpu.memory_space<semaphore_mem>>)
    %mul3A_17 = arith.constant 128 : i32
    %mul3A_18 = arith.muli %add3A_6, %mul3A_17 : i32
    %dma_start3A_19 = arith.constant 1 : i32
    %dma_start3A_20 = arith.constant 0 : i32
    %dma_start3A_21 = tpu.memref_slice %arg3[%dma_start3A_19, %dma_start3A_20] : memref<2x320000xi32, #tpu.memory_space<hbm>> -> memref<1x320000xi32, #tpu.memory_space<hbm>>
    %dma_start3A_22 = tpu.memref_squeeze %dma_start3A_21 : memref<1x320000xi32, #tpu.memory_space<hbm>> -> memref<320000xi32, #tpu.memory_space<hbm>>
    %dma_start3A_23 = tpu.memref_slice %dma_start3A_22[%mul3A_18] : memref<320000xi32, #tpu.memory_space<hbm>> -> memref<128xi32, #tpu.memory_space<hbm>>
    %dma_start3A_24 = arith.constant 0 : i32
    %dma_start3A_25 = tpu.memref_slice %arg3[%dma_start3A_19, %dma_start3A_24] : memref<2x320000xi32, #tpu.memory_space<hbm>> -> memref<1x320000xi32, #tpu.memory_space<hbm>>
    %dma_start3A_26 = tpu.memref_squeeze %dma_start3A_25 : memref<1x320000xi32, #tpu.memory_space<hbm>> -> memref<320000xi32, #tpu.memory_space<hbm>>
    %dma_start3A_27 = tpu.memref_slice %dma_start3A_26[%mul3A_18] : memref<320000xi32, #tpu.memory_space<hbm>> -> memref<128xi32, #tpu.memory_space<hbm>>
    tpu.enqueue_dma source(%dma_start3A_27 : memref<128xi32, #tpu.memory_space<hbm>>) target(%arg9 : memref<128xi32, #tpu.memory_space<vmem>>) target_semaphore(%arg21 : memref<!tpu.dma_semaphore, #tpu.memory_space<semaphore_mem>>)
    %add3A_28 = arith.constant 1 : i32
    %add3A_29 = arith.addi %mul3A_2, %add3A_28 : i32
    %mul3A_30 = arith.constant 128 : i32
    %mul3A_31 = arith.muli %add3A_29, %mul3A_30 : i32
    %dma_start3A_32 = arith.constant 0 : i32
    %dma_start3A_33 = arith.constant 0 : i32
    %dma_start3A_34 = tpu.memref_slice %arg3[%dma_start3A_32, %dma_start3A_33] : memref<2x320000xi32, #tpu.memory_space<hbm>> -> memref<1x320000xi32, #tpu.memory_space<hbm>>
    %dma_start3A_35 = tpu.memref_squeeze %dma_start3A_34 : memref<1x320000xi32, #tpu.memory_space<hbm>> -> memref<320000xi32, #tpu.memory_space<hbm>>
    %dma_start3A_36 = tpu.memref_slice %dma_start3A_35[%mul3A_31] : memref<320000xi32, #tpu.memory_space<hbm>> -> memref<128xi32, #tpu.memory_space<hbm>>
    %dma_start3A_37 = arith.constant 0 : i32
    %dma_start3A_38 = tpu.memref_slice %arg3[%dma_start3A_32, %dma_start3A_37] : memref<2x320000xi32, #tpu.memory_space<hbm>> -> memref<1x320000xi32, #tpu.memory_space<hbm>>
    %dma_start3A_39 = tpu.memref_squeeze %dma_start3A_38 : memref<1x320000xi32, #tpu.memory_space<hbm>> -> memref<320000xi32, #tpu.memory_space<hbm>>
    %dma_start3A_40 = tpu.memref_slice %dma_start3A_39[%mul3A_31] : memref<320000xi32, #tpu.memory_space<hbm>> -> memref<128xi32, #tpu.memory_space<hbm>>
    tpu.enqueue_dma source(%dma_start3A_40 : memref<128xi32, #tpu.memory_space<hbm>>) target(%arg6 : memref<128xi32, #tpu.memory_space<vmem>>) target_semaphore(%arg18 : memref<!tpu.dma_semaphore, #tpu.memory_space<semaphore_mem>>)
    %mul3A_41 = arith.constant 128 : i32
    %mul3A_42 = arith.muli %add3A_29, %mul3A_41 : i32
    %dma_start3A_43 = arith.constant 1 : i32
    %dma_start3A_44 = arith.constant 0 : i32
    %dma_start3A_45 = tpu.memref_slice %arg3[%dma_start3A_43, %dma_start3A_44] : memref<2x320000xi32, #tpu.memory_space<hbm>> -> memref<1x320000xi32, #tpu.memory_space<hbm>>
    %dma_start3A_46 = tpu.memref_squeeze %dma_start3A_45 : memref<1x320000xi32, #tpu.memory_space<hbm>> -> memref<320000xi32, #tpu.memory_space<hbm>>
    %dma_start3A_47 = tpu.memref_slice %dma_start3A_46[%mul3A_42] : memref<320000xi32, #tpu.memory_space<hbm>> -> memref<128xi32, #tpu.memory_space<hbm>>
    %dma_start3A_48 = arith.constant 0 : i32
    %dma_start3A_49 = tpu.memref_slice %arg3[%dma_start3A_43, %dma_start3A_48] : memref<2x320000xi32, #tpu.memory_space<hbm>> -> memref<1x320000xi32, #tpu.memory_space<hbm>>
    %dma_start3A_50 = tpu.memref_squeeze %dma_start3A_49 : memref<1x320000xi32, #tpu.memory_space<hbm>> -> memref<320000xi32, #tpu.memory_space<hbm>>
    %dma_start3A_51 = tpu.memref_slice %dma_start3A_50[%mul3A_42] : memref<320000xi32, #tpu.memory_space<hbm>> -> memref<128xi32, #tpu.memory_space<hbm>>
    tpu.enqueue_dma source(%dma_start3A_51 : memref<128xi32, #tpu.memory_space<hbm>>) target(%arg10 : memref<128xi32, #tpu.memory_space<vmem>>) target_semaphore(%arg22 : memref<!tpu.dma_semaphore, #tpu.memory_space<semaphore_mem>>)
    %add3A_52 = arith.constant 2 : i32
    %add3A_53 = arith.addi %mul3A_2, %add3A_52 : i32
    %mul3A_54 = arith.constant 128 : i32
    %mul3A_55 = arith.muli %add3A_53, %mul3A_54 : i32
    %dma_start3A_56 = arith.constant 0 : i32
    %dma_start3A_57 = arith.constant 0 : i32
    %dma_start3A_58 = tpu.memref_slice %arg3[%dma_start3A_56, %dma_start3A_57] : memref<2x320000xi32, #tpu.memory_space<hbm>> -> memref<1x320000xi32, #tpu.memory_space<hbm>>
    %dma_start3A_59 = tpu.memref_squeeze %dma_start3A_58 : memref<1x320000xi32, #tpu.memory_space<hbm>> -> memref<320000xi32, #tpu.memory_space<hbm>>
    %dma_start3A_60 = tpu.memref_slice %dma_start3A_59[%mul3A_55] : memref<320000xi32, #tpu.memory_space<hbm>> -> memref<128xi32, #tpu.memory_space<hbm>>
    %dma_start3A_61 = arith.constant 0 : i32
    %dma_start3A_62 = tpu.memref_slice %arg3[%dma_start3A_56, %dma_start3A_61] : memref<2x320000xi32, #tpu.memory_space<hbm>> -> memref<1x320000xi32, #tpu.memory_space<hbm>>
    %dma_start3A_63 = tpu.memref_squeeze %dma_start3A_62 : memref<1x320000xi32, #tpu.memory_space<hbm>> -> memref<320000xi32, #tpu.memory_space<hbm>>
    %dma_start3A_64 = tpu.memref_slice %dma_start3A_63[%mul3A_55] : memref<320000xi32, #tpu.memory_space<hbm>> -> memref<128xi32, #tpu.memory_space<hbm>>
    tpu.enqueue_dma source(%dma_start3A_64 : memref<128xi32, #tpu.memory_space<hbm>>) target(%arg7 : memref<128xi32, #tpu.memory_space<vmem>>) target_semaphore(%arg19 : memref<!tpu.dma_semaphore, #tpu.memory_space<semaphore_mem>>)
    %mul3A_65 = arith.constant 128 : i32
    %mul3A_66 = arith.muli %add3A_53, %mul3A_65 : i32
    %dma_start3A_67 = arith.constant 1 : i32
    %dma_start3A_68 = arith.constant 0 : i32
    %dma_start3A_69 = tpu.memref_slice %arg3[%dma_start3A_67, %dma_start3A_68] : memref<2x320000xi32, #tpu.memory_space<hbm>> -> memref<1x320000xi32, #tpu.memory_space<hbm>>
    %dma_start3A_70 = tpu.memref_squeeze %dma_start3A_69 : memref<1x320000xi32, #tpu.memory_space<hbm>> -> memref<320000xi32, #tpu.memory_space<hbm>>
    %dma_start3A_71 = tpu.memref_slice %dma_start3A_70[%mul3A_66] : memref<320000xi32, #tpu.memory_space<hbm>> -> memref<128xi32, #tpu.memory_space<hbm>>
    %dma_start3A_72 = arith.constant 0 : i32
    %dma_start3A_73 = tpu.memref_slice %arg3[%dma_start3A_67, %dma_start3A_72] : memref<2x320000xi32, #tpu.memory_space<hbm>> -> memref<1x320000xi32, #tpu.memory_space<hbm>>
    %dma_start3A_74 = tpu.memref_squeeze %dma_start3A_73 : memref<1x320000xi32, #tpu.memory_space<hbm>> -> memref<320000xi32, #tpu.memory_space<hbm>>
    %dma_start3A_75 = tpu.memref_slice %dma_start3A_74[%mul3A_66] : memref<320000xi32, #tpu.memory_space<hbm>> -> memref<128xi32, #tpu.memory_space<hbm>>
    tpu.enqueue_dma source(%dma_start3A_75 : memref<128xi32, #tpu.memory_space<hbm>>) target(%arg11 : memref<128xi32, #tpu.memory_space<vmem>>) target_semaphore(%arg23 : memref<!tpu.dma_semaphore, #tpu.memory_space<semaphore_mem>>)
    %broadcast_in_dim3A = arith.constant 0.000000e+00 : f32
    %broadcast_in_dim3A_76 = vector.broadcast %broadcast_in_dim3A : f32 to vector<16xf32>
    %scan3A = arith.constant 0 : i32
    %scan3A_77 = arith.constant 0 : i32
    %scan3A_78 = arith.constant 640 : i32
    %scan3A_79 = arith.addi %scan3A_77, %scan3A_78 : i32
    %scan3A_80 = arith.constant 1 : i32
    %scan3A_81 = scf.for %scan3A_582 = %scan3A_77 to %scan3A_79 step %scan3A_80 iter_args(%scan3A_583 = %scan3A) -> (i32)  : i32 {
      %jit3A_584 = arith.constant 8 : i32
      %div3A = arith.divsi %scan3A_582, %jit3A_584 : i32
      %sign3A = arith.constant 0 : i32
      %sign3A_585 = arith.cmpi sgt, %scan3A_582, %sign3A : i32
      %sign3A_586 = arith.extui %sign3A_585 : i1 to i32
      %sign3A_587 = arith.constant 0 : i32
      %sign3A_588 = arith.cmpi slt, %scan3A_582, %sign3A_587 : i32
      %sign3A_589 = arith.extui %sign3A_588 : i1 to i32
      %sign3A_590 = arith.subi %sign3A_586, %sign3A_589 : i32
      %sign3A_591 = arith.constant 0 : i32
      %sign3A_592 = arith.cmpi sgt, %jit3A_584, %sign3A_591 : i32
      %sign3A_593 = arith.extui %sign3A_592 : i1 to i32
      %sign3A_594 = arith.constant 0 : i32
      %sign3A_595 = arith.cmpi slt, %jit3A_584, %sign3A_594 : i32
      %sign3A_596 = arith.extui %sign3A_595 : i1 to i32
      %sign3A_597 = arith.subi %sign3A_593, %sign3A_596 : i32
      %ne3A = arith.cmpi ne, %sign3A_590, %sign3A_597 : i32
      %rem3A = arith.remsi %scan3A_582, %jit3A_584 : i32
      %ne3A_598 = arith.constant 0 : i32
      %ne3A_599 = arith.cmpi ne, %rem3A, %ne3A_598 : i32
      %and3A = arith.andi %ne3A, %ne3A_599 : i1
      %sub3A_600 = arith.constant 1 : i32
      %sub3A_601 = arith.subi %div3A, %sub3A_600 : i32
      %select_n3A_602 = arith.select %and3A, %sub3A_601, %div3A : i32
      %jit3A_603 = arith.constant 8 : i32
      %eq3A_604 = arith.constant 0 : i32
      %eq3A_605 = arith.cmpi eq, %jit3A_603, %eq3A_604 : i32
      %jit3A_606 = arith.constant 1 : i32
      %select_n3A_607 = arith.select %eq3A_605, %jit3A_606, %jit3A_603 : i32
      %rem3A_608 = arith.remsi %scan3A_582, %select_n3A_607 : i32
      %ne3A_609 = arith.constant 0 : i32
      %ne3A_610 = arith.cmpi ne, %rem3A_608, %ne3A_609 : i32
      %lt3A_611 = arith.constant 0 : i32
      %lt3A_612 = arith.cmpi slt, %rem3A_608, %lt3A_611 : i32
      %lt3A_613 = arith.constant 0 : i32
      %lt3A_614 = arith.cmpi slt, %select_n3A_607, %lt3A_613 : i32
      %ne3A_615 = arith.xori %lt3A_612, %lt3A_614 : i1
      %and3A_616 = arith.andi %ne3A_615, %ne3A_610 : i1
      %add3A_617 = arith.addi %rem3A_608, %select_n3A_607 : i32
      %select_n3A_618 = arith.select %and3A_616, %add3A_617, %rem3A_608 : i32
      %mul3A_619 = arith.constant 16 : i32
      %mul3A_620 = arith.muli %select_n3A_618, %mul3A_619 : i32
      %swap3A = arith.index_cast %select_n3A_602 : i32 to index
      %swap3A_621 = arith.index_cast %mul3A_620 : i32 to index
      %swap3A_622 = tpu.vector_load %arg15[%swap3A, %swap3A_621] {strides = array<i32>} : memref<80x128xf32, #tpu.memory_space<vmem>>, vector<1x16xf32>,
      %swap3A_623 = vector.shape_cast %swap3A_622 : vector<1x16xf32> to vector<16xf32>
      %swap3A_624 = vector.shape_cast %broadcast_in_dim3A_76 : vector<16xf32> to vector<1x16xf32>
      tpu.vector_store %arg15[%swap3A, %swap3A_621], %swap3A_624 {strides = array<i32>} : memref<80x128xf32, #tpu.memory_space<vmem>>, vector<1x16xf32>,
      %scan3A_625 = arith.constant 0 : i32
      scf.yield %scan3A_625 : i32
    }
    %scan3A_82 = arith.constant 640 : i32
    %gt3A = arith.constant 0 : i32
    %gt3A_83 = arith.cmpi sgt, %select_n3A, %gt3A : i32
    %convert_element_type3A = arith.extui %gt3A_83 : i1 to i32
    %cond3A = arith.constant 0 : i32
    %cond3A_84 = arith.cmpi ne, %convert_element_type3A, %cond3A : i32
    scf.if %cond3A_84 {
      %mul3A_582 = arith.constant 8 : i32
      %mul3A_583 = arith.muli %arg1, %mul3A_582 : i32
      %add3A_584 = arith.constant 0 : i32
      %add3A_585 = arith.addi %mul3A_583, %add3A_584 : i32
      %mul3A_586 = arith.constant 80 : i32
      %mul3A_587 = arith.muli %add3A_585, %mul3A_586 : i32
      %multiple_of3A = tpu.assume_multiple %mul3A_587, 8 : i32
      %dma_start3A_588 = arith.constant 0 : i32
      %dma_start3A_589 = tpu.memref_slice %arg16[%multiple_of3A, %dma_start3A_588] : memref<10000x128xf32, #tpu.memory_space<vmem_shared>> -> memref<80x128xf32, #tpu.memory_space<vmem_shared>>
      %dma_start3A_590 = arith.constant 0 : i32
      %dma_start3A_591 = tpu.memref_slice %arg16[%multiple_of3A, %dma_start3A_590] : memref<10000x128xf32, #tpu.memory_space<vmem_shared>> -> memref<80x128xf32, #tpu.memory_space<vmem_shared>>
      tpu.enqueue_dma source(%arg15 : memref<80x128xf32, #tpu.memory_space<vmem>>) target(%dma_start3A_591 : memref<80x128xf32, #tpu.memory_space<vmem_shared>>) target_semaphore(%arg29 : memref<!tpu.dma_semaphore, #tpu.memory_space<semaphore_mem>>)
    } else {
    }
    %gt3A_85 = arith.constant 1 : i32
    %gt3A_86 = arith.cmpi sgt, %select_n3A, %gt3A_85 : i32
    %convert_element_type3A_87 = arith.extui %gt3A_86 : i1 to i32
    %cond3A_88 = arith.constant 0 : i32
    %cond3A_89 = arith.cmpi ne, %convert_element_type3A_87, %cond3A_88 : i32
    scf.if %cond3A_89 {
      %mul3A_582 = arith.constant 8 : i32
      %mul3A_583 = arith.muli %arg1, %mul3A_582 : i32
      %add3A_584 = arith.constant 1 : i32
      %add3A_585 = arith.addi %mul3A_583, %add3A_584 : i32
      %mul3A_586 = arith.constant 80 : i32
      %mul3A_587 = arith.muli %add3A_585, %mul3A_586 : i32
      %multiple_of3A = tpu.assume_multiple %mul3A_587, 8 : i32
      %dma_start3A_588 = arith.constant 0 : i32
      %dma_start3A_589 = tpu.memref_slice %arg16[%multiple_of3A, %dma_start3A_588] : memref<10000x128xf32, #tpu.memory_space<vmem_shared>> -> memref<80x128xf32, #tpu.memory_space<vmem_shared>>
      %dma_start3A_590 = arith.constant 0 : i32
      %dma_start3A_591 = tpu.memref_slice %arg16[%multiple_of3A, %dma_start3A_590] : memref<10000x128xf32, #tpu.memory_space<vmem_shared>> -> memref<80x128xf32, #tpu.memory_space<vmem_shared>>
      tpu.enqueue_dma source(%arg15 : memref<80x128xf32, #tpu.memory_space<vmem>>) target(%dma_start3A_591 : memref<80x128xf32, #tpu.memory_space<vmem_shared>>) target_semaphore(%arg30 : memref<!tpu.dma_semaphore, #tpu.memory_space<semaphore_mem>>)
    } else {
    }
    %gt3A_90 = arith.constant 2 : i32
    %gt3A_91 = arith.cmpi sgt, %select_n3A, %gt3A_90 : i32
    %convert_element_type3A_92 = arith.extui %gt3A_91 : i1 to i32
    %cond3A_93 = arith.constant 0 : i32
    %cond3A_94 = arith.cmpi ne, %convert_element_type3A_92, %cond3A_93 : i32
    scf.if %cond3A_94 {
      %mul3A_582 = arith.constant 8 : i32
      %mul3A_583 = arith.muli %arg1, %mul3A_582 : i32
      %add3A_584 = arith.constant 2 : i32
      %add3A_585 = arith.addi %mul3A_583, %add3A_584 : i32
      %mul3A_586 = arith.constant 80 : i32
      %mul3A_587 = arith.muli %add3A_585, %mul3A_586 : i32
      %multiple_of3A = tpu.assume_multiple %mul3A_587, 8 : i32
      %dma_start3A_588 = arith.constant 0 : i32
      %dma_start3A_589 = tpu.memref_slice %arg16[%multiple_of3A, %dma_start3A_588] : memref<10000x128xf32, #tpu.memory_space<vmem_shared>> -> memref<80x128xf32, #tpu.memory_space<vmem_shared>>
      %dma_start3A_590 = arith.constant 0 : i32
      %dma_start3A_591 = tpu.memref_slice %arg16[%multiple_of3A, %dma_start3A_590] : memref<10000x128xf32, #tpu.memory_space<vmem_shared>> -> memref<80x128xf32, #tpu.memory_space<vmem_shared>>
      tpu.enqueue_dma source(%arg15 : memref<80x128xf32, #tpu.memory_space<vmem>>) target(%dma_start3A_591 : memref<80x128xf32, #tpu.memory_space<vmem_shared>>) target_semaphore(%arg31 : memref<!tpu.dma_semaphore, #tpu.memory_space<semaphore_mem>>)
    } else {
    }
    %gt3A_95 = arith.constant 3 : i32
    %gt3A_96 = arith.cmpi sgt, %select_n3A, %gt3A_95 : i32
    %convert_element_type3A_97 = arith.extui %gt3A_96 : i1 to i32
    %cond3A_98 = arith.constant 0 : i32
    %cond3A_99 = arith.cmpi ne, %convert_element_type3A_97, %cond3A_98 : i32
    scf.if %cond3A_99 {
      %mul3A_582 = arith.constant 8 : i32
      %mul3A_583 = arith.muli %arg1, %mul3A_582 : i32
      %add3A_584 = arith.constant 3 : i32
      %add3A_585 = arith.addi %mul3A_583, %add3A_584 : i32
      %mul3A_586 = arith.constant 80 : i32
      %mul3A_587 = arith.muli %add3A_585, %mul3A_586 : i32
      %multiple_of3A = tpu.assume_multiple %mul3A_587, 8 : i32
      %dma_start3A_588 = arith.constant 0 : i32
      %dma_start3A_589 = tpu.memref_slice %arg16[%multiple_of3A, %dma_start3A_588] : memref<10000x128xf32, #tpu.memory_space<vmem_shared>> -> memref<80x128xf32, #tpu.memory_space<vmem_shared>>
      %dma_start3A_590 = arith.constant 0 : i32
      %dma_start3A_591 = tpu.memref_slice %arg16[%multiple_of3A, %dma_start3A_590] : memref<10000x128xf32, #tpu.memory_space<vmem_shared>> -> memref<80x128xf32, #tpu.memory_space<vmem_shared>>
      tpu.enqueue_dma source(%arg15 : memref<80x128xf32, #tpu.memory_space<vmem>>) target(%dma_start3A_591 : memref<80x128xf32, #tpu.memory_space<vmem_shared>>) target_semaphore(%arg32 : memref<!tpu.dma_semaphore, #tpu.memory_space<semaphore_mem>>)
    } else {
    }
    %gt3A_100 = arith.constant 4 : i32
    %gt3A_101 = arith.cmpi sgt, %select_n3A, %gt3A_100 : i32
    %convert_element_type3A_102 = arith.extui %gt3A_101 : i1 to i32
    %cond3A_103 = arith.constant 0 : i32
    %cond3A_104 = arith.cmpi ne, %convert_element_type3A_102, %cond3A_103 : i32
    scf.if %cond3A_104 {
      %mul3A_582 = arith.constant 8 : i32
      %mul3A_583 = arith.muli %arg1, %mul3A_582 : i32
      %add3A_584 = arith.constant 4 : i32
      %add3A_585 = arith.addi %mul3A_583, %add3A_584 : i32
      %mul3A_586 = arith.constant 80 : i32
      %mul3A_587 = arith.muli %add3A_585, %mul3A_586 : i32
      %multiple_of3A = tpu.assume_multiple %mul3A_587, 8 : i32
      %dma_start3A_588 = arith.constant 0 : i32
      %dma_start3A_589 = tpu.memref_slice %arg16[%multiple_of3A, %dma_start3A_588] : memref<10000x128xf32, #tpu.memory_space<vmem_shared>> -> memref<80x128xf32, #tpu.memory_space<vmem_shared>>
      %dma_start3A_590 = arith.constant 0 : i32
      %dma_start3A_591 = tpu.memref_slice %arg16[%multiple_of3A, %dma_start3A_590] : memref<10000x128xf32, #tpu.memory_space<vmem_shared>> -> memref<80x128xf32, #tpu.memory_space<vmem_shared>>
      tpu.enqueue_dma source(%arg15 : memref<80x128xf32, #tpu.memory_space<vmem>>) target(%dma_start3A_591 : memref<80x128xf32, #tpu.memory_space<vmem_shared>>) target_semaphore(%arg33 : memref<!tpu.dma_semaphore, #tpu.memory_space<semaphore_mem>>)
    } else {
    }
    %gt3A_105 = arith.constant 5 : i32
    %gt3A_106 = arith.cmpi sgt, %select_n3A, %gt3A_105 : i32
    %convert_element_type3A_107 = arith.extui %gt3A_106 : i1 to i32
    %cond3A_108 = arith.constant 0 : i32
    %cond3A_109 = arith.cmpi ne, %convert_element_type3A_107, %cond3A_108 : i32
    scf.if %cond3A_109 {
      %mul3A_582 = arith.constant 8 : i32
      %mul3A_583 = arith.muli %arg1, %mul3A_582 : i32
      %add3A_584 = arith.constant 5 : i32
      %add3A_585 = arith.addi %mul3A_583, %add3A_584 : i32
      %mul3A_586 = arith.constant 80 : i32
      %mul3A_587 = arith.muli %add3A_585, %mul3A_586 : i32
      %multiple_of3A = tpu.assume_multiple %mul3A_587, 8 : i32
      %dma_start3A_588 = arith.constant 0 : i32
      %dma_start3A_589 = tpu.memref_slice %arg16[%multiple_of3A, %dma_start3A_588] : memref<10000x128xf32, #tpu.memory_space<vmem_shared>> -> memref<80x128xf32, #tpu.memory_space<vmem_shared>>
      %dma_start3A_590 = arith.constant 0 : i32
      %dma_start3A_591 = tpu.memref_slice %arg16[%multiple_of3A, %dma_start3A_590] : memref<10000x128xf32, #tpu.memory_space<vmem_shared>> -> memref<80x128xf32, #tpu.memory_space<vmem_shared>>
      tpu.enqueue_dma source(%arg15 : memref<80x128xf32, #tpu.memory_space<vmem>>) target(%dma_start3A_591 : memref<80x128xf32, #tpu.memory_space<vmem_shared>>) target_semaphore(%arg34 : memref<!tpu.dma_semaphore, #tpu.memory_space<semaphore_mem>>)
    } else {
    }
    %gt3A_110 = arith.constant 6 : i32
    %gt3A_111 = arith.cmpi sgt, %select_n3A, %gt3A_110 : i32
    %convert_element_type3A_112 = arith.extui %gt3A_111 : i1 to i32
    %cond3A_113 = arith.constant 0 : i32
    %cond3A_114 = arith.cmpi ne, %convert_element_type3A_112, %cond3A_113 : i32
    scf.if %cond3A_114 {
      %mul3A_582 = arith.constant 8 : i32
      %mul3A_583 = arith.muli %arg1, %mul3A_582 : i32
      %add3A_584 = arith.constant 6 : i32
      %add3A_585 = arith.addi %mul3A_583, %add3A_584 : i32
      %mul3A_586 = arith.constant 80 : i32
      %mul3A_587 = arith.muli %add3A_585, %mul3A_586 : i32
      %multiple_of3A = tpu.assume_multiple %mul3A_587, 8 : i32
      %dma_start3A_588 = arith.constant 0 : i32
      %dma_start3A_589 = tpu.memref_slice %arg16[%multiple_of3A, %dma_start3A_588] : memref<10000x128xf32, #tpu.memory_space<vmem_shared>> -> memref<80x128xf32, #tpu.memory_space<vmem_shared>>
      %dma_start3A_590 = arith.constant 0 : i32
      %dma_start3A_591 = tpu.memref_slice %arg16[%multiple_of3A, %dma_start3A_590] : memref<10000x128xf32, #tpu.memory_space<vmem_shared>> -> memref<80x128xf32, #tpu.memory_space<vmem_shared>>
      tpu.enqueue_dma source(%arg15 : memref<80x128xf32, #tpu.memory_space<vmem>>) target(%dma_start3A_591 : memref<80x128xf32, #tpu.memory_space<vmem_shared>>) target_semaphore(%arg35 : memref<!tpu.dma_semaphore, #tpu.memory_space<semaphore_mem>>)
    } else {
    }
    %gt3A_115 = arith.constant 7 : i32
    %gt3A_116 = arith.cmpi sgt, %select_n3A, %gt3A_115 : i32
    %convert_element_type3A_117 = arith.extui %gt3A_116 : i1 to i32
    %cond3A_118 = arith.constant 0 : i32
    %cond3A_119 = arith.cmpi ne, %convert_element_type3A_117, %cond3A_118 : i32
    scf.if %cond3A_119 {
      %mul3A_582 = arith.constant 8 : i32
      %mul3A_583 = arith.muli %arg1, %mul3A_582 : i32
      %add3A_584 = arith.constant 7 : i32
      %add3A_585 = arith.addi %mul3A_583, %add3A_584 : i32
      %mul3A_586 = arith.constant 80 : i32
      %mul3A_587 = arith.muli %add3A_585, %mul3A_586 : i32
      %multiple_of3A = tpu.assume_multiple %mul3A_587, 8 : i32
      %dma_start3A_588 = arith.constant 0 : i32
      %dma_start3A_589 = tpu.memref_slice %arg16[%multiple_of3A, %dma_start3A_588] : memref<10000x128xf32, #tpu.memory_space<vmem_shared>> -> memref<80x128xf32, #tpu.memory_space<vmem_shared>>
      %dma_start3A_590 = arith.constant 0 : i32
      %dma_start3A_591 = tpu.memref_slice %arg16[%multiple_of3A, %dma_start3A_590] : memref<10000x128xf32, #tpu.memory_space<vmem_shared>> -> memref<80x128xf32, #tpu.memory_space<vmem_shared>>
      tpu.enqueue_dma source(%arg15 : memref<80x128xf32, #tpu.memory_space<vmem>>) target(%dma_start3A_591 : memref<80x128xf32, #tpu.memory_space<vmem_shared>>) target_semaphore(%arg36 : memref<!tpu.dma_semaphore, #tpu.memory_space<semaphore_mem>>)
    } else {
    }
    %mul3A_120 = arith.constant 128 : i32
    %mul3A_121 = arith.muli %mul3A_2, %mul3A_120 : i32
    %dma_wait3A = arith.constant 0 : i32
    %dma_wait3A_122 = arith.constant 0 : i32
    %dma_wait3A_123 = tpu.memref_slice %arg3[%dma_wait3A, %dma_wait3A_122] : memref<2x320000xi32, #tpu.memory_space<hbm>> -> memref<1x320000xi32, #tpu.memory_space<hbm>>
    %dma_wait3A_124 = tpu.memref_squeeze %dma_wait3A_123 : memref<1x320000xi32, #tpu.memory_space<hbm>> -> memref<320000xi32, #tpu.memory_space<hbm>>
    %dma_wait3A_125 = tpu.memref_slice %dma_wait3A_124[%mul3A_121] : memref<320000xi32, #tpu.memory_space<hbm>> -> memref<128xi32, #tpu.memory_space<hbm>>
    %dma_wait3A_126 = arith.constant 0 : i32
    %dma_wait3A_127 = tpu.memref_slice %arg3[%dma_wait3A, %dma_wait3A_126] : memref<2x320000xi32, #tpu.memory_space<hbm>> -> memref<1x320000xi32, #tpu.memory_space<hbm>>
    %dma_wait3A_128 = tpu.memref_squeeze %dma_wait3A_127 : memref<1x320000xi32, #tpu.memory_space<hbm>> -> memref<320000xi32, #tpu.memory_space<hbm>>
    %dma_wait3A_129 = tpu.memref_slice %dma_wait3A_128[%mul3A_121] : memref<320000xi32, #tpu.memory_space<hbm>> -> memref<128xi32, #tpu.memory_space<hbm>>
    tpu.wait_dma2 semaphore(%arg17 : memref<!tpu.dma_semaphore, #tpu.memory_space<semaphore_mem>>) src(%dma_wait3A_129 : memref<128xi32, #tpu.memory_space<hbm>>) dst(%arg5 : memref<128xi32, #tpu.memory_space<vmem>>)
    %mul3A_130 = arith.constant 128 : i32
    %mul3A_131 = arith.muli %mul3A_2, %mul3A_130 : i32
    %dma_wait3A_132 = arith.constant 1 : i32
    %dma_wait3A_133 = arith.constant 0 : i32
    %dma_wait3A_134 = tpu.memref_slice %arg3[%dma_wait3A_132, %dma_wait3A_133] : memref<2x320000xi32, #tpu.memory_space<hbm>> -> memref<1x320000xi32, #tpu.memory_space<hbm>>
    %dma_wait3A_135 = tpu.memref_squeeze %dma_wait3A_134 : memref<1x320000xi32, #tpu.memory_space<hbm>> -> memref<320000xi32, #tpu.memory_space<hbm>>
    %dma_wait3A_136 = tpu.memref_slice %dma_wait3A_135[%mul3A_131] : memref<320000xi32, #tpu.memory_space<hbm>> -> memref<128xi32, #tpu.memory_space<hbm>>
    %dma_wait3A_137 = arith.constant 0 : i32
    %dma_wait3A_138 = tpu.memref_slice %arg3[%dma_wait3A_132, %dma_wait3A_137] : memref<2x320000xi32, #tpu.memory_space<hbm>> -> memref<1x320000xi32, #tpu.memory_space<hbm>>
    %dma_wait3A_139 = tpu.memref_squeeze %dma_wait3A_138 : memref<1x320000xi32, #tpu.memory_space<hbm>> -> memref<320000xi32, #tpu.memory_space<hbm>>
    %dma_wait3A_140 = tpu.memref_slice %dma_wait3A_139[%mul3A_131] : memref<320000xi32, #tpu.memory_space<hbm>> -> memref<128xi32, #tpu.memory_space<hbm>>
    tpu.wait_dma2 semaphore(%arg21 : memref<!tpu.dma_semaphore, #tpu.memory_space<semaphore_mem>>) src(%dma_wait3A_140 : memref<128xi32, #tpu.memory_space<hbm>>) dst(%arg9 : memref<128xi32, #tpu.memory_space<vmem>>)
    %dma_start3A_141 = arith.constant 0 : i32
    %dma_start3A_142 = arith.constant 0 : i32
    %dma_start3A_143 = tpu.memref_slice %arg2[%dma_start3A_141, %dma_start3A_142] : memref<10000x128xf32, #tpu.memory_space<hbm>> -> memref<10000x128xf32, #tpu.memory_space<hbm>>
    tpu.enqueue_indirect_dma source(%dma_start3A_143 : memref<10000x128xf32, #tpu.memory_space<hbm>>) target(%arg13 : memref<128x128xf32, #tpu.memory_space<vmem>>) offsets(%arg5 : memref<128xi32, #tpu.memory_space<vmem>>) semaphore(%arg25 : memref<!tpu.dma_semaphore, #tpu.memory_space<semaphore_mem>>)
    %gt3A_144 = arith.constant 0 : i32
    %gt3A_145 = arith.cmpi sgt, %select_n3A, %gt3A_144 : i32
    %convert_element_type3A_146 = arith.extui %gt3A_145 : i1 to i32
    %cond3A_147 = arith.constant 0 : i32
    %cond3A_148 = arith.cmpi ne, %convert_element_type3A_146, %cond3A_147 : i32
    scf.if %cond3A_148 {
      %mul3A_582 = arith.constant 8 : i32
      %mul3A_583 = arith.muli %arg1, %mul3A_582 : i32
      %add3A_584 = arith.constant 0 : i32
      %add3A_585 = arith.addi %mul3A_583, %add3A_584 : i32
      %mul3A_586 = arith.constant 80 : i32
      %mul3A_587 = arith.muli %add3A_585, %mul3A_586 : i32
      %multiple_of3A = tpu.assume_multiple %mul3A_587, 8 : i32
      %dma_wait3A_588 = arith.constant 0 : i32
      %dma_wait3A_589 = tpu.memref_slice %arg16[%multiple_of3A, %dma_wait3A_588] : memref<10000x128xf32, #tpu.memory_space<vmem_shared>> -> memref<80x128xf32, #tpu.memory_space<vmem_shared>>
      %dma_wait3A_590 = arith.constant 0 : i32
      %dma_wait3A_591 = tpu.memref_slice %arg16[%multiple_of3A, %dma_wait3A_590] : memref<10000x128xf32, #tpu.memory_space<vmem_shared>> -> memref<80x128xf32, #tpu.memory_space<vmem_shared>>
      tpu.wait_dma2 semaphore(%arg29 : memref<!tpu.dma_semaphore, #tpu.memory_space<semaphore_mem>>) src(%arg15 : memref<80x128xf32, #tpu.memory_space<vmem>>) dst(%dma_wait3A_591 : memref<80x128xf32, #tpu.memory_space<vmem_shared>>)
    } else {
    }
    %gt3A_149 = arith.constant 1 : i32
    %gt3A_150 = arith.cmpi sgt, %select_n3A, %gt3A_149 : i32
    %convert_element_type3A_151 = arith.extui %gt3A_150 : i1 to i32
    %cond3A_152 = arith.constant 0 : i32
    %cond3A_153 = arith.cmpi ne, %convert_element_type3A_151, %cond3A_152 : i32
    scf.if %cond3A_153 {
      %mul3A_582 = arith.constant 8 : i32
      %mul3A_583 = arith.muli %arg1, %mul3A_582 : i32
      %add3A_584 = arith.constant 1 : i32
      %add3A_585 = arith.addi %mul3A_583, %add3A_584 : i32
      %mul3A_586 = arith.constant 80 : i32
      %mul3A_587 = arith.muli %add3A_585, %mul3A_586 : i32
      %multiple_of3A = tpu.assume_multiple %mul3A_587, 8 : i32
      %dma_wait3A_588 = arith.constant 0 : i32
      %dma_wait3A_589 = tpu.memref_slice %arg16[%multiple_of3A, %dma_wait3A_588] : memref<10000x128xf32, #tpu.memory_space<vmem_shared>> -> memref<80x128xf32, #tpu.memory_space<vmem_shared>>
      %dma_wait3A_590 = arith.constant 0 : i32
      %dma_wait3A_591 = tpu.memref_slice %arg16[%multiple_of3A, %dma_wait3A_590] : memref<10000x128xf32, #tpu.memory_space<vmem_shared>> -> memref<80x128xf32, #tpu.memory_space<vmem_shared>>
      tpu.wait_dma2 semaphore(%arg30 : memref<!tpu.dma_semaphore, #tpu.memory_space<semaphore_mem>>) src(%arg15 : memref<80x128xf32, #tpu.memory_space<vmem>>) dst(%dma_wait3A_591 : memref<80x128xf32, #tpu.memory_space<vmem_shared>>)
    } else {
    }
    %gt3A_154 = arith.constant 2 : i32
    %gt3A_155 = arith.cmpi sgt, %select_n3A, %gt3A_154 : i32
    %convert_element_type3A_156 = arith.extui %gt3A_155 : i1 to i32
    %cond3A_157 = arith.constant 0 : i32
    %cond3A_158 = arith.cmpi ne, %convert_element_type3A_156, %cond3A_157 : i32
    scf.if %cond3A_158 {
      %mul3A_582 = arith.constant 8 : i32
      %mul3A_583 = arith.muli %arg1, %mul3A_582 : i32
      %add3A_584 = arith.constant 2 : i32
      %add3A_585 = arith.addi %mul3A_583, %add3A_584 : i32
      %mul3A_586 = arith.constant 80 : i32
      %mul3A_587 = arith.muli %add3A_585, %mul3A_586 : i32
      %multiple_of3A = tpu.assume_multiple %mul3A_587, 8 : i32
      %dma_wait3A_588 = arith.constant 0 : i32
      %dma_wait3A_589 = tpu.memref_slice %arg16[%multiple_of3A, %dma_wait3A_588] : memref<10000x128xf32, #tpu.memory_space<vmem_shared>> -> memref<80x128xf32, #tpu.memory_space<vmem_shared>>
      %dma_wait3A_590 = arith.constant 0 : i32
      %dma_wait3A_591 = tpu.memref_slice %arg16[%multiple_of3A, %dma_wait3A_590] : memref<10000x128xf32, #tpu.memory_space<vmem_shared>> -> memref<80x128xf32, #tpu.memory_space<vmem_shared>>
      tpu.wait_dma2 semaphore(%arg31 : memref<!tpu.dma_semaphore, #tpu.memory_space<semaphore_mem>>) src(%arg15 : memref<80x128xf32, #tpu.memory_space<vmem>>) dst(%dma_wait3A_591 : memref<80x128xf32, #tpu.memory_space<vmem_shared>>)
    } else {
    }
    %gt3A_159 = arith.constant 3 : i32
    %gt3A_160 = arith.cmpi sgt, %select_n3A, %gt3A_159 : i32
    %convert_element_type3A_161 = arith.extui %gt3A_160 : i1 to i32
    %cond3A_162 = arith.constant 0 : i32
    %cond3A_163 = arith.cmpi ne, %convert_element_type3A_161, %cond3A_162 : i32
    scf.if %cond3A_163 {
      %mul3A_582 = arith.constant 8 : i32
      %mul3A_583 = arith.muli %arg1, %mul3A_582 : i32
      %add3A_584 = arith.constant 3 : i32
      %add3A_585 = arith.addi %mul3A_583, %add3A_584 : i32
      %mul3A_586 = arith.constant 80 : i32
      %mul3A_587 = arith.muli %add3A_585, %mul3A_586 : i32
      %multiple_of3A = tpu.assume_multiple %mul3A_587, 8 : i32
      %dma_wait3A_588 = arith.constant 0 : i32
      %dma_wait3A_589 = tpu.memref_slice %arg16[%multiple_of3A, %dma_wait3A_588] : memref<10000x128xf32, #tpu.memory_space<vmem_shared>> -> memref<80x128xf32, #tpu.memory_space<vmem_shared>>
      %dma_wait3A_590 = arith.constant 0 : i32
      %dma_wait3A_591 = tpu.memref_slice %arg16[%multiple_of3A, %dma_wait3A_590] : memref<10000x128xf32, #tpu.memory_space<vmem_shared>> -> memref<80x128xf32, #tpu.memory_space<vmem_shared>>
      tpu.wait_dma2 semaphore(%arg32 : memref<!tpu.dma_semaphore, #tpu.memory_space<semaphore_mem>>) src(%arg15 : memref<80x128xf32, #tpu.memory_space<vmem>>) dst(%dma_wait3A_591 : memref<80x128xf32, #tpu.memory_space<vmem_shared>>)
    } else {
    }
    %gt3A_164 = arith.constant 4 : i32
    %gt3A_165 = arith.cmpi sgt, %select_n3A, %gt3A_164 : i32
    %convert_element_type3A_166 = arith.extui %gt3A_165 : i1 to i32
    %cond3A_167 = arith.constant 0 : i32
    %cond3A_168 = arith.cmpi ne, %convert_element_type3A_166, %cond3A_167 : i32
    scf.if %cond3A_168 {
      %mul3A_582 = arith.constant 8 : i32
      %mul3A_583 = arith.muli %arg1, %mul3A_582 : i32
      %add3A_584 = arith.constant 4 : i32
      %add3A_585 = arith.addi %mul3A_583, %add3A_584 : i32
      %mul3A_586 = arith.constant 80 : i32
      %mul3A_587 = arith.muli %add3A_585, %mul3A_586 : i32
      %multiple_of3A = tpu.assume_multiple %mul3A_587, 8 : i32
      %dma_wait3A_588 = arith.constant 0 : i32
      %dma_wait3A_589 = tpu.memref_slice %arg16[%multiple_of3A, %dma_wait3A_588] : memref<10000x128xf32, #tpu.memory_space<vmem_shared>> -> memref<80x128xf32, #tpu.memory_space<vmem_shared>>
      %dma_wait3A_590 = arith.constant 0 : i32
      %dma_wait3A_591 = tpu.memref_slice %arg16[%multiple_of3A, %dma_wait3A_590] : memref<10000x128xf32, #tpu.memory_space<vmem_shared>> -> memref<80x128xf32, #tpu.memory_space<vmem_shared>>
      tpu.wait_dma2 semaphore(%arg33 : memref<!tpu.dma_semaphore, #tpu.memory_space<semaphore_mem>>) src(%arg15 : memref<80x128xf32, #tpu.memory_space<vmem>>) dst(%dma_wait3A_591 : memref<80x128xf32, #tpu.memory_space<vmem_shared>>)
    } else {
    }
    %gt3A_169 = arith.constant 5 : i32
    %gt3A_170 = arith.cmpi sgt, %select_n3A, %gt3A_169 : i32
    %convert_element_type3A_171 = arith.extui %gt3A_170 : i1 to i32
    %cond3A_172 = arith.constant 0 : i32
    %cond3A_173 = arith.cmpi ne, %convert_element_type3A_171, %cond3A_172 : i32
    scf.if %cond3A_173 {
      %mul3A_582 = arith.constant 8 : i32
      %mul3A_583 = arith.muli %arg1, %mul3A_582 : i32
      %add3A_584 = arith.constant 5 : i32
      %add3A_585 = arith.addi %mul3A_583, %add3A_584 : i32
      %mul3A_586 = arith.constant 80 : i32
      %mul3A_587 = arith.muli %add3A_585, %mul3A_586 : i32
      %multiple_of3A = tpu.assume_multiple %mul3A_587, 8 : i32
      %dma_wait3A_588 = arith.constant 0 : i32
      %dma_wait3A_589 = tpu.memref_slice %arg16[%multiple_of3A, %dma_wait3A_588] : memref<10000x128xf32, #tpu.memory_space<vmem_shared>> -> memref<80x128xf32, #tpu.memory_space<vmem_shared>>
      %dma_wait3A_590 = arith.constant 0 : i32
      %dma_wait3A_591 = tpu.memref_slice %arg16[%multiple_of3A, %dma_wait3A_590] : memref<10000x128xf32, #tpu.memory_space<vmem_shared>> -> memref<80x128xf32, #tpu.memory_space<vmem_shared>>
      tpu.wait_dma2 semaphore(%arg34 : memref<!tpu.dma_semaphore, #tpu.memory_space<semaphore_mem>>) src(%arg15 : memref<80x128xf32, #tpu.memory_space<vmem>>) dst(%dma_wait3A_591 : memref<80x128xf32, #tpu.memory_space<vmem_shared>>)
    } else {
    }
    %gt3A_174 = arith.constant 6 : i32
    %gt3A_175 = arith.cmpi sgt, %select_n3A, %gt3A_174 : i32
    %convert_element_type3A_176 = arith.extui %gt3A_175 : i1 to i32
    %cond3A_177 = arith.constant 0 : i32
    %cond3A_178 = arith.cmpi ne, %convert_element_type3A_176, %cond3A_177 : i32
    scf.if %cond3A_178 {
      %mul3A_582 = arith.constant 8 : i32
      %mul3A_583 = arith.muli %arg1, %mul3A_582 : i32
      %add3A_584 = arith.constant 6 : i32
      %add3A_585 = arith.addi %mul3A_583, %add3A_584 : i32
      %mul3A_586 = arith.constant 80 : i32
      %mul3A_587 = arith.muli %add3A_585, %mul3A_586 : i32
      %multiple_of3A = tpu.assume_multiple %mul3A_587, 8 : i32
      %dma_wait3A_588 = arith.constant 0 : i32
      %dma_wait3A_589 = tpu.memref_slice %arg16[%multiple_of3A, %dma_wait3A_588] : memref<10000x128xf32, #tpu.memory_space<vmem_shared>> -> memref<80x128xf32, #tpu.memory_space<vmem_shared>>
      %dma_wait3A_590 = arith.constant 0 : i32
      %dma_wait3A_591 = tpu.memref_slice %arg16[%multiple_of3A, %dma_wait3A_590] : memref<10000x128xf32, #tpu.memory_space<vmem_shared>> -> memref<80x128xf32, #tpu.memory_space<vmem_shared>>
      tpu.wait_dma2 semaphore(%arg35 : memref<!tpu.dma_semaphore, #tpu.memory_space<semaphore_mem>>) src(%arg15 : memref<80x128xf32, #tpu.memory_space<vmem>>) dst(%dma_wait3A_591 : memref<80x128xf32, #tpu.memory_space<vmem_shared>>)
    } else {
    }
    %gt3A_179 = arith.constant 7 : i32
    %gt3A_180 = arith.cmpi sgt, %select_n3A, %gt3A_179 : i32
    %convert_element_type3A_181 = arith.extui %gt3A_180 : i1 to i32
    %cond3A_182 = arith.constant 0 : i32
    %cond3A_183 = arith.cmpi ne, %convert_element_type3A_181, %cond3A_182 : i32
    scf.if %cond3A_183 {
      %mul3A_582 = arith.constant 8 : i32
      %mul3A_583 = arith.muli %arg1, %mul3A_582 : i32
      %add3A_584 = arith.constant 7 : i32
      %add3A_585 = arith.addi %mul3A_583, %add3A_584 : i32
      %mul3A_586 = arith.constant 80 : i32
      %mul3A_587 = arith.muli %add3A_585, %mul3A_586 : i32
      %multiple_of3A = tpu.assume_multiple %mul3A_587, 8 : i32
      %dma_wait3A_588 = arith.constant 0 : i32
      %dma_wait3A_589 = tpu.memref_slice %arg16[%multiple_of3A, %dma_wait3A_588] : memref<10000x128xf32, #tpu.memory_space<vmem_shared>> -> memref<80x128xf32, #tpu.memory_space<vmem_shared>>
      %dma_wait3A_590 = arith.constant 0 : i32
      %dma_wait3A_591 = tpu.memref_slice %arg16[%multiple_of3A, %dma_wait3A_590] : memref<10000x128xf32, #tpu.memory_space<vmem_shared>> -> memref<80x128xf32, #tpu.memory_space<vmem_shared>>
      tpu.wait_dma2 semaphore(%arg36 : memref<!tpu.dma_semaphore, #tpu.memory_space<semaphore_mem>>) src(%arg15 : memref<80x128xf32, #tpu.memory_space<vmem>>) dst(%dma_wait3A_591 : memref<80x128xf32, #tpu.memory_space<vmem_shared>>)
    } else {
    }
    %barrier3A = arith.constant 0 : index
    tpu.barrier barrier_id(%barrier3A)
    %add3A_184 = arith.constant 0 : i32
    %add3A_185 = arith.addi %mul3A_2, %add3A_184 : i32
    %add3A_186 = arith.constant 3 : i32
    %add3A_187 = arith.addi %add3A_185, %add3A_186 : i32
    %mul3A_188 = arith.constant 128 : i32
    %mul3A_189 = arith.muli %add3A_187, %mul3A_188 : i32
    %dma_start3A_190 = arith.constant 0 : i32
    %dma_start3A_191 = arith.constant 0 : i32
    %dma_start3A_192 = tpu.memref_slice %arg3[%dma_start3A_190, %dma_start3A_191] : memref<2x320000xi32, #tpu.memory_space<hbm>> -> memref<1x320000xi32, #tpu.memory_space<hbm>>
    %dma_start3A_193 = tpu.memref_squeeze %dma_start3A_192 : memref<1x320000xi32, #tpu.memory_space<hbm>> -> memref<320000xi32, #tpu.memory_space<hbm>>
    %dma_start3A_194 = tpu.memref_slice %dma_start3A_193[%mul3A_189] : memref<320000xi32, #tpu.memory_space<hbm>> -> memref<128xi32, #tpu.memory_space<hbm>>
    %dma_start3A_195 = arith.constant 0 : i32
    %dma_start3A_196 = tpu.memref_slice %arg3[%dma_start3A_190, %dma_start3A_195] : memref<2x320000xi32, #tpu.memory_space<hbm>> -> memref<1x320000xi32, #tpu.memory_space<hbm>>
    %dma_start3A_197 = tpu.memref_squeeze %dma_start3A_196 : memref<1x320000xi32, #tpu.memory_space<hbm>> -> memref<320000xi32, #tpu.memory_space<hbm>>
    %dma_start3A_198 = tpu.memref_slice %dma_start3A_197[%mul3A_189] : memref<320000xi32, #tpu.memory_space<hbm>> -> memref<128xi32, #tpu.memory_space<hbm>>
    tpu.enqueue_dma source(%dma_start3A_198 : memref<128xi32, #tpu.memory_space<hbm>>) target(%arg8 : memref<128xi32, #tpu.memory_space<vmem>>) target_semaphore(%arg20 : memref<!tpu.dma_semaphore, #tpu.memory_space<semaphore_mem>>)
    %mul3A_199 = arith.constant 128 : i32
    %mul3A_200 = arith.muli %add3A_187, %mul3A_199 : i32
    %dma_start3A_201 = arith.constant 1 : i32
    %dma_start3A_202 = arith.constant 0 : i32
    %dma_start3A_203 = tpu.memref_slice %arg3[%dma_start3A_201, %dma_start3A_202] : memref<2x320000xi32, #tpu.memory_space<hbm>> -> memref<1x320000xi32, #tpu.memory_space<hbm>>
    %dma_start3A_204 = tpu.memref_squeeze %dma_start3A_203 : memref<1x320000xi32, #tpu.memory_space<hbm>> -> memref<320000xi32, #tpu.memory_space<hbm>>
    %dma_start3A_205 = tpu.memref_slice %dma_start3A_204[%mul3A_200] : memref<320000xi32, #tpu.memory_space<hbm>> -> memref<128xi32, #tpu.memory_space<hbm>>
    %dma_start3A_206 = arith.constant 0 : i32
    %dma_start3A_207 = tpu.memref_slice %arg3[%dma_start3A_201, %dma_start3A_206] : memref<2x320000xi32, #tpu.memory_space<hbm>> -> memref<1x320000xi32, #tpu.memory_space<hbm>>
    %dma_start3A_208 = tpu.memref_squeeze %dma_start3A_207 : memref<1x320000xi32, #tpu.memory_space<hbm>> -> memref<320000xi32, #tpu.memory_space<hbm>>
    %dma_start3A_209 = tpu.memref_slice %dma_start3A_208[%mul3A_200] : memref<320000xi32, #tpu.memory_space<hbm>> -> memref<128xi32, #tpu.memory_space<hbm>>
    tpu.enqueue_dma source(%dma_start3A_209 : memref<128xi32, #tpu.memory_space<hbm>>) target(%arg12 : memref<128xi32, #tpu.memory_space<vmem>>) target_semaphore(%arg24 : memref<!tpu.dma_semaphore, #tpu.memory_space<semaphore_mem>>)
    %add3A_210 = arith.constant 0 : i32
    %add3A_211 = arith.addi %mul3A_2, %add3A_210 : i32
    %add3A_212 = arith.constant 1 : i32
    %add3A_213 = arith.addi %add3A_211, %add3A_212 : i32
    %mul3A_214 = arith.constant 128 : i32
    %mul3A_215 = arith.muli %add3A_213, %mul3A_214 : i32
    %dma_wait3A_216 = arith.constant 0 : i32
    %dma_wait3A_217 = arith.constant 0 : i32
    %dma_wait3A_218 = tpu.memref_slice %arg3[%dma_wait3A_216, %dma_wait3A_217] : memref<2x320000xi32, #tpu.memory_space<hbm>> -> memref<1x320000xi32, #tpu.memory_space<hbm>>
    %dma_wait3A_219 = tpu.memref_squeeze %dma_wait3A_218 : memref<1x320000xi32, #tpu.memory_space<hbm>> -> memref<320000xi32, #tpu.memory_space<hbm>>
    %dma_wait3A_220 = tpu.memref_slice %dma_wait3A_219[%mul3A_215] : memref<320000xi32, #tpu.memory_space<hbm>> -> memref<128xi32, #tpu.memory_space<hbm>>
    %dma_wait3A_221 = arith.constant 0 : i32
    %dma_wait3A_222 = tpu.memref_slice %arg3[%dma_wait3A_216, %dma_wait3A_221] : memref<2x320000xi32, #tpu.memory_space<hbm>> -> memref<1x320000xi32, #tpu.memory_space<hbm>>
    %dma_wait3A_223 = tpu.memref_squeeze %dma_wait3A_222 : memref<1x320000xi32, #tpu.memory_space<hbm>> -> memref<320000xi32, #tpu.memory_space<hbm>>
    %dma_wait3A_224 = tpu.memref_slice %dma_wait3A_223[%mul3A_215] : memref<320000xi32, #tpu.memory_space<hbm>> -> memref<128xi32, #tpu.memory_space<hbm>>
    tpu.wait_dma2 semaphore(%arg18 : memref<!tpu.dma_semaphore, #tpu.memory_space<semaphore_mem>>) src(%dma_wait3A_224 : memref<128xi32, #tpu.memory_space<hbm>>) dst(%arg6 : memref<128xi32, #tpu.memory_space<vmem>>)
    %mul3A_225 = arith.constant 128 : i32
    %mul3A_226 = arith.muli %add3A_213, %mul3A_225 : i32
    %dma_wait3A_227 = arith.constant 1 : i32
    %dma_wait3A_228 = arith.constant 0 : i32
    %dma_wait3A_229 = tpu.memref_slice %arg3[%dma_wait3A_227, %dma_wait3A_228] : memref<2x320000xi32, #tpu.memory_space<hbm>> -> memref<1x320000xi32, #tpu.memory_space<hbm>>
    %dma_wait3A_230 = tpu.memref_squeeze %dma_wait3A_229 : memref<1x320000xi32, #tpu.memory_space<hbm>> -> memref<320000xi32, #tpu.memory_space<hbm>>
    %dma_wait3A_231 = tpu.memref_slice %dma_wait3A_230[%mul3A_226] : memref<320000xi32, #tpu.memory_space<hbm>> -> memref<128xi32, #tpu.memory_space<hbm>>
    %dma_wait3A_232 = arith.constant 0 : i32
    %dma_wait3A_233 = tpu.memref_slice %arg3[%dma_wait3A_227, %dma_wait3A_232] : memref<2x320000xi32, #tpu.memory_space<hbm>> -> memref<1x320000xi32, #tpu.memory_space<hbm>>
    %dma_wait3A_234 = tpu.memref_squeeze %dma_wait3A_233 : memref<1x320000xi32, #tpu.memory_space<hbm>> -> memref<320000xi32, #tpu.memory_space<hbm>>
    %dma_wait3A_235 = tpu.memref_slice %dma_wait3A_234[%mul3A_226] : memref<320000xi32, #tpu.memory_space<hbm>> -> memref<128xi32, #tpu.memory_space<hbm>>
    tpu.wait_dma2 semaphore(%arg22 : memref<!tpu.dma_semaphore, #tpu.memory_space<semaphore_mem>>) src(%dma_wait3A_235 : memref<128xi32, #tpu.memory_space<hbm>>) dst(%arg10 : memref<128xi32, #tpu.memory_space<vmem>>)
    %dma_start3A_236 = arith.constant 0 : i32
    %dma_start3A_237 = arith.constant 0 : i32
    %dma_start3A_238 = tpu.memref_slice %arg2[%dma_start3A_236, %dma_start3A_237] : memref<10000x128xf32, #tpu.memory_space<hbm>> -> memref<10000x128xf32, #tpu.memory_space<hbm>>
    tpu.enqueue_indirect_dma source(%dma_start3A_238 : memref<10000x128xf32, #tpu.memory_space<hbm>>) target(%arg14 : memref<128x128xf32, #tpu.memory_space<vmem>>) offsets(%arg6 : memref<128xi32, #tpu.memory_space<vmem>>) semaphore(%arg26 : memref<!tpu.dma_semaphore, #tpu.memory_space<semaphore_mem>>)
    %dma_wait3A_239 = arith.constant 0 : i32
    %dma_wait3A_240 = arith.constant 0 : i32
    %dma_wait3A_241 = tpu.memref_slice %arg2[%dma_wait3A_239, %dma_wait3A_240] : memref<10000x128xf32, #tpu.memory_space<hbm>> -> memref<10000x128xf32, #tpu.memory_space<hbm>>
    tpu.wait_indirect_dma semaphore(%arg25 : memref<!tpu.dma_semaphore, #tpu.memory_space<semaphore_mem>>) src(%dma_wait3A_241 : memref<10000x128xf32, #tpu.memory_space<hbm>>) dst(%arg13 : memref<128x128xf32, #tpu.memory_space<vmem>>)
    %dma_start3A_242 = arith.constant 0 : i32
    %dma_start3A_243 = arith.constant 0 : i32
    %dma_start3A_244 = tpu.memref_slice %arg16[%dma_start3A_242, %dma_start3A_243] : memref<10000x128xf32, #tpu.memory_space<vmem_shared>> -> memref<10000x128xf32, #tpu.memory_space<vmem_shared>>
    tpu.enqueue_indirect_dma source(%arg13 : memref<128x128xf32, #tpu.memory_space<vmem>>) target(%dma_start3A_244 : memref<10000x128xf32, #tpu.memory_space<vmem_shared>>) offsets(%arg9 : memref<128xi32, #tpu.memory_space<vmem>>) semaphore(%arg27 : memref<!tpu.dma_semaphore, #tpu.memory_space<semaphore_mem>>) {add = true}
    %dma_wait3A_245 = arith.constant 0 : i32
    %dma_wait3A_246 = arith.constant 0 : i32
    %dma_wait3A_247 = tpu.memref_slice %arg16[%dma_wait3A_245, %dma_wait3A_246] : memref<10000x128xf32, #tpu.memory_space<vmem_shared>> -> memref<10000x128xf32, #tpu.memory_space<vmem_shared>>
    tpu.wait_indirect_dma semaphore(%arg27 : memref<!tpu.dma_semaphore, #tpu.memory_space<semaphore_mem>>) src(%arg13 : memref<128x128xf32, #tpu.memory_space<vmem>>) dst(%dma_wait3A_247 : memref<10000x128xf32, #tpu.memory_space<vmem_shared>>)
    %add3A_248 = arith.constant 1 : i32
    %add3A_249 = arith.addi %mul3A_2, %add3A_248 : i32
    %add3A_250 = arith.constant 3 : i32
    %add3A_251 = arith.addi %add3A_249, %add3A_250 : i32
    %mul3A_252 = arith.constant 128 : i32
    %mul3A_253 = arith.muli %add3A_251, %mul3A_252 : i32
    %dma_start3A_254 = arith.constant 0 : i32
    %dma_start3A_255 = arith.constant 0 : i32
    %dma_start3A_256 = tpu.memref_slice %arg3[%dma_start3A_254, %dma_start3A_255] : memref<2x320000xi32, #tpu.memory_space<hbm>> -> memref<1x320000xi32, #tpu.memory_space<hbm>>
    %dma_start3A_257 = tpu.memref_squeeze %dma_start3A_256 : memref<1x320000xi32, #tpu.memory_space<hbm>> -> memref<320000xi32, #tpu.memory_space<hbm>>
    %dma_start3A_258 = tpu.memref_slice %dma_start3A_257[%mul3A_253] : memref<320000xi32, #tpu.memory_space<hbm>> -> memref<128xi32, #tpu.memory_space<hbm>>
    %dma_start3A_259 = arith.constant 0 : i32
    %dma_start3A_260 = tpu.memref_slice %arg3[%dma_start3A_254, %dma_start3A_259] : memref<2x320000xi32, #tpu.memory_space<hbm>> -> memref<1x320000xi32, #tpu.memory_space<hbm>>
    %dma_start3A_261 = tpu.memref_squeeze %dma_start3A_260 : memref<1x320000xi32, #tpu.memory_space<hbm>> -> memref<320000xi32, #tpu.memory_space<hbm>>
    %dma_start3A_262 = tpu.memref_slice %dma_start3A_261[%mul3A_253] : memref<320000xi32, #tpu.memory_space<hbm>> -> memref<128xi32, #tpu.memory_space<hbm>>
    tpu.enqueue_dma source(%dma_start3A_262 : memref<128xi32, #tpu.memory_space<hbm>>) target(%arg5 : memref<128xi32, #tpu.memory_space<vmem>>) target_semaphore(%arg17 : memref<!tpu.dma_semaphore, #tpu.memory_space<semaphore_mem>>)
    %mul3A_263 = arith.constant 128 : i32
    %mul3A_264 = arith.muli %add3A_251, %mul3A_263 : i32
    %dma_start3A_265 = arith.constant 1 : i32
    %dma_start3A_266 = arith.constant 0 : i32
    %dma_start3A_267 = tpu.memref_slice %arg3[%dma_start3A_265, %dma_start3A_266] : memref<2x320000xi32, #tpu.memory_space<hbm>> -> memref<1x320000xi32, #tpu.memory_space<hbm>>
    %dma_start3A_268 = tpu.memref_squeeze %dma_start3A_267 : memref<1x320000xi32, #tpu.memory_space<hbm>> -> memref<320000xi32, #tpu.memory_space<hbm>>
    %dma_start3A_269 = tpu.memref_slice %dma_start3A_268[%mul3A_264] : memref<320000xi32, #tpu.memory_space<hbm>> -> memref<128xi32, #tpu.memory_space<hbm>>
    %dma_start3A_270 = arith.constant 0 : i32
    %dma_start3A_271 = tpu.memref_slice %arg3[%dma_start3A_265, %dma_start3A_270] : memref<2x320000xi32, #tpu.memory_space<hbm>> -> memref<1x320000xi32, #tpu.memory_space<hbm>>
    %dma_start3A_272 = tpu.memref_squeeze %dma_start3A_271 : memref<1x320000xi32, #tpu.memory_space<hbm>> -> memref<320000xi32, #tpu.memory_space<hbm>>
    %dma_start3A_273 = tpu.memref_slice %dma_start3A_272[%mul3A_264] : memref<320000xi32, #tpu.memory_space<hbm>> -> memref<128xi32, #tpu.memory_space<hbm>>
    tpu.enqueue_dma source(%dma_start3A_273 : memref<128xi32, #tpu.memory_space<hbm>>) target(%arg9 : memref<128xi32, #tpu.memory_space<vmem>>) target_semaphore(%arg21 : memref<!tpu.dma_semaphore, #tpu.memory_space<semaphore_mem>>)
    %add3A_274 = arith.constant 1 : i32
    %add3A_275 = arith.addi %mul3A_2, %add3A_274 : i32
    %add3A_276 = arith.constant 1 : i32
    %add3A_277 = arith.addi %add3A_275, %add3A_276 : i32
    %mul3A_278 = arith.constant 128 : i32
    %mul3A_279 = arith.muli %add3A_277, %mul3A_278 : i32
    %dma_wait3A_280 = arith.constant 0 : i32
    %dma_wait3A_281 = arith.constant 0 : i32
    %dma_wait3A_282 = tpu.memref_slice %arg3[%dma_wait3A_280, %dma_wait3A_281] : memref<2x320000xi32, #tpu.memory_space<hbm>> -> memref<1x320000xi32, #tpu.memory_space<hbm>>
    %dma_wait3A_283 = tpu.memref_squeeze %dma_wait3A_282 : memref<1x320000xi32, #tpu.memory_space<hbm>> -> memref<320000xi32, #tpu.memory_space<hbm>>
    %dma_wait3A_284 = tpu.memref_slice %dma_wait3A_283[%mul3A_279] : memref<320000xi32, #tpu.memory_space<hbm>> -> memref<128xi32, #tpu.memory_space<hbm>>
    %dma_wait3A_285 = arith.constant 0 : i32
    %dma_wait3A_286 = tpu.memref_slice %arg3[%dma_wait3A_280, %dma_wait3A_285] : memref<2x320000xi32, #tpu.memory_space<hbm>> -> memref<1x320000xi32, #tpu.memory_space<hbm>>
    %dma_wait3A_287 = tpu.memref_squeeze %dma_wait3A_286 : memref<1x320000xi32, #tpu.memory_space<hbm>> -> memref<320000xi32, #tpu.memory_space<hbm>>
    %dma_wait3A_288 = tpu.memref_slice %dma_wait3A_287[%mul3A_279] : memref<320000xi32, #tpu.memory_space<hbm>> -> memref<128xi32, #tpu.memory_space<hbm>>
    tpu.wait_dma2 semaphore(%arg19 : memref<!tpu.dma_semaphore, #tpu.memory_space<semaphore_mem>>) src(%dma_wait3A_288 : memref<128xi32, #tpu.memory_space<hbm>>) dst(%arg7 : memref<128xi32, #tpu.memory_space<vmem>>)
    %mul3A_289 = arith.constant 128 : i32
    %mul3A_290 = arith.muli %add3A_277, %mul3A_289 : i32
    %dma_wait3A_291 = arith.constant 1 : i32
    %dma_wait3A_292 = arith.constant 0 : i32
    %dma_wait3A_293 = tpu.memref_slice %arg3[%dma_wait3A_291, %dma_wait3A_292] : memref<2x320000xi32, #tpu.memory_space<hbm>> -> memref<1x320000xi32, #tpu.memory_space<hbm>>
    %dma_wait3A_294 = tpu.memref_squeeze %dma_wait3A_293 : memref<1x320000xi32, #tpu.memory_space<hbm>> -> memref<320000xi32, #tpu.memory_space<hbm>>
    %dma_wait3A_295 = tpu.memref_slice %dma_wait3A_294[%mul3A_290] : memref<320000xi32, #tpu.memory_space<hbm>> -> memref<128xi32, #tpu.memory_space<hbm>>
    %dma_wait3A_296 = arith.constant 0 : i32
    %dma_wait3A_297 = tpu.memref_slice %arg3[%dma_wait3A_291, %dma_wait3A_296] : memref<2x320000xi32, #tpu.memory_space<hbm>> -> memref<1x320000xi32, #tpu.memory_space<hbm>>
    %dma_wait3A_298 = tpu.memref_squeeze %dma_wait3A_297 : memref<1x320000xi32, #tpu.memory_space<hbm>> -> memref<320000xi32, #tpu.memory_space<hbm>>
    %dma_wait3A_299 = tpu.memref_slice %dma_wait3A_298[%mul3A_290] : memref<320000xi32, #tpu.memory_space<hbm>> -> memref<128xi32, #tpu.memory_space<hbm>>
    tpu.wait_dma2 semaphore(%arg23 : memref<!tpu.dma_semaphore, #tpu.memory_space<semaphore_mem>>) src(%dma_wait3A_299 : memref<128xi32, #tpu.memory_space<hbm>>) dst(%arg11 : memref<128xi32, #tpu.memory_space<vmem>>)
    %dma_start3A_300 = arith.constant 0 : i32
    %dma_start3A_301 = arith.constant 0 : i32
    %dma_start3A_302 = tpu.memref_slice %arg2[%dma_start3A_300, %dma_start3A_301] : memref<10000x128xf32, #tpu.memory_space<hbm>> -> memref<10000x128xf32, #tpu.memory_space<hbm>>
    tpu.enqueue_indirect_dma source(%dma_start3A_302 : memref<10000x128xf32, #tpu.memory_space<hbm>>) target(%arg13 : memref<128x128xf32, #tpu.memory_space<vmem>>) offsets(%arg7 : memref<128xi32, #tpu.memory_space<vmem>>) semaphore(%arg25 : memref<!tpu.dma_semaphore, #tpu.memory_space<semaphore_mem>>)
    %dma_wait3A_303 = arith.constant 0 : i32
    %dma_wait3A_304 = arith.constant 0 : i32
    %dma_wait3A_305 = tpu.memref_slice %arg2[%dma_wait3A_303, %dma_wait3A_304] : memref<10000x128xf32, #tpu.memory_space<hbm>> -> memref<10000x128xf32, #tpu.memory_space<hbm>>
    tpu.wait_indirect_dma semaphore(%arg26 : memref<!tpu.dma_semaphore, #tpu.memory_space<semaphore_mem>>) src(%dma_wait3A_305 : memref<10000x128xf32, #tpu.memory_space<hbm>>) dst(%arg14 : memref<128x128xf32, #tpu.memory_space<vmem>>)
    %dma_start3A_306 = arith.constant 0 : i32
    %dma_start3A_307 = arith.constant 0 : i32
    %dma_start3A_308 = tpu.memref_slice %arg16[%dma_start3A_306, %dma_start3A_307] : memref<10000x128xf32, #tpu.memory_space<vmem_shared>> -> memref<10000x128xf32, #tpu.memory_space<vmem_shared>>
    tpu.enqueue_indirect_dma source(%arg14 : memref<128x128xf32, #tpu.memory_space<vmem>>) target(%dma_start3A_308 : memref<10000x128xf32, #tpu.memory_space<vmem_shared>>) offsets(%arg10 : memref<128xi32, #tpu.memory_space<vmem>>) semaphore(%arg28 : memref<!tpu.dma_semaphore, #tpu.memory_space<semaphore_mem>>) {add = true}
    %dma_wait3A_309 = arith.constant 0 : i32
    %dma_wait3A_310 = arith.constant 0 : i32
    %dma_wait3A_311 = tpu.memref_slice %arg16[%dma_wait3A_309, %dma_wait3A_310] : memref<10000x128xf32, #tpu.memory_space<vmem_shared>> -> memref<10000x128xf32, #tpu.memory_space<vmem_shared>>
    tpu.wait_indirect_dma semaphore(%arg28 : memref<!tpu.dma_semaphore, #tpu.memory_space<semaphore_mem>>) src(%arg14 : memref<128x128xf32, #tpu.memory_space<vmem>>) dst(%dma_wait3A_311 : memref<10000x128xf32, #tpu.memory_space<vmem_shared>>)
    %add3A_312 = arith.constant 2 : i32
    %add3A_313 = arith.addi %mul3A_2, %add3A_312 : i32
    %add3A_314 = arith.constant 3 : i32
    %add3A_315 = arith.addi %add3A_313, %add3A_314 : i32
    %mul3A_316 = arith.constant 128 : i32
    %mul3A_317 = arith.muli %add3A_315, %mul3A_316 : i32
    %dma_start3A_318 = arith.constant 0 : i32
    %dma_start3A_319 = arith.constant 0 : i32
    %dma_start3A_320 = tpu.memref_slice %arg3[%dma_start3A_318, %dma_start3A_319] : memref<2x320000xi32, #tpu.memory_space<hbm>> -> memref<1x320000xi32, #tpu.memory_space<hbm>>
    %dma_start3A_321 = tpu.memref_squeeze %dma_start3A_320 : memref<1x320000xi32, #tpu.memory_space<hbm>> -> memref<320000xi32, #tpu.memory_space<hbm>>
    %dma_start3A_322 = tpu.memref_slice %dma_start3A_321[%mul3A_317] : memref<320000xi32, #tpu.memory_space<hbm>> -> memref<128xi32, #tpu.memory_space<hbm>>
    %dma_start3A_323 = arith.constant 0 : i32
    %dma_start3A_324 = tpu.memref_slice %arg3[%dma_start3A_318, %dma_start3A_323] : memref<2x320000xi32, #tpu.memory_space<hbm>> -> memref<1x320000xi32, #tpu.memory_space<hbm>>
    %dma_start3A_325 = tpu.memref_squeeze %dma_start3A_324 : memref<1x320000xi32, #tpu.memory_space<hbm>> -> memref<320000xi32, #tpu.memory_space<hbm>>
    %dma_start3A_326 = tpu.memref_slice %dma_start3A_325[%mul3A_317] : memref<320000xi32, #tpu.memory_space<hbm>> -> memref<128xi32, #tpu.memory_space<hbm>>
    tpu.enqueue_dma source(%dma_start3A_326 : memref<128xi32, #tpu.memory_space<hbm>>) target(%arg6 : memref<128xi32, #tpu.memory_space<vmem>>) target_semaphore(%arg18 : memref<!tpu.dma_semaphore, #tpu.memory_space<semaphore_mem>>)
    %mul3A_327 = arith.constant 128 : i32
    %mul3A_328 = arith.muli %add3A_315, %mul3A_327 : i32
    %dma_start3A_329 = arith.constant 1 : i32
    %dma_start3A_330 = arith.constant 0 : i32
    %dma_start3A_331 = tpu.memref_slice %arg3[%dma_start3A_329, %dma_start3A_330] : memref<2x320000xi32, #tpu.memory_space<hbm>> -> memref<1x320000xi32, #tpu.memory_space<hbm>>
    %dma_start3A_332 = tpu.memref_squeeze %dma_start3A_331 : memref<1x320000xi32, #tpu.memory_space<hbm>> -> memref<320000xi32, #tpu.memory_space<hbm>>
    %dma_start3A_333 = tpu.memref_slice %dma_start3A_332[%mul3A_328] : memref<320000xi32, #tpu.memory_space<hbm>> -> memref<128xi32, #tpu.memory_space<hbm>>
    %dma_start3A_334 = arith.constant 0 : i32
    %dma_start3A_335 = tpu.memref_slice %arg3[%dma_start3A_329, %dma_start3A_334] : memref<2x320000xi32, #tpu.memory_space<hbm>> -> memref<1x320000xi32, #tpu.memory_space<hbm>>
    %dma_start3A_336 = tpu.memref_squeeze %dma_start3A_335 : memref<1x320000xi32, #tpu.memory_space<hbm>> -> memref<320000xi32, #tpu.memory_space<hbm>>
    %dma_start3A_337 = tpu.memref_slice %dma_start3A_336[%mul3A_328] : memref<320000xi32, #tpu.memory_space<hbm>> -> memref<128xi32, #tpu.memory_space<hbm>>
    tpu.enqueue_dma source(%dma_start3A_337 : memref<128xi32, #tpu.memory_space<hbm>>) target(%arg10 : memref<128xi32, #tpu.memory_space<vmem>>) target_semaphore(%arg22 : memref<!tpu.dma_semaphore, #tpu.memory_space<semaphore_mem>>)
    %add3A_338 = arith.constant 2 : i32
    %add3A_339 = arith.addi %mul3A_2, %add3A_338 : i32
    %add3A_340 = arith.constant 1 : i32
    %add3A_341 = arith.addi %add3A_339, %add3A_340 : i32
    %mul3A_342 = arith.constant 128 : i32
    %mul3A_343 = arith.muli %add3A_341, %mul3A_342 : i32
    %dma_wait3A_344 = arith.constant 0 : i32
    %dma_wait3A_345 = arith.constant 0 : i32
    %dma_wait3A_346 = tpu.memref_slice %arg3[%dma_wait3A_344, %dma_wait3A_345] : memref<2x320000xi32, #tpu.memory_space<hbm>> -> memref<1x320000xi32, #tpu.memory_space<hbm>>
    %dma_wait3A_347 = tpu.memref_squeeze %dma_wait3A_346 : memref<1x320000xi32, #tpu.memory_space<hbm>> -> memref<320000xi32, #tpu.memory_space<hbm>>
    %dma_wait3A_348 = tpu.memref_slice %dma_wait3A_347[%mul3A_343] : memref<320000xi32, #tpu.memory_space<hbm>> -> memref<128xi32, #tpu.memory_space<hbm>>
    %dma_wait3A_349 = arith.constant 0 : i32
    %dma_wait3A_350 = tpu.memref_slice %arg3[%dma_wait3A_344, %dma_wait3A_349] : memref<2x320000xi32, #tpu.memory_space<hbm>> -> memref<1x320000xi32, #tpu.memory_space<hbm>>
    %dma_wait3A_351 = tpu.memref_squeeze %dma_wait3A_350 : memref<1x320000xi32, #tpu.memory_space<hbm>> -> memref<320000xi32, #tpu.memory_space<hbm>>
    %dma_wait3A_352 = tpu.memref_slice %dma_wait3A_351[%mul3A_343] : memref<320000xi32, #tpu.memory_space<hbm>> -> memref<128xi32, #tpu.memory_space<hbm>>
    tpu.wait_dma2 semaphore(%arg20 : memref<!tpu.dma_semaphore, #tpu.memory_space<semaphore_mem>>) src(%dma_wait3A_352 : memref<128xi32, #tpu.memory_space<hbm>>) dst(%arg8 : memref<128xi32, #tpu.memory_space<vmem>>)
    %mul3A_353 = arith.constant 128 : i32
    %mul3A_354 = arith.muli %add3A_341, %mul3A_353 : i32
    %dma_wait3A_355 = arith.constant 1 : i32
    %dma_wait3A_356 = arith.constant 0 : i32
    %dma_wait3A_357 = tpu.memref_slice %arg3[%dma_wait3A_355, %dma_wait3A_356] : memref<2x320000xi32, #tpu.memory_space<hbm>> -> memref<1x320000xi32, #tpu.memory_space<hbm>>
    %dma_wait3A_358 = tpu.memref_squeeze %dma_wait3A_357 : memref<1x320000xi32, #tpu.memory_space<hbm>> -> memref<320000xi32, #tpu.memory_space<hbm>>
    %dma_wait3A_359 = tpu.memref_slice %dma_wait3A_358[%mul3A_354] : memref<320000xi32, #tpu.memory_space<hbm>> -> memref<128xi32, #tpu.memory_space<hbm>>
    %dma_wait3A_360 = arith.constant 0 : i32
    %dma_wait3A_361 = tpu.memref_slice %arg3[%dma_wait3A_355, %dma_wait3A_360] : memref<2x320000xi32, #tpu.memory_space<hbm>> -> memref<1x320000xi32, #tpu.memory_space<hbm>>
    %dma_wait3A_362 = tpu.memref_squeeze %dma_wait3A_361 : memref<1x320000xi32, #tpu.memory_space<hbm>> -> memref<320000xi32, #tpu.memory_space<hbm>>
    %dma_wait3A_363 = tpu.memref_slice %dma_wait3A_362[%mul3A_354] : memref<320000xi32, #tpu.memory_space<hbm>> -> memref<128xi32, #tpu.memory_space<hbm>>
    tpu.wait_dma2 semaphore(%arg24 : memref<!tpu.dma_semaphore, #tpu.memory_space<semaphore_mem>>) src(%dma_wait3A_363 : memref<128xi32, #tpu.memory_space<hbm>>) dst(%arg12 : memref<128xi32, #tpu.memory_space<vmem>>)
    %dma_start3A_364 = arith.constant 0 : i32
    %dma_start3A_365 = arith.constant 0 : i32
    %dma_start3A_366 = tpu.memref_slice %arg2[%dma_start3A_364, %dma_start3A_365] : memref<10000x128xf32, #tpu.memory_space<hbm>> -> memref<10000x128xf32, #tpu.memory_space<hbm>>
    tpu.enqueue_indirect_dma source(%dma_start3A_366 : memref<10000x128xf32, #tpu.memory_space<hbm>>) target(%arg14 : memref<128x128xf32, #tpu.memory_space<vmem>>) offsets(%arg8 : memref<128xi32, #tpu.memory_space<vmem>>) semaphore(%arg26 : memref<!tpu.dma_semaphore, #tpu.memory_space<semaphore_mem>>)
    %dma_wait3A_367 = arith.constant 0 : i32
    %dma_wait3A_368 = arith.constant 0 : i32
    %dma_wait3A_369 = tpu.memref_slice %arg2[%dma_wait3A_367, %dma_wait3A_368] : memref<10000x128xf32, #tpu.memory_space<hbm>> -> memref<10000x128xf32, #tpu.memory_space<hbm>>
    tpu.wait_indirect_dma semaphore(%arg25 : memref<!tpu.dma_semaphore, #tpu.memory_space<semaphore_mem>>) src(%dma_wait3A_369 : memref<10000x128xf32, #tpu.memory_space<hbm>>) dst(%arg13 : memref<128x128xf32, #tpu.memory_space<vmem>>)
    %dma_start3A_370 = arith.constant 0 : i32
    %dma_start3A_371 = arith.constant 0 : i32
    %dma_start3A_372 = tpu.memref_slice %arg16[%dma_start3A_370, %dma_start3A_371] : memref<10000x128xf32, #tpu.memory_space<vmem_shared>> -> memref<10000x128xf32, #tpu.memory_space<vmem_shared>>
    tpu.enqueue_indirect_dma source(%arg13 : memref<128x128xf32, #tpu.memory_space<vmem>>) target(%dma_start3A_372 : memref<10000x128xf32, #tpu.memory_space<vmem_shared>>) offsets(%arg11 : memref<128xi32, #tpu.memory_space<vmem>>) semaphore(%arg27 : memref<!tpu.dma_semaphore, #tpu.memory_space<semaphore_mem>>) {add = true}
    %dma_wait3A_373 = arith.constant 0 : i32
    %dma_wait3A_374 = arith.constant 0 : i32
    %dma_wait3A_375 = tpu.memref_slice %arg16[%dma_wait3A_373, %dma_wait3A_374] : memref<10000x128xf32, #tpu.memory_space<vmem_shared>> -> memref<10000x128xf32, #tpu.memory_space<vmem_shared>>
    tpu.wait_indirect_dma semaphore(%arg27 : memref<!tpu.dma_semaphore, #tpu.memory_space<semaphore_mem>>) src(%arg13 : memref<128x128xf32, #tpu.memory_space<vmem>>) dst(%dma_wait3A_375 : memref<10000x128xf32, #tpu.memory_space<vmem_shared>>)
    %add3A_376 = arith.constant 3 : i32
    %add3A_377 = arith.addi %mul3A_2, %add3A_376 : i32
    %add3A_378 = arith.constant 3 : i32
    %add3A_379 = arith.addi %add3A_377, %add3A_378 : i32
    %mul3A_380 = arith.constant 128 : i32
    %mul3A_381 = arith.muli %add3A_379, %mul3A_380 : i32
    %dma_start3A_382 = arith.constant 0 : i32
    %dma_start3A_383 = arith.constant 0 : i32
    %dma_start3A_384 = tpu.memref_slice %arg3[%dma_start3A_382, %dma_start3A_383] : memref<2x320000xi32, #tpu.memory_space<hbm>> -> memref<1x320000xi32, #tpu.memory_space<hbm>>
    %dma_start3A_385 = tpu.memref_squeeze %dma_start3A_384 : memref<1x320000xi32, #tpu.memory_space<hbm>> -> memref<320000xi32, #tpu.memory_space<hbm>>
    %dma_start3A_386 = tpu.memref_slice %dma_start3A_385[%mul3A_381] : memref<320000xi32, #tpu.memory_space<hbm>> -> memref<128xi32, #tpu.memory_space<hbm>>
    %dma_start3A_387 = arith.constant 0 : i32
    %dma_start3A_388 = tpu.memref_slice %arg3[%dma_start3A_382, %dma_start3A_387] : memref<2x320000xi32, #tpu.memory_space<hbm>> -> memref<1x320000xi32, #tpu.memory_space<hbm>>
    %dma_start3A_389 = tpu.memref_squeeze %dma_start3A_388 : memref<1x320000xi32, #tpu.memory_space<hbm>> -> memref<320000xi32, #tpu.memory_space<hbm>>
    %dma_start3A_390 = tpu.memref_slice %dma_start3A_389[%mul3A_381] : memref<320000xi32, #tpu.memory_space<hbm>> -> memref<128xi32, #tpu.memory_space<hbm>>
    tpu.enqueue_dma source(%dma_start3A_390 : memref<128xi32, #tpu.memory_space<hbm>>) target(%arg7 : memref<128xi32, #tpu.memory_space<vmem>>) target_semaphore(%arg19 : memref<!tpu.dma_semaphore, #tpu.memory_space<semaphore_mem>>)
    %mul3A_391 = arith.constant 128 : i32
    %mul3A_392 = arith.muli %add3A_379, %mul3A_391 : i32
    %dma_start3A_393 = arith.constant 1 : i32
    %dma_start3A_394 = arith.constant 0 : i32
    %dma_start3A_395 = tpu.memref_slice %arg3[%dma_start3A_393, %dma_start3A_394] : memref<2x320000xi32, #tpu.memory_space<hbm>> -> memref<1x320000xi32, #tpu.memory_space<hbm>>
    %dma_start3A_396 = tpu.memref_squeeze %dma_start3A_395 : memref<1x320000xi32, #tpu.memory_space<hbm>> -> memref<320000xi32, #tpu.memory_space<hbm>>
    %dma_start3A_397 = tpu.memref_slice %dma_start3A_396[%mul3A_392] : memref<320000xi32, #tpu.memory_space<hbm>> -> memref<128xi32, #tpu.memory_space<hbm>>
    %dma_start3A_398 = arith.constant 0 : i32
    %dma_start3A_399 = tpu.memref_slice %arg3[%dma_start3A_393, %dma_start3A_398] : memref<2x320000xi32, #tpu.memory_space<hbm>> -> memref<1x320000xi32, #tpu.memory_space<hbm>>
    %dma_start3A_400 = tpu.memref_squeeze %dma_start3A_399 : memref<1x320000xi32, #tpu.memory_space<hbm>> -> memref<320000xi32, #tpu.memory_space<hbm>>
    %dma_start3A_401 = tpu.memref_slice %dma_start3A_400[%mul3A_392] : memref<320000xi32, #tpu.memory_space<hbm>> -> memref<128xi32, #tpu.memory_space<hbm>>
    tpu.enqueue_dma source(%dma_start3A_401 : memref<128xi32, #tpu.memory_space<hbm>>) target(%arg11 : memref<128xi32, #tpu.memory_space<vmem>>) target_semaphore(%arg23 : memref<!tpu.dma_semaphore, #tpu.memory_space<semaphore_mem>>)
    %add3A_402 = arith.constant 3 : i32
    %add3A_403 = arith.addi %mul3A_2, %add3A_402 : i32
    %add3A_404 = arith.constant 1 : i32
    %add3A_405 = arith.addi %add3A_403, %add3A_404 : i32
    %mul3A_406 = arith.constant 128 : i32
    %mul3A_407 = arith.muli %add3A_405, %mul3A_406 : i32
    %dma_wait3A_408 = arith.constant 0 : i32
    %dma_wait3A_409 = arith.constant 0 : i32
    %dma_wait3A_410 = tpu.memref_slice %arg3[%dma_wait3A_408, %dma_wait3A_409] : memref<2x320000xi32, #tpu.memory_space<hbm>> -> memref<1x320000xi32, #tpu.memory_space<hbm>>
    %dma_wait3A_411 = tpu.memref_squeeze %dma_wait3A_410 : memref<1x320000xi32, #tpu.memory_space<hbm>> -> memref<320000xi32, #tpu.memory_space<hbm>>
    %dma_wait3A_412 = tpu.memref_slice %dma_wait3A_411[%mul3A_407] : memref<320000xi32, #tpu.memory_space<hbm>> -> memref<128xi32, #tpu.memory_space<hbm>>
    %dma_wait3A_413 = arith.constant 0 : i32
    %dma_wait3A_414 = tpu.memref_slice %arg3[%dma_wait3A_408, %dma_wait3A_413] : memref<2x320000xi32, #tpu.memory_space<hbm>> -> memref<1x320000xi32, #tpu.memory_space<hbm>>
    %dma_wait3A_415 = tpu.memref_squeeze %dma_wait3A_414 : memref<1x320000xi32, #tpu.memory_space<hbm>> -> memref<320000xi32, #tpu.memory_space<hbm>>
    %dma_wait3A_416 = tpu.memref_slice %dma_wait3A_415[%mul3A_407] : memref<320000xi32, #tpu.memory_space<hbm>> -> memref<128xi32, #tpu.memory_space<hbm>>
    tpu.wait_dma2 semaphore(%arg17 : memref<!tpu.dma_semaphore, #tpu.memory_space<semaphore_mem>>) src(%dma_wait3A_416 : memref<128xi32, #tpu.memory_space<hbm>>) dst(%arg5 : memref<128xi32, #tpu.memory_space<vmem>>)
    %mul3A_417 = arith.constant 128 : i32
    %mul3A_418 = arith.muli %add3A_405, %mul3A_417 : i32
    %dma_wait3A_419 = arith.constant 1 : i32
    %dma_wait3A_420 = arith.constant 0 : i32
    %dma_wait3A_421 = tpu.memref_slice %arg3[%dma_wait3A_419, %dma_wait3A_420] : memref<2x320000xi32, #tpu.memory_space<hbm>> -> memref<1x320000xi32, #tpu.memory_space<hbm>>
    %dma_wait3A_422 = tpu.memref_squeeze %dma_wait3A_421 : memref<1x320000xi32, #tpu.memory_space<hbm>> -> memref<320000xi32, #tpu.memory_space<hbm>>
    %dma_wait3A_423 = tpu.memref_slice %dma_wait3A_422[%mul3A_418] : memref<320000xi32, #tpu.memory_space<hbm>> -> memref<128xi32, #tpu.memory_space<hbm>>
    %dma_wait3A_424 = arith.constant 0 : i32
    %dma_wait3A_425 = tpu.memref_slice %arg3[%dma_wait3A_419, %dma_wait3A_424] : memref<2x320000xi32, #tpu.memory_space<hbm>> -> memref<1x320000xi32, #tpu.memory_space<hbm>>
    %dma_wait3A_426 = tpu.memref_squeeze %dma_wait3A_425 : memref<1x320000xi32, #tpu.memory_space<hbm>> -> memref<320000xi32, #tpu.memory_space<hbm>>
    %dma_wait3A_427 = tpu.memref_slice %dma_wait3A_426[%mul3A_418] : memref<320000xi32, #tpu.memory_space<hbm>> -> memref<128xi32, #tpu.memory_space<hbm>>
    tpu.wait_dma2 semaphore(%arg21 : memref<!tpu.dma_semaphore, #tpu.memory_space<semaphore_mem>>) src(%dma_wait3A_427 : memref<128xi32, #tpu.memory_space<hbm>>) dst(%arg9 : memref<128xi32, #tpu.memory_space<vmem>>)
    %dma_start3A_428 = arith.constant 0 : i32
    %dma_start3A_429 = arith.constant 0 : i32
    %dma_start3A_430 = tpu.memref_slice %arg2[%dma_start3A_428, %dma_start3A_429] : memref<10000x128xf32, #tpu.memory_space<hbm>> -> memref<10000x128xf32, #tpu.memory_space<hbm>>
    tpu.enqueue_indirect_dma source(%dma_start3A_430 : memref<10000x128xf32, #tpu.memory_space<hbm>>) target(%arg13 : memref<128x128xf32, #tpu.memory_space<vmem>>) offsets(%arg5 : memref<128xi32, #tpu.memory_space<vmem>>) semaphore(%arg25 : memref<!tpu.dma_semaphore, #tpu.memory_space<semaphore_mem>>)
    %dma_wait3A_431 = arith.constant 0 : i32
    %dma_wait3A_432 = arith.constant 0 : i32
    %dma_wait3A_433 = tpu.memref_slice %arg2[%dma_wait3A_431, %dma_wait3A_432] : memref<10000x128xf32, #tpu.memory_space<hbm>> -> memref<10000x128xf32, #tpu.memory_space<hbm>>
    tpu.wait_indirect_dma semaphore(%arg26 : memref<!tpu.dma_semaphore, #tpu.memory_space<semaphore_mem>>) src(%dma_wait3A_433 : memref<10000x128xf32, #tpu.memory_space<hbm>>) dst(%arg14 : memref<128x128xf32, #tpu.memory_space<vmem>>)
    %dma_start3A_434 = arith.constant 0 : i32
    %dma_start3A_435 = arith.constant 0 : i32
    %dma_start3A_436 = tpu.memref_slice %arg16[%dma_start3A_434, %dma_start3A_435] : memref<10000x128xf32, #tpu.memory_space<vmem_shared>> -> memref<10000x128xf32, #tpu.memory_space<vmem_shared>>
    tpu.enqueue_indirect_dma source(%arg14 : memref<128x128xf32, #tpu.memory_space<vmem>>) target(%dma_start3A_436 : memref<10000x128xf32, #tpu.memory_space<vmem_shared>>) offsets(%arg12 : memref<128xi32, #tpu.memory_space<vmem>>) semaphore(%arg28 : memref<!tpu.dma_semaphore, #tpu.memory_space<semaphore_mem>>) {add = true}
    %scan3A_437 = arith.constant 0 : i32
    %scan3A_438 = arith.constant 1 : i32
    %scan3A_439 = arith.constant 0 : i32
    %scan3A_440 = arith.constant 0 : i32
    %scan3A_441 = arith.constant 18 : i32
    %scan3A_442 = arith.addi %scan3A_440, %scan3A_441 : i32
    %scan3A_443 = arith.constant 1 : i32
    %scan3A_444 = scf.for %scan3A_582 = %scan3A_440 to %scan3A_442 step %scan3A_443 iter_args(%scan3A_583 = %scan3A_439) -> (i32)  : i32 {
      %mul3A_584 = arith.constant 4 : i32
      %mul3A_585 = arith.muli %scan3A_582, %mul3A_584 : i32
      %add3A_586 = arith.constant 4 : i32
      %add3A_587 = arith.addi %add3A_586, %mul3A_585 : i32
      %add3A_588 = arith.constant 0 : i32
      %add3A_589 = arith.addi %add3A_587, %add3A_588 : i32
      %dma_wait3A_590 = arith.constant 0 : i32
      %dma_wait3A_591 = arith.constant 0 : i32
      %dma_wait3A_592 = tpu.memref_slice %arg16[%dma_wait3A_590, %dma_wait3A_591] : memref<10000x128xf32, #tpu.memory_space<vmem_shared>> -> memref<10000x128xf32, #tpu.memory_space<vmem_shared>>
      tpu.wait_indirect_dma semaphore(%arg28 : memref<!tpu.dma_semaphore, #tpu.memory_space<semaphore_mem>>) src(%arg14 : memref<128x128xf32, #tpu.memory_space<vmem>>) dst(%dma_wait3A_592 : memref<10000x128xf32, #tpu.memory_space<vmem_shared>>)
      %add3A_593 = arith.constant 3 : i32
      %add3A_594 = arith.addi %add3A_589, %add3A_593 : i32
      %lt3A_595 = arith.constant 78 : i32
      %lt3A_596 = arith.cmpi slt, %add3A_594, %lt3A_595 : i32
      %convert_element_type3A_597 = arith.extui %lt3A_596 : i1 to i32
      %cond3A_598 = arith.constant 0 : i32
      %cond3A_599 = arith.cmpi ne, %convert_element_type3A_597, %cond3A_598 : i32
      scf.if %cond3A_599 {
        %add3A_765 = arith.addi %mul3A_2, %add3A_589 : i32
        %add3A_766 = arith.constant 3 : i32
        %add3A_767 = arith.addi %add3A_765, %add3A_766 : i32
        %mul3A_768 = arith.constant 128 : i32
        %mul3A_769 = arith.muli %add3A_767, %mul3A_768 : i32
        %dma_start3A_770 = arith.constant 0 : i32
        %dma_start3A_771 = tpu.memref_slice %arg3[%scan3A_437, %dma_start3A_770] : memref<2x320000xi32, #tpu.memory_space<hbm>> -> memref<1x320000xi32, #tpu.memory_space<hbm>>
        %dma_start3A_772 = tpu.memref_squeeze %dma_start3A_771 : memref<1x320000xi32, #tpu.memory_space<hbm>> -> memref<320000xi32, #tpu.memory_space<hbm>>
        %dma_start3A_773 = tpu.memref_slice %dma_start3A_772[%mul3A_769] : memref<320000xi32, #tpu.memory_space<hbm>> -> memref<128xi32, #tpu.memory_space<hbm>>
        %dma_start3A_774 = arith.constant 0 : i32
        %dma_start3A_775 = tpu.memref_slice %arg3[%scan3A_437, %dma_start3A_774] : memref<2x320000xi32, #tpu.memory_space<hbm>> -> memref<1x320000xi32, #tpu.memory_space<hbm>>
        %dma_start3A_776 = tpu.memref_squeeze %dma_start3A_775 : memref<1x320000xi32, #tpu.memory_space<hbm>> -> memref<320000xi32, #tpu.memory_space<hbm>>
        %dma_start3A_777 = tpu.memref_slice %dma_start3A_776[%mul3A_769] : memref<320000xi32, #tpu.memory_space<hbm>> -> memref<128xi32, #tpu.memory_space<hbm>>
        tpu.enqueue_dma source(%dma_start3A_777 : memref<128xi32, #tpu.memory_space<hbm>>) target(%arg8 : memref<128xi32, #tpu.memory_space<vmem>>) target_semaphore(%arg20 : memref<!tpu.dma_semaphore, #tpu.memory_space<semaphore_mem>>)
        %mul3A_778 = arith.constant 128 : i32
        %mul3A_779 = arith.muli %add3A_767, %mul3A_778 : i32
        %dma_start3A_780 = arith.constant 0 : i32
        %dma_start3A_781 = tpu.memref_slice %arg3[%scan3A_438, %dma_start3A_780] : memref<2x320000xi32, #tpu.memory_space<hbm>> -> memref<1x320000xi32, #tpu.memory_space<hbm>>
        %dma_start3A_782 = tpu.memref_squeeze %dma_start3A_781 : memref<1x320000xi32, #tpu.memory_space<hbm>> -> memref<320000xi32, #tpu.memory_space<hbm>>
        %dma_start3A_783 = tpu.memref_slice %dma_start3A_782[%mul3A_779] : memref<320000xi32, #tpu.memory_space<hbm>> -> memref<128xi32, #tpu.memory_space<hbm>>
        %dma_start3A_784 = arith.constant 0 : i32
        %dma_start3A_785 = tpu.memref_slice %arg3[%scan3A_438, %dma_start3A_784] : memref<2x320000xi32, #tpu.memory_space<hbm>> -> memref<1x320000xi32, #tpu.memory_space<hbm>>
        %dma_start3A_786 = tpu.memref_squeeze %dma_start3A_785 : memref<1x320000xi32, #tpu.memory_space<hbm>> -> memref<320000xi32, #tpu.memory_space<hbm>>
        %dma_start3A_787 = tpu.memref_slice %dma_start3A_786[%mul3A_779] : memref<320000xi32, #tpu.memory_space<hbm>> -> memref<128xi32, #tpu.memory_space<hbm>>
        tpu.enqueue_dma source(%dma_start3A_787 : memref<128xi32, #tpu.memory_space<hbm>>) target(%arg12 : memref<128xi32, #tpu.memory_space<vmem>>) target_semaphore(%arg24 : memref<!tpu.dma_semaphore, #tpu.memory_space<semaphore_mem>>)
      } else {
      }
      %add3A_600 = arith.addi %mul3A_2, %add3A_589 : i32
      %add3A_601 = arith.constant 1 : i32
      %add3A_602 = arith.addi %add3A_600, %add3A_601 : i32
      %mul3A_603 = arith.constant 128 : i32
      %mul3A_604 = arith.muli %add3A_602, %mul3A_603 : i32
      %dma_wait3A_605 = arith.constant 0 : i32
      %dma_wait3A_606 = tpu.memref_slice %arg3[%scan3A_437, %dma_wait3A_605] : memref<2x320000xi32, #tpu.memory_space<hbm>> -> memref<1x320000xi32, #tpu.memory_space<hbm>>
      %dma_wait3A_607 = tpu.memref_squeeze %dma_wait3A_606 : memref<1x320000xi32, #tpu.memory_space<hbm>> -> memref<320000xi32, #tpu.memory_space<hbm>>
      %dma_wait3A_608 = tpu.memref_slice %dma_wait3A_607[%mul3A_604] : memref<320000xi32, #tpu.memory_space<hbm>> -> memref<128xi32, #tpu.memory_space<hbm>>
      %dma_wait3A_609 = arith.constant 0 : i32
      %dma_wait3A_610 = tpu.memref_slice %arg3[%scan3A_437, %dma_wait3A_609] : memref<2x320000xi32, #tpu.memory_space<hbm>> -> memref<1x320000xi32, #tpu.memory_space<hbm>>
      %dma_wait3A_611 = tpu.memref_squeeze %dma_wait3A_610 : memref<1x320000xi32, #tpu.memory_space<hbm>> -> memref<320000xi32, #tpu.memory_space<hbm>>
      %dma_wait3A_612 = tpu.memref_slice %dma_wait3A_611[%mul3A_604] : memref<320000xi32, #tpu.memory_space<hbm>> -> memref<128xi32, #tpu.memory_space<hbm>>
      tpu.wait_dma2 semaphore(%arg18 : memref<!tpu.dma_semaphore, #tpu.memory_space<semaphore_mem>>) src(%dma_wait3A_612 : memref<128xi32, #tpu.memory_space<hbm>>) dst(%arg6 : memref<128xi32, #tpu.memory_space<vmem>>)
      %mul3A_613 = arith.constant 128 : i32
      %mul3A_614 = arith.muli %add3A_602, %mul3A_613 : i32
      %dma_wait3A_615 = arith.constant 0 : i32
      %dma_wait3A_616 = tpu.memref_slice %arg3[%scan3A_438, %dma_wait3A_615] : memref<2x320000xi32, #tpu.memory_space<hbm>> -> memref<1x320000xi32, #tpu.memory_space<hbm>>
      %dma_wait3A_617 = tpu.memref_squeeze %dma_wait3A_616 : memref<1x320000xi32, #tpu.memory_space<hbm>> -> memref<320000xi32, #tpu.memory_space<hbm>>
      %dma_wait3A_618 = tpu.memref_slice %dma_wait3A_617[%mul3A_614] : memref<320000xi32, #tpu.memory_space<hbm>> -> memref<128xi32, #tpu.memory_space<hbm>>
      %dma_wait3A_619 = arith.constant 0 : i32
      %dma_wait3A_620 = tpu.memref_slice %arg3[%scan3A_438, %dma_wait3A_619] : memref<2x320000xi32, #tpu.memory_space<hbm>> -> memref<1x320000xi32, #tpu.memory_space<hbm>>
      %dma_wait3A_621 = tpu.memref_squeeze %dma_wait3A_620 : memref<1x320000xi32, #tpu.memory_space<hbm>> -> memref<320000xi32, #tpu.memory_space<hbm>>
      %dma_wait3A_622 = tpu.memref_slice %dma_wait3A_621[%mul3A_614] : memref<320000xi32, #tpu.memory_space<hbm>> -> memref<128xi32, #tpu.memory_space<hbm>>
      tpu.wait_dma2 semaphore(%arg22 : memref<!tpu.dma_semaphore, #tpu.memory_space<semaphore_mem>>) src(%dma_wait3A_622 : memref<128xi32, #tpu.memory_space<hbm>>) dst(%arg10 : memref<128xi32, #tpu.memory_space<vmem>>)
      %dma_start3A_623 = arith.constant 0 : i32
      %dma_start3A_624 = arith.constant 0 : i32
      %dma_start3A_625 = tpu.memref_slice %arg2[%dma_start3A_623, %dma_start3A_624] : memref<10000x128xf32, #tpu.memory_space<hbm>> -> memref<10000x128xf32, #tpu.memory_space<hbm>>
      tpu.enqueue_indirect_dma source(%dma_start3A_625 : memref<10000x128xf32, #tpu.memory_space<hbm>>) target(%arg14 : memref<128x128xf32, #tpu.memory_space<vmem>>) offsets(%arg6 : memref<128xi32, #tpu.memory_space<vmem>>) semaphore(%arg26 : memref<!tpu.dma_semaphore, #tpu.memory_space<semaphore_mem>>)
      %dma_wait3A_626 = arith.constant 0 : i32
      %dma_wait3A_627 = arith.constant 0 : i32
      %dma_wait3A_628 = tpu.memref_slice %arg2[%dma_wait3A_626, %dma_wait3A_627] : memref<10000x128xf32, #tpu.memory_space<hbm>> -> memref<10000x128xf32, #tpu.memory_space<hbm>>
      tpu.wait_indirect_dma semaphore(%arg25 : memref<!tpu.dma_semaphore, #tpu.memory_space<semaphore_mem>>) src(%dma_wait3A_628 : memref<10000x128xf32, #tpu.memory_space<hbm>>) dst(%arg13 : memref<128x128xf32, #tpu.memory_space<vmem>>)
      %dma_start3A_629 = arith.constant 0 : i32
      %dma_start3A_630 = arith.constant 0 : i32
      %dma_start3A_631 = tpu.memref_slice %arg16[%dma_start3A_629, %dma_start3A_630] : memref<10000x128xf32, #tpu.memory_space<vmem_shared>> -> memref<10000x128xf32, #tpu.memory_space<vmem_shared>>
      tpu.enqueue_indirect_dma source(%arg13 : memref<128x128xf32, #tpu.memory_space<vmem>>) target(%dma_start3A_631 : memref<10000x128xf32, #tpu.memory_space<vmem_shared>>) offsets(%arg9 : memref<128xi32, #tpu.memory_space<vmem>>) semaphore(%arg27 : memref<!tpu.dma_semaphore, #tpu.memory_space<semaphore_mem>>) {add = true}
      %add3A_632 = arith.constant 1 : i32
      %add3A_633 = arith.addi %add3A_587, %add3A_632 : i32
      %dma_wait3A_634 = arith.constant 0 : i32
      %dma_wait3A_635 = arith.constant 0 : i32
      %dma_wait3A_636 = tpu.memref_slice %arg16[%dma_wait3A_634, %dma_wait3A_635] : memref<10000x128xf32, #tpu.memory_space<vmem_shared>> -> memref<10000x128xf32, #tpu.memory_space<vmem_shared>>
      tpu.wait_indirect_dma semaphore(%arg27 : memref<!tpu.dma_semaphore, #tpu.memory_space<semaphore_mem>>) src(%arg13 : memref<128x128xf32, #tpu.memory_space<vmem>>) dst(%dma_wait3A_636 : memref<10000x128xf32, #tpu.memory_space<vmem_shared>>)
      %add3A_637 = arith.constant 3 : i32
      %add3A_638 = arith.addi %add3A_633, %add3A_637 : i32
      %lt3A_639 = arith.constant 78 : i32
      %lt3A_640 = arith.cmpi slt, %add3A_638, %lt3A_639 : i32
      %convert_element_type3A_641 = arith.extui %lt3A_640 : i1 to i32
      %cond3A_642 = arith.constant 0 : i32
      %cond3A_643 = arith.cmpi ne, %convert_element_type3A_641, %cond3A_642 : i32
      scf.if %cond3A_643 {
        %add3A_765 = arith.addi %mul3A_2, %add3A_633 : i32
        %add3A_766 = arith.constant 3 : i32
        %add3A_767 = arith.addi %add3A_765, %add3A_766 : i32
        %mul3A_768 = arith.constant 128 : i32
        %mul3A_769 = arith.muli %add3A_767, %mul3A_768 : i32
        %dma_start3A_770 = arith.constant 0 : i32
        %dma_start3A_771 = tpu.memref_slice %arg3[%scan3A_437, %dma_start3A_770] : memref<2x320000xi32, #tpu.memory_space<hbm>> -> memref<1x320000xi32, #tpu.memory_space<hbm>>
        %dma_start3A_772 = tpu.memref_squeeze %dma_start3A_771 : memref<1x320000xi32, #tpu.memory_space<hbm>> -> memref<320000xi32, #tpu.memory_space<hbm>>
        %dma_start3A_773 = tpu.memref_slice %dma_start3A_772[%mul3A_769] : memref<320000xi32, #tpu.memory_space<hbm>> -> memref<128xi32, #tpu.memory_space<hbm>>
        %dma_start3A_774 = arith.constant 0 : i32
        %dma_start3A_775 = tpu.memref_slice %arg3[%scan3A_437, %dma_start3A_774] : memref<2x320000xi32, #tpu.memory_space<hbm>> -> memref<1x320000xi32, #tpu.memory_space<hbm>>
        %dma_start3A_776 = tpu.memref_squeeze %dma_start3A_775 : memref<1x320000xi32, #tpu.memory_space<hbm>> -> memref<320000xi32, #tpu.memory_space<hbm>>
        %dma_start3A_777 = tpu.memref_slice %dma_start3A_776[%mul3A_769] : memref<320000xi32, #tpu.memory_space<hbm>> -> memref<128xi32, #tpu.memory_space<hbm>>
        tpu.enqueue_dma source(%dma_start3A_777 : memref<128xi32, #tpu.memory_space<hbm>>) target(%arg5 : memref<128xi32, #tpu.memory_space<vmem>>) target_semaphore(%arg17 : memref<!tpu.dma_semaphore, #tpu.memory_space<semaphore_mem>>)
        %mul3A_778 = arith.constant 128 : i32
        %mul3A_779 = arith.muli %add3A_767, %mul3A_778 : i32
        %dma_start3A_780 = arith.constant 0 : i32
        %dma_start3A_781 = tpu.memref_slice %arg3[%scan3A_438, %dma_start3A_780] : memref<2x320000xi32, #tpu.memory_space<hbm>> -> memref<1x320000xi32, #tpu.memory_space<hbm>>
        %dma_start3A_782 = tpu.memref_squeeze %dma_start3A_781 : memref<1x320000xi32, #tpu.memory_space<hbm>> -> memref<320000xi32, #tpu.memory_space<hbm>>
        %dma_start3A_783 = tpu.memref_slice %dma_start3A_782[%mul3A_779] : memref<320000xi32, #tpu.memory_space<hbm>> -> memref<128xi32, #tpu.memory_space<hbm>>
        %dma_start3A_784 = arith.constant 0 : i32
        %dma_start3A_785 = tpu.memref_slice %arg3[%scan3A_438, %dma_start3A_784] : memref<2x320000xi32, #tpu.memory_space<hbm>> -> memref<1x320000xi32, #tpu.memory_space<hbm>>
        %dma_start3A_786 = tpu.memref_squeeze %dma_start3A_785 : memref<1x320000xi32, #tpu.memory_space<hbm>> -> memref<320000xi32, #tpu.memory_space<hbm>>
        %dma_start3A_787 = tpu.memref_slice %dma_start3A_786[%mul3A_779] : memref<320000xi32, #tpu.memory_space<hbm>> -> memref<128xi32, #tpu.memory_space<hbm>>
        tpu.enqueue_dma source(%dma_start3A_787 : memref<128xi32, #tpu.memory_space<hbm>>) target(%arg9 : memref<128xi32, #tpu.memory_space<vmem>>) target_semaphore(%arg21 : memref<!tpu.dma_semaphore, #tpu.memory_space<semaphore_mem>>)
      } else {
      }
      %add3A_644 = arith.addi %mul3A_2, %add3A_633 : i32
      %add3A_645 = arith.constant 1 : i32
      %add3A_646 = arith.addi %add3A_644, %add3A_645 : i32
      %mul3A_647 = arith.constant 128 : i32
      %mul3A_648 = arith.muli %add3A_646, %mul3A_647 : i32
      %dma_wait3A_649 = arith.constant 0 : i32
      %dma_wait3A_650 = tpu.memref_slice %arg3[%scan3A_437, %dma_wait3A_649] : memref<2x320000xi32, #tpu.memory_space<hbm>> -> memref<1x320000xi32, #tpu.memory_space<hbm>>
      %dma_wait3A_651 = tpu.memref_squeeze %dma_wait3A_650 : memref<1x320000xi32, #tpu.memory_space<hbm>> -> memref<320000xi32, #tpu.memory_space<hbm>>
      %dma_wait3A_652 = tpu.memref_slice %dma_wait3A_651[%mul3A_648] : memref<320000xi32, #tpu.memory_space<hbm>> -> memref<128xi32, #tpu.memory_space<hbm>>
      %dma_wait3A_653 = arith.constant 0 : i32
      %dma_wait3A_654 = tpu.memref_slice %arg3[%scan3A_437, %dma_wait3A_653] : memref<2x320000xi32, #tpu.memory_space<hbm>> -> memref<1x320000xi32, #tpu.memory_space<hbm>>
      %dma_wait3A_655 = tpu.memref_squeeze %dma_wait3A_654 : memref<1x320000xi32, #tpu.memory_space<hbm>> -> memref<320000xi32, #tpu.memory_space<hbm>>
      %dma_wait3A_656 = tpu.memref_slice %dma_wait3A_655[%mul3A_648] : memref<320000xi32, #tpu.memory_space<hbm>> -> memref<128xi32, #tpu.memory_space<hbm>>
      tpu.wait_dma2 semaphore(%arg19 : memref<!tpu.dma_semaphore, #tpu.memory_space<semaphore_mem>>) src(%dma_wait3A_656 : memref<128xi32, #tpu.memory_space<hbm>>) dst(%arg7 : memref<128xi32, #tpu.memory_space<vmem>>)
      %mul3A_657 = arith.constant 128 : i32
      %mul3A_658 = arith.muli %add3A_646, %mul3A_657 : i32
      %dma_wait3A_659 = arith.constant 0 : i32
      %dma_wait3A_660 = tpu.memref_slice %arg3[%scan3A_438, %dma_wait3A_659] : memref<2x320000xi32, #tpu.memory_space<hbm>> -> memref<1x320000xi32, #tpu.memory_space<hbm>>
      %dma_wait3A_661 = tpu.memref_squeeze %dma_wait3A_660 : memref<1x320000xi32, #tpu.memory_space<hbm>> -> memref<320000xi32, #tpu.memory_space<hbm>>
      %dma_wait3A_662 = tpu.memref_slice %dma_wait3A_661[%mul3A_658] : memref<320000xi32, #tpu.memory_space<hbm>> -> memref<128xi32, #tpu.memory_space<hbm>>
      %dma_wait3A_663 = arith.constant 0 : i32
      %dma_wait3A_664 = tpu.memref_slice %arg3[%scan3A_438, %dma_wait3A_663] : memref<2x320000xi32, #tpu.memory_space<hbm>> -> memref<1x320000xi32, #tpu.memory_space<hbm>>
      %dma_wait3A_665 = tpu.memref_squeeze %dma_wait3A_664 : memref<1x320000xi32, #tpu.memory_space<hbm>> -> memref<320000xi32, #tpu.memory_space<hbm>>
      %dma_wait3A_666 = tpu.memref_slice %dma_wait3A_665[%mul3A_658] : memref<320000xi32, #tpu.memory_space<hbm>> -> memref<128xi32, #tpu.memory_space<hbm>>
      tpu.wait_dma2 semaphore(%arg23 : memref<!tpu.dma_semaphore, #tpu.memory_space<semaphore_mem>>) src(%dma_wait3A_666 : memref<128xi32, #tpu.memory_space<hbm>>) dst(%arg11 : memref<128xi32, #tpu.memory_space<vmem>>)
      %dma_start3A_667 = arith.constant 0 : i32
      %dma_start3A_668 = arith.constant 0 : i32
      %dma_start3A_669 = tpu.memref_slice %arg2[%dma_start3A_667, %dma_start3A_668] : memref<10000x128xf32, #tpu.memory_space<hbm>> -> memref<10000x128xf32, #tpu.memory_space<hbm>>
      tpu.enqueue_indirect_dma source(%dma_start3A_669 : memref<10000x128xf32, #tpu.memory_space<hbm>>) target(%arg13 : memref<128x128xf32, #tpu.memory_space<vmem>>) offsets(%arg7 : memref<128xi32, #tpu.memory_space<vmem>>) semaphore(%arg25 : memref<!tpu.dma_semaphore, #tpu.memory_space<semaphore_mem>>)
      %dma_wait3A_670 = arith.constant 0 : i32
      %dma_wait3A_671 = arith.constant 0 : i32
      %dma_wait3A_672 = tpu.memref_slice %arg2[%dma_wait3A_670, %dma_wait3A_671] : memref<10000x128xf32, #tpu.memory_space<hbm>> -> memref<10000x128xf32, #tpu.memory_space<hbm>>
      tpu.wait_indirect_dma semaphore(%arg26 : memref<!tpu.dma_semaphore, #tpu.memory_space<semaphore_mem>>) src(%dma_wait3A_672 : memref<10000x128xf32, #tpu.memory_space<hbm>>) dst(%arg14 : memref<128x128xf32, #tpu.memory_space<vmem>>)
      %dma_start3A_673 = arith.constant 0 : i32
      %dma_start3A_674 = arith.constant 0 : i32
      %dma_start3A_675 = tpu.memref_slice %arg16[%dma_start3A_673, %dma_start3A_674] : memref<10000x128xf32, #tpu.memory_space<vmem_shared>> -> memref<10000x128xf32, #tpu.memory_space<vmem_shared>>
      tpu.enqueue_indirect_dma source(%arg14 : memref<128x128xf32, #tpu.memory_space<vmem>>) target(%dma_start3A_675 : memref<10000x128xf32, #tpu.memory_space<vmem_shared>>) offsets(%arg10 : memref<128xi32, #tpu.memory_space<vmem>>) semaphore(%arg28 : memref<!tpu.dma_semaphore, #tpu.memory_space<semaphore_mem>>) {add = true}
      %add3A_676 = arith.constant 2 : i32
      %add3A_677 = arith.addi %add3A_587, %add3A_676 : i32
      %dma_wait3A_678 = arith.constant 0 : i32
      %dma_wait3A_679 = arith.constant 0 : i32
      %dma_wait3A_680 = tpu.memref_slice %arg16[%dma_wait3A_678, %dma_wait3A_679] : memref<10000x128xf32, #tpu.memory_space<vmem_shared>> -> memref<10000x128xf32, #tpu.memory_space<vmem_shared>>
      tpu.wait_indirect_dma semaphore(%arg28 : memref<!tpu.dma_semaphore, #tpu.memory_space<semaphore_mem>>) src(%arg14 : memref<128x128xf32, #tpu.memory_space<vmem>>) dst(%dma_wait3A_680 : memref<10000x128xf32, #tpu.memory_space<vmem_shared>>)
      %add3A_681 = arith.constant 3 : i32
      %add3A_682 = arith.addi %add3A_677, %add3A_681 : i32
      %lt3A_683 = arith.constant 78 : i32
      %lt3A_684 = arith.cmpi slt, %add3A_682, %lt3A_683 : i32
      %convert_element_type3A_685 = arith.extui %lt3A_684 : i1 to i32
      %cond3A_686 = arith.constant 0 : i32
      %cond3A_687 = arith.cmpi ne, %convert_element_type3A_685, %cond3A_686 : i32
      scf.if %cond3A_687 {
        %add3A_765 = arith.addi %mul3A_2, %add3A_677 : i32
        %add3A_766 = arith.constant 3 : i32
        %add3A_767 = arith.addi %add3A_765, %add3A_766 : i32
        %mul3A_768 = arith.constant 128 : i32
        %mul3A_769 = arith.muli %add3A_767, %mul3A_768 : i32
        %dma_start3A_770 = arith.constant 0 : i32
        %dma_start3A_771 = tpu.memref_slice %arg3[%scan3A_437, %dma_start3A_770] : memref<2x320000xi32, #tpu.memory_space<hbm>> -> memref<1x320000xi32, #tpu.memory_space<hbm>>
        %dma_start3A_772 = tpu.memref_squeeze %dma_start3A_771 : memref<1x320000xi32, #tpu.memory_space<hbm>> -> memref<320000xi32, #tpu.memory_space<hbm>>
        %dma_start3A_773 = tpu.memref_slice %dma_start3A_772[%mul3A_769] : memref<320000xi32, #tpu.memory_space<hbm>> -> memref<128xi32, #tpu.memory_space<hbm>>
        %dma_start3A_774 = arith.constant 0 : i32
        %dma_start3A_775 = tpu.memref_slice %arg3[%scan3A_437, %dma_start3A_774] : memref<2x320000xi32, #tpu.memory_space<hbm>> -> memref<1x320000xi32, #tpu.memory_space<hbm>>
        %dma_start3A_776 = tpu.memref_squeeze %dma_start3A_775 : memref<1x320000xi32, #tpu.memory_space<hbm>> -> memref<320000xi32, #tpu.memory_space<hbm>>
        %dma_start3A_777 = tpu.memref_slice %dma_start3A_776[%mul3A_769] : memref<320000xi32, #tpu.memory_space<hbm>> -> memref<128xi32, #tpu.memory_space<hbm>>
        tpu.enqueue_dma source(%dma_start3A_777 : memref<128xi32, #tpu.memory_space<hbm>>) target(%arg6 : memref<128xi32, #tpu.memory_space<vmem>>) target_semaphore(%arg18 : memref<!tpu.dma_semaphore, #tpu.memory_space<semaphore_mem>>)
        %mul3A_778 = arith.constant 128 : i32
        %mul3A_779 = arith.muli %add3A_767, %mul3A_778 : i32
        %dma_start3A_780 = arith.constant 0 : i32
        %dma_start3A_781 = tpu.memref_slice %arg3[%scan3A_438, %dma_start3A_780] : memref<2x320000xi32, #tpu.memory_space<hbm>> -> memref<1x320000xi32, #tpu.memory_space<hbm>>
        %dma_start3A_782 = tpu.memref_squeeze %dma_start3A_781 : memref<1x320000xi32, #tpu.memory_space<hbm>> -> memref<320000xi32, #tpu.memory_space<hbm>>
        %dma_start3A_783 = tpu.memref_slice %dma_start3A_782[%mul3A_779] : memref<320000xi32, #tpu.memory_space<hbm>> -> memref<128xi32, #tpu.memory_space<hbm>>
        %dma_start3A_784 = arith.constant 0 : i32
        %dma_start3A_785 = tpu.memref_slice %arg3[%scan3A_438, %dma_start3A_784] : memref<2x320000xi32, #tpu.memory_space<hbm>> -> memref<1x320000xi32, #tpu.memory_space<hbm>>
        %dma_start3A_786 = tpu.memref_squeeze %dma_start3A_785 : memref<1x320000xi32, #tpu.memory_space<hbm>> -> memref<320000xi32, #tpu.memory_space<hbm>>
        %dma_start3A_787 = tpu.memref_slice %dma_start3A_786[%mul3A_779] : memref<320000xi32, #tpu.memory_space<hbm>> -> memref<128xi32, #tpu.memory_space<hbm>>
        tpu.enqueue_dma source(%dma_start3A_787 : memref<128xi32, #tpu.memory_space<hbm>>) target(%arg10 : memref<128xi32, #tpu.memory_space<vmem>>) target_semaphore(%arg22 : memref<!tpu.dma_semaphore, #tpu.memory_space<semaphore_mem>>)
      } else {
      }
      %add3A_688 = arith.addi %mul3A_2, %add3A_677 : i32
      %add3A_689 = arith.constant 1 : i32
      %add3A_690 = arith.addi %add3A_688, %add3A_689 : i32
      %mul3A_691 = arith.constant 128 : i32
      %mul3A_692 = arith.muli %add3A_690, %mul3A_691 : i32
      %dma_wait3A_693 = arith.constant 0 : i32
      %dma_wait3A_694 = tpu.memref_slice %arg3[%scan3A_437, %dma_wait3A_693] : memref<2x320000xi32, #tpu.memory_space<hbm>> -> memref<1x320000xi32, #tpu.memory_space<hbm>>
      %dma_wait3A_695 = tpu.memref_squeeze %dma_wait3A_694 : memref<1x320000xi32, #tpu.memory_space<hbm>> -> memref<320000xi32, #tpu.memory_space<hbm>>
      %dma_wait3A_696 = tpu.memref_slice %dma_wait3A_695[%mul3A_692] : memref<320000xi32, #tpu.memory_space<hbm>> -> memref<128xi32, #tpu.memory_space<hbm>>
      %dma_wait3A_697 = arith.constant 0 : i32
      %dma_wait3A_698 = tpu.memref_slice %arg3[%scan3A_437, %dma_wait3A_697] : memref<2x320000xi32, #tpu.memory_space<hbm>> -> memref<1x320000xi32, #tpu.memory_space<hbm>>
      %dma_wait3A_699 = tpu.memref_squeeze %dma_wait3A_698 : memref<1x320000xi32, #tpu.memory_space<hbm>> -> memref<320000xi32, #tpu.memory_space<hbm>>
      %dma_wait3A_700 = tpu.memref_slice %dma_wait3A_699[%mul3A_692] : memref<320000xi32, #tpu.memory_space<hbm>> -> memref<128xi32, #tpu.memory_space<hbm>>
      tpu.wait_dma2 semaphore(%arg20 : memref<!tpu.dma_semaphore, #tpu.memory_space<semaphore_mem>>) src(%dma_wait3A_700 : memref<128xi32, #tpu.memory_space<hbm>>) dst(%arg8 : memref<128xi32, #tpu.memory_space<vmem>>)
      %mul3A_701 = arith.constant 128 : i32
      %mul3A_702 = arith.muli %add3A_690, %mul3A_701 : i32
      %dma_wait3A_703 = arith.constant 0 : i32
      %dma_wait3A_704 = tpu.memref_slice %arg3[%scan3A_438, %dma_wait3A_703] : memref<2x320000xi32, #tpu.memory_space<hbm>> -> memref<1x320000xi32, #tpu.memory_space<hbm>>
      %dma_wait3A_705 = tpu.memref_squeeze %dma_wait3A_704 : memref<1x320000xi32, #tpu.memory_space<hbm>> -> memref<320000xi32, #tpu.memory_space<hbm>>
      %dma_wait3A_706 = tpu.memref_slice %dma_wait3A_705[%mul3A_702] : memref<320000xi32, #tpu.memory_space<hbm>> -> memref<128xi32, #tpu.memory_space<hbm>>
      %dma_wait3A_707 = arith.constant 0 : i32
      %dma_wait3A_708 = tpu.memref_slice %arg3[%scan3A_438, %dma_wait3A_707] : memref<2x320000xi32, #tpu.memory_space<hbm>> -> memref<1x320000xi32, #tpu.memory_space<hbm>>
      %dma_wait3A_709 = tpu.memref_squeeze %dma_wait3A_708 : memref<1x320000xi32, #tpu.memory_space<hbm>> -> memref<320000xi32, #tpu.memory_space<hbm>>
      %dma_wait3A_710 = tpu.memref_slice %dma_wait3A_709[%mul3A_702] : memref<320000xi32, #tpu.memory_space<hbm>> -> memref<128xi32, #tpu.memory_space<hbm>>
      tpu.wait_dma2 semaphore(%arg24 : memref<!tpu.dma_semaphore, #tpu.memory_space<semaphore_mem>>) src(%dma_wait3A_710 : memref<128xi32, #tpu.memory_space<hbm>>) dst(%arg12 : memref<128xi32, #tpu.memory_space<vmem>>)
      %dma_start3A_711 = arith.constant 0 : i32
      %dma_start3A_712 = arith.constant 0 : i32
      %dma_start3A_713 = tpu.memref_slice %arg2[%dma_start3A_711, %dma_start3A_712] : memref<10000x128xf32, #tpu.memory_space<hbm>> -> memref<10000x128xf32, #tpu.memory_space<hbm>>
      tpu.enqueue_indirect_dma source(%dma_start3A_713 : memref<10000x128xf32, #tpu.memory_space<hbm>>) target(%arg14 : memref<128x128xf32, #tpu.memory_space<vmem>>) offsets(%arg8 : memref<128xi32, #tpu.memory_space<vmem>>) semaphore(%arg26 : memref<!tpu.dma_semaphore, #tpu.memory_space<semaphore_mem>>)
      %dma_wait3A_714 = arith.constant 0 : i32
      %dma_wait3A_715 = arith.constant 0 : i32
      %dma_wait3A_716 = tpu.memref_slice %arg2[%dma_wait3A_714, %dma_wait3A_715] : memref<10000x128xf32, #tpu.memory_space<hbm>> -> memref<10000x128xf32, #tpu.memory_space<hbm>>
      tpu.wait_indirect_dma semaphore(%arg25 : memref<!tpu.dma_semaphore, #tpu.memory_space<semaphore_mem>>) src(%dma_wait3A_716 : memref<10000x128xf32, #tpu.memory_space<hbm>>) dst(%arg13 : memref<128x128xf32, #tpu.memory_space<vmem>>)
      %dma_start3A_717 = arith.constant 0 : i32
      %dma_start3A_718 = arith.constant 0 : i32
      %dma_start3A_719 = tpu.memref_slice %arg16[%dma_start3A_717, %dma_start3A_718] : memref<10000x128xf32, #tpu.memory_space<vmem_shared>> -> memref<10000x128xf32, #tpu.memory_space<vmem_shared>>
      tpu.enqueue_indirect_dma source(%arg13 : memref<128x128xf32, #tpu.memory_space<vmem>>) target(%dma_start3A_719 : memref<10000x128xf32, #tpu.memory_space<vmem_shared>>) offsets(%arg11 : memref<128xi32, #tpu.memory_space<vmem>>) semaphore(%arg27 : memref<!tpu.dma_semaphore, #tpu.memory_space<semaphore_mem>>) {add = true}
      %add3A_720 = arith.constant 3 : i32
      %add3A_721 = arith.addi %add3A_587, %add3A_720 : i32
      %dma_wait3A_722 = arith.constant 0 : i32
      %dma_wait3A_723 = arith.constant 0 : i32
      %dma_wait3A_724 = tpu.memref_slice %arg16[%dma_wait3A_722, %dma_wait3A_723] : memref<10000x128xf32, #tpu.memory_space<vmem_shared>> -> memref<10000x128xf32, #tpu.memory_space<vmem_shared>>
      tpu.wait_indirect_dma semaphore(%arg27 : memref<!tpu.dma_semaphore, #tpu.memory_space<semaphore_mem>>) src(%arg13 : memref<128x128xf32, #tpu.memory_space<vmem>>) dst(%dma_wait3A_724 : memref<10000x128xf32, #tpu.memory_space<vmem_shared>>)
      %add3A_725 = arith.constant 3 : i32
      %add3A_726 = arith.addi %add3A_721, %add3A_725 : i32
      %lt3A_727 = arith.constant 78 : i32
      %lt3A_728 = arith.cmpi slt, %add3A_726, %lt3A_727 : i32
      %convert_element_type3A_729 = arith.extui %lt3A_728 : i1 to i32
      %cond3A_730 = arith.constant 0 : i32
      %cond3A_731 = arith.cmpi ne, %convert_element_type3A_729, %cond3A_730 : i32
      scf.if %cond3A_731 {
        %add3A_765 = arith.addi %mul3A_2, %add3A_721 : i32
        %add3A_766 = arith.constant 3 : i32
        %add3A_767 = arith.addi %add3A_765, %add3A_766 : i32
        %mul3A_768 = arith.constant 128 : i32
        %mul3A_769 = arith.muli %add3A_767, %mul3A_768 : i32
        %dma_start3A_770 = arith.constant 0 : i32
        %dma_start3A_771 = tpu.memref_slice %arg3[%scan3A_437, %dma_start3A_770] : memref<2x320000xi32, #tpu.memory_space<hbm>> -> memref<1x320000xi32, #tpu.memory_space<hbm>>
        %dma_start3A_772 = tpu.memref_squeeze %dma_start3A_771 : memref<1x320000xi32, #tpu.memory_space<hbm>> -> memref<320000xi32, #tpu.memory_space<hbm>>
        %dma_start3A_773 = tpu.memref_slice %dma_start3A_772[%mul3A_769] : memref<320000xi32, #tpu.memory_space<hbm>> -> memref<128xi32, #tpu.memory_space<hbm>>
        %dma_start3A_774 = arith.constant 0 : i32
        %dma_start3A_775 = tpu.memref_slice %arg3[%scan3A_437, %dma_start3A_774] : memref<2x320000xi32, #tpu.memory_space<hbm>> -> memref<1x320000xi32, #tpu.memory_space<hbm>>
        %dma_start3A_776 = tpu.memref_squeeze %dma_start3A_775 : memref<1x320000xi32, #tpu.memory_space<hbm>> -> memref<320000xi32, #tpu.memory_space<hbm>>
        %dma_start3A_777 = tpu.memref_slice %dma_start3A_776[%mul3A_769] : memref<320000xi32, #tpu.memory_space<hbm>> -> memref<128xi32, #tpu.memory_space<hbm>>
        tpu.enqueue_dma source(%dma_start3A_777 : memref<128xi32, #tpu.memory_space<hbm>>) target(%arg7 : memref<128xi32, #tpu.memory_space<vmem>>) target_semaphore(%arg19 : memref<!tpu.dma_semaphore, #tpu.memory_space<semaphore_mem>>)
        %mul3A_778 = arith.constant 128 : i32
        %mul3A_779 = arith.muli %add3A_767, %mul3A_778 : i32
        %dma_start3A_780 = arith.constant 0 : i32
        %dma_start3A_781 = tpu.memref_slice %arg3[%scan3A_438, %dma_start3A_780] : memref<2x320000xi32, #tpu.memory_space<hbm>> -> memref<1x320000xi32, #tpu.memory_space<hbm>>
        %dma_start3A_782 = tpu.memref_squeeze %dma_start3A_781 : memref<1x320000xi32, #tpu.memory_space<hbm>> -> memref<320000xi32, #tpu.memory_space<hbm>>
        %dma_start3A_783 = tpu.memref_slice %dma_start3A_782[%mul3A_779] : memref<320000xi32, #tpu.memory_space<hbm>> -> memref<128xi32, #tpu.memory_space<hbm>>
        %dma_start3A_784 = arith.constant 0 : i32
        %dma_start3A_785 = tpu.memref_slice %arg3[%scan3A_438, %dma_start3A_784] : memref<2x320000xi32, #tpu.memory_space<hbm>> -> memref<1x320000xi32, #tpu.memory_space<hbm>>
        %dma_start3A_786 = tpu.memref_squeeze %dma_start3A_785 : memref<1x320000xi32, #tpu.memory_space<hbm>> -> memref<320000xi32, #tpu.memory_space<hbm>>
        %dma_start3A_787 = tpu.memref_slice %dma_start3A_786[%mul3A_779] : memref<320000xi32, #tpu.memory_space<hbm>> -> memref<128xi32, #tpu.memory_space<hbm>>
        tpu.enqueue_dma source(%dma_start3A_787 : memref<128xi32, #tpu.memory_space<hbm>>) target(%arg11 : memref<128xi32, #tpu.memory_space<vmem>>) target_semaphore(%arg23 : memref<!tpu.dma_semaphore, #tpu.memory_space<semaphore_mem>>)
      } else {
      }
      %add3A_732 = arith.addi %mul3A_2, %add3A_721 : i32
      %add3A_733 = arith.constant 1 : i32
      %add3A_734 = arith.addi %add3A_732, %add3A_733 : i32
      %mul3A_735 = arith.constant 128 : i32
      %mul3A_736 = arith.muli %add3A_734, %mul3A_735 : i32
      %dma_wait3A_737 = arith.constant 0 : i32
      %dma_wait3A_738 = tpu.memref_slice %arg3[%scan3A_437, %dma_wait3A_737] : memref<2x320000xi32, #tpu.memory_space<hbm>> -> memref<1x320000xi32, #tpu.memory_space<hbm>>
      %dma_wait3A_739 = tpu.memref_squeeze %dma_wait3A_738 : memref<1x320000xi32, #tpu.memory_space<hbm>> -> memref<320000xi32, #tpu.memory_space<hbm>>
      %dma_wait3A_740 = tpu.memref_slice %dma_wait3A_739[%mul3A_736] : memref<320000xi32, #tpu.memory_space<hbm>> -> memref<128xi32, #tpu.memory_space<hbm>>
      %dma_wait3A_741 = arith.constant 0 : i32
      %dma_wait3A_742 = tpu.memref_slice %arg3[%scan3A_437, %dma_wait3A_741] : memref<2x320000xi32, #tpu.memory_space<hbm>> -> memref<1x320000xi32, #tpu.memory_space<hbm>>
      %dma_wait3A_743 = tpu.memref_squeeze %dma_wait3A_742 : memref<1x320000xi32, #tpu.memory_space<hbm>> -> memref<320000xi32, #tpu.memory_space<hbm>>
      %dma_wait3A_744 = tpu.memref_slice %dma_wait3A_743[%mul3A_736] : memref<320000xi32, #tpu.memory_space<hbm>> -> memref<128xi32, #tpu.memory_space<hbm>>
      tpu.wait_dma2 semaphore(%arg17 : memref<!tpu.dma_semaphore, #tpu.memory_space<semaphore_mem>>) src(%dma_wait3A_744 : memref<128xi32, #tpu.memory_space<hbm>>) dst(%arg5 : memref<128xi32, #tpu.memory_space<vmem>>)
      %mul3A_745 = arith.constant 128 : i32
      %mul3A_746 = arith.muli %add3A_734, %mul3A_745 : i32
      %dma_wait3A_747 = arith.constant 0 : i32
      %dma_wait3A_748 = tpu.memref_slice %arg3[%scan3A_438, %dma_wait3A_747] : memref<2x320000xi32, #tpu.memory_space<hbm>> -> memref<1x320000xi32, #tpu.memory_space<hbm>>
      %dma_wait3A_749 = tpu.memref_squeeze %dma_wait3A_748 : memref<1x320000xi32, #tpu.memory_space<hbm>> -> memref<320000xi32, #tpu.memory_space<hbm>>
      %dma_wait3A_750 = tpu.memref_slice %dma_wait3A_749[%mul3A_746] : memref<320000xi32, #tpu.memory_space<hbm>> -> memref<128xi32, #tpu.memory_space<hbm>>
      %dma_wait3A_751 = arith.constant 0 : i32
      %dma_wait3A_752 = tpu.memref_slice %arg3[%scan3A_438, %dma_wait3A_751] : memref<2x320000xi32, #tpu.memory_space<hbm>> -> memref<1x320000xi32, #tpu.memory_space<hbm>>
      %dma_wait3A_753 = tpu.memref_squeeze %dma_wait3A_752 : memref<1x320000xi32, #tpu.memory_space<hbm>> -> memref<320000xi32, #tpu.memory_space<hbm>>
      %dma_wait3A_754 = tpu.memref_slice %dma_wait3A_753[%mul3A_746] : memref<320000xi32, #tpu.memory_space<hbm>> -> memref<128xi32, #tpu.memory_space<hbm>>
      tpu.wait_dma2 semaphore(%arg21 : memref<!tpu.dma_semaphore, #tpu.memory_space<semaphore_mem>>) src(%dma_wait3A_754 : memref<128xi32, #tpu.memory_space<hbm>>) dst(%arg9 : memref<128xi32, #tpu.memory_space<vmem>>)
      %dma_start3A_755 = arith.constant 0 : i32
      %dma_start3A_756 = arith.constant 0 : i32
      %dma_start3A_757 = tpu.memref_slice %arg2[%dma_start3A_755, %dma_start3A_756] : memref<10000x128xf32, #tpu.memory_space<hbm>> -> memref<10000x128xf32, #tpu.memory_space<hbm>>
      tpu.enqueue_indirect_dma source(%dma_start3A_757 : memref<10000x128xf32, #tpu.memory_space<hbm>>) target(%arg13 : memref<128x128xf32, #tpu.memory_space<vmem>>) offsets(%arg5 : memref<128xi32, #tpu.memory_space<vmem>>) semaphore(%arg25 : memref<!tpu.dma_semaphore, #tpu.memory_space<semaphore_mem>>)
      %dma_wait3A_758 = arith.constant 0 : i32
      %dma_wait3A_759 = arith.constant 0 : i32
      %dma_wait3A_760 = tpu.memref_slice %arg2[%dma_wait3A_758, %dma_wait3A_759] : memref<10000x128xf32, #tpu.memory_space<hbm>> -> memref<10000x128xf32, #tpu.memory_space<hbm>>
      tpu.wait_indirect_dma semaphore(%arg26 : memref<!tpu.dma_semaphore, #tpu.memory_space<semaphore_mem>>) src(%dma_wait3A_760 : memref<10000x128xf32, #tpu.memory_space<hbm>>) dst(%arg14 : memref<128x128xf32, #tpu.memory_space<vmem>>)
      %dma_start3A_761 = arith.constant 0 : i32
      %dma_start3A_762 = arith.constant 0 : i32
      %dma_start3A_763 = tpu.memref_slice %arg16[%dma_start3A_761, %dma_start3A_762] : memref<10000x128xf32, #tpu.memory_space<vmem_shared>> -> memref<10000x128xf32, #tpu.memory_space<vmem_shared>>
      tpu.enqueue_indirect_dma source(%arg14 : memref<128x128xf32, #tpu.memory_space<vmem>>) target(%dma_start3A_763 : memref<10000x128xf32, #tpu.memory_space<vmem_shared>>) offsets(%arg12 : memref<128xi32, #tpu.memory_space<vmem>>) semaphore(%arg28 : memref<!tpu.dma_semaphore, #tpu.memory_space<semaphore_mem>>) {add = true}
      %scan3A_764 = arith.constant 0 : i32
      scf.yield %scan3A_764 : i32
    }
    %scan3A_445 = arith.constant 18 : i32
    %dma_wait3A_446 = arith.constant 0 : i32
    %dma_wait3A_447 = arith.constant 0 : i32
    %dma_wait3A_448 = tpu.memref_slice %arg16[%dma_wait3A_446, %dma_wait3A_447] : memref<10000x128xf32, #tpu.memory_space<vmem_shared>> -> memref<10000x128xf32, #tpu.memory_space<vmem_shared>>
    tpu.wait_indirect_dma semaphore(%arg28 : memref<!tpu.dma_semaphore, #tpu.memory_space<semaphore_mem>>) src(%arg14 : memref<128x128xf32, #tpu.memory_space<vmem>>) dst(%dma_wait3A_448 : memref<10000x128xf32, #tpu.memory_space<vmem_shared>>)
    %add3A_449 = arith.constant 78 : i32
    %add3A_450 = arith.addi %mul3A_2, %add3A_449 : i32
    %sub3A = arith.constant 1 : i32
    %sub3A_451 = arith.subi %add3A_450, %sub3A : i32
    %mul3A_452 = arith.constant 128 : i32
    %mul3A_453 = arith.muli %sub3A_451, %mul3A_452 : i32
    %dma_wait3A_454 = arith.constant 0 : i32
    %dma_wait3A_455 = arith.constant 0 : i32
    %dma_wait3A_456 = tpu.memref_slice %arg3[%dma_wait3A_454, %dma_wait3A_455] : memref<2x320000xi32, #tpu.memory_space<hbm>> -> memref<1x320000xi32, #tpu.memory_space<hbm>>
    %dma_wait3A_457 = tpu.memref_squeeze %dma_wait3A_456 : memref<1x320000xi32, #tpu.memory_space<hbm>> -> memref<320000xi32, #tpu.memory_space<hbm>>
    %dma_wait3A_458 = tpu.memref_slice %dma_wait3A_457[%mul3A_453] : memref<320000xi32, #tpu.memory_space<hbm>> -> memref<128xi32, #tpu.memory_space<hbm>>
    %dma_wait3A_459 = arith.constant 0 : i32
    %dma_wait3A_460 = tpu.memref_slice %arg3[%dma_wait3A_454, %dma_wait3A_459] : memref<2x320000xi32, #tpu.memory_space<hbm>> -> memref<1x320000xi32, #tpu.memory_space<hbm>>
    %dma_wait3A_461 = tpu.memref_squeeze %dma_wait3A_460 : memref<1x320000xi32, #tpu.memory_space<hbm>> -> memref<320000xi32, #tpu.memory_space<hbm>>
    %dma_wait3A_462 = tpu.memref_slice %dma_wait3A_461[%mul3A_453] : memref<320000xi32, #tpu.memory_space<hbm>> -> memref<128xi32, #tpu.memory_space<hbm>>
    tpu.wait_dma2 semaphore(%arg18 : memref<!tpu.dma_semaphore, #tpu.memory_space<semaphore_mem>>) src(%dma_wait3A_462 : memref<128xi32, #tpu.memory_space<hbm>>) dst(%arg6 : memref<128xi32, #tpu.memory_space<vmem>>)
    %mul3A_463 = arith.constant 128 : i32
    %mul3A_464 = arith.muli %sub3A_451, %mul3A_463 : i32
    %dma_wait3A_465 = arith.constant 1 : i32
    %dma_wait3A_466 = arith.constant 0 : i32
    %dma_wait3A_467 = tpu.memref_slice %arg3[%dma_wait3A_465, %dma_wait3A_466] : memref<2x320000xi32, #tpu.memory_space<hbm>> -> memref<1x320000xi32, #tpu.memory_space<hbm>>
    %dma_wait3A_468 = tpu.memref_squeeze %dma_wait3A_467 : memref<1x320000xi32, #tpu.memory_space<hbm>> -> memref<320000xi32, #tpu.memory_space<hbm>>
    %dma_wait3A_469 = tpu.memref_slice %dma_wait3A_468[%mul3A_464] : memref<320000xi32, #tpu.memory_space<hbm>> -> memref<128xi32, #tpu.memory_space<hbm>>
    %dma_wait3A_470 = arith.constant 0 : i32
    %dma_wait3A_471 = tpu.memref_slice %arg3[%dma_wait3A_465, %dma_wait3A_470] : memref<2x320000xi32, #tpu.memory_space<hbm>> -> memref<1x320000xi32, #tpu.memory_space<hbm>>
    %dma_wait3A_472 = tpu.memref_squeeze %dma_wait3A_471 : memref<1x320000xi32, #tpu.memory_space<hbm>> -> memref<320000xi32, #tpu.memory_space<hbm>>
    %dma_wait3A_473 = tpu.memref_slice %dma_wait3A_472[%mul3A_464] : memref<320000xi32, #tpu.memory_space<hbm>> -> memref<128xi32, #tpu.memory_space<hbm>>
    tpu.wait_dma2 semaphore(%arg22 : memref<!tpu.dma_semaphore, #tpu.memory_space<semaphore_mem>>) src(%dma_wait3A_473 : memref<128xi32, #tpu.memory_space<hbm>>) dst(%arg10 : memref<128xi32, #tpu.memory_space<vmem>>)
    %dma_start3A_474 = arith.constant 0 : i32
    %dma_start3A_475 = arith.constant 0 : i32
    %dma_start3A_476 = tpu.memref_slice %arg2[%dma_start3A_474, %dma_start3A_475] : memref<10000x128xf32, #tpu.memory_space<hbm>> -> memref<10000x128xf32, #tpu.memory_space<hbm>>
    tpu.enqueue_indirect_dma source(%dma_start3A_476 : memref<10000x128xf32, #tpu.memory_space<hbm>>) target(%arg14 : memref<128x128xf32, #tpu.memory_space<vmem>>) offsets(%arg6 : memref<128xi32, #tpu.memory_space<vmem>>) semaphore(%arg26 : memref<!tpu.dma_semaphore, #tpu.memory_space<semaphore_mem>>)
    %dma_wait3A_477 = arith.constant 0 : i32
    %dma_wait3A_478 = arith.constant 0 : i32
    %dma_wait3A_479 = tpu.memref_slice %arg2[%dma_wait3A_477, %dma_wait3A_478] : memref<10000x128xf32, #tpu.memory_space<hbm>> -> memref<10000x128xf32, #tpu.memory_space<hbm>>
    tpu.wait_indirect_dma semaphore(%arg25 : memref<!tpu.dma_semaphore, #tpu.memory_space<semaphore_mem>>) src(%dma_wait3A_479 : memref<10000x128xf32, #tpu.memory_space<hbm>>) dst(%arg13 : memref<128x128xf32, #tpu.memory_space<vmem>>)
    %dma_start3A_480 = arith.constant 0 : i32
    %dma_start3A_481 = arith.constant 0 : i32
    %dma_start3A_482 = tpu.memref_slice %arg16[%dma_start3A_480, %dma_start3A_481] : memref<10000x128xf32, #tpu.memory_space<vmem_shared>> -> memref<10000x128xf32, #tpu.memory_space<vmem_shared>>
    tpu.enqueue_indirect_dma source(%arg13 : memref<128x128xf32, #tpu.memory_space<vmem>>) target(%dma_start3A_482 : memref<10000x128xf32, #tpu.memory_space<vmem_shared>>) offsets(%arg9 : memref<128xi32, #tpu.memory_space<vmem>>) semaphore(%arg27 : memref<!tpu.dma_semaphore, #tpu.memory_space<semaphore_mem>>) {add = true}
    %dma_wait3A_483 = arith.constant 0 : i32
    %dma_wait3A_484 = arith.constant 0 : i32
    %dma_wait3A_485 = tpu.memref_slice %arg16[%dma_wait3A_483, %dma_wait3A_484] : memref<10000x128xf32, #tpu.memory_space<vmem_shared>> -> memref<10000x128xf32, #tpu.memory_space<vmem_shared>>
    tpu.wait_indirect_dma semaphore(%arg27 : memref<!tpu.dma_semaphore, #tpu.memory_space<semaphore_mem>>) src(%arg13 : memref<128x128xf32, #tpu.memory_space<vmem>>) dst(%dma_wait3A_485 : memref<10000x128xf32, #tpu.memory_space<vmem_shared>>)
    %dma_wait3A_486 = arith.constant 0 : i32
    %dma_wait3A_487 = arith.constant 0 : i32
    %dma_wait3A_488 = tpu.memref_slice %arg2[%dma_wait3A_486, %dma_wait3A_487] : memref<10000x128xf32, #tpu.memory_space<hbm>> -> memref<10000x128xf32, #tpu.memory_space<hbm>>
    tpu.wait_indirect_dma semaphore(%arg26 : memref<!tpu.dma_semaphore, #tpu.memory_space<semaphore_mem>>) src(%dma_wait3A_488 : memref<10000x128xf32, #tpu.memory_space<hbm>>) dst(%arg14 : memref<128x128xf32, #tpu.memory_space<vmem>>)
    %dma_start3A_489 = arith.constant 0 : i32
    %dma_start3A_490 = arith.constant 0 : i32
    %dma_start3A_491 = tpu.memref_slice %arg16[%dma_start3A_489, %dma_start3A_490] : memref<10000x128xf32, #tpu.memory_space<vmem_shared>> -> memref<10000x128xf32, #tpu.memory_space<vmem_shared>>
    tpu.enqueue_indirect_dma source(%arg14 : memref<128x128xf32, #tpu.memory_space<vmem>>) target(%dma_start3A_491 : memref<10000x128xf32, #tpu.memory_space<vmem_shared>>) offsets(%arg10 : memref<128xi32, #tpu.memory_space<vmem>>) semaphore(%arg28 : memref<!tpu.dma_semaphore, #tpu.memory_space<semaphore_mem>>) {add = true}
    %dma_wait3A_492 = arith.constant 0 : i32
    %dma_wait3A_493 = arith.constant 0 : i32
    %dma_wait3A_494 = tpu.memref_slice %arg16[%dma_wait3A_492, %dma_wait3A_493] : memref<10000x128xf32, #tpu.memory_space<vmem_shared>> -> memref<10000x128xf32, #tpu.memory_space<vmem_shared>>
    tpu.wait_indirect_dma semaphore(%arg28 : memref<!tpu.dma_semaphore, #tpu.memory_space<semaphore_mem>>) src(%arg14 : memref<128x128xf32, #tpu.memory_space<vmem>>) dst(%dma_wait3A_494 : memref<10000x128xf32, #tpu.memory_space<vmem_shared>>)
    %lt3A = arith.constant 4 : i32
    %lt3A_495 = arith.cmpi slt, %add3A, %lt3A : i32
    %convert_element_type3A_496 = arith.extui %lt3A_495 : i1 to i32
    %cond3A_497 = arith.constant 0 : i32
    %cond3A_498 = arith.constant 1 : i32
    %cond3A_499 = arith.constant 0 : i32
    %cond3A_500 = arith.cmpi ne, %convert_element_type3A_496, %cond3A_499 : i32
    scf.if %cond3A_500 {
      %add3A_582 = arith.constant 2496 : i32
      %add3A_583 = arith.addi %add3A_582, %add3A : i32
      %mul3A_584 = arith.constant 128 : i32
      %mul3A_585 = arith.muli %add3A_583, %mul3A_584 : i32
      %dma_start3A_586 = arith.constant 0 : i32
      %dma_start3A_587 = tpu.memref_slice %arg3[%cond3A_497, %dma_start3A_586] : memref<2x320000xi32, #tpu.memory_space<hbm>> -> memref<1x320000xi32, #tpu.memory_space<hbm>>
      %dma_start3A_588 = tpu.memref_squeeze %dma_start3A_587 : memref<1x320000xi32, #tpu.memory_space<hbm>> -> memref<320000xi32, #tpu.memory_space<hbm>>
      %dma_start3A_589 = tpu.memref_slice %dma_start3A_588[%mul3A_585] : memref<320000xi32, #tpu.memory_space<hbm>> -> memref<128xi32, #tpu.memory_space<hbm>>
      %dma_start3A_590 = arith.constant 0 : i32
      %dma_start3A_591 = tpu.memref_slice %arg3[%cond3A_497, %dma_start3A_590] : memref<2x320000xi32, #tpu.memory_space<hbm>> -> memref<1x320000xi32, #tpu.memory_space<hbm>>
      %dma_start3A_592 = tpu.memref_squeeze %dma_start3A_591 : memref<1x320000xi32, #tpu.memory_space<hbm>> -> memref<320000xi32, #tpu.memory_space<hbm>>
      %dma_start3A_593 = tpu.memref_slice %dma_start3A_592[%mul3A_585] : memref<320000xi32, #tpu.memory_space<hbm>> -> memref<128xi32, #tpu.memory_space<hbm>>
      tpu.enqueue_dma source(%dma_start3A_593 : memref<128xi32, #tpu.memory_space<hbm>>) target(%arg7 : memref<128xi32, #tpu.memory_space<vmem>>) target_semaphore(%arg19 : memref<!tpu.dma_semaphore, #tpu.memory_space<semaphore_mem>>)
      %mul3A_594 = arith.constant 128 : i32
      %mul3A_595 = arith.muli %add3A_583, %mul3A_594 : i32
      %dma_start3A_596 = arith.constant 0 : i32
      %dma_start3A_597 = tpu.memref_slice %arg3[%cond3A_498, %dma_start3A_596] : memref<2x320000xi32, #tpu.memory_space<hbm>> -> memref<1x320000xi32, #tpu.memory_space<hbm>>
      %dma_start3A_598 = tpu.memref_squeeze %dma_start3A_597 : memref<1x320000xi32, #tpu.memory_space<hbm>> -> memref<320000xi32, #tpu.memory_space<hbm>>
      %dma_start3A_599 = tpu.memref_slice %dma_start3A_598[%mul3A_595] : memref<320000xi32, #tpu.memory_space<hbm>> -> memref<128xi32, #tpu.memory_space<hbm>>
      %dma_start3A_600 = arith.constant 0 : i32
      %dma_start3A_601 = tpu.memref_slice %arg3[%cond3A_498, %dma_start3A_600] : memref<2x320000xi32, #tpu.memory_space<hbm>> -> memref<1x320000xi32, #tpu.memory_space<hbm>>
      %dma_start3A_602 = tpu.memref_squeeze %dma_start3A_601 : memref<1x320000xi32, #tpu.memory_space<hbm>> -> memref<320000xi32, #tpu.memory_space<hbm>>
      %dma_start3A_603 = tpu.memref_slice %dma_start3A_602[%mul3A_595] : memref<320000xi32, #tpu.memory_space<hbm>> -> memref<128xi32, #tpu.memory_space<hbm>>
      tpu.enqueue_dma source(%dma_start3A_603 : memref<128xi32, #tpu.memory_space<hbm>>) target(%arg11 : memref<128xi32, #tpu.memory_space<vmem>>) target_semaphore(%arg23 : memref<!tpu.dma_semaphore, #tpu.memory_space<semaphore_mem>>)
      %mul3A_604 = arith.constant 128 : i32
      %mul3A_605 = arith.muli %add3A_583, %mul3A_604 : i32
      %dma_wait3A_606 = arith.constant 0 : i32
      %dma_wait3A_607 = tpu.memref_slice %arg3[%cond3A_497, %dma_wait3A_606] : memref<2x320000xi32, #tpu.memory_space<hbm>> -> memref<1x320000xi32, #tpu.memory_space<hbm>>
      %dma_wait3A_608 = tpu.memref_squeeze %dma_wait3A_607 : memref<1x320000xi32, #tpu.memory_space<hbm>> -> memref<320000xi32, #tpu.memory_space<hbm>>
      %dma_wait3A_609 = tpu.memref_slice %dma_wait3A_608[%mul3A_605] : memref<320000xi32, #tpu.memory_space<hbm>> -> memref<128xi32, #tpu.memory_space<hbm>>
      %dma_wait3A_610 = arith.constant 0 : i32
      %dma_wait3A_611 = tpu.memref_slice %arg3[%cond3A_497, %dma_wait3A_610] : memref<2x320000xi32, #tpu.memory_space<hbm>> -> memref<1x320000xi32, #tpu.memory_space<hbm>>
      %dma_wait3A_612 = tpu.memref_squeeze %dma_wait3A_611 : memref<1x320000xi32, #tpu.memory_space<hbm>> -> memref<320000xi32, #tpu.memory_space<hbm>>
      %dma_wait3A_613 = tpu.memref_slice %dma_wait3A_612[%mul3A_605] : memref<320000xi32, #tpu.memory_space<hbm>> -> memref<128xi32, #tpu.memory_space<hbm>>
      tpu.wait_dma2 semaphore(%arg19 : memref<!tpu.dma_semaphore, #tpu.memory_space<semaphore_mem>>) src(%dma_wait3A_613 : memref<128xi32, #tpu.memory_space<hbm>>) dst(%arg7 : memref<128xi32, #tpu.memory_space<vmem>>)
      %mul3A_614 = arith.constant 128 : i32
      %mul3A_615 = arith.muli %add3A_583, %mul3A_614 : i32
      %dma_wait3A_616 = arith.constant 0 : i32
      %dma_wait3A_617 = tpu.memref_slice %arg3[%cond3A_498, %dma_wait3A_616] : memref<2x320000xi32, #tpu.memory_space<hbm>> -> memref<1x320000xi32, #tpu.memory_space<hbm>>
      %dma_wait3A_618 = tpu.memref_squeeze %dma_wait3A_617 : memref<1x320000xi32, #tpu.memory_space<hbm>> -> memref<320000xi32, #tpu.memory_space<hbm>>
      %dma_wait3A_619 = tpu.memref_slice %dma_wait3A_618[%mul3A_615] : memref<320000xi32, #tpu.memory_space<hbm>> -> memref<128xi32, #tpu.memory_space<hbm>>
      %dma_wait3A_620 = arith.constant 0 : i32
      %dma_wait3A_621 = tpu.memref_slice %arg3[%cond3A_498, %dma_wait3A_620] : memref<2x320000xi32, #tpu.memory_space<hbm>> -> memref<1x320000xi32, #tpu.memory_space<hbm>>
      %dma_wait3A_622 = tpu.memref_squeeze %dma_wait3A_621 : memref<1x320000xi32, #tpu.memory_space<hbm>> -> memref<320000xi32, #tpu.memory_space<hbm>>
      %dma_wait3A_623 = tpu.memref_slice %dma_wait3A_622[%mul3A_615] : memref<320000xi32, #tpu.memory_space<hbm>> -> memref<128xi32, #tpu.memory_space<hbm>>
      tpu.wait_dma2 semaphore(%arg23 : memref<!tpu.dma_semaphore, #tpu.memory_space<semaphore_mem>>) src(%dma_wait3A_623 : memref<128xi32, #tpu.memory_space<hbm>>) dst(%arg11 : memref<128xi32, #tpu.memory_space<vmem>>)
      %dma_start3A_624 = arith.constant 0 : i32
      %dma_start3A_625 = arith.constant 0 : i32
      %dma_start3A_626 = tpu.memref_slice %arg2[%dma_start3A_624, %dma_start3A_625] : memref<10000x128xf32, #tpu.memory_space<hbm>> -> memref<10000x128xf32, #tpu.memory_space<hbm>>
      tpu.enqueue_indirect_dma source(%dma_start3A_626 : memref<10000x128xf32, #tpu.memory_space<hbm>>) target(%arg13 : memref<128x128xf32, #tpu.memory_space<vmem>>) offsets(%arg7 : memref<128xi32, #tpu.memory_space<vmem>>) semaphore(%arg25 : memref<!tpu.dma_semaphore, #tpu.memory_space<semaphore_mem>>)
      %dma_wait3A_627 = arith.constant 0 : i32
      %dma_wait3A_628 = arith.constant 0 : i32
      %dma_wait3A_629 = tpu.memref_slice %arg2[%dma_wait3A_627, %dma_wait3A_628] : memref<10000x128xf32, #tpu.memory_space<hbm>> -> memref<10000x128xf32, #tpu.memory_space<hbm>>
      tpu.wait_indirect_dma semaphore(%arg25 : memref<!tpu.dma_semaphore, #tpu.memory_space<semaphore_mem>>) src(%dma_wait3A_629 : memref<10000x128xf32, #tpu.memory_space<hbm>>) dst(%arg13 : memref<128x128xf32, #tpu.memory_space<vmem>>)
      %dma_start3A_630 = arith.constant 0 : i32
      %dma_start3A_631 = arith.constant 0 : i32
      %dma_start3A_632 = tpu.memref_slice %arg16[%dma_start3A_630, %dma_start3A_631] : memref<10000x128xf32, #tpu.memory_space<vmem_shared>> -> memref<10000x128xf32, #tpu.memory_space<vmem_shared>>
      tpu.enqueue_indirect_dma source(%arg13 : memref<128x128xf32, #tpu.memory_space<vmem>>) target(%dma_start3A_632 : memref<10000x128xf32, #tpu.memory_space<vmem_shared>>) offsets(%arg11 : memref<128xi32, #tpu.memory_space<vmem>>) semaphore(%arg27 : memref<!tpu.dma_semaphore, #tpu.memory_space<semaphore_mem>>) {add = true}
      %dma_wait3A_633 = arith.constant 0 : i32
      %dma_wait3A_634 = arith.constant 0 : i32
      %dma_wait3A_635 = tpu.memref_slice %arg16[%dma_wait3A_633, %dma_wait3A_634] : memref<10000x128xf32, #tpu.memory_space<vmem_shared>> -> memref<10000x128xf32, #tpu.memory_space<vmem_shared>>
      tpu.wait_indirect_dma semaphore(%arg27 : memref<!tpu.dma_semaphore, #tpu.memory_space<semaphore_mem>>) src(%arg13 : memref<128x128xf32, #tpu.memory_space<vmem>>) dst(%dma_wait3A_635 : memref<10000x128xf32, #tpu.memory_space<vmem_shared>>)
    } else {
    }
    %barrier3A_501 = arith.constant 0 : index
    tpu.barrier barrier_id(%barrier3A_501)
    %gt3A_502 = arith.constant 0 : i32
    %gt3A_503 = arith.cmpi sgt, %select_n3A, %gt3A_502 : i32
    %convert_element_type3A_504 = arith.extui %gt3A_503 : i1 to i32
    %cond3A_505 = arith.constant 0 : i32
    %cond3A_506 = arith.cmpi ne, %convert_element_type3A_504, %cond3A_505 : i32
    scf.if %cond3A_506 {
      %mul3A_582 = arith.constant 8 : i32
      %mul3A_583 = arith.muli %arg1, %mul3A_582 : i32
      %add3A_584 = arith.constant 0 : i32
      %add3A_585 = arith.addi %mul3A_583, %add3A_584 : i32
      %mul3A_586 = arith.constant 80 : i32
      %mul3A_587 = arith.muli %add3A_585, %mul3A_586 : i32
      %multiple_of3A = tpu.assume_multiple %mul3A_587, 8 : i32
      %dma_start3A_588 = arith.constant 0 : i32
      %dma_start3A_589 = tpu.memref_slice %arg4[%arg0, %multiple_of3A, %dma_start3A_588] : memref<2x10000x128xf32, #tpu.memory_space<hbm>> -> memref<1x80x128xf32, #tpu.memory_space<hbm>>
      %dma_start3A_590 = tpu.memref_squeeze %dma_start3A_589 : memref<1x80x128xf32, #tpu.memory_space<hbm>> -> memref<80x128xf32, #tpu.memory_space<hbm>>
      %dma_start3A_591 = arith.constant 0 : i32
      %dma_start3A_592 = tpu.memref_slice %arg16[%multiple_of3A, %dma_start3A_591] : memref<10000x128xf32, #tpu.memory_space<vmem_shared>> -> memref<80x128xf32, #tpu.memory_space<vmem_shared>>
      tpu.enqueue_dma source(%dma_start3A_592 : memref<80x128xf32, #tpu.memory_space<vmem_shared>>) target(%dma_start3A_590 : memref<80x128xf32, #tpu.memory_space<hbm>>) target_semaphore(%arg29 : memref<!tpu.dma_semaphore, #tpu.memory_space<semaphore_mem>>)
    } else {
    }
    %gt3A_507 = arith.constant 1 : i32
    %gt3A_508 = arith.cmpi sgt, %select_n3A, %gt3A_507 : i32
    %convert_element_type3A_509 = arith.extui %gt3A_508 : i1 to i32
    %cond3A_510 = arith.constant 0 : i32
    %cond3A_511 = arith.cmpi ne, %convert_element_type3A_509, %cond3A_510 : i32
    scf.if %cond3A_511 {
      %mul3A_582 = arith.constant 8 : i32
      %mul3A_583 = arith.muli %arg1, %mul3A_582 : i32
      %add3A_584 = arith.constant 1 : i32
      %add3A_585 = arith.addi %mul3A_583, %add3A_584 : i32
      %mul3A_586 = arith.constant 80 : i32
      %mul3A_587 = arith.muli %add3A_585, %mul3A_586 : i32
      %multiple_of3A = tpu.assume_multiple %mul3A_587, 8 : i32
      %dma_start3A_588 = arith.constant 0 : i32
      %dma_start3A_589 = tpu.memref_slice %arg4[%arg0, %multiple_of3A, %dma_start3A_588] : memref<2x10000x128xf32, #tpu.memory_space<hbm>> -> memref<1x80x128xf32, #tpu.memory_space<hbm>>
      %dma_start3A_590 = tpu.memref_squeeze %dma_start3A_589 : memref<1x80x128xf32, #tpu.memory_space<hbm>> -> memref<80x128xf32, #tpu.memory_space<hbm>>
      %dma_start3A_591 = arith.constant 0 : i32
      %dma_start3A_592 = tpu.memref_slice %arg16[%multiple_of3A, %dma_start3A_591] : memref<10000x128xf32, #tpu.memory_space<vmem_shared>> -> memref<80x128xf32, #tpu.memory_space<vmem_shared>>
      tpu.enqueue_dma source(%dma_start3A_592 : memref<80x128xf32, #tpu.memory_space<vmem_shared>>) target(%dma_start3A_590 : memref<80x128xf32, #tpu.memory_space<hbm>>) target_semaphore(%arg30 : memref<!tpu.dma_semaphore, #tpu.memory_space<semaphore_mem>>)
    } else {
    }
    %gt3A_512 = arith.constant 2 : i32
    %gt3A_513 = arith.cmpi sgt, %select_n3A, %gt3A_512 : i32
    %convert_element_type3A_514 = arith.extui %gt3A_513 : i1 to i32
    %cond3A_515 = arith.constant 0 : i32
    %cond3A_516 = arith.cmpi ne, %convert_element_type3A_514, %cond3A_515 : i32
    scf.if %cond3A_516 {
      %mul3A_582 = arith.constant 8 : i32
      %mul3A_583 = arith.muli %arg1, %mul3A_582 : i32
      %add3A_584 = arith.constant 2 : i32
      %add3A_585 = arith.addi %mul3A_583, %add3A_584 : i32
      %mul3A_586 = arith.constant 80 : i32
      %mul3A_587 = arith.muli %add3A_585, %mul3A_586 : i32
      %multiple_of3A = tpu.assume_multiple %mul3A_587, 8 : i32
      %dma_start3A_588 = arith.constant 0 : i32
      %dma_start3A_589 = tpu.memref_slice %arg4[%arg0, %multiple_of3A, %dma_start3A_588] : memref<2x10000x128xf32, #tpu.memory_space<hbm>> -> memref<1x80x128xf32, #tpu.memory_space<hbm>>
      %dma_start3A_590 = tpu.memref_squeeze %dma_start3A_589 : memref<1x80x128xf32, #tpu.memory_space<hbm>> -> memref<80x128xf32, #tpu.memory_space<hbm>>
      %dma_start3A_591 = arith.constant 0 : i32
      %dma_start3A_592 = tpu.memref_slice %arg16[%multiple_of3A, %dma_start3A_591] : memref<10000x128xf32, #tpu.memory_space<vmem_shared>> -> memref<80x128xf32, #tpu.memory_space<vmem_shared>>
      tpu.enqueue_dma source(%dma_start3A_592 : memref<80x128xf32, #tpu.memory_space<vmem_shared>>) target(%dma_start3A_590 : memref<80x128xf32, #tpu.memory_space<hbm>>) target_semaphore(%arg31 : memref<!tpu.dma_semaphore, #tpu.memory_space<semaphore_mem>>)
    } else {
    }
    %gt3A_517 = arith.constant 3 : i32
    %gt3A_518 = arith.cmpi sgt, %select_n3A, %gt3A_517 : i32
    %convert_element_type3A_519 = arith.extui %gt3A_518 : i1 to i32
    %cond3A_520 = arith.constant 0 : i32
    %cond3A_521 = arith.cmpi ne, %convert_element_type3A_519, %cond3A_520 : i32
    scf.if %cond3A_521 {
      %mul3A_582 = arith.constant 8 : i32
      %mul3A_583 = arith.muli %arg1, %mul3A_582 : i32
      %add3A_584 = arith.constant 3 : i32
      %add3A_585 = arith.addi %mul3A_583, %add3A_584 : i32
      %mul3A_586 = arith.constant 80 : i32
      %mul3A_587 = arith.muli %add3A_585, %mul3A_586 : i32
      %multiple_of3A = tpu.assume_multiple %mul3A_587, 8 : i32
      %dma_start3A_588 = arith.constant 0 : i32
      %dma_start3A_589 = tpu.memref_slice %arg4[%arg0, %multiple_of3A, %dma_start3A_588] : memref<2x10000x128xf32, #tpu.memory_space<hbm>> -> memref<1x80x128xf32, #tpu.memory_space<hbm>>
      %dma_start3A_590 = tpu.memref_squeeze %dma_start3A_589 : memref<1x80x128xf32, #tpu.memory_space<hbm>> -> memref<80x128xf32, #tpu.memory_space<hbm>>
      %dma_start3A_591 = arith.constant 0 : i32
      %dma_start3A_592 = tpu.memref_slice %arg16[%multiple_of3A, %dma_start3A_591] : memref<10000x128xf32, #tpu.memory_space<vmem_shared>> -> memref<80x128xf32, #tpu.memory_space<vmem_shared>>
      tpu.enqueue_dma source(%dma_start3A_592 : memref<80x128xf32, #tpu.memory_space<vmem_shared>>) target(%dma_start3A_590 : memref<80x128xf32, #tpu.memory_space<hbm>>) target_semaphore(%arg32 : memref<!tpu.dma_semaphore, #tpu.memory_space<semaphore_mem>>)
    } else {
    }
    %gt3A_522 = arith.constant 4 : i32
    %gt3A_523 = arith.cmpi sgt, %select_n3A, %gt3A_522 : i32
    %convert_element_type3A_524 = arith.extui %gt3A_523 : i1 to i32
    %cond3A_525 = arith.constant 0 : i32
    %cond3A_526 = arith.cmpi ne, %convert_element_type3A_524, %cond3A_525 : i32
    scf.if %cond3A_526 {
      %mul3A_582 = arith.constant 8 : i32
      %mul3A_583 = arith.muli %arg1, %mul3A_582 : i32
      %add3A_584 = arith.constant 4 : i32
      %add3A_585 = arith.addi %mul3A_583, %add3A_584 : i32
      %mul3A_586 = arith.constant 80 : i32
      %mul3A_587 = arith.muli %add3A_585, %mul3A_586 : i32
      %multiple_of3A = tpu.assume_multiple %mul3A_587, 8 : i32
      %dma_start3A_588 = arith.constant 0 : i32
      %dma_start3A_589 = tpu.memref_slice %arg4[%arg0, %multiple_of3A, %dma_start3A_588] : memref<2x10000x128xf32, #tpu.memory_space<hbm>> -> memref<1x80x128xf32, #tpu.memory_space<hbm>>
      %dma_start3A_590 = tpu.memref_squeeze %dma_start3A_589 : memref<1x80x128xf32, #tpu.memory_space<hbm>> -> memref<80x128xf32, #tpu.memory_space<hbm>>
      %dma_start3A_591 = arith.constant 0 : i32
      %dma_start3A_592 = tpu.memref_slice %arg16[%multiple_of3A, %dma_start3A_591] : memref<10000x128xf32, #tpu.memory_space<vmem_shared>> -> memref<80x128xf32, #tpu.memory_space<vmem_shared>>
      tpu.enqueue_dma source(%dma_start3A_592 : memref<80x128xf32, #tpu.memory_space<vmem_shared>>) target(%dma_start3A_590 : memref<80x128xf32, #tpu.memory_space<hbm>>) target_semaphore(%arg33 : memref<!tpu.dma_semaphore, #tpu.memory_space<semaphore_mem>>)
    } else {
    }
    %gt3A_527 = arith.constant 5 : i32
    %gt3A_528 = arith.cmpi sgt, %select_n3A, %gt3A_527 : i32
    %convert_element_type3A_529 = arith.extui %gt3A_528 : i1 to i32
    %cond3A_530 = arith.constant 0 : i32
    %cond3A_531 = arith.cmpi ne, %convert_element_type3A_529, %cond3A_530 : i32
    scf.if %cond3A_531 {
      %mul3A_582 = arith.constant 8 : i32
      %mul3A_583 = arith.muli %arg1, %mul3A_582 : i32
      %add3A_584 = arith.constant 5 : i32
      %add3A_585 = arith.addi %mul3A_583, %add3A_584 : i32
      %mul3A_586 = arith.constant 80 : i32
      %mul3A_587 = arith.muli %add3A_585, %mul3A_586 : i32
      %multiple_of3A = tpu.assume_multiple %mul3A_587, 8 : i32
      %dma_start3A_588 = arith.constant 0 : i32
      %dma_start3A_589 = tpu.memref_slice %arg4[%arg0, %multiple_of3A, %dma_start3A_588] : memref<2x10000x128xf32, #tpu.memory_space<hbm>> -> memref<1x80x128xf32, #tpu.memory_space<hbm>>
      %dma_start3A_590 = tpu.memref_squeeze %dma_start3A_589 : memref<1x80x128xf32, #tpu.memory_space<hbm>> -> memref<80x128xf32, #tpu.memory_space<hbm>>
      %dma_start3A_591 = arith.constant 0 : i32
      %dma_start3A_592 = tpu.memref_slice %arg16[%multiple_of3A, %dma_start3A_591] : memref<10000x128xf32, #tpu.memory_space<vmem_shared>> -> memref<80x128xf32, #tpu.memory_space<vmem_shared>>
      tpu.enqueue_dma source(%dma_start3A_592 : memref<80x128xf32, #tpu.memory_space<vmem_shared>>) target(%dma_start3A_590 : memref<80x128xf32, #tpu.memory_space<hbm>>) target_semaphore(%arg34 : memref<!tpu.dma_semaphore, #tpu.memory_space<semaphore_mem>>)
    } else {
    }
    %gt3A_532 = arith.constant 6 : i32
    %gt3A_533 = arith.cmpi sgt, %select_n3A, %gt3A_532 : i32
    %convert_element_type3A_534 = arith.extui %gt3A_533 : i1 to i32
    %cond3A_535 = arith.constant 0 : i32
    %cond3A_536 = arith.cmpi ne, %convert_element_type3A_534, %cond3A_535 : i32
    scf.if %cond3A_536 {
      %mul3A_582 = arith.constant 8 : i32
      %mul3A_583 = arith.muli %arg1, %mul3A_582 : i32
      %add3A_584 = arith.constant 6 : i32
      %add3A_585 = arith.addi %mul3A_583, %add3A_584 : i32
      %mul3A_586 = arith.constant 80 : i32
      %mul3A_587 = arith.muli %add3A_585, %mul3A_586 : i32
      %multiple_of3A = tpu.assume_multiple %mul3A_587, 8 : i32
      %dma_start3A_588 = arith.constant 0 : i32
      %dma_start3A_589 = tpu.memref_slice %arg4[%arg0, %multiple_of3A, %dma_start3A_588] : memref<2x10000x128xf32, #tpu.memory_space<hbm>> -> memref<1x80x128xf32, #tpu.memory_space<hbm>>
      %dma_start3A_590 = tpu.memref_squeeze %dma_start3A_589 : memref<1x80x128xf32, #tpu.memory_space<hbm>> -> memref<80x128xf32, #tpu.memory_space<hbm>>
      %dma_start3A_591 = arith.constant 0 : i32
      %dma_start3A_592 = tpu.memref_slice %arg16[%multiple_of3A, %dma_start3A_591] : memref<10000x128xf32, #tpu.memory_space<vmem_shared>> -> memref<80x128xf32, #tpu.memory_space<vmem_shared>>
      tpu.enqueue_dma source(%dma_start3A_592 : memref<80x128xf32, #tpu.memory_space<vmem_shared>>) target(%dma_start3A_590 : memref<80x128xf32, #tpu.memory_space<hbm>>) target_semaphore(%arg35 : memref<!tpu.dma_semaphore, #tpu.memory_space<semaphore_mem>>)
    } else {
    }
    %gt3A_537 = arith.constant 7 : i32
    %gt3A_538 = arith.cmpi sgt, %select_n3A, %gt3A_537 : i32
    %convert_element_type3A_539 = arith.extui %gt3A_538 : i1 to i32
    %cond3A_540 = arith.constant 0 : i32
    %cond3A_541 = arith.cmpi ne, %convert_element_type3A_539, %cond3A_540 : i32
    scf.if %cond3A_541 {
      %mul3A_582 = arith.constant 8 : i32
      %mul3A_583 = arith.muli %arg1, %mul3A_582 : i32
      %add3A_584 = arith.constant 7 : i32
      %add3A_585 = arith.addi %mul3A_583, %add3A_584 : i32
      %mul3A_586 = arith.constant 80 : i32
      %mul3A_587 = arith.muli %add3A_585, %mul3A_586 : i32
      %multiple_of3A = tpu.assume_multiple %mul3A_587, 8 : i32
      %dma_start3A_588 = arith.constant 0 : i32
      %dma_start3A_589 = tpu.memref_slice %arg4[%arg0, %multiple_of3A, %dma_start3A_588] : memref<2x10000x128xf32, #tpu.memory_space<hbm>> -> memref<1x80x128xf32, #tpu.memory_space<hbm>>
      %dma_start3A_590 = tpu.memref_squeeze %dma_start3A_589 : memref<1x80x128xf32, #tpu.memory_space<hbm>> -> memref<80x128xf32, #tpu.memory_space<hbm>>
      %dma_start3A_591 = arith.constant 0 : i32
      %dma_start3A_592 = tpu.memref_slice %arg16[%multiple_of3A, %dma_start3A_591] : memref<10000x128xf32, #tpu.memory_space<vmem_shared>> -> memref<80x128xf32, #tpu.memory_space<vmem_shared>>
      tpu.enqueue_dma source(%dma_start3A_592 : memref<80x128xf32, #tpu.memory_space<vmem_shared>>) target(%dma_start3A_590 : memref<80x128xf32, #tpu.memory_space<hbm>>) target_semaphore(%arg36 : memref<!tpu.dma_semaphore, #tpu.memory_space<semaphore_mem>>)
    } else {
    }
    %gt3A_542 = arith.constant 0 : i32
    %gt3A_543 = arith.cmpi sgt, %select_n3A, %gt3A_542 : i32
    %convert_element_type3A_544 = arith.extui %gt3A_543 : i1 to i32
    %cond3A_545 = arith.constant 0 : i32
    %cond3A_546 = arith.cmpi ne, %convert_element_type3A_544, %cond3A_545 : i32
    scf.if %cond3A_546 {
      %mul3A_582 = arith.constant 8 : i32
      %mul3A_583 = arith.muli %arg1, %mul3A_582 : i32
      %add3A_584 = arith.constant 0 : i32
      %add3A_585 = arith.addi %mul3A_583, %add3A_584 : i32
      %mul3A_586 = arith.constant 80 : i32
      %mul3A_587 = arith.muli %add3A_585, %mul3A_586 : i32
      %multiple_of3A = tpu.assume_multiple %mul3A_587, 8 : i32
      %dma_wait3A_588 = arith.constant 0 : i32
      %dma_wait3A_589 = tpu.memref_slice %arg4[%arg0, %multiple_of3A, %dma_wait3A_588] : memref<2x10000x128xf32, #tpu.memory_space<hbm>> -> memref<1x80x128xf32, #tpu.memory_space<hbm>>
      %dma_wait3A_590 = tpu.memref_squeeze %dma_wait3A_589 : memref<1x80x128xf32, #tpu.memory_space<hbm>> -> memref<80x128xf32, #tpu.memory_space<hbm>>
      %dma_wait3A_591 = arith.constant 0 : i32
      %dma_wait3A_592 = tpu.memref_slice %arg16[%multiple_of3A, %dma_wait3A_591] : memref<10000x128xf32, #tpu.memory_space<vmem_shared>> -> memref<80x128xf32, #tpu.memory_space<vmem_shared>>
      tpu.wait_dma2 semaphore(%arg29 : memref<!tpu.dma_semaphore, #tpu.memory_space<semaphore_mem>>) src(%dma_wait3A_592 : memref<80x128xf32, #tpu.memory_space<vmem_shared>>) dst(%dma_wait3A_590 : memref<80x128xf32, #tpu.memory_space<hbm>>)
    } else {
    }
    %gt3A_547 = arith.constant 1 : i32
    %gt3A_548 = arith.cmpi sgt, %select_n3A, %gt3A_547 : i32
    %convert_element_type3A_549 = arith.extui %gt3A_548 : i1 to i32
    %cond3A_550 = arith.constant 0 : i32
    %cond3A_551 = arith.cmpi ne, %convert_element_type3A_549, %cond3A_550 : i32
    scf.if %cond3A_551 {
      %mul3A_582 = arith.constant 8 : i32
      %mul3A_583 = arith.muli %arg1, %mul3A_582 : i32
      %add3A_584 = arith.constant 1 : i32
      %add3A_585 = arith.addi %mul3A_583, %add3A_584 : i32
      %mul3A_586 = arith.constant 80 : i32
      %mul3A_587 = arith.muli %add3A_585, %mul3A_586 : i32
      %multiple_of3A = tpu.assume_multiple %mul3A_587, 8 : i32
      %dma_wait3A_588 = arith.constant 0 : i32
      %dma_wait3A_589 = tpu.memref_slice %arg4[%arg0, %multiple_of3A, %dma_wait3A_588] : memref<2x10000x128xf32, #tpu.memory_space<hbm>> -> memref<1x80x128xf32, #tpu.memory_space<hbm>>
      %dma_wait3A_590 = tpu.memref_squeeze %dma_wait3A_589 : memref<1x80x128xf32, #tpu.memory_space<hbm>> -> memref<80x128xf32, #tpu.memory_space<hbm>>
      %dma_wait3A_591 = arith.constant 0 : i32
      %dma_wait3A_592 = tpu.memref_slice %arg16[%multiple_of3A, %dma_wait3A_591] : memref<10000x128xf32, #tpu.memory_space<vmem_shared>> -> memref<80x128xf32, #tpu.memory_space<vmem_shared>>
      tpu.wait_dma2 semaphore(%arg30 : memref<!tpu.dma_semaphore, #tpu.memory_space<semaphore_mem>>) src(%dma_wait3A_592 : memref<80x128xf32, #tpu.memory_space<vmem_shared>>) dst(%dma_wait3A_590 : memref<80x128xf32, #tpu.memory_space<hbm>>)
    } else {
    }
    %gt3A_552 = arith.constant 2 : i32
    %gt3A_553 = arith.cmpi sgt, %select_n3A, %gt3A_552 : i32
    %convert_element_type3A_554 = arith.extui %gt3A_553 : i1 to i32
    %cond3A_555 = arith.constant 0 : i32
    %cond3A_556 = arith.cmpi ne, %convert_element_type3A_554, %cond3A_555 : i32
    scf.if %cond3A_556 {
      %mul3A_582 = arith.constant 8 : i32
      %mul3A_583 = arith.muli %arg1, %mul3A_582 : i32
      %add3A_584 = arith.constant 2 : i32
      %add3A_585 = arith.addi %mul3A_583, %add3A_584 : i32
      %mul3A_586 = arith.constant 80 : i32
      %mul3A_587 = arith.muli %add3A_585, %mul3A_586 : i32
      %multiple_of3A = tpu.assume_multiple %mul3A_587, 8 : i32
      %dma_wait3A_588 = arith.constant 0 : i32
      %dma_wait3A_589 = tpu.memref_slice %arg4[%arg0, %multiple_of3A, %dma_wait3A_588] : memref<2x10000x128xf32, #tpu.memory_space<hbm>> -> memref<1x80x128xf32, #tpu.memory_space<hbm>>
      %dma_wait3A_590 = tpu.memref_squeeze %dma_wait3A_589 : memref<1x80x128xf32, #tpu.memory_space<hbm>> -> memref<80x128xf32, #tpu.memory_space<hbm>>
      %dma_wait3A_591 = arith.constant 0 : i32
      %dma_wait3A_592 = tpu.memref_slice %arg16[%multiple_of3A, %dma_wait3A_591] : memref<10000x128xf32, #tpu.memory_space<vmem_shared>> -> memref<80x128xf32, #tpu.memory_space<vmem_shared>>
      tpu.wait_dma2 semaphore(%arg31 : memref<!tpu.dma_semaphore, #tpu.memory_space<semaphore_mem>>) src(%dma_wait3A_592 : memref<80x128xf32, #tpu.memory_space<vmem_shared>>) dst(%dma_wait3A_590 : memref<80x128xf32, #tpu.memory_space<hbm>>)
    } else {
    }
    %gt3A_557 = arith.constant 3 : i32
    %gt3A_558 = arith.cmpi sgt, %select_n3A, %gt3A_557 : i32
    %convert_element_type3A_559 = arith.extui %gt3A_558 : i1 to i32
    %cond3A_560 = arith.constant 0 : i32
    %cond3A_561 = arith.cmpi ne, %convert_element_type3A_559, %cond3A_560 : i32
    scf.if %cond3A_561 {
      %mul3A_582 = arith.constant 8 : i32
      %mul3A_583 = arith.muli %arg1, %mul3A_582 : i32
      %add3A_584 = arith.constant 3 : i32
      %add3A_585 = arith.addi %mul3A_583, %add3A_584 : i32
      %mul3A_586 = arith.constant 80 : i32
      %mul3A_587 = arith.muli %add3A_585, %mul3A_586 : i32
      %multiple_of3A = tpu.assume_multiple %mul3A_587, 8 : i32
      %dma_wait3A_588 = arith.constant 0 : i32
      %dma_wait3A_589 = tpu.memref_slice %arg4[%arg0, %multiple_of3A, %dma_wait3A_588] : memref<2x10000x128xf32, #tpu.memory_space<hbm>> -> memref<1x80x128xf32, #tpu.memory_space<hbm>>
      %dma_wait3A_590 = tpu.memref_squeeze %dma_wait3A_589 : memref<1x80x128xf32, #tpu.memory_space<hbm>> -> memref<80x128xf32, #tpu.memory_space<hbm>>
      %dma_wait3A_591 = arith.constant 0 : i32
      %dma_wait3A_592 = tpu.memref_slice %arg16[%multiple_of3A, %dma_wait3A_591] : memref<10000x128xf32, #tpu.memory_space<vmem_shared>> -> memref<80x128xf32, #tpu.memory_space<vmem_shared>>
      tpu.wait_dma2 semaphore(%arg32 : memref<!tpu.dma_semaphore, #tpu.memory_space<semaphore_mem>>) src(%dma_wait3A_592 : memref<80x128xf32, #tpu.memory_space<vmem_shared>>) dst(%dma_wait3A_590 : memref<80x128xf32, #tpu.memory_space<hbm>>)
    } else {
    }
    %gt3A_562 = arith.constant 4 : i32
    %gt3A_563 = arith.cmpi sgt, %select_n3A, %gt3A_562 : i32
    %convert_element_type3A_564 = arith.extui %gt3A_563 : i1 to i32
    %cond3A_565 = arith.constant 0 : i32
    %cond3A_566 = arith.cmpi ne, %convert_element_type3A_564, %cond3A_565 : i32
    scf.if %cond3A_566 {
      %mul3A_582 = arith.constant 8 : i32
      %mul3A_583 = arith.muli %arg1, %mul3A_582 : i32
      %add3A_584 = arith.constant 4 : i32
      %add3A_585 = arith.addi %mul3A_583, %add3A_584 : i32
      %mul3A_586 = arith.constant 80 : i32
      %mul3A_587 = arith.muli %add3A_585, %mul3A_586 : i32
      %multiple_of3A = tpu.assume_multiple %mul3A_587, 8 : i32
      %dma_wait3A_588 = arith.constant 0 : i32
      %dma_wait3A_589 = tpu.memref_slice %arg4[%arg0, %multiple_of3A, %dma_wait3A_588] : memref<2x10000x128xf32, #tpu.memory_space<hbm>> -> memref<1x80x128xf32, #tpu.memory_space<hbm>>
      %dma_wait3A_590 = tpu.memref_squeeze %dma_wait3A_589 : memref<1x80x128xf32, #tpu.memory_space<hbm>> -> memref<80x128xf32, #tpu.memory_space<hbm>>
      %dma_wait3A_591 = arith.constant 0 : i32
      %dma_wait3A_592 = tpu.memref_slice %arg16[%multiple_of3A, %dma_wait3A_591] : memref<10000x128xf32, #tpu.memory_space<vmem_shared>> -> memref<80x128xf32, #tpu.memory_space<vmem_shared>>
      tpu.wait_dma2 semaphore(%arg33 : memref<!tpu.dma_semaphore, #tpu.memory_space<semaphore_mem>>) src(%dma_wait3A_592 : memref<80x128xf32, #tpu.memory_space<vmem_shared>>) dst(%dma_wait3A_590 : memref<80x128xf32, #tpu.memory_space<hbm>>)
    } else {
    }
    %gt3A_567 = arith.constant 5 : i32
    %gt3A_568 = arith.cmpi sgt, %select_n3A, %gt3A_567 : i32
    %convert_element_type3A_569 = arith.extui %gt3A_568 : i1 to i32
    %cond3A_570 = arith.constant 0 : i32
    %cond3A_571 = arith.cmpi ne, %convert_element_type3A_569, %cond3A_570 : i32
    scf.if %cond3A_571 {
      %mul3A_582 = arith.constant 8 : i32
      %mul3A_583 = arith.muli %arg1, %mul3A_582 : i32
      %add3A_584 = arith.constant 5 : i32
      %add3A_585 = arith.addi %mul3A_583, %add3A_584 : i32
      %mul3A_586 = arith.constant 80 : i32
      %mul3A_587 = arith.muli %add3A_585, %mul3A_586 : i32
      %multiple_of3A = tpu.assume_multiple %mul3A_587, 8 : i32
      %dma_wait3A_588 = arith.constant 0 : i32
      %dma_wait3A_589 = tpu.memref_slice %arg4[%arg0, %multiple_of3A, %dma_wait3A_588] : memref<2x10000x128xf32, #tpu.memory_space<hbm>> -> memref<1x80x128xf32, #tpu.memory_space<hbm>>
      %dma_wait3A_590 = tpu.memref_squeeze %dma_wait3A_589 : memref<1x80x128xf32, #tpu.memory_space<hbm>> -> memref<80x128xf32, #tpu.memory_space<hbm>>
      %dma_wait3A_591 = arith.constant 0 : i32
      %dma_wait3A_592 = tpu.memref_slice %arg16[%multiple_of3A, %dma_wait3A_591] : memref<10000x128xf32, #tpu.memory_space<vmem_shared>> -> memref<80x128xf32, #tpu.memory_space<vmem_shared>>
      tpu.wait_dma2 semaphore(%arg34 : memref<!tpu.dma_semaphore, #tpu.memory_space<semaphore_mem>>) src(%dma_wait3A_592 : memref<80x128xf32, #tpu.memory_space<vmem_shared>>) dst(%dma_wait3A_590 : memref<80x128xf32, #tpu.memory_space<hbm>>)
    } else {
    }
    %gt3A_572 = arith.constant 6 : i32
    %gt3A_573 = arith.cmpi sgt, %select_n3A, %gt3A_572 : i32
    %convert_element_type3A_574 = arith.extui %gt3A_573 : i1 to i32
    %cond3A_575 = arith.constant 0 : i32
    %cond3A_576 = arith.cmpi ne, %convert_element_type3A_574, %cond3A_575 : i32
    scf.if %cond3A_576 {
      %mul3A_582 = arith.constant 8 : i32
      %mul3A_583 = arith.muli %arg1, %mul3A_582 : i32
      %add3A_584 = arith.constant 6 : i32
      %add3A_585 = arith.addi %mul3A_583, %add3A_584 : i32
      %mul3A_586 = arith.constant 80 : i32
      %mul3A_587 = arith.muli %add3A_585, %mul3A_586 : i32
      %multiple_of3A = tpu.assume_multiple %mul3A_587, 8 : i32
      %dma_wait3A_588 = arith.constant 0 : i32
      %dma_wait3A_589 = tpu.memref_slice %arg4[%arg0, %multiple_of3A, %dma_wait3A_588] : memref<2x10000x128xf32, #tpu.memory_space<hbm>> -> memref<1x80x128xf32, #tpu.memory_space<hbm>>
      %dma_wait3A_590 = tpu.memref_squeeze %dma_wait3A_589 : memref<1x80x128xf32, #tpu.memory_space<hbm>> -> memref<80x128xf32, #tpu.memory_space<hbm>>
      %dma_wait3A_591 = arith.constant 0 : i32
      %dma_wait3A_592 = tpu.memref_slice %arg16[%multiple_of3A, %dma_wait3A_591] : memref<10000x128xf32, #tpu.memory_space<vmem_shared>> -> memref<80x128xf32, #tpu.memory_space<vmem_shared>>
      tpu.wait_dma2 semaphore(%arg35 : memref<!tpu.dma_semaphore, #tpu.memory_space<semaphore_mem>>) src(%dma_wait3A_592 : memref<80x128xf32, #tpu.memory_space<vmem_shared>>) dst(%dma_wait3A_590 : memref<80x128xf32, #tpu.memory_space<hbm>>)
    } else {
    }
    %gt3A_577 = arith.constant 7 : i32
    %gt3A_578 = arith.cmpi sgt, %select_n3A, %gt3A_577 : i32
    %convert_element_type3A_579 = arith.extui %gt3A_578 : i1 to i32
    %cond3A_580 = arith.constant 0 : i32
    %cond3A_581 = arith.cmpi ne, %convert_element_type3A_579, %cond3A_580 : i32
    scf.if %cond3A_581 {
      %mul3A_582 = arith.constant 8 : i32
      %mul3A_583 = arith.muli %arg1, %mul3A_582 : i32
      %add3A_584 = arith.constant 7 : i32
      %add3A_585 = arith.addi %mul3A_583, %add3A_584 : i32
      %mul3A_586 = arith.constant 80 : i32
      %mul3A_587 = arith.muli %add3A_585, %mul3A_586 : i32
      %multiple_of3A = tpu.assume_multiple %mul3A_587, 8 : i32
      %dma_wait3A_588 = arith.constant 0 : i32
      %dma_wait3A_589 = tpu.memref_slice %arg4[%arg0, %multiple_of3A, %dma_wait3A_588] : memref<2x10000x128xf32, #tpu.memory_space<hbm>> -> memref<1x80x128xf32, #tpu.memory_space<hbm>>
      %dma_wait3A_590 = tpu.memref_squeeze %dma_wait3A_589 : memref<1x80x128xf32, #tpu.memory_space<hbm>> -> memref<80x128xf32, #tpu.memory_space<hbm>>
      %dma_wait3A_591 = arith.constant 0 : i32
      %dma_wait3A_592 = tpu.memref_slice %arg16[%multiple_of3A, %dma_wait3A_591] : memref<10000x128xf32, #tpu.memory_space<vmem_shared>> -> memref<80x128xf32, #tpu.memory_space<vmem_shared>>
      tpu.wait_dma2 semaphore(%arg36 : memref<!tpu.dma_semaphore, #tpu.memory_space<semaphore_mem>>) src(%dma_wait3A_592 : memref<80x128xf32, #tpu.memory_space<vmem_shared>>) dst(%dma_wait3A_590 : memref<80x128xf32, #tpu.memory_space<hbm>>)
    } else {
    }
    return
  }
}

module attributes {stable_mosaic.version = 14 : i64} {
  func.func @body(%arg0: i32, %arg1: memref<1000x128xf32, #tpu.memory_space<vmem>>, %arg2: memref<2x1000x128xf32, #tpu.memory_space<vmem>>, %arg3: memref<128x128xf32, #tpu.memory_space<vmem>>, %arg4: memref<1x128xf32, #tpu.memory_space<vmem>>, %arg5: memref<1000x128xf32, #tpu.memory_space<vmem>>) attributes {dimension_semantics = [#tpu.dimension_semantics<arbitrary>], iteration_bounds = array<i64: 10>, scalar_prefetch = 0 : i64, scratch_operands = 0 : i64, tpu.core_type = #tpu.core_type<tc>, window_params = [{transform_indices = @transform_0, window_bounds = array<i64: 1000, 128>}, {transform_indices = @transform_1, window_bounds = array<i64: 2, 1000, 128>}, {pipeline_mode = #tpu.pipeline_mode<synchronous>, transform_indices = @transform_2, window_bounds = array<i64: 128, 128>}, {pipeline_mode = #tpu.pipeline_mode<synchronous>, transform_indices = @transform_3, window_bounds = array<i64: 1, 128>}, {transform_indices = @transform_4, window_bounds = array<i64: 1000, 128>}]} {
    %get3A = arith.constant 0 : index
    %get3A_0 = arith.constant 0 : index
    %get3A_1 = vector.load %arg1[%get3A, %get3A_0] : memref<1000x128xf32, #tpu.memory_space<vmem>>, vector<1000x128xf32>
    %get3A_2 = arith.constant 0 : index
    %get3A_3 = arith.constant 0 : index
    %get3A_4 = arith.constant 0 : index
    %get3A_5 = vector.load %arg2[%get3A_2, %get3A_3, %get3A_4] : memref<2x1000x128xf32, #tpu.memory_space<vmem>>, vector<1x1000x128xf32>
    %get3A_6 = vector.shape_cast %get3A_5 : vector<1x1000x128xf32> to vector<1000x128xf32>
    %add3A = arith.addf %get3A_1, %get3A_6 : vector<1000x128xf32>
    %get3A_7 = arith.constant 1 : index
    %get3A_8 = arith.constant 0 : index
    %get3A_9 = arith.constant 0 : index
    %get3A_10 = vector.load %arg2[%get3A_7, %get3A_8, %get3A_9] : memref<2x1000x128xf32, #tpu.memory_space<vmem>>, vector<1x1000x128xf32>
    %get3A_11 = vector.shape_cast %get3A_10 : vector<1x1000x128xf32> to vector<1000x128xf32>
    %add3A_12 = arith.addf %add3A, %get3A_11 : vector<1000x128xf32>
    %get3A_13 = arith.constant 0 : index
    %get3A_14 = arith.constant 0 : index
    %get3A_15 = vector.load %arg3[%get3A_13, %get3A_14] : memref<128x128xf32, #tpu.memory_space<vmem>>, vector<128x128xf32>
    %dot_general3A = arith.constant dense<0.000000e+00> : vector<1000x128xf32>
    %dot_general3A_16 = tpu.matmul %add3A_12, %get3A_15, %dot_general3A {dimension_numbers = #tpu.dot_dimension_numbers<[1], [0], [0], [1], [0, 0, 1, 1], [], []>, transpose_lhs_hint = false} : vector<1000x128xf32>, vector<128x128xf32>, vector<1000x128xf32> -> vector<1000x128xf32>
    %get3A_17 = arith.constant 0 : index
    %get3A_18 = arith.constant 0 : index
    %get3A_19 = vector.load %arg4[%get3A_17, %get3A_18] : memref<1x128xf32, #tpu.memory_space<vmem>>, vector<1x128xf32>
    %add3A_20 = vector.broadcast %get3A_19 : vector<1x128xf32> to vector<1000x128xf32>
    %add3A_21 = arith.addf %dot_general3A_16, %add3A_20 : vector<1000x128xf32>
    %reduce_max3A = arith.constant dense<0xFF800000> : vector<1000xf32>
    %reduce_max3A_22 = vector.multi_reduction <maximumf>, %add3A_21, %reduce_max3A [1] : vector<1000x128xf32> to vector<1000xf32>
    %broadcast_in_dim3A = vector.shape_cast %reduce_max3A_22 : vector<1000xf32> to vector<1000x1xf32>
    %sub3A = vector.broadcast %broadcast_in_dim3A : vector<1000x1xf32> to vector<1000x128xf32>
    %sub3A_23 = arith.subf %add3A_21, %sub3A : vector<1000x128xf32>
    %exp3A = math.exp %sub3A_23 : vector<1000x128xf32>
    %reduce_sum3A = arith.constant dense<0.000000e+00> : vector<1000xf32>
    %reduce_sum3A_24 = vector.multi_reduction <add>, %exp3A, %reduce_sum3A [1] : vector<1000x128xf32> to vector<1000xf32>
    %broadcast_in_dim3A_25 = vector.shape_cast %reduce_sum3A_24 : vector<1000xf32> to vector<1000x1xf32>
    %sub3A_26 = vector.broadcast %broadcast_in_dim3A : vector<1000x1xf32> to vector<1000x128xf32>
    %sub3A_27 = arith.subf %add3A_21, %sub3A_26 : vector<1000x128xf32>
    %log3A = math.log %broadcast_in_dim3A_25 : vector<1000x1xf32>
    %sub3A_28 = vector.broadcast %log3A : vector<1000x1xf32> to vector<1000x128xf32>
    %sub3A_29 = arith.subf %sub3A_27, %sub3A_28 : vector<1000x128xf32>
    %swap3A = arith.constant 0 : index
    %swap3A_30 = arith.constant 0 : index
    %swap3A_31 = vector.load %arg5[%swap3A, %swap3A_30] : memref<1000x128xf32, #tpu.memory_space<vmem>>, vector<1000x128xf32>
    tpu.vector_store %arg5[%swap3A, %swap3A_30], %sub3A_29 {strides = array<i32>} : memref<1000x128xf32, #tpu.memory_space<vmem>>, vector<1000x128xf32>,
    return
  }
  func.func @transform_0(%arg0: i32) -> (i32, i32) {
    %c0_i32 = arith.constant 0 : i32
    %c0_i32_0 = arith.constant 0 : i32
    return %arg0, %c0_i32 : i32, i32
  }
  func.func @transform_1(%arg0: i32) -> (i32, i32, i32) {
    %c0_i32 = arith.constant 0 : i32
    %c0_i32_0 = arith.constant 0 : i32
    %c0_i32_1 = arith.constant 0 : i32
    return %c0_i32, %arg0, %c0_i32_0 : i32, i32, i32
  }
  func.func @transform_2(%arg0: i32) -> (i32, i32) {
    %c0_i32 = arith.constant 0 : i32
    %c0_i32_0 = arith.constant 0 : i32
    %c0_i32_1 = arith.constant 0 : i32
    return %c0_i32, %c0_i32_0 : i32, i32
  }
  func.func @transform_3(%arg0: i32) -> (i32, i32) {
    %c0_i32 = arith.constant 0 : i32
    %c0_i32_0 = arith.constant 0 : i32
    %c0_i32_1 = arith.constant 0 : i32
    return %c0_i32, %c0_i32_0 : i32, i32
  }
  func.func @transform_4(%arg0: i32) -> (i32, i32) {
    %c0_i32 = arith.constant 0 : i32
    %c0_i32_0 = arith.constant 0 : i32
    return %arg0, %c0_i32 : i32, i32
  }
}

module attributes {stable_mosaic.version = 14 : i64} {
  func.func @body(%arg0: i32, %arg1: memref<1000x128xf32, #tpu.memory_space<vmem>>, %arg2: memref<2x1000x128xf32, #tpu.memory_space<vmem>>, %arg3: memref<128x128xf32, #tpu.memory_space<vmem>>, %arg4: memref<1x128xf32, #tpu.memory_space<vmem>>, %arg5: memref<1000x128xf32, #tpu.memory_space<vmem>>) attributes {dimension_semantics = [#tpu.dimension_semantics<arbitrary>], iteration_bounds = array<i64: 10>, scalar_prefetch = 0 : i64, scratch_operands = 0 : i64, tpu.core_type = #tpu.core_type<tc>, window_params = [{transform_indices = @transform_0, window_bounds = array<i64: 1000, 128>}, {transform_indices = @transform_1, window_bounds = array<i64: 2, 1000, 128>}, {pipeline_mode = #tpu.pipeline_mode<synchronous>, transform_indices = @transform_2, window_bounds = array<i64: 128, 128>}, {pipeline_mode = #tpu.pipeline_mode<synchronous>, transform_indices = @transform_3, window_bounds = array<i64: 1, 128>}, {transform_indices = @transform_4, window_bounds = array<i64: 1000, 128>}]} {
    %get3A = arith.constant 0 : index
    %get3A_0 = arith.constant 0 : index
    %get3A_1 = vector.load %arg1[%get3A, %get3A_0] : memref<1000x128xf32, #tpu.memory_space<vmem>>, vector<1000x128xf32>
    %get3A_2 = arith.constant 0 : index
    %get3A_3 = arith.constant 0 : index
    %get3A_4 = arith.constant 0 : index
    %get3A_5 = vector.load %arg2[%get3A_2, %get3A_3, %get3A_4] : memref<2x1000x128xf32, #tpu.memory_space<vmem>>, vector<1x1000x128xf32>
    %get3A_6 = vector.shape_cast %get3A_5 : vector<1x1000x128xf32> to vector<1000x128xf32>
    %add3A = arith.addf %get3A_1, %get3A_6 : vector<1000x128xf32>
    %get3A_7 = arith.constant 1 : index
    %get3A_8 = arith.constant 0 : index
    %get3A_9 = arith.constant 0 : index
    %get3A_10 = vector.load %arg2[%get3A_7, %get3A_8, %get3A_9] : memref<2x1000x128xf32, #tpu.memory_space<vmem>>, vector<1x1000x128xf32>
    %get3A_11 = vector.shape_cast %get3A_10 : vector<1x1000x128xf32> to vector<1000x128xf32>
    %add3A_12 = arith.addf %add3A, %get3A_11 : vector<1000x128xf32>
    %get3A_13 = arith.constant 0 : index
    %get3A_14 = arith.constant 0 : index
    %get3A_15 = vector.load %arg3[%get3A_13, %get3A_14] : memref<128x128xf32, #tpu.memory_space<vmem>>, vector<128x128xf32>
    %dot_general3A = arith.constant dense<0.000000e+00> : vector<1000x128xf32>
    %dot_general3A_16 = tpu.matmul %add3A_12, %get3A_15, %dot_general3A {dimension_numbers = #tpu.dot_dimension_numbers<[1], [0], [0], [1], [0, 0, 1, 1], [], []>, transpose_lhs_hint = false} : vector<1000x128xf32>, vector<128x128xf32>, vector<1000x128xf32> -> vector<1000x128xf32>
    %get3A_17 = arith.constant 0 : index
    %get3A_18 = arith.constant 0 : index
    %get3A_19 = vector.load %arg4[%get3A_17, %get3A_18] : memref<1x128xf32, #tpu.memory_space<vmem>>, vector<1x128xf32>
    %add3A_20 = vector.broadcast %get3A_19 : vector<1x128xf32> to vector<1000x128xf32>
    %add3A_21 = arith.addf %dot_general3A_16, %add3A_20 : vector<1000x128xf32>
    %max3A = arith.constant 0.000000e+00 : f32
    %max3A_22 = vector.broadcast %max3A : f32 to vector<1000x128xf32>
    %max3A_23 = arith.maximumf %add3A_21, %max3A_22 : vector<1000x128xf32>
    %swap3A = arith.constant 0 : index
    %swap3A_24 = arith.constant 0 : index
    %swap3A_25 = vector.load %arg5[%swap3A, %swap3A_24] : memref<1000x128xf32, #tpu.memory_space<vmem>>, vector<1000x128xf32>
    tpu.vector_store %arg5[%swap3A, %swap3A_24], %max3A_23 {strides = array<i32>} : memref<1000x128xf32, #tpu.memory_space<vmem>>, vector<1000x128xf32>,
    return
  }
  func.func @transform_0(%arg0: i32) -> (i32, i32) {
    %c0_i32 = arith.constant 0 : i32
    %c0_i32_0 = arith.constant 0 : i32
    return %arg0, %c0_i32 : i32, i32
  }
  func.func @transform_1(%arg0: i32) -> (i32, i32, i32) {
    %c0_i32 = arith.constant 0 : i32
    %c0_i32_0 = arith.constant 0 : i32
    %c0_i32_1 = arith.constant 0 : i32
    return %c0_i32, %arg0, %c0_i32_0 : i32, i32, i32
  }
  func.func @transform_2(%arg0: i32) -> (i32, i32) {
    %c0_i32 = arith.constant 0 : i32
    %c0_i32_0 = arith.constant 0 : i32
    %c0_i32_1 = arith.constant 0 : i32
    return %c0_i32, %c0_i32_0 : i32, i32
  }
  func.func @transform_3(%arg0: i32) -> (i32, i32) {
    %c0_i32 = arith.constant 0 : i32
    %c0_i32_0 = arith.constant 0 : i32
    %c0_i32_1 = arith.constant 0 : i32
    return %c0_i32, %c0_i32_0 : i32, i32
  }
  func.func @transform_4(%arg0: i32) -> (i32, i32) {
    %c0_i32 = arith.constant 0 : i32
    %c0_i32_0 = arith.constant 0 : i32
    return %arg0, %c0_i32 : i32, i32
  }
}

</mosaic_0001>

<sc_bundles>
// kernel: kernel.6.cloned.1.call-start
scs
__scs_entry_jumppad:
0x0: {  	(pc) =	sbr.rel $0x88, $3  }
0x1: {  	(tag) =	ssettag $0x0;
	lr =	simm.s32 $0x1  }
0x2: {  	[smem:$0x3F9B] =	sst lr;
	_ =	strace $0xD0000000  }
0x3: {  	_ = 	snop  }
0x4: {  	_ = 	snop  }
0x5: {  	_ = 	snop  }
0x6: {  	_ = 	snop  }
0x7: {  	_ = 	snop  }
__scs_overlays_trampoline_lowered:
0x8: {  	[smem:$0x3FAA] =	sst s0  }
0x9: {  	[smem:$0x3FAB] =	sst s1  }
0xa: {  	[smem:$0x3FAC] =	sst s2  }
0xb: {  	[smem:$0x3FAD] =	sst s3  }
0xc: {  	[smem:$0x3FAE] =	sst s4  }
0xd: {  	[smem:$0x3FAF] =	sst s5  }
0xe: {  	[smem:$0x3FB0] =	sst s6  }
0xf: {  	[smem:$0x3FB1] =	sst s7  }
0x10: {  	[smem:$0x3FB2] =	sst s8  }
0x11: {  	[smem:$0x3FB3] =	sst s9;
	s0 =	simm.s32 @!p0 $0x0  }
0x12: {  	s1 =	sld [smem:$0x3F99];
	s0 =	simm.s32 @p0 $0x1  }
0x13: {  	[smem:$0x3FB4] =	sst s0;
	s0 =	simm.s32 @!p1 $0x0  }
0x14: {  	s2 =	sld [smem:$0x3F98];
	s0 =	simm.s32 @p1 $0x1  }
0x15: {  	[smem:$0x3FB5] =	sst s0;
	s0 =	simm.s32 @!p2 $0x0  }
0x16: {  	s3 =	sld [smem:$0x3FDB];
	s0 =	simm.s32 @p2 $0x1  }
0x17: {  	s4 =	simm.s32 $0x1BF5;
	[smem:$0x3FB7] =	sst s0  }
0x18: {  	s0 =	sld [smem:$0x3F9A];
	_ =	swait.ge [sflag:s4], $0x0  }
0x19: {  	s7 =	sld [smem:$0x3F9B]  }
0x1a: {  	s8 =	sadd.s32 $0xFFFFE003, lr  }
0x1b: {  	s9 =	sadd.s32 $0xFFFFFEF7, lr;
	s5 =	simm.s32 $0xFFFFFFFF;
	p2 =	slt.u32 s8, $0xFFFFF086  }
0x1c: {  	p1 =	slt.u32 s9, $0xF7A;
	s5 =	simm.s32 @!p2 $0x0  }
0x1d: {  	s5 =	simm.s32 @p1 $0x1;
	p0 =	seq.s32 s7, s2  }
0x1e: {  	s7 =	smul.u32 @!p0 $0xF7A, s2;
	p2 =	seq.s32 @!p0 s5, $0x0  }
0x1f: {  	s9 =	smul.u32 $0xF7A, s1;
	s8 =	simm.s32 @!p0 $0x1BF5;
	p2 =	por !p2, p0  }
0x20: {  	[sflag:s8] =	ssyncset.s32 @!p0 $0xFFFFF086;
	s6 =	sadd.s32 @!p0 s3, s7;
	s7 =	simm.s32 @!p0 $0x108  }
0x21: {  	s3 =	sadd.s32 s3, s9;
	s6 =	sadd.s32 @!p0 $0x88, s6;
	s7 =	simm.s32 @p2 $0x1082  }
0x22: {  	[simem:s7], [sflag:s8] =	dma.local @!p0 [hbm:s6], $0xF7A  }
0x23: {  	s9 =	sor.u32 $0xD0000000, s2;
	s6 =	simm.s32 $0x108;
	_ =	swait.ge @!p0 [sflag:s8], $0x0  }
0x24: {  	s3 =	sadd.s32 $0x88, s3;
	s6 =	simm.s32 @!p1 $0x1082;
	[sflag:s4] =	ssyncset.s32 $0xFFFFF086  }
0x25: {  	[simem:s6], [sflag:s4] =	dma.local [hbm:s3], $0xF7A  }
0x26: {  	[smem:$0x3F9B] =	sst s1;
	(tag) =	ssettag s2;
	_ =	strace s9  }
0x27: {  	s1 =	sld [smem:$0x3FAB]  }
0x28: {  	s2 =	sld [smem:$0x3FAC]  }
0x29: {  	s4 =	sld [smem:$0x3FAE]  }
0x2a: {  	p0 =	seq.s32 s5, $0x0;
	s5 =	sld [smem:$0x3FAF]  }
0x2b: {  	s6 =	sld [smem:$0x3FB0]  }
0x2c: {  	s7 =	sld [smem:$0x3FB1]  }
0x2d: {  	s3 =	simm.s32 $0x108;
	s8 =	sld [smem:$0x3FB2]  }
0x2e: {  	s3 =	simm.s32 @!p0 $0x1082;
	s9 =	sld [smem:$0x3FB3]  }
0x2f: {  	lr =	sadd.s32 s0, s3;
	s0 =	sld [smem:$0x3FAA]  }
0x30: {  	s3 =	sld [smem:$0x3FAD]  }
0x31: {  	[smem:$0x3FB6] =	sst s10  }
0x32: {  	s10 =	sld [smem:$0x3FB4];
	_ =	sdelay $0x3  }
0x33: {  	p0 =	seq.s32 s10, $0x1;
	s10 =	sld [smem:$0x3FB6];
	_ =	sdelay $0x3  }
0x34: {  	[smem:$0x3FB6] =	sst s10  }
0x35: {  	s10 =	sld [smem:$0x3FB5];
	_ =	sdelay $0x3  }
0x36: {  	p1 =	seq.s32 s10, $0x1;
	s10 =	sld [smem:$0x3FB6];
	_ =	sdelay $0x3  }
0x37: {  	[smem:$0x3FB6] =	sst s10  }
0x38: {  	s10 =	sld [smem:$0x3FB7]  }
0x39: {  	_ = 	snop;
	(pc) =	sbr.ind lr, $3  }
0x3a: {  	_ = 	snop  }
0x3b: {  	_ = 	snop  }
0x3c: {  	p2 =	seq.s32 s10, $0x1;
	s10 =	sld [smem:$0x3FB6]  }
0x3d: {  	_ =	shalt  }
0x3e: {  	_ =	shalt  }
0x3f: {  	_ =	shalt  }
0x40: {  	_ =	shalt  }
0x41: {  	_ =	shalt  }
0x42: {  	_ =	shalt  }
0x43: {  	_ =	shalt  }
0x44: {  	_ =	shalt  }
0x45: {  	_ =	shalt  }
0x46: {  	_ =	shalt  }
0x47: {  	_ =	shalt  }
0x48: {  	_ =	shalt  }
0x49: {  	_ =	shalt  }
0x4a: {  	_ =	shalt  }
0x4b: {  	_ =	shalt  }
0x4c: {  	_ =	shalt  }
0x4d: {  	_ =	shalt  }
0x4e: {  	_ =	shalt  }
0x4f: {  	_ =	shalt  }
0x50: {  	_ =	shalt  }
0x51: {  	_ =	shalt  }
0x52: {  	_ =	shalt  }
0x53: {  	_ =	shalt  }
0x54: {  	_ =	shalt  }
0x55: {  	_ =	shalt  }
0x56: {  	_ =	shalt  }
0x57: {  	_ =	shalt  }
0x58: {  	_ =	shalt  }
0x59: {  	_ =	shalt  }
0x5a: {  	_ =	shalt  }
0x5b: {  	_ =	shalt  }
0x5c: {  	_ =	shalt  }
0x5d: {  	_ =	shalt  }
0x5e: {  	_ =	shalt  }
0x5f: {  	_ =	shalt  }
0x60: {  	_ =	shalt  }
0x61: {  	_ =	shalt  }
0x62: {  	_ =	shalt  }
0x63: {  	_ =	shalt  }
0x64: {  	_ =	shalt  }
0x65: {  	_ =	shalt  }
0x66: {  	_ =	shalt  }
0x67: {  	_ =	shalt  }
0x68: {  	_ =	shalt  }
0x69: {  	_ =	shalt  }
0x6a: {  	_ =	shalt  }
0x6b: {  	_ =	shalt  }
0x6c: {  	_ =	shalt  }
0x6d: {  	_ =	shalt  }
0x6e: {  	_ =	shalt  }
0x6f: {  	_ =	shalt  }
0x70: {  	_ =	shalt  }
0x71: {  	_ =	shalt  }
0x72: {  	_ =	shalt  }
0x73: {  	_ =	shalt  }
0x74: {  	_ =	shalt  }
0x75: {  	_ =	shalt  }
0x76: {  	_ =	shalt  }
0x77: {  	_ =	shalt  }
0x78: {  	_ =	shalt  }
0x79: {  	_ =	shalt  }
0x7a: {  	_ =	shalt  }
0x7b: {  	_ =	shalt  }
0x7c: {  	_ =	shalt  }
0x7d: {  	_ =	shalt  }
0x7e: {  	_ =	shalt  }
0x7f: {  	_ =	shalt  }
0x80: {  	_ =	shalt  }
0x81: {  	_ =	shalt  }
0x82: {  	_ =	shalt  }
0x83: {  	_ =	shalt  }
0x84: {  	_ =	shalt  }
0x85: {  	_ =	shalt  }
0x86: {  	_ =	shalt  }
0x87: {  	_ =	shalt  }
.Lfunc_end0:
.L_simem_size_0:
called_computation_lowered:
.L_overlay_start_0:
0x88: {  	s2 =	sld [smem:$0x3FD9]  }
0x89: {  	s3 =	sld [smem:$0x3FFE];
	_ =	sdelay $0x1  }
0x8a: {  	s1 =	srdreg.scid  }
0x8b: {  	s0 =	sand.u32 $0x1, s1  }
0x8c: {  	s17 =	sshll.u32 s0, $0xA;
	s2 =	sadd.s32 s3, s2  }
0x8d: {  	s2 =	sadd.s32 s2, s17  }
0x8e: {  	[smem:$0x3FC2] =	sst s2  }
0x8f: {  	_ = 	snop  }
0x90: {  	s2 =	sld [smem:$0x3FC9]  }
0x91: {  	s18 =	sld [smem:$0x3FC8];
	(tm) =	ssettm $0x1  }
0x92: {  	s4 =	sld [smem:$0x3FFB];
	_ =	sdelay $0x3  }
0x93: {  	_ =	strace s4  }
0x94: {  	s4 =	sld [smem:$0x3FFC];
	_ =	sdelay $0x3  }
0x95: {  	_ =	strace s4  }
0x96: {  	s4 =	sld [smem:$0x3FFD];
	_ =	sdelay $0x3  }
0x97: {  	_ =	strace s4  }
0x98: {  	_ =	strace $0x8FFFFFFF  }
0x99: {  	s19 =	sld [smem:$0x3FDB];
	_ =	sdelay $0x1  }
0x9a: {  	s5 =	simm.s32 $_scs_section_size  }
0x9b: {  	s6 =	simm.s32 $_size__tile_overlayer_lowered;
	s7 =	simm.s32 $_tile_overlayer_lowered  }
0x9c: {  	s22 =	simm.s32 $0x1BFF;
	s21 =	sshll.u32 s7, $0x1;
	s4 =	sadd.s32 s5, s19  }
0x9d: {  	s8 =	simm.s32 $0x0;
	s20 =	sshll.u32 s6, $0x1;
	s6 =	sadd.s32 s21, s4  }
0x9e: {  	[timem:s8], [sflag:s22] =	dma.local [hbm:s6], s20  }
0x9f: {  	_ =	swait.ge [sflag:s22], s20  }
0xa0: {  	s5 =	ssub.s32 $0x0, s20;
	[sflag:s22] =	ssyncset.done $0x0  }
0xa1: {  	[sflag:s22] =	ssyncadd.s32 s5;
	_ =	sdelay $0x1  }
0xa2: {  	s23 =	simm.s32 $0x1B8B  }
0xa3: {  	_ =	swait.ge [sflag:s23], $0x1  }
0xa4: {  	[sflag:s23] =	ssyncset.done $0x0  }
0xa5: {  	s25 =	simm.s32 $0x1B8E;
	s24 =	sld [smem:$0x3FFE];
	[sflag:s23] =	ssyncadd.s32 $0xFFFFFFFF  }
0xa6: {  	s26 =	simm.s32 $execute0_lowered;
	[smem:$0x3FD2] =	sst s25  }
0xa7: {  	s6 =	sshll.u32 s26, $0x1;
	_ =	strace $0x80000046;
	[dreg:$0x1] =	wrdreg $0xFFFFFFFF  }
0xa8: {  	s28 =	simm.s32 $_size_execute0_lowered;
	s4 =	sadd.s32 s4, s6;
	[dreg:$0x0] =	wrdreg $0x0  }
0xa9: {  	s6 =	sshll.u32 s28, $0x1;
	[dreg:$0x2] =	wrdreg s4  }
0xaa: {  	[dreg:$0x3] =	wrdreg s6  }
0xab: {  	[dreg:$0x4] =	wrdreg $0xC0  }
0xac: {  	_ =	task [dreg:s8], $0x5FFFF  }
0xad: {  	[dreg:$0x1] =	wrdreg $0xFFFFFFFF  }
0xae: {  	[dreg:$0x0] =	wrdreg $0x60  }
0xaf: {  	[dreg:$0x2] =	wrdreg s2  }
0xb0: {  	[dreg:$0x3] =	wrdreg s18  }
0xb1: {  	[dreg:$0x4] =	wrdreg s24  }
0xb2: {  	[dreg:$0x5] =	wrdreg $0xAC000  }
0xb3: {  	[dreg:$0x6] =	wrdreg $0x9  }
0xb4: {  	_ =	task.clear_ibuf [dreg:s8], $0x7FFFF;
	_ =	strace $0x90000046  }
0xb5: {  	s29 =	simm.s32 $0x9;
	_ =	strace $0x80000048  }
0xb6: {  	_ =	swait.ge [sflag:s29], $0x1  }
0xb7: {  	[sflag:s29] =	ssyncadd.s32 $0xFFFFFFFF  }
0xb8: {  	_ =	strace $0x90000048  }
0xb9: {  	_ =	sfence  }
0xba: {  	s30 =	sld [smem:$0x0];
	_ =	sdelay $0x2  }
0xbb: {  	s31 =	sshll.u32 s1, $0xD;
	s1 =	sshrl.u32 s1, $0x2  }
0xbc: {  	s3 =	sand.u32 $0x4000, s31;
	s1 =	sadd.s32 s1, s30  }
0xbd: {  	s0 =	sor.u32 s3, s0;
	s1 =	sshll.u32 s1, $0x11  }
0xbe: {  	s0 =	sor.u32 s1, s0  }
0xbf: {  	s0 =	sadd.s32 $0x8F2B, s0  }
0xc0: {  	[sflag:s0] =	ssyncadd.remote.s32 $0x1  }
0xc1: {  	_ =	sfence.sel $0xFFFF  }
0xc2: {  	[dreg:$0x0] =	wrdreg $0xFFFFFFFF;
	(pc) =	sbr.abs _section_cstart, $3  }
0xc3: {  	[dreg:$0x1] =	wrdreg $0xFFFFFFFF  }
0xc4: {  	_ =	task.clear_ibuf [dreg:s8], $0x2FFFF;
	_ =	strace $0x9FFFFFFF  }
0xc5: {  	(tm) =	ssettm $0x7FFFFFFF  }
tec
execute0_lowered:
.L_overlay_start_1:
0x0: {  	(tag) =	ssettag $0x1  }
0x1: {  	s0 =	srdreg.scid;
	s3 =	rddreg [dreg:$0x1]  }
0x2: {  	s19 =	stileid.u32;
	s20 =	rddreg [dreg:$0x2];
	s1 =	simm.s32 $0x0  }
0x3: {  	s30 =	rddreg [dreg:$0x3];
	s28 =	simm.s32 $0x4;
	s2 =	sand.u32 $0x1, s0  }
0x4: {  	s18 =	sshll.u32 s19, $0x1;
	s9 =	smul.u32 $0x14000, s19;
	[smem:$0x7FF] =	sst s1  }
0x5: {  	s10 =	sadd.s32 $0x1A00, s20;
	s11 =	sadd.s32 $0x10, s3;
	s7 =	smul.u32 $0x138800, s2  }
0x6: {  	s5 =	sor.u32 s2, s18;
	s4 =	ssub.s32 $0x2, s2;
	s2 =	smul.u32 $0x9C0, s2  }
0x7: {  	p0 =	seq.s32 s19, $0xF;
	p1 =	sgt.u32 s19, $0x1;
	s6 =	smul.u32 $0x9C0, s5  }
0x8: {  	s8 =	sshrl.u32 s4, $0x1;
	s13 =	smul.u32 $0x4E00, s5;
	s16 =	sadd.s32 $0xA000, s9  }
0x9: {  	s5 =	sshll.u32 s5, $0x5;
	s0 =	ssub.s32 s4, s8;
	s22 =	sadd.s32 s9, s7  }
0xa: {  	s4 =	sor.u32 $0x2800, s9;
	s17 =	sadd.s32 s7, s16;
	s5 =	sor.u32 $0x13800, s5  }
0xb: {  	s21 =	sadd.s32 s3, s6;
	s8 =	sshrl.u32 s22, $0x3;
	s12 =	sadd.s32 s7, s4  }
0xc: {  	s25 =	sshrl.u32 s17, $0x3;
	s20 =	sor.u32 $0x20, s6;
	s6 =	sadd.s32 s6, s11  }
0xd: {  	s0 =	smax.u32 s0, $0x1;
	[dreg:$0x5] =	wrdreg s21;
	s8 =	sadd.s32 s10, s8  }
0xe: {  	s23 =	sshrl.u32 s12, $0x3;
	s12 =	sadd.s32 $0x7800, s9;
	[dreg:$0xe] =	wrdreg s6  }
0xf: {  	s21 =	sshrl.u32 s13, $0x3;
	s22 =	sadd.s32 s3, s20;
	[dreg:$0x6] =	wrdreg s8  }
0x10: {  	s8 =	sadd.s32 s10, s23;
	s15 =	sadd.s32 s7, s12;
	[dreg:$0xf] =	wrdreg s22  }
0x11: {  	s23 =	sadd.s32 $0x40, s21;
	s13 =	sadd.s32 $0x80, s21;
	s12 =	sadd.s32 s12, s30  }
0x12: {  	[dreg:$0x7] =	wrdreg s8;
	s8 =	sadd.s32 $0x5000, s9;
	s15 =	sshrl.u32 s15, $0x3  }
0x13: {  	s6 =	sadd.s32 s23, s11;
	s14 =	sadd.s32 s7, s8;
	s24 =	sadd.s32 s10, s15  }
0x14: {  	s15 =	sadd.s32 $0xF000, s9;
	[dreg:$0x12] =	wrdreg s6;
	s6 =	sadd.s32 s13, s11  }
0x15: {  	s14 =	sshrl.u32 s14, $0x3;
	[dreg:$0x9] =	wrdreg s24;
	s18 =	sadd.s32 s7, s15  }
0x16: {  	s24 =	sadd.s32 s3, s23;
	[dreg:$0x16] =	wrdreg s6;
	s23 =	smul.u32 $0x1380, s19  }
0x17: {  	s14 =	sadd.s32 s10, s14;
	s18 =	sshrl.u32 s18, $0x3;
	[dreg:$0x11] =	wrdreg s24  }
0x18: {  	s24 =	sadd.s32 s3, s5;
	s5 =	sadd.s32 s5, s11;
	[dreg:$0x8] =	wrdreg s14  }
0x19: {  	s14 =	sadd.s32 s10, s25;
	s18 =	sadd.s32 s10, s18;
	[dreg:$0x1b] =	wrdreg s24  }
0x1a: {  	s25 =	sadd.s32 $0x60, s21;
	[dreg:$0xa] =	wrdreg s14;
	s14 =	sadd.s32 $0xC800, s9  }
0x1b: {  	[dreg:$0x1c] =	wrdreg s5;
	s9 =	sadd.s32 $0x11800, s9;
	s26 =	sadd.s32 s7, s14  }
0x1c: {  	[dreg:$0xc] =	wrdreg s18;
	s17 =	sshrl.u32 s26, $0x3;
	s26 =	sadd.s32 s3, s25  }
0x1d: {  	s5 =	simm.s32 $0x0;
	s7 =	sadd.s32 s7, s9;
	[dreg:$0x13] =	wrdreg s26  }
0x1e: {  	s7 =	sshrl.u32 s7, $0x3;
	s17 =	sadd.s32 s10, s17;
	s26 =	rddreg [dreg:$0x0]  }
0x1f: {  	s18 =	sadd.s32 $0xA0, s21;
	s7 =	sadd.s32 s10, s7;
	[dreg:$0xb] =	wrdreg s17  }
0x20: {  	s10 =	sadd.s32 s4, s30;
	[dreg:$0xd] =	wrdreg s7;
	s7 =	sadd.s32 s20, s11  }
0x21: {  	s17 =	sadd.s32 s3, s13;
	s20 =	sadd.s32 $0xC0, s21;
	s21 =	sadd.s32 s3, s18  }
0x22: {  	s13 =	sadd.s32 s16, s30;
	s16 =	sshrl.u32 s12, $0x3;
	[dreg:$0x10] =	wrdreg s7  }
0x23: {  	s12 =	simm.s32 $0x3;
	s7 =	sadd.s32 s25, s11;
	[dreg:$0x15] =	wrdreg s17  }
0x24: {  	[dreg:$0x17] =	wrdreg s21;
	s22 =	sadd.s32 s3, s20;
	s6 =	sadd.s32 s20, s11  }
0x25: {  	s3 =	sadd.s32 s23, s3;
	s25 =	smul.u32 $0x50000, s19;
	[dreg:$0x14] =	wrdreg s7  }
0x26: {  	s17 =	sshrl.u32 s13, $0x3;
	s13 =	simm.s32 $0x7;
	[dreg:$0x19] =	wrdreg s22  }
0x27: {  	s7 =	sadd.s32 s18, s11;
	[dreg:$0x1a] =	wrdreg s6;
	s6 =	sadd.s32 s23, s11  }
0x28: {  	[dreg:$0x18] =	wrdreg s7;
	s31 =	sadd.s32 s2, s6;
	s6 =	sadd.s32 s14, s30  }
0x29: {  	s14 =	sshrl.u32 s10, $0x3;
	_ =	strace $0x80000047;
	[dreg:$0x1e] =	wrdreg s0  }
0x2a: {  	s29 =	sadd.s32 s2, s3;
	s7 =	sshrl.u32 s25, $0x2;
	[dreg:$0x1f] =	wrdreg s14  }
0x2b: {  	s11 =	sadd.s32 s8, s30;
	s25 =	sadd.s32 s7, s30;
	[smem:$0x7F2] =	sst s16  }
0x2c: {  	s7 =	sadd.s32 s15, s30;
	s15 =	sshrl.u32 s11, $0x3;
	[smem:$0x7F3] =	sst s17  }
0x2d: {  	s8 =	sadd.s32 s9, s30;
	s0 =	sshrl.u32 @!p0 s6, $0x3;
	[smem:$0x7F1] =	sst s15  }
0x2e: {  	s3 =	simm.s32 $0x300;
	s9 =	simm.s32 $0x6;
	[smem:$0x7F4] =	sst s0  }
0x2f: {  	s10 =	simm.s32 $0x4400;
	s0 =	sshrl.u32 @!p0 s7, $0x3;
	[dreg:$0x1d] =	wrdreg s25  }
0x30: {  	s17 =	simm.s32 $0x80;
	s18 =	sadd.s32 $0x2800, s25;
	[smem:$0x7F5] =	sst s0  }
0x31: {  	s6 =	simm.s32 $0xD;
	s19 =	sadd.s32 $0x5000, s25;
	[smem:$0x7F7] =	sst s18  }
0x32: {  	s11 =	simm.s32 $0xB;
	s20 =	sadd.s32 $0x7800, s25;
	[smem:$0x7F8] =	sst s19  }
0x33: {  	s14 =	simm.s32 $0xA;
	s21 =	sadd.s32 $0xA000, s25;
	[smem:$0x7F9] =	sst s20  }
0x34: {  	s16 =	simm.s32 $0x380;
	s22 =	sadd.s32 $0xC800, s25;
	[smem:$0x7FA] =	sst s21  }
0x35: {  	s23 =	sadd.s32 $0xF000, s25;
	s24 =	sadd.s32 $0x11800, s25;
	[smem:$0x7FB] =	sst s22  }
0x36: {  	s15 =	simm.s32 $0xC;
	s7 =	simm.s32 $0x180;
	[smem:$0x7FC] =	sst s23  }
0x37: {  	s0 =	sshrl.u32 @!p0 s8, $0x3;
	[smem:$0x7FD] =	sst s24;
	s20 =	simm.s32 $0x200  }
0x38: {  	s18 =	simm.s32 $0x280;
	s19 =	simm.s32 $0x100;
	s22 =	simm.s32 $0x1  }
0x39: {  	s23 =	simm.s32 $0x5;
	s24 =	simm.s32 $0x400;
	s8 =	simm.s32 $0x2  }
0x3a: {  	v0 =	vimm.f32 $0.0e+00;
	s21 =	simm.s32 $0x8;
	[smem:$0x7F6] =	sst s0;
	s0 =	simm.s32 $0x9  }
.LBB2_1:
0x3b: {  	[smem:$0x7F0] =	sst s5  }
0x3c: {  	s2 =	rddreg [dreg:$0x5]  }
0x3d: {  	[tilespmem:s1], [sflag:$0x1] =	stream.linear.gather [hbm4b:s2+s1], $0x80, $0x38;
	[tilespmem:$0x1E480] =	vst v63  }
0x3e: {  	s5 =	rddreg [dreg:$0xe]  }
0x3f: {  	[tilespmem:s20], [sflag:$0x5] =	stream.linear.gather [hbm4b:s5+s1], $0x80, $0x38;
	[tilespmem:$0x1E480] =	vst v63  }
0x40: {  	s4 =	rddreg [dreg:$0xf]  }
0x41: {  	[tilespmem:s17], [sflag:$0x2] =	stream.linear.gather [hbm4b:s4+s1], $0x80, $0x38;
	[tilespmem:$0x1E480] =	vst v63  }
0x42: {  	s5 =	rddreg [dreg:$0x10]  }
0x43: {  	[tilespmem:s18], [sflag:$0x6] =	stream.linear.gather [hbm4b:s5+s1], $0x80, $0x38;
	[tilespmem:$0x1E480] =	vst v63  }
0x44: {  	s4 =	rddreg [dreg:$0x11]  }
0x45: {  	[tilespmem:s19], [sflag:$0x3] =	stream.linear.gather [hbm4b:s4+s1], $0x80, $0x38;
	[tilespmem:$0x1E480] =	vst v63  }
0x46: {  	s5 =	rddreg [dreg:$0x12];
	s4 =	sand.u32 $0xFE00, s1  }
0x47: {  	[tilespmem:s3], [sflag:$0x7] =	stream.linear.gather [hbm4b:s5+s1], $0x80, $0x38;
	[tilespmem:$0x1E480] =	vst v63  }
0x48: {  	s4 =	sshrl.u32 s4, $0x2;
	s5 =	sand.u32 $0x70, s1  }
0x49: {  	s2 =	simm.s32 $0x40;
	s3 =	simm.s32 $0x0;
	s4 =	sor.u32 s5, s4  }
.LBB2_2:
0x4a: {  	p2 =	sne.s32 s2, $0x9FC0  }
0x4b: {  	[tilespmem:s4+$0x8400] =	vst v0;
	s3 =	sadd.s32 $0x10, s3;
	s4 =	smov.u32 s2;
	s2 =	sadd.s32 $0x40, s2  }
.Ltmp0:
0x4c: {  	(pc) =	sbr.rel @p2 .LBB2_2-.Ltmp0, $4  }
0x4d: {  	_ = 	snop  }
0x4e: {  	s4 =	sand.u32 $0xFE00, s4  }
0x4f: {  	s5 =	sand.u32 $0x70, s3;
	s4 =	sshrl.u32 s4, $0x2  }
0x50: {  	s4 =	sor.u32 s5, s4  }
0x51: {  	[tilespmem:s4+$0x8400] =	vst v0;
	s3 =	simm.s32 $0x8400;
	s2 =	sld [smem:$0x7F7]  }
0x52: {  	[spmem:s25] =	stream.linear.scatter [tilespmem:s3], [sflag:$0xD], $0x2800, $0x38;
	[tilespmem:$0x1E480] =	vst v63  }
0x53: {  	s25 =	sld [smem:$0x7F8]  }
0x54: {  	[spmem:s2] =	stream.linear.scatter [tilespmem:s3], [sflag:$0xE], $0x2800, $0x38;
	[tilespmem:$0x1E480] =	vst v63  }
0x55: {  	s4 =	sld [smem:$0x7F9]  }
0x56: {  	[spmem:s25] =	stream.linear.scatter [tilespmem:s3], [sflag:$0xF], $0x2800, $0x38;
	[tilespmem:$0x1E480] =	vst v63  }
0x57: {  	s5 =	sld [smem:$0x7FA]  }
0x58: {  	[spmem:s4] =	stream.linear.scatter [tilespmem:s3], [sflag:$0x10], $0x2800, $0x38;
	[tilespmem:$0x1E480] =	vst v63  }
0x59: {  	_ = 	snop  }
0x5a: {  	[spmem:s5] =	stream.linear.scatter [tilespmem:s3], [sflag:$0x11], $0x2800, $0x38;
	[tilespmem:$0x1E480] =	vst v63  }
0x5b: {  	s3 =	sld [smem:$0x7FB];
	_ =	sdelay $0x1  }
0x5c: {  	s2 =	simm.s32 @!p0 $0x8400  }
0x5d: {  	[spmem:s3] =	stream.linear.scatter @!p0 [tilespmem:s2], [sflag:$0x12], $0x2800, $0x38;
	[tilespmem:$0x1E480] =	vst v63  }
0x5e: {  	s3 =	sld [smem:$0x7FC];
	_ =	sdelay $0x2  }
0x5f: {  	[spmem:s3] =	stream.linear.scatter @!p0 [tilespmem:s2], [sflag:$0x13], $0x2800, $0x38;
	[tilespmem:$0x1E480] =	vst v63  }
0x60: {  	s3 =	sld [smem:$0x7FD];
	_ =	sdelay $0x2  }
0x61: {  	[spmem:s3] =	stream.linear.scatter @!p0 [tilespmem:s2], [sflag:$0x14], $0x2800, $0x38;
	[tilespmem:$0x1E480] =	vst v63  }
0x62: {  	_ =	swait.ge [sflag:s22], $0x80  }
0x63: {  	[sflag:s22] =	ssyncset.done $0x0  }
0x64: {  	[sflag:s22] =	ssyncadd.s32 $0xFFFFFF80  }
0x65: {  	_ =	swait.ge [sflag:s23], $0x80  }
0x66: {  	[sflag:s23] =	ssyncset.done $0x0  }
0x67: {  	[sflag:s23] =	ssyncadd.s32 $0xFFFFFF80  }
0x68: {  	[tilespmem:s24], [sflag:$0x9] =	stream.indirect.gather [hbm4b:s26+s17], $0x80, s1, s17, $0xb8;
	[tilespmem:$0x1E480] =	vst v63  }
0x69: {  	_ =	swait.ge [sflag:s6], $0x2800  }
0x6a: {  	[sflag:s6] =	ssyncset.done $0x0  }
0x6b: {  	s25 =	simm.s32 $0xE;
	[sflag:s6] =	ssyncadd.s32 $0xFFFFD800  }
0x6c: {  	_ =	swait.ge [sflag:s25], $0x2800  }
0x6d: {  	[sflag:s25] =	ssyncset.done $0x0  }
0x6e: {  	s3 =	simm.s32 $0xF;
	[sflag:s25] =	ssyncadd.s32 $0xFFFFD800  }
0x6f: {  	_ =	swait.ge [sflag:s3], $0x2800  }
0x70: {  	[sflag:s3] =	ssyncset.done $0x0  }
0x71: {  	s4 =	simm.s32 $0x10;
	[sflag:s3] =	ssyncadd.s32 $0xFFFFD800  }
0x72: {  	_ =	swait.ge [sflag:s4], $0x2800  }
0x73: {  	[sflag:s4] =	ssyncset.done $0x0  }
0x74: {  	s5 =	simm.s32 $0x11;
	[sflag:s4] =	ssyncadd.s32 $0xFFFFD800  }
0x75: {  	_ =	swait.ge [sflag:s5], $0x2800  }
0x76: {  	[sflag:s5] =	ssyncset.done $0x0  }
0x77: {  	s2 =	simm.s32 @!p0 $0x12;
	[sflag:s5] =	ssyncadd.s32 $0xFFFFD800  }
0x78: {  	_ =	swait.ge @!p0 [sflag:s2], $0x2800  }
0x79: {  	[sflag:s2] =	ssyncset.done @!p0 $0x0  }
0x7a: {  	[sflag:s2] =	ssyncadd.s32 @!p0 $0xFFFFD800;
	s2 =	simm.s32 @!p0 $0x13  }
0x7b: {  	_ =	swait.ge @!p0 [sflag:s2], $0x2800  }
0x7c: {  	[sflag:s2] =	ssyncset.done @!p0 $0x0  }
0x7d: {  	[sflag:s2] =	ssyncadd.s32 @!p0 $0xFFFFD800;
	s2 =	simm.s32 @!p0 $0x14  }
0x7e: {  	_ =	swait.ge @!p0 [sflag:s2], $0x2800  }
0x7f: {  	[sflag:s2] =	ssyncset.done @!p0 $0x0  }
0x80: {  	[sflag:s2] =	ssyncadd.s32 @!p0 $0xFFFFD800  }
0x81: {  	[bflag:$0x0] =	sbarrier.arrive $0xFFFF  }
0x82: {  	s2 =	simm.s32 $0x0;
	s6 =	rddreg [dreg:$0x13]  }
0x83: {  	[tilespmem:s7], [sflag:$0x4] =	stream.linear.gather [hbm4b:s6+s2], $0x80, $0x38;
	[tilespmem:$0x1E480] =	vst v63  }
0x84: {  	s25 =	rddreg [dreg:$0x14]  }
0x85: {  	[tilespmem:s16], [sflag:$0x8] =	stream.linear.gather [hbm4b:s25+s2], $0x80, $0x38;
	[tilespmem:$0x1E480] =	vst v63  }
0x86: {  	_ =	swait.ge [sflag:s8], $0x80  }
0x87: {  	[sflag:s8] =	ssyncset.done $0x0  }
0x88: {  	[sflag:s8] =	ssyncadd.s32 $0xFFFFFF80  }
0x89: {  	_ =	swait.ge [sflag:s9], $0x80  }
0x8a: {  	[sflag:s9] =	ssyncset.done $0x0  }
0x8b: {  	[sflag:s9] =	ssyncadd.s32 $0xFFFFFF80  }
0x8c: {  	[tilespmem:s10], [sflag:$0xA] =	stream.indirect.gather [hbm4b:s26+s17], $0x80, s17, s17, $0xb8;
	[tilespmem:$0x1E480] =	vst v63  }
0x8d: {  	_ =	swait.ge [sflag:s0], $0x4000  }
0x8e: {  	[sflag:s0] =	ssyncset.done $0x0  }
0x8f: {  	[sflag:s0] =	ssyncadd.s32 $0xFFFFC000  }
0x90: {  	[spmem:s30] =	stream.indirect.scatter.add.f32 [tilespmem:s24], [sflag:$0xB], $0x80, s20, s17, $0xb8;
	[tilespmem:$0x1E480] =	vst v63  }
0x91: {  	_ =	swait.ge [sflag:s11], $0x4000  }
0x92: {  	[sflag:s11] =	ssyncset.done $0x0  }
0x93: {  	s4 =	rddreg [dreg:$0x15];
	[sflag:s11] =	ssyncadd.s32 $0xFFFFC000  }
0x94: {  	[tilespmem:s2], [sflag:$0x1] =	stream.linear.gather [hbm4b:s4+s2], $0x80, $0x38;
	[tilespmem:$0x1E480] =	vst v63  }
0x95: {  	s5 =	rddreg [dreg:$0x16]  }
0x96: {  	[tilespmem:s20], [sflag:$0x5] =	stream.linear.gather [hbm4b:s5+s2], $0x80, $0x38;
	[tilespmem:$0x1E480] =	vst v63  }
0x97: {  	_ =	swait.ge [sflag:s12], $0x80  }
0x98: {  	[sflag:s12] =	ssyncset.done $0x0  }
0x99: {  	[sflag:s12] =	ssyncadd.s32 $0xFFFFFF80  }
0x9a: {  	_ =	swait.ge [sflag:s13], $0x80  }
0x9b: {  	[sflag:s13] =	ssyncset.done $0x0  }
0x9c: {  	[sflag:s13] =	ssyncadd.s32 $0xFFFFFF80  }
0x9d: {  	[tilespmem:s24], [sflag:$0x9] =	stream.indirect.gather [hbm4b:s26+s17], $0x80, s19, s17, $0xb8;
	[tilespmem:$0x1E480] =	vst v63  }
0x9e: {  	_ =	swait.ge [sflag:s14], $0x4000  }
0x9f: {  	[sflag:s14] =	ssyncset.done $0x0  }
0xa0: {  	[sflag:s14] =	ssyncadd.s32 $0xFFFFC000  }
0xa1: {  	[spmem:s30] =	stream.indirect.scatter.add.f32 [tilespmem:s10], [sflag:$0xC], $0x80, s18, s17, $0xb8;
	[tilespmem:$0x1E480] =	vst v63  }
0xa2: {  	_ =	swait.ge [sflag:s15], $0x4000  }
0xa3: {  	[sflag:s15] =	ssyncset.done $0x0  }
0xa4: {  	s6 =	rddreg [dreg:$0x17];
	[sflag:s15] =	ssyncadd.s32 $0xFFFFC000  }
0xa5: {  	[tilespmem:s17], [sflag:$0x2] =	stream.linear.gather [hbm4b:s6+s2], $0x80, $0x38;
	[tilespmem:$0x1E480] =	vst v63  }
0xa6: {  	s25 =	rddreg [dreg:$0x18]  }
0xa7: {  	[tilespmem:s18], [sflag:$0x6] =	stream.linear.gather [hbm4b:s25+s2], $0x80, $0x38;
	[tilespmem:$0x1E480] =	vst v63  }
0xa8: {  	_ =	swait.ge [sflag:s28], $0x80  }
0xa9: {  	[sflag:s28] =	ssyncset.done $0x0  }
0xaa: {  	[sflag:s28] =	ssyncadd.s32 $0xFFFFFF80  }
0xab: {  	_ =	swait.ge [sflag:s21], $0x80  }
0xac: {  	[sflag:s21] =	ssyncset.done $0x0  }
0xad: {  	[sflag:s21] =	ssyncadd.s32 $0xFFFFFF80  }
0xae: {  	[tilespmem:s10], [sflag:$0xA] =	stream.indirect.gather [hbm4b:s26+s17], $0x80, s7, s17, $0xb8;
	[tilespmem:$0x1E480] =	vst v63  }
0xaf: {  	_ =	swait.ge [sflag:s0], $0x4000  }
0xb0: {  	[sflag:s0] =	ssyncset.done $0x0  }
0xb1: {  	s5 =	simm.s32 $0x300;
	[sflag:s0] =	ssyncadd.s32 $0xFFFFC000  }
0xb2: {  	[spmem:s30] =	stream.indirect.scatter.add.f32 [tilespmem:s24], [sflag:$0xB], $0x80, s5, s17, $0xb8;
	[tilespmem:$0x1E480] =	vst v63  }
0xb3: {  	_ =	swait.ge [sflag:s11], $0x4000  }
0xb4: {  	[sflag:s11] =	ssyncset.done $0x0  }
0xb5: {  	s4 =	rddreg [dreg:$0x19];
	[sflag:s11] =	ssyncadd.s32 $0xFFFFC000  }
0xb6: {  	[tilespmem:s19], [sflag:$0x3] =	stream.linear.gather [hbm4b:s4+s2], $0x80, $0x38;
	[tilespmem:$0x1E480] =	vst v63  }
0xb7: {  	s6 =	rddreg [dreg:$0x1a]  }
0xb8: {  	[tilespmem:s5], [sflag:$0x7] =	stream.linear.gather [hbm4b:s6+s2], $0x80, $0x38;
	[tilespmem:$0x1E480] =	vst v63  }
0xb9: {  	_ =	swait.ge [sflag:s22], $0x80  }
0xba: {  	[sflag:s22] =	ssyncset.done $0x0  }
0xbb: {  	[sflag:s22] =	ssyncadd.s32 $0xFFFFFF80  }
0xbc: {  	_ =	swait.ge [sflag:s23], $0x80  }
0xbd: {  	[sflag:s23] =	ssyncset.done $0x0  }
0xbe: {  	[sflag:s23] =	ssyncadd.s32 $0xFFFFFF80  }
0xbf: {  	[tilespmem:s24], [sflag:$0x9] =	stream.indirect.gather [hbm4b:s26+s17], $0x80, s2, s17, $0xb8;
	[tilespmem:$0x1E480] =	vst v63  }
0xc0: {  	_ =	swait.ge [sflag:s14], $0x4000  }
0xc1: {  	[sflag:s14] =	ssyncset.done $0x0  }
0xc2: {  	[sflag:s14] =	ssyncadd.s32 $0xFFFFC000  }
0xc3: {  	[spmem:s30] =	stream.indirect.scatter.add.f32 [tilespmem:s10], [sflag:$0xC], $0x80, s16, s17, $0xb8;
	[tilespmem:$0x1E480] =	vst v63  }
0xc4: {  	_ =	swait.ge [sflag:s15], $0x4000  }
0xc5: {  	s2 =	sadd.s32 $0x0, s29;
	[sflag:s15] =	ssyncset.done $0x0  }
0xc6: {  	s4 =	sadd.s32 $0x0, s31;
	s25 =	sadd.s32 $0xE0, s2;
	[sflag:s15] =	ssyncadd.s32 $0xFFFFC000  }
0xc7: {  	[tilespmem:s7], [sflag:$0x4] =	stream.linear.gather [hbm4b:s25+s1], $0x80, $0x38;
	[tilespmem:$0x1E480] =	vst v63  }
0xc8: {  	s6 =	sadd.s32 $0xE0, s4  }
0xc9: {  	[tilespmem:s16], [sflag:$0x8] =	stream.linear.gather [hbm4b:s6+s1], $0x80, $0x38;
	[tilespmem:$0x1E480] =	vst v63  }
0xca: {  	_ =	swait.ge [sflag:s8], $0x80  }
0xcb: {  	[sflag:s8] =	ssyncset.done $0x0  }
0xcc: {  	[sflag:s8] =	ssyncadd.s32 $0xFFFFFF80  }
0xcd: {  	_ =	swait.ge [sflag:s9], $0x80  }
0xce: {  	[sflag:s9] =	ssyncset.done $0x0  }
0xcf: {  	[sflag:s9] =	ssyncadd.s32 $0xFFFFFF80  }
0xd0: {  	[tilespmem:s10], [sflag:$0xA] =	stream.indirect.gather [hbm4b:s26+s17], $0x80, s17, s17, $0xb8;
	[tilespmem:$0x1E480] =	vst v63  }
0xd1: {  	_ =	swait.ge [sflag:s0], $0x4000  }
0xd2: {  	[sflag:s0] =	ssyncset.done $0x0  }
0xd3: {  	[sflag:s0] =	ssyncadd.s32 $0xFFFFC000  }
0xd4: {  	[spmem:s30] =	stream.indirect.scatter.add.f32 [tilespmem:s24], [sflag:$0xB], $0x80, s20, s17, $0xb8;
	[tilespmem:$0x1E480] =	vst v63  }
0xd5: {  	_ =	swait.ge [sflag:s11], $0x4000  }
0xd6: {  	[sflag:s11] =	ssyncset.done $0x0  }
0xd7: {  	s25 =	sadd.s32 $0x100, s2;
	[sflag:s11] =	ssyncadd.s32 $0xFFFFC000  }
0xd8: {  	[tilespmem:s1], [sflag:$0x1] =	stream.linear.gather [hbm4b:s25+s1], $0x80, $0x38;
	[tilespmem:$0x1E480] =	vst v63  }
0xd9: {  	s6 =	sadd.s32 $0x100, s4  }
0xda: {  	[tilespmem:s20], [sflag:$0x5] =	stream.linear.gather [hbm4b:s6+s1], $0x80, $0x38;
	[tilespmem:$0x1E480] =	vst v63  }
0xdb: {  	_ =	swait.ge [sflag:s12], $0x80  }
0xdc: {  	[sflag:s12] =	ssyncset.done $0x0  }
0xdd: {  	[sflag:s12] =	ssyncadd.s32 $0xFFFFFF80  }
0xde: {  	_ =	swait.ge [sflag:s13], $0x80  }
0xdf: {  	[sflag:s13] =	ssyncset.done $0x0  }
0xe0: {  	[sflag:s13] =	ssyncadd.s32 $0xFFFFFF80  }
0xe1: {  	[tilespmem:s24], [sflag:$0x9] =	stream.indirect.gather [hbm4b:s26+s17], $0x80, s19, s17, $0xb8;
	[tilespmem:$0x1E480] =	vst v63  }
0xe2: {  	_ =	swait.ge [sflag:s14], $0x4000  }
0xe3: {  	[sflag:s14] =	ssyncset.done $0x0  }
0xe4: {  	[sflag:s14] =	ssyncadd.s32 $0xFFFFC000  }
0xe5: {  	[spmem:s30] =	stream.indirect.scatter.add.f32 [tilespmem:s10], [sflag:$0xC], $0x80, s18, s17, $0xb8;
	[tilespmem:$0x1E480] =	vst v63  }
0xe6: {  	_ =	swait.ge [sflag:s15], $0x4000  }
0xe7: {  	[sflag:s15] =	ssyncset.done $0x0  }
0xe8: {  	s2 =	sadd.s32 $0x120, s2;
	[sflag:s15] =	ssyncadd.s32 $0xFFFFC000  }
0xe9: {  	[tilespmem:s17], [sflag:$0x2] =	stream.linear.gather [hbm4b:s2+s1], $0x80, $0x38;
	[tilespmem:$0x1E480] =	vst v63  }
0xea: {  	s25 =	sadd.s32 $0x120, s4  }
0xeb: {  	[tilespmem:s18], [sflag:$0x6] =	stream.linear.gather [hbm4b:s25+s1], $0x80, $0x38;
	[tilespmem:$0x1E480] =	vst v63  }
0xec: {  	_ =	swait.ge [sflag:s28], $0x80  }
0xed: {  	[sflag:s28] =	ssyncset.done $0x0  }
0xee: {  	[sflag:s28] =	ssyncadd.s32 $0xFFFFFF80  }
0xef: {  	_ =	swait.ge [sflag:s21], $0x80  }
0xf0: {  	[sflag:s21] =	ssyncset.done $0x0  }
0xf1: {  	[sflag:s21] =	ssyncadd.s32 $0xFFFFFF80  }
0xf2: {  	[tilespmem:s10], [sflag:$0xA] =	stream.indirect.gather [hbm4b:s26+s17], $0x80, s7, s17, $0xb8;
	[tilespmem:$0x1E480] =	vst v63  }
0xf3: {  	_ =	swait.ge [sflag:s0], $0x4000  }
0xf4: {  	[sflag:s0] =	ssyncset.done $0x0  }
0xf5: {  	[sflag:s0] =	ssyncadd.s32 $0xFFFFC000  }
0xf6: {  	[spmem:s30] =	stream.indirect.scatter.add.f32 [tilespmem:s24], [sflag:$0xB], $0x80, s5, s17, $0xb8;
	[tilespmem:$0x1E480] =	vst v63  }
0xf7: {  	p2 =	por $0x0, $0x0;
	_ =	swait.ge [sflag:s11], $0x4000  }
0xf8: {  	s3 =	simm.s32 @!p2 $0x0;
	s2 =	sadd.s32 @!p2 $0x0, s29;
	[sflag:s11] =	ssyncset.done $0x0  }
0xf9: {  	s4 =	simm.s32 @!p2 $0x100;
	s2 =	sadd.s32 @!p2 $0x140, s2;
	[sflag:s11] =	ssyncadd.s32 $0xFFFFC000  }
0xfa: {  	[tilespmem:s4], [sflag:$0x3] =	stream.linear.gather @!p2 [hbm4b:s2+s3], $0x80, $0x38;
	[tilespmem:$0x1E480] =	vst v63  }
0xfb: {  	s2 =	sadd.s32 @!p2 $0x0, s31  }
0xfc: {  	s4 =	simm.s32 @!p2 $0x300;
	s2 =	sadd.s32 @!p2 $0x140, s2  }
0xfd: {  	[tilespmem:s4], [sflag:$0x7] =	stream.linear.gather @!p2 [hbm4b:s2+s3], $0x80, $0x38;
	[tilespmem:$0x1E480] =	vst v63  }
0xfe: {  	_ =	swait.ge [sflag:s22], $0x80  }
0xff: {  	[sflag:s22] =	ssyncset.done $0x0  }
0x100: {  	[sflag:s22] =	ssyncadd.s32 $0xFFFFFF80  }
0x101: {  	_ =	swait.ge [sflag:s23], $0x80  }
0x102: {  	[sflag:s23] =	ssyncset.done $0x0  }
0x103: {  	[sflag:s23] =	ssyncadd.s32 $0xFFFFFF80  }
0x104: {  	[tilespmem:s24], [sflag:$0x9] =	stream.indirect.gather [hbm4b:s26+s17], $0x80, s1, s17, $0xb8;
	[tilespmem:$0x1E480] =	vst v63  }
0x105: {  	s6 =	simm.s32 $0x280;
	s20 =	simm.s32 $0x100;
	_ =	swait.ge [sflag:s14], $0x4000  }
0x106: {  	s18 =	simm.s32 $0x200;
	s2 =	simm.s32 $0x80;
	[sflag:s14] =	ssyncset.done $0x0  }
.LBB2_4:
0x107: {  	[sflag:s14] =	ssyncadd.s32 $0xFFFFC000;
	s3 =	smov.u32 s2;
	s2 =	sadd.s32 $0x80, s2  }
0x108: {  	[spmem:s30] =	stream.indirect.scatter.add.f32 [tilespmem:s10], [sflag:$0xC], $0x80, s16, s17, $0xb8;
	[tilespmem:$0x1E480] =	vst v63  }
0x109: {  	s5 =	sadd.s32 s3, s29;
	p2 =	sne.s32 s2, $0x900;
	_ =	swait.ge [sflag:s15], $0x4000  }
0x10a: {  	s4 =	sadd.s32 s3, s31;
	s25 =	sadd.s32 $0xE0, s5;
	[sflag:s15] =	ssyncset.done $0x0  }
0x10b: {  	[sflag:s15] =	ssyncadd.s32 $0xFFFFC000  }
0x10c: {  	[tilespmem:s7], [sflag:$0x4] =	stream.linear.gather [hbm4b:s25+s1], $0x80, $0x38;
	[tilespmem:$0x1E480] =	vst v63  }
0x10d: {  	s25 =	sadd.s32 $0xE0, s4  }
0x10e: {  	[tilespmem:s16], [sflag:$0x8] =	stream.linear.gather [hbm4b:s25+s1], $0x80, $0x38;
	[tilespmem:$0x1E480] =	vst v63  }
0x10f: {  	_ =	swait.ge [sflag:s8], $0x80  }
0x110: {  	[sflag:s8] =	ssyncset.done $0x0  }
0x111: {  	[sflag:s8] =	ssyncadd.s32 $0xFFFFFF80  }
0x112: {  	_ =	swait.ge [sflag:s9], $0x80  }
0x113: {  	[sflag:s9] =	ssyncset.done $0x0  }
0x114: {  	[sflag:s9] =	ssyncadd.s32 $0xFFFFFF80  }
0x115: {  	[tilespmem:s10], [sflag:$0xA] =	stream.indirect.gather [hbm4b:s26+s17], $0x80, s17, s17, $0xb8;
	[tilespmem:$0x1E480] =	vst v63  }
0x116: {  	_ =	swait.ge [sflag:s0], $0x4000  }
0x117: {  	[sflag:s0] =	ssyncset.done $0x0  }
0x118: {  	[sflag:s0] =	ssyncadd.s32 $0xFFFFC000  }
0x119: {  	[spmem:s30] =	stream.indirect.scatter.add.f32 [tilespmem:s24], [sflag:$0xB], $0x80, s18, s17, $0xb8;
	[tilespmem:$0x1E480] =	vst v63  }
0x11a: {  	_ =	swait.ge [sflag:s11], $0x4000  }
0x11b: {  	s25 =	sadd.s32 $0x100, s5;
	[sflag:s11] =	ssyncset.done $0x0  }
0x11c: {  	[sflag:s11] =	ssyncadd.s32 $0xFFFFC000  }
0x11d: {  	[tilespmem:s1], [sflag:$0x1] =	stream.linear.gather [hbm4b:s25+s1], $0x80, $0x38;
	[tilespmem:$0x1E480] =	vst v63  }
0x11e: {  	s25 =	sadd.s32 $0x100, s4  }
0x11f: {  	[tilespmem:s18], [sflag:$0x5] =	stream.linear.gather [hbm4b:s25+s1], $0x80, $0x38;
	[tilespmem:$0x1E480] =	vst v63  }
0x120: {  	_ =	swait.ge [sflag:s12], $0x80  }
0x121: {  	[sflag:s12] =	ssyncset.done $0x0  }
0x122: {  	[sflag:s12] =	ssyncadd.s32 $0xFFFFFF80  }
0x123: {  	_ =	swait.ge [sflag:s13], $0x80  }
0x124: {  	[sflag:s13] =	ssyncset.done $0x0  }
0x125: {  	[sflag:s13] =	ssyncadd.s32 $0xFFFFFF80  }
0x126: {  	[tilespmem:s24], [sflag:$0x9] =	stream.indirect.gather [hbm4b:s26+s17], $0x80, s20, s17, $0xb8;
	[tilespmem:$0x1E480] =	vst v63  }
0x127: {  	_ =	swait.ge [sflag:s14], $0x4000  }
0x128: {  	[sflag:s14] =	ssyncset.done $0x0  }
0x129: {  	[sflag:s14] =	ssyncadd.s32 $0xFFFFC000  }
0x12a: {  	[spmem:s30] =	stream.indirect.scatter.add.f32 [tilespmem:s10], [sflag:$0xC], $0x80, s6, s17, $0xb8;
	[tilespmem:$0x1E480] =	vst v63  }
0x12b: {  	_ =	swait.ge [sflag:s15], $0x4000  }
0x12c: {  	s5 =	sadd.s32 $0x120, s5;
	[sflag:s15] =	ssyncset.done $0x0  }
0x12d: {  	[sflag:s15] =	ssyncadd.s32 $0xFFFFC000  }
0x12e: {  	[tilespmem:s17], [sflag:$0x2] =	stream.linear.gather [hbm4b:s5+s1], $0x80, $0x38;
	[tilespmem:$0x1E480] =	vst v63  }
0x12f: {  	s4 =	sadd.s32 $0x120, s4  }
0x130: {  	[tilespmem:s6], [sflag:$0x6] =	stream.linear.gather [hbm4b:s4+s1], $0x80, $0x38;
	[tilespmem:$0x1E480] =	vst v63  }
0x131: {  	_ =	swait.ge [sflag:s28], $0x80  }
0x132: {  	[sflag:s28] =	ssyncset.done $0x0  }
0x133: {  	[sflag:s28] =	ssyncadd.s32 $0xFFFFFF80  }
0x134: {  	_ =	swait.ge [sflag:s21], $0x80  }
0x135: {  	[sflag:s21] =	ssyncset.done $0x0  }
0x136: {  	[sflag:s21] =	ssyncadd.s32 $0xFFFFFF80  }
0x137: {  	[tilespmem:s10], [sflag:$0xA] =	stream.indirect.gather [hbm4b:s26+s17], $0x80, s7, s17, $0xb8;
	[tilespmem:$0x1E480] =	vst v63  }
0x138: {  	_ =	swait.ge [sflag:s0], $0x4000  }
0x139: {  	[sflag:s0] =	ssyncset.done $0x0  }
0x13a: {  	p3 =	seq.s32 s3, $0x880;
	s4 =	simm.s32 $0x300;
	[sflag:s0] =	ssyncadd.s32 $0xFFFFC000  }
0x13b: {  	[spmem:s30] =	stream.indirect.scatter.add.f32 [tilespmem:s24], [sflag:$0xB], $0x80, s4, s17, $0xb8;
	[tilespmem:$0x1E480] =	vst v63  }
0x13c: {  	s5 =	simm.s32 @!p3 $0x0;
	s4 =	sadd.s32 @!p3 s3, s29;
	_ =	swait.ge [sflag:s11], $0x4000  }
0x13d: {  	s25 =	simm.s32 @!p3 $0x100;
	s4 =	sadd.s32 @!p3 $0x140, s4;
	[sflag:s11] =	ssyncset.done $0x0  }
0x13e: {  	s19 =	simm.s32 @!p3 $0x300;
	s3 =	sadd.s32 @!p3 s3, s31;
	[sflag:s11] =	ssyncadd.s32 $0xFFFFC000  }
0x13f: {  	[tilespmem:s25], [sflag:$0x3] =	stream.linear.gather @!p3 [hbm4b:s4+s5], $0x80, $0x38;
	[tilespmem:$0x1E480] =	vst v63  }
0x140: {  	s3 =	sadd.s32 @!p3 $0x140, s3  }
0x141: {  	[tilespmem:s19], [sflag:$0x7] =	stream.linear.gather @!p3 [hbm4b:s3+s5], $0x80, $0x38;
	[tilespmem:$0x1E480] =	vst v63  }
0x142: {  	_ =	swait.ge [sflag:s22], $0x80  }
0x143: {  	[sflag:s22] =	ssyncset.done $0x0  }
0x144: {  	[sflag:s22] =	ssyncadd.s32 $0xFFFFFF80  }
0x145: {  	_ =	swait.ge [sflag:s23], $0x80  }
.Ltmp1:
0x146: {  	[sflag:s23] =	ssyncset.done $0x0;
	(pc) =	sbr.rel @p2 .LBB2_4-.Ltmp1, $4  }
0x147: {  	[sflag:s23] =	ssyncadd.s32 $0xFFFFFF80  }
0x148: {  	[tilespmem:s24], [sflag:$0x9] =	stream.indirect.gather [hbm4b:s26+s17], $0x80, s1, s17, $0xb8;
	[tilespmem:$0x1E480] =	vst v63  }
0x149: {  	_ =	swait.ge [sflag:s14], $0x4000  }
0x14a: {  	[sflag:s14] =	ssyncset.done $0x0  }
0x14b: {  	[sflag:s14] =	ssyncadd.s32 $0xFFFFC000  }
0x14c: {  	[spmem:s30] =	stream.indirect.scatter.add.f32 [tilespmem:s10], [sflag:$0xC], $0x80, s16, s17, $0xb8;
	[tilespmem:$0x1E480] =	vst v63  }
0x14d: {  	_ =	swait.ge [sflag:s15], $0x4000  }
0x14e: {  	[sflag:s15] =	ssyncset.done $0x0  }
0x14f: {  	[sflag:s15] =	ssyncadd.s32 $0xFFFFC000  }
0x150: {  	_ =	swait.ge [sflag:s8], $0x80  }
0x151: {  	[sflag:s8] =	ssyncset.done $0x0  }
0x152: {  	[sflag:s8] =	ssyncadd.s32 $0xFFFFFF80  }
0x153: {  	_ =	swait.ge [sflag:s9], $0x80  }
0x154: {  	[sflag:s9] =	ssyncset.done $0x0  }
0x155: {  	[sflag:s9] =	ssyncadd.s32 $0xFFFFFF80  }
0x156: {  	[tilespmem:s10], [sflag:$0xA] =	stream.indirect.gather [hbm4b:s26+s17], $0x80, s17, s17, $0xb8;
	[tilespmem:$0x1E480] =	vst v63  }
0x157: {  	_ =	swait.ge [sflag:s0], $0x4000  }
0x158: {  	[sflag:s0] =	ssyncset.done $0x0  }
0x159: {  	[sflag:s0] =	ssyncadd.s32 $0xFFFFC000  }
0x15a: {  	[spmem:s30] =	stream.indirect.scatter.add.f32 [tilespmem:s24], [sflag:$0xB], $0x80, s18, s17, $0xb8;
	[tilespmem:$0x1E480] =	vst v63  }
0x15b: {  	_ =	swait.ge [sflag:s11], $0x4000  }
0x15c: {  	[sflag:s11] =	ssyncset.done $0x0  }
0x15d: {  	[sflag:s11] =	ssyncadd.s32 $0xFFFFC000  }
0x15e: {  	_ =	swait.ge [sflag:s14], $0x4000  }
0x15f: {  	[sflag:s14] =	ssyncset.done $0x0  }
0x160: {  	[sflag:s14] =	ssyncadd.s32 $0xFFFFC000  }
0x161: {  	[spmem:s30] =	stream.indirect.scatter.add.f32 [tilespmem:s10], [sflag:$0xC], $0x80, s6, s17, $0xb8;
	[tilespmem:$0x1E480] =	vst v63  }
0x162: {  	_ =	swait.ge [sflag:s15], $0x4000  }
0x163: {  	s2 =	simm.s32 @!p1 $0x0;
	[sflag:s15] =	ssyncset.done $0x0  }
0x164: {  	s3 =	simm.s32 @!p1 $0x100;
	s4 =	rddreg [dreg:$0x1b];
	[sflag:s15] =	ssyncadd.s32 $0xFFFFC000  }
0x165: {  	[tilespmem:s3], [sflag:$0x3] =	stream.linear.gather @!p1 [hbm4b:s4+s2], $0x80, $0x38;
	[tilespmem:$0x1E480] =	vst v63  }
0x166: {  	s5 =	rddreg [dreg:$0x1c];
	s4 =	simm.s32 @!p1 $0x300  }
0x167: {  	[tilespmem:s4], [sflag:$0x7] =	stream.linear.gather @!p1 [hbm4b:s5+s2], $0x80, $0x38;
	[tilespmem:$0x1E480] =	vst v63  }
0x168: {  	s2 =	simm.s32 @!p1 $0x3  }
0x169: {  	_ =	swait.ge @!p1 [sflag:s2], $0x80  }
0x16a: {  	[sflag:s2] =	ssyncset.done @!p1 $0x0  }
0x16b: {  	[sflag:s2] =	ssyncadd.s32 @!p1 $0xFFFFFF80;
	s2 =	simm.s32 @!p1 $0x7  }
0x16c: {  	_ =	swait.ge @!p1 [sflag:s2], $0x80  }
0x16d: {  	[sflag:s2] =	ssyncset.done @!p1 $0x0  }
0x16e: {  	s5 =	simm.s32 @!p1 $0x400;
	[sflag:s2] =	ssyncadd.s32 @!p1 $0xFFFFFF80;
	s2 =	simm.s32 @!p1 $0x80  }
0x16f: {  	[tilespmem:s5], [sflag:$0x9] =	stream.indirect.gather @!p1 [hbm4b:s26+s2], $0x80, s3, s2, $0xb8;
	[tilespmem:$0x1E480] =	vst v63  }
0x170: {  	s3 =	simm.s32 @!p1 $0x9  }
0x171: {  	_ =	swait.ge @!p1 [sflag:s3], $0x4000  }
0x172: {  	[sflag:s3] =	ssyncset.done @!p1 $0x0  }
0x173: {  	[sflag:s3] =	ssyncadd.s32 @!p1 $0xFFFFC000  }
0x174: {  	[spmem:s30] =	stream.indirect.scatter.add.f32 @!p1 [tilespmem:s5], [sflag:$0xB], $0x80, s4, s2, $0xb8;
	[tilespmem:$0x1E480] =	vst v63  }
0x175: {  	s2 =	simm.s32 @!p1 $0xB  }
0x176: {  	_ =	swait.ge @!p1 [sflag:s2], $0x4000  }
0x177: {  	[sflag:s2] =	ssyncset.done @!p1 $0x0  }
0x178: {  	[sflag:s2] =	ssyncadd.s32 @!p1 $0xFFFFC000  }
0x179: {  	s5 =	stileid.u32;
	[bflag:$0x0] =	sbarrier.arrive $0xFFFF  }
0x17a: {  	s2 =	sshll.u32 s5, $0x6;
	s25 =	rddreg [dreg:$0x1d]  }
0x17b: {  	s6 =	sor.u32 $0x1C0D, s2;
	s19 =	rddreg [dreg:$0x6];
	s18 =	sshrl.u32 s25, $0x3  }
0x17c: {  	[hbm:s19], [sflag:s6] =	dma.local [spmem:s18], $0x500  }
0x17d: {  	s4 =	rddreg [dreg:$0x7]  }
0x17e: {  	s20 =	sor.u32 $0x1C0E, s2;
	s19 =	rddreg [dreg:$0x1f]  }
0x17f: {  	[hbm:s4], [sflag:s20] =	dma.local [spmem:s19], $0x500  }
0x180: {  	s19 =	sld [smem:$0x7F1];
	_ =	sdelay $0x1  }
0x181: {  	s6 =	sor.u32 $0x1C0F, s2;
	s4 =	rddreg [dreg:$0x8]  }
0x182: {  	[hbm:s4], [sflag:s6] =	dma.local [spmem:s19], $0x500  }
0x183: {  	s19 =	sld [smem:$0x7F2];
	_ =	sdelay $0x1  }
0x184: {  	s18 =	sor.u32 $0x1C10, s2;
	s4 =	rddreg [dreg:$0x9]  }
0x185: {  	[hbm:s4], [sflag:s18] =	dma.local [spmem:s19], $0x500  }
0x186: {  	s4 =	sld [smem:$0x7F3];
	_ =	sdelay $0x1  }
0x187: {  	s2 =	sor.u32 $0x1C11, s2;
	s3 =	rddreg [dreg:$0xa]  }
0x188: {  	[hbm:s3], [sflag:s2] =	dma.local [spmem:s4], $0x500  }
0x189: {  	s19 =	sld [smem:$0x7F4]  }
0x18a: {  	s2 =	sshll.u32 @!p0 s5, $0x6  }
0x18b: {  	s3 =	sor.u32 @!p0 $0x1C12, s2;
	s5 =	rddreg [dreg:$0xb]  }
0x18c: {  	[hbm:s5], [sflag:s3] =	dma.local @!p0 [spmem:s19], $0x500  }
0x18d: {  	s19 =	sld [smem:$0x7F5];
	_ =	sdelay $0x1  }
0x18e: {  	s3 =	sor.u32 @!p0 $0x1C13, s2;
	s5 =	rddreg [dreg:$0xc]  }
0x18f: {  	[hbm:s5], [sflag:s3] =	dma.local @!p0 [spmem:s19], $0x500  }
0x190: {  	s5 =	sld [smem:$0x7F6];
	_ =	sdelay $0x1  }
0x191: {  	s6 =	simm.s32 $0xD;
	s2 =	sor.u32 @!p0 $0x1C14, s2;
	s3 =	rddreg [dreg:$0xd]  }
0x192: {  	[hbm:s3], [sflag:s2] =	dma.local @!p0 [spmem:s5], $0x500  }
0x193: {  	_ =	swait.ge [sflag:s6], $0x500  }
0x194: {  	[sflag:s6] =	ssyncset.done $0x0  }
0x195: {  	s20 =	simm.s32 $0xE;
	[sflag:s6] =	ssyncadd.s32 $0xFFFFFB00  }
0x196: {  	_ =	swait.ge [sflag:s20], $0x500  }
0x197: {  	[sflag:s20] =	ssyncset.done $0x0  }
0x198: {  	s3 =	simm.s32 $0xF;
	[sflag:s20] =	ssyncadd.s32 $0xFFFFFB00  }
0x199: {  	_ =	swait.ge [sflag:s3], $0x500  }
0x19a: {  	[sflag:s3] =	ssyncset.done $0x0  }
0x19b: {  	s5 =	simm.s32 $0x10;
	[sflag:s3] =	ssyncadd.s32 $0xFFFFFB00  }
0x19c: {  	_ =	swait.ge [sflag:s5], $0x500  }
0x19d: {  	[sflag:s5] =	ssyncset.done $0x0  }
0x19e: {  	s18 =	simm.s32 $0x11;
	[sflag:s5] =	ssyncadd.s32 $0xFFFFFB00  }
0x19f: {  	_ =	swait.ge [sflag:s18], $0x500  }
0x1a0: {  	[sflag:s18] =	ssyncset.done $0x0  }
0x1a1: {  	s2 =	simm.s32 @!p0 $0x12;
	[sflag:s18] =	ssyncadd.s32 $0xFFFFFB00  }
0x1a2: {  	_ =	swait.ge @!p0 [sflag:s2], $0x500  }
0x1a3: {  	[sflag:s2] =	ssyncset.done @!p0 $0x0  }
0x1a4: {  	[sflag:s2] =	ssyncadd.s32 @!p0 $0xFFFFFB00;
	s2 =	simm.s32 @!p0 $0x13  }
0x1a5: {  	_ =	swait.ge @!p0 [sflag:s2], $0x500  }
0x1a6: {  	[sflag:s2] =	ssyncset.done @!p0 $0x0  }
0x1a7: {  	[sflag:s2] =	ssyncadd.s32 @!p0 $0xFFFFFB00;
	s2 =	simm.s32 @!p0 $0x14  }
0x1a8: {  	_ =	swait.ge @!p0 [sflag:s2], $0x500  }
0x1a9: {  	s19 =	sld [smem:$0x7F0];
	_ =	sdelay $0x2  }
0x1aa: {  	s20 =	rddreg [dreg:$0x1e];
	s5 =	sadd.s32 $0x1, s19  }
0x1ab: {  	p2 =	sne.s32 s5, s20  }
.Ltmp2:
0x1ac: {  	_ = 	snop;
	(pc) =	sbr.rel @p2 .LBB2_1-.Ltmp2, $4  }
0x1ad: {  	_ = 	snop  }
0x1ae: {  	s4 =	stileid.u32  }
0x1af: {  	s3 =	simm.s32 $0x300;
	s18 =	simm.s32 $0x280;
	[sflag:s2] =	ssyncset.done @!p0 $0x0  }
0x1b0: {  	[sflag:s2] =	ssyncadd.s32 @!p0 $0xFFFFFB00;
	s19 =	simm.s32 $0x100;
	s20 =	simm.s32 $0x200  }
0x1b1: {  	_ =	sfence.sel $0x180000  }
0x1b2: {  	[bflag:$0x0] =	sbarrier.arrive $0xFFFF  }
0x1b3: {  	_ =	strace $0x90000047  }
0x1b4: {  	[bflag:$0x2] =	sbarrier.arrive $0xFFFF  }
0x1b5: {  	p0 =	sne.s32 s4, $0x0;
	s0 =	rddreg [dreg:$0x4]  }
0x1b6: {  	s0 =	sadd.s32 @!p0 $0x100000, s0  }
0x1b7: {  	[sflag:s0] =	ssyncadd.tile.s32 @!p0 $0x1;
	_ =	shalt  }
.Lfunc_end2:
_tile_overlayer_lowered:
.L_overlay_start_2:
0x1b8: {  	(tag) =	ssettag $0x2  }
0x1b9: {  	s0 =	rddreg [dreg:$0x0];
	s2 =	stileid.u32  }
0x1ba: {  	s1 =	rddreg [dreg:$0x1];
	p0 =	sne.s32 s2, $0x0  }
0x1bb: {  	s3 =	rddreg [dreg:$0x2];
	[bflag:$0x3] =	sbarrier.arrive $0xFFFF;
	s2 =	simm.s32 @!p0 $0x1C15  }
0x1bc: {  	[timem:s3], [sflag:s2] =	dma.local @!p0 [hbm:s0], s1  }
0x1bd: {  	s0 =	simm.s32 @!p0 $0x15  }
0x1be: {  	_ =	swait.ge @!p0 [sflag:s0], s1  }
0x1bf: {  	s1 =	ssub.s32 @!p0 $0x0, s1;
	[sflag:s0] =	ssyncset.done @!p0 $0x0  }
0x1c0: {  	[sflag:s0] =	ssyncadd.s32 @!p0 s1  }
0x1c1: {  	[bflag:$0x3] =	sbarrier.arrive $0xFFFF  }
0x1c2: {  	_ =	shalt  }

// kernel: kernel.9.cloned.1.call-start
scs
__scs_entry_jumppad:
0x0: {  	(pc) =	sbr.rel $0x88, $3  }
0x1: {  	(tag) =	ssettag $0x0;
	lr =	simm.s32 $0x1  }
0x2: {  	[smem:$0x3F9B] =	sst lr;
	_ =	strace $0xD0000000  }
0x3: {  	_ = 	snop  }
0x4: {  	_ = 	snop  }
0x5: {  	_ = 	snop  }
0x6: {  	_ = 	snop  }
0x7: {  	_ = 	snop  }
__scs_overlays_trampoline_lowered:
0x8: {  	[smem:$0x3FAA] =	sst s0  }
0x9: {  	[smem:$0x3FAB] =	sst s1  }
0xa: {  	[smem:$0x3FAC] =	sst s2  }
0xb: {  	[smem:$0x3FAD] =	sst s3  }
0xc: {  	[smem:$0x3FAE] =	sst s4  }
0xd: {  	[smem:$0x3FAF] =	sst s5  }
0xe: {  	[smem:$0x3FB0] =	sst s6  }
0xf: {  	[smem:$0x3FB1] =	sst s7  }
0x10: {  	[smem:$0x3FB2] =	sst s8  }
0x11: {  	[smem:$0x3FB3] =	sst s9;
	s0 =	simm.s32 @!p0 $0x0  }
0x12: {  	s1 =	sld [smem:$0x3F99];
	s0 =	simm.s32 @p0 $0x1  }
0x13: {  	[smem:$0x3FB4] =	sst s0;
	s0 =	simm.s32 @!p1 $0x0  }
0x14: {  	s2 =	sld [smem:$0x3F98];
	s0 =	simm.s32 @p1 $0x1  }
0x15: {  	[smem:$0x3FB5] =	sst s0;
	s0 =	simm.s32 @!p2 $0x0  }
0x16: {  	s3 =	sld [smem:$0x3FDB];
	s0 =	simm.s32 @p2 $0x1  }
0x17: {  	s4 =	simm.s32 $0x1BF5;
	[smem:$0x3FB7] =	sst s0  }
0x18: {  	s0 =	sld [smem:$0x3F9A];
	_ =	swait.ge [sflag:s4], $0x0  }
0x19: {  	s7 =	sld [smem:$0x3F9B]  }
0x1a: {  	s8 =	sadd.s32 $0xFFFFE003, lr  }
0x1b: {  	s9 =	sadd.s32 $0xFFFFFEF7, lr;
	s5 =	simm.s32 $0xFFFFFFFF;
	p2 =	slt.u32 s8, $0xFFFFF086  }
0x1c: {  	p1 =	slt.u32 s9, $0xF7A;
	s5 =	simm.s32 @!p2 $0x0  }
0x1d: {  	s5 =	simm.s32 @p1 $0x1;
	p0 =	seq.s32 s7, s2  }
0x1e: {  	s7 =	smul.u32 @!p0 $0xF7A, s2;
	p2 =	seq.s32 @!p0 s5, $0x0  }
0x1f: {  	s9 =	smul.u32 $0xF7A, s1;
	s8 =	simm.s32 @!p0 $0x1BF5;
	p2 =	por !p2, p0  }
0x20: {  	[sflag:s8] =	ssyncset.s32 @!p0 $0xFFFFF086;
	s6 =	sadd.s32 @!p0 s3, s7;
	s7 =	simm.s32 @!p0 $0x108  }
0x21: {  	s3 =	sadd.s32 s3, s9;
	s6 =	sadd.s32 @!p0 $0x88, s6;
	s7 =	simm.s32 @p2 $0x1082  }
0x22: {  	[simem:s7], [sflag:s8] =	dma.local @!p0 [hbm:s6], $0xF7A  }
0x23: {  	s9 =	sor.u32 $0xD0000000, s2;
	s6 =	simm.s32 $0x108;
	_ =	swait.ge @!p0 [sflag:s8], $0x0  }
0x24: {  	s3 =	sadd.s32 $0x88, s3;
	s6 =	simm.s32 @!p1 $0x1082;
	[sflag:s4] =	ssyncset.s32 $0xFFFFF086  }
0x25: {  	[simem:s6], [sflag:s4] =	dma.local [hbm:s3], $0xF7A  }
0x26: {  	[smem:$0x3F9B] =	sst s1;
	(tag) =	ssettag s2;
	_ =	strace s9  }
0x27: {  	s1 =	sld [smem:$0x3FAB]  }
0x28: {  	s2 =	sld [smem:$0x3FAC]  }
0x29: {  	s4 =	sld [smem:$0x3FAE]  }
0x2a: {  	p0 =	seq.s32 s5, $0x0;
	s5 =	sld [smem:$0x3FAF]  }
0x2b: {  	s6 =	sld [smem:$0x3FB0]  }
0x2c: {  	s7 =	sld [smem:$0x3FB1]  }
0x2d: {  	s3 =	simm.s32 $0x108;
	s8 =	sld [smem:$0x3FB2]  }
0x2e: {  	s3 =	simm.s32 @!p0 $0x1082;
	s9 =	sld [smem:$0x3FB3]  }
0x2f: {  	lr =	sadd.s32 s0, s3;
	s0 =	sld [smem:$0x3FAA]  }
0x30: {  	s3 =	sld [smem:$0x3FAD]  }
0x31: {  	[smem:$0x3FB6] =	sst s10  }
0x32: {  	s10 =	sld [smem:$0x3FB4];
	_ =	sdelay $0x3  }
0x33: {  	p0 =	seq.s32 s10, $0x1;
	s10 =	sld [smem:$0x3FB6];
	_ =	sdelay $0x3  }
0x34: {  	[smem:$0x3FB6] =	sst s10  }
0x35: {  	s10 =	sld [smem:$0x3FB5];
	_ =	sdelay $0x3  }
0x36: {  	p1 =	seq.s32 s10, $0x1;
	s10 =	sld [smem:$0x3FB6];
	_ =	sdelay $0x3  }
0x37: {  	[smem:$0x3FB6] =	sst s10  }
0x38: {  	s10 =	sld [smem:$0x3FB7]  }
0x39: {  	_ = 	snop;
	(pc) =	sbr.ind lr, $3  }
0x3a: {  	_ = 	snop  }
0x3b: {  	_ = 	snop  }
0x3c: {  	p2 =	seq.s32 s10, $0x1;
	s10 =	sld [smem:$0x3FB6]  }
0x3d: {  	_ =	shalt  }
0x3e: {  	_ =	shalt  }
0x3f: {  	_ =	shalt  }
0x40: {  	_ =	shalt  }
0x41: {  	_ =	shalt  }
0x42: {  	_ =	shalt  }
0x43: {  	_ =	shalt  }
0x44: {  	_ =	shalt  }
0x45: {  	_ =	shalt  }
0x46: {  	_ =	shalt  }
0x47: {  	_ =	shalt  }
0x48: {  	_ =	shalt  }
0x49: {  	_ =	shalt  }
0x4a: {  	_ =	shalt  }
0x4b: {  	_ =	shalt  }
0x4c: {  	_ =	shalt  }
0x4d: {  	_ =	shalt  }
0x4e: {  	_ =	shalt  }
0x4f: {  	_ =	shalt  }
0x50: {  	_ =	shalt  }
0x51: {  	_ =	shalt  }
0x52: {  	_ =	shalt  }
0x53: {  	_ =	shalt  }
0x54: {  	_ =	shalt  }
0x55: {  	_ =	shalt  }
0x56: {  	_ =	shalt  }
0x57: {  	_ =	shalt  }
0x58: {  	_ =	shalt  }
0x59: {  	_ =	shalt  }
0x5a: {  	_ =	shalt  }
0x5b: {  	_ =	shalt  }
0x5c: {  	_ =	shalt  }
0x5d: {  	_ =	shalt  }
0x5e: {  	_ =	shalt  }
0x5f: {  	_ =	shalt  }
0x60: {  	_ =	shalt  }
0x61: {  	_ =	shalt  }
0x62: {  	_ =	shalt  }
0x63: {  	_ =	shalt  }
0x64: {  	_ =	shalt  }
0x65: {  	_ =	shalt  }
0x66: {  	_ =	shalt  }
0x67: {  	_ =	shalt  }
0x68: {  	_ =	shalt  }
0x69: {  	_ =	shalt  }
0x6a: {  	_ =	shalt  }
0x6b: {  	_ =	shalt  }
0x6c: {  	_ =	shalt  }
0x6d: {  	_ =	shalt  }
0x6e: {  	_ =	shalt  }
0x6f: {  	_ =	shalt  }
0x70: {  	_ =	shalt  }
0x71: {  	_ =	shalt  }
0x72: {  	_ =	shalt  }
0x73: {  	_ =	shalt  }
0x74: {  	_ =	shalt  }
0x75: {  	_ =	shalt  }
0x76: {  	_ =	shalt  }
0x77: {  	_ =	shalt  }
0x78: {  	_ =	shalt  }
0x79: {  	_ =	shalt  }
0x7a: {  	_ =	shalt  }
0x7b: {  	_ =	shalt  }
0x7c: {  	_ =	shalt  }
0x7d: {  	_ =	shalt  }
0x7e: {  	_ =	shalt  }
0x7f: {  	_ =	shalt  }
0x80: {  	_ =	shalt  }
0x81: {  	_ =	shalt  }
0x82: {  	_ =	shalt  }
0x83: {  	_ =	shalt  }
0x84: {  	_ =	shalt  }
0x85: {  	_ =	shalt  }
0x86: {  	_ =	shalt  }
0x87: {  	_ =	shalt  }
.Lfunc_end0:
.L_simem_size_0:
called_computation.1_lowered:
.L_overlay_start_0:
0x88: {  	s2 =	sld [smem:$0x3FD9]  }
0x89: {  	s3 =	sld [smem:$0x3FFE];
	_ =	sdelay $0x1  }
0x8a: {  	s1 =	srdreg.scid  }
0x8b: {  	s0 =	sand.u32 $0x1, s1  }
0x8c: {  	s17 =	sshll.u32 s0, $0xA;
	s2 =	sadd.s32 s3, s2  }
0x8d: {  	s2 =	sadd.s32 s2, s17  }
0x8e: {  	[smem:$0x3FC2] =	sst s2  }
0x8f: {  	_ = 	snop  }
0x90: {  	s2 =	sld [smem:$0x3FC8]  }
0x91: {  	s18 =	sld [smem:$0x3FD0];
	(tm) =	ssettm $0x1  }
0x92: {  	s4 =	sld [smem:$0x3FFB];
	_ =	sdelay $0x3  }
0x93: {  	_ =	strace s4  }
0x94: {  	s4 =	sld [smem:$0x3FFC];
	_ =	sdelay $0x3  }
0x95: {  	_ =	strace s4  }
0x96: {  	s4 =	sld [smem:$0x3FFD];
	_ =	sdelay $0x3  }
0x97: {  	_ =	strace s4  }
0x98: {  	_ =	strace $0x8FFFFFFF  }
0x99: {  	s19 =	sld [smem:$0x3FDB];
	_ =	sdelay $0x1  }
0x9a: {  	s5 =	simm.s32 $_scs_section_size  }
0x9b: {  	s6 =	simm.s32 $_size__tile_overlayer_lowered;
	s7 =	simm.s32 $_tile_overlayer_lowered  }
0x9c: {  	s22 =	simm.s32 $0x1BFF;
	s21 =	sshll.u32 s7, $0x1;
	s4 =	sadd.s32 s5, s19  }
0x9d: {  	s8 =	simm.s32 $0x0;
	s20 =	sshll.u32 s6, $0x1;
	s6 =	sadd.s32 s21, s4  }
0x9e: {  	[timem:s8], [sflag:s22] =	dma.local [hbm:s6], s20  }
0x9f: {  	_ =	swait.ge [sflag:s22], s20  }
0xa0: {  	s5 =	ssub.s32 $0x0, s20;
	[sflag:s22] =	ssyncset.done $0x0  }
0xa1: {  	[sflag:s22] =	ssyncadd.s32 s5;
	_ =	sdelay $0x1  }
0xa2: {  	s23 =	simm.s32 $0x1B8B  }
0xa3: {  	_ =	swait.ge [sflag:s23], $0x1  }
0xa4: {  	[sflag:s23] =	ssyncset.done $0x0  }
0xa5: {  	s25 =	simm.s32 $0x1B8E;
	s24 =	sld [smem:$0x3FFE];
	[sflag:s23] =	ssyncadd.s32 $0xFFFFFFFF  }
0xa6: {  	s26 =	simm.s32 $execute0_lowered;
	[smem:$0x3FD2] =	sst s25  }
0xa7: {  	s6 =	sshll.u32 s26, $0x1;
	_ =	strace $0x80000049;
	[dreg:$0x1] =	wrdreg $0xFFFFFFFF  }
0xa8: {  	s28 =	simm.s32 $_size_execute0_lowered;
	s4 =	sadd.s32 s4, s6;
	[dreg:$0x0] =	wrdreg $0x0  }
0xa9: {  	s6 =	sshll.u32 s28, $0x1;
	[dreg:$0x2] =	wrdreg s4  }
0xaa: {  	[dreg:$0x3] =	wrdreg s6  }
0xab: {  	[dreg:$0x4] =	wrdreg $0xC0  }
0xac: {  	_ =	task [dreg:s8], $0x5FFFF  }
0xad: {  	[dreg:$0x1] =	wrdreg $0xFFFFFFFF  }
0xae: {  	[dreg:$0x0] =	wrdreg $0x60  }
0xaf: {  	[dreg:$0x2] =	wrdreg s18  }
0xb0: {  	[dreg:$0x3] =	wrdreg s2  }
0xb1: {  	[dreg:$0x4] =	wrdreg s24  }
0xb2: {  	[dreg:$0x5] =	wrdreg $0xAC000  }
0xb3: {  	[dreg:$0x6] =	wrdreg $0x9  }
0xb4: {  	_ =	task.clear_ibuf [dreg:s8], $0x7FFFF;
	_ =	strace $0x90000049  }
0xb5: {  	s29 =	simm.s32 $0x9;
	_ =	strace $0x8000004B  }
0xb6: {  	_ =	swait.ge [sflag:s29], $0x1  }
0xb7: {  	[sflag:s29] =	ssyncadd.s32 $0xFFFFFFFF  }
0xb8: {  	_ =	strace $0x9000004B  }
0xb9: {  	_ =	sfence  }
0xba: {  	s30 =	sld [smem:$0x0];
	_ =	sdelay $0x2  }
0xbb: {  	s31 =	sshll.u32 s1, $0xD;
	s1 =	sshrl.u32 s1, $0x2  }
0xbc: {  	s3 =	sand.u32 $0x4000, s31;
	s1 =	sadd.s32 s1, s30  }
0xbd: {  	s0 =	sor.u32 s3, s0;
	s1 =	sshll.u32 s1, $0x11  }
0xbe: {  	s0 =	sor.u32 s1, s0  }
0xbf: {  	s0 =	sadd.s32 $0x8F2B, s0  }
0xc0: {  	[sflag:s0] =	ssyncadd.remote.s32 $0x1  }
0xc1: {  	_ =	sfence.sel $0xFFFF  }
0xc2: {  	[dreg:$0x0] =	wrdreg $0xFFFFFFFF;
	(pc) =	sbr.abs _section_cstart, $3  }
0xc3: {  	[dreg:$0x1] =	wrdreg $0xFFFFFFFF  }
0xc4: {  	_ =	task.clear_ibuf [dreg:s8], $0x2FFFF;
	_ =	strace $0x9FFFFFFF  }
0xc5: {  	(tm) =	ssettm $0x7FFFFFFF  }
tec
execute0_lowered:
.L_overlay_start_1:
0x0: {  	(tag) =	ssettag $0x1  }
0x1: {  	s0 =	srdreg.scid;
	s3 =	rddreg [dreg:$0x1]  }
0x2: {  	s19 =	stileid.u32;
	s20 =	rddreg [dreg:$0x2];
	s1 =	simm.s32 $0x0  }
0x3: {  	s30 =	rddreg [dreg:$0x3];
	s28 =	simm.s32 $0x4;
	s2 =	sand.u32 $0x1, s0  }
0x4: {  	s18 =	sshll.u32 s19, $0x1;
	s9 =	smul.u32 $0x14000, s19;
	[smem:$0x7FF] =	sst s1  }
0x5: {  	s10 =	sadd.s32 $0x1A00, s20;
	s11 =	sadd.s32 $0x10, s3;
	s7 =	smul.u32 $0x138800, s2  }
0x6: {  	s5 =	sor.u32 s2, s18;
	s4 =	ssub.s32 $0x2, s2;
	s2 =	smul.u32 $0x9C0, s2  }
0x7: {  	p0 =	seq.s32 s19, $0xF;
	p1 =	sgt.u32 s19, $0x1;
	s6 =	smul.u32 $0x9C0, s5  }
0x8: {  	s8 =	sshrl.u32 s4, $0x1;
	s13 =	smul.u32 $0x4E00, s5;
	s16 =	sadd.s32 $0xA000, s9  }
0x9: {  	s5 =	sshll.u32 s5, $0x5;
	s0 =	ssub.s32 s4, s8;
	s22 =	sadd.s32 s9, s7  }
0xa: {  	s4 =	sor.u32 $0x2800, s9;
	s17 =	sadd.s32 s7, s16;
	s5 =	sor.u32 $0x13800, s5  }
0xb: {  	s21 =	sadd.s32 s3, s6;
	s8 =	sshrl.u32 s22, $0x3;
	s12 =	sadd.s32 s7, s4  }
0xc: {  	s25 =	sshrl.u32 s17, $0x3;
	s20 =	sor.u32 $0x20, s6;
	s6 =	sadd.s32 s6, s11  }
0xd: {  	s0 =	smax.u32 s0, $0x1;
	[dreg:$0x5] =	wrdreg s21;
	s8 =	sadd.s32 s10, s8  }
0xe: {  	s23 =	sshrl.u32 s12, $0x3;
	s12 =	sadd.s32 $0x7800, s9;
	[dreg:$0xe] =	wrdreg s6  }
0xf: {  	s21 =	sshrl.u32 s13, $0x3;
	s22 =	sadd.s32 s3, s20;
	[dreg:$0x6] =	wrdreg s8  }
0x10: {  	s8 =	sadd.s32 s10, s23;
	s15 =	sadd.s32 s7, s12;
	[dreg:$0xf] =	wrdreg s22  }
0x11: {  	s23 =	sadd.s32 $0x40, s21;
	s13 =	sadd.s32 $0x80, s21;
	s12 =	sadd.s32 s12, s30  }
0x12: {  	[dreg:$0x7] =	wrdreg s8;
	s8 =	sadd.s32 $0x5000, s9;
	s15 =	sshrl.u32 s15, $0x3  }
0x13: {  	s6 =	sadd.s32 s23, s11;
	s14 =	sadd.s32 s7, s8;
	s24 =	sadd.s32 s10, s15  }
0x14: {  	s15 =	sadd.s32 $0xF000, s9;
	[dreg:$0x12] =	wrdreg s6;
	s6 =	sadd.s32 s13, s11  }
0x15: {  	s14 =	sshrl.u32 s14, $0x3;
	[dreg:$0x9] =	wrdreg s24;
	s18 =	sadd.s32 s7, s15  }
0x16: {  	s24 =	sadd.s32 s3, s23;
	[dreg:$0x16] =	wrdreg s6;
	s23 =	smul.u32 $0x1380, s19  }
0x17: {  	s14 =	sadd.s32 s10, s14;
	s18 =	sshrl.u32 s18, $0x3;
	[dreg:$0x11] =	wrdreg s24  }
0x18: {  	s24 =	sadd.s32 s3, s5;
	s5 =	sadd.s32 s5, s11;
	[dreg:$0x8] =	wrdreg s14  }
0x19: {  	s14 =	sadd.s32 s10, s25;
	s18 =	sadd.s32 s10, s18;
	[dreg:$0x1b] =	wrdreg s24  }
0x1a: {  	s25 =	sadd.s32 $0x60, s21;
	[dreg:$0xa] =	wrdreg s14;
	s14 =	sadd.s32 $0xC800, s9  }
0x1b: {  	[dreg:$0x1c] =	wrdreg s5;
	s9 =	sadd.s32 $0x11800, s9;
	s26 =	sadd.s32 s7, s14  }
0x1c: {  	[dreg:$0xc] =	wrdreg s18;
	s17 =	sshrl.u32 s26, $0x3;
	s26 =	sadd.s32 s3, s25  }
0x1d: {  	s5 =	simm.s32 $0x0;
	s7 =	sadd.s32 s7, s9;
	[dreg:$0x13] =	wrdreg s26  }
0x1e: {  	s7 =	sshrl.u32 s7, $0x3;
	s17 =	sadd.s32 s10, s17;
	s26 =	rddreg [dreg:$0x0]  }
0x1f: {  	s18 =	sadd.s32 $0xA0, s21;
	s7 =	sadd.s32 s10, s7;
	[dreg:$0xb] =	wrdreg s17  }
0x20: {  	s10 =	sadd.s32 s4, s30;
	[dreg:$0xd] =	wrdreg s7;
	s7 =	sadd.s32 s20, s11  }
0x21: {  	s17 =	sadd.s32 s3, s13;
	s20 =	sadd.s32 $0xC0, s21;
	s21 =	sadd.s32 s3, s18  }
0x22: {  	s13 =	sadd.s32 s16, s30;
	s16 =	sshrl.u32 s12, $0x3;
	[dreg:$0x10] =	wrdreg s7  }
0x23: {  	s12 =	simm.s32 $0x3;
	s7 =	sadd.s32 s25, s11;
	[dreg:$0x15] =	wrdreg s17  }
0x24: {  	[dreg:$0x17] =	wrdreg s21;
	s22 =	sadd.s32 s3, s20;
	s6 =	sadd.s32 s20, s11  }
0x25: {  	s3 =	sadd.s32 s23, s3;
	s25 =	smul.u32 $0x50000, s19;
	[dreg:$0x14] =	wrdreg s7  }
0x26: {  	s17 =	sshrl.u32 s13, $0x3;
	s13 =	simm.s32 $0x7;
	[dreg:$0x19] =	wrdreg s22  }
0x27: {  	s7 =	sadd.s32 s18, s11;
	[dreg:$0x1a] =	wrdreg s6;
	s6 =	sadd.s32 s23, s11  }
0x28: {  	[dreg:$0x18] =	wrdreg s7;
	s31 =	sadd.s32 s2, s6;
	s6 =	sadd.s32 s14, s30  }
0x29: {  	s14 =	sshrl.u32 s10, $0x3;
	_ =	strace $0x8000004A;
	[dreg:$0x1e] =	wrdreg s0  }
0x2a: {  	s29 =	sadd.s32 s2, s3;
	s7 =	sshrl.u32 s25, $0x2;
	[dreg:$0x1f] =	wrdreg s14  }
0x2b: {  	s11 =	sadd.s32 s8, s30;
	s25 =	sadd.s32 s7, s30;
	[smem:$0x7F2] =	sst s16  }
0x2c: {  	s7 =	sadd.s32 s15, s30;
	s15 =	sshrl.u32 s11, $0x3;
	[smem:$0x7F3] =	sst s17  }
0x2d: {  	s8 =	sadd.s32 s9, s30;
	s0 =	sshrl.u32 @!p0 s6, $0x3;
	[smem:$0x7F1] =	sst s15  }
0x2e: {  	s3 =	simm.s32 $0x300;
	s9 =	simm.s32 $0x6;
	[smem:$0x7F4] =	sst s0  }
0x2f: {  	s10 =	simm.s32 $0x4400;
	s0 =	sshrl.u32 @!p0 s7, $0x3;
	[dreg:$0x1d] =	wrdreg s25  }
0x30: {  	s17 =	simm.s32 $0x80;
	s18 =	sadd.s32 $0x2800, s25;
	[smem:$0x7F5] =	sst s0  }
0x31: {  	s6 =	simm.s32 $0xD;
	s19 =	sadd.s32 $0x5000, s25;
	[smem:$0x7F7] =	sst s18  }
0x32: {  	s11 =	simm.s32 $0xB;
	s20 =	sadd.s32 $0x7800, s25;
	[smem:$0x7F8] =	sst s19  }
0x33: {  	s14 =	simm.s32 $0xA;
	s21 =	sadd.s32 $0xA000, s25;
	[smem:$0x7F9] =	sst s20  }
0x34: {  	s16 =	simm.s32 $0x380;
	s22 =	sadd.s32 $0xC800, s25;
	[smem:$0x7FA] =	sst s21  }
0x35: {  	s23 =	sadd.s32 $0xF000, s25;
	s24 =	sadd.s32 $0x11800, s25;
	[smem:$0x7FB] =	sst s22  }
0x36: {  	s15 =	simm.s32 $0xC;
	s7 =	simm.s32 $0x180;
	[smem:$0x7FC] =	sst s23  }
0x37: {  	s0 =	sshrl.u32 @!p0 s8, $0x3;
	[smem:$0x7FD] =	sst s24;
	s20 =	simm.s32 $0x200  }
0x38: {  	s18 =	simm.s32 $0x280;
	s19 =	simm.s32 $0x100;
	s22 =	simm.s32 $0x1  }
0x39: {  	s23 =	simm.s32 $0x5;
	s24 =	simm.s32 $0x400;
	s8 =	simm.s32 $0x2  }
0x3a: {  	v0 =	vimm.f32 $0.0e+00;
	s21 =	simm.s32 $0x8;
	[smem:$0x7F6] =	sst s0;
	s0 =	simm.s32 $0x9  }
.LBB2_1:
0x3b: {  	[smem:$0x7F0] =	sst s5  }
0x3c: {  	s2 =	rddreg [dreg:$0x5]  }
0x3d: {  	[tilespmem:s1], [sflag:$0x1] =	stream.linear.gather [hbm4b:s2+s1], $0x80, $0x38;
	[tilespmem:$0x1E480] =	vst v63  }
0x3e: {  	s5 =	rddreg [dreg:$0xe]  }
0x3f: {  	[tilespmem:s20], [sflag:$0x5] =	stream.linear.gather [hbm4b:s5+s1], $0x80, $0x38;
	[tilespmem:$0x1E480] =	vst v63  }
0x40: {  	s4 =	rddreg [dreg:$0xf]  }
0x41: {  	[tilespmem:s17], [sflag:$0x2] =	stream.linear.gather [hbm4b:s4+s1], $0x80, $0x38;
	[tilespmem:$0x1E480] =	vst v63  }
0x42: {  	s5 =	rddreg [dreg:$0x10]  }
0x43: {  	[tilespmem:s18], [sflag:$0x6] =	stream.linear.gather [hbm4b:s5+s1], $0x80, $0x38;
	[tilespmem:$0x1E480] =	vst v63  }
0x44: {  	s4 =	rddreg [dreg:$0x11]  }
0x45: {  	[tilespmem:s19], [sflag:$0x3] =	stream.linear.gather [hbm4b:s4+s1], $0x80, $0x38;
	[tilespmem:$0x1E480] =	vst v63  }
0x46: {  	s5 =	rddreg [dreg:$0x12];
	s4 =	sand.u32 $0xFE00, s1  }
0x47: {  	[tilespmem:s3], [sflag:$0x7] =	stream.linear.gather [hbm4b:s5+s1], $0x80, $0x38;
	[tilespmem:$0x1E480] =	vst v63  }
0x48: {  	s4 =	sshrl.u32 s4, $0x2;
	s5 =	sand.u32 $0x70, s1  }
0x49: {  	s2 =	simm.s32 $0x40;
	s3 =	simm.s32 $0x0;
	s4 =	sor.u32 s5, s4  }
.LBB2_2:
0x4a: {  	p2 =	sne.s32 s2, $0x9FC0  }
0x4b: {  	[tilespmem:s4+$0x8400] =	vst v0;
	s3 =	sadd.s32 $0x10, s3;
	s4 =	smov.u32 s2;
	s2 =	sadd.s32 $0x40, s2  }
.Ltmp0:
0x4c: {  	(pc) =	sbr.rel @p2 .LBB2_2-.Ltmp0, $4  }
0x4d: {  	_ = 	snop  }
0x4e: {  	s4 =	sand.u32 $0xFE00, s4  }
0x4f: {  	s5 =	sand.u32 $0x70, s3;
	s4 =	sshrl.u32 s4, $0x2  }
0x50: {  	s4 =	sor.u32 s5, s4  }
0x51: {  	[tilespmem:s4+$0x8400] =	vst v0;
	s3 =	simm.s32 $0x8400;
	s2 =	sld [smem:$0x7F7]  }
0x52: {  	[spmem:s25] =	stream.linear.scatter [tilespmem:s3], [sflag:$0xD], $0x2800, $0x38;
	[tilespmem:$0x1E480] =	vst v63  }
0x53: {  	s25 =	sld [smem:$0x7F8]  }
0x54: {  	[spmem:s2] =	stream.linear.scatter [tilespmem:s3], [sflag:$0xE], $0x2800, $0x38;
	[tilespmem:$0x1E480] =	vst v63  }
0x55: {  	s4 =	sld [smem:$0x7F9]  }
0x56: {  	[spmem:s25] =	stream.linear.scatter [tilespmem:s3], [sflag:$0xF], $0x2800, $0x38;
	[tilespmem:$0x1E480] =	vst v63  }
0x57: {  	s5 =	sld [smem:$0x7FA]  }
0x58: {  	[spmem:s4] =	stream.linear.scatter [tilespmem:s3], [sflag:$0x10], $0x2800, $0x38;
	[tilespmem:$0x1E480] =	vst v63  }
0x59: {  	_ = 	snop  }
0x5a: {  	[spmem:s5] =	stream.linear.scatter [tilespmem:s3], [sflag:$0x11], $0x2800, $0x38;
	[tilespmem:$0x1E480] =	vst v63  }
0x5b: {  	s3 =	sld [smem:$0x7FB];
	_ =	sdelay $0x1  }
0x5c: {  	s2 =	simm.s32 @!p0 $0x8400  }
0x5d: {  	[spmem:s3] =	stream.linear.scatter @!p0 [tilespmem:s2], [sflag:$0x12], $0x2800, $0x38;
	[tilespmem:$0x1E480] =	vst v63  }
0x5e: {  	s3 =	sld [smem:$0x7FC];
	_ =	sdelay $0x2  }
0x5f: {  	[spmem:s3] =	stream.linear.scatter @!p0 [tilespmem:s2], [sflag:$0x13], $0x2800, $0x38;
	[tilespmem:$0x1E480] =	vst v63  }
0x60: {  	s3 =	sld [smem:$0x7FD];
	_ =	sdelay $0x2  }
0x61: {  	[spmem:s3] =	stream.linear.scatter @!p0 [tilespmem:s2], [sflag:$0x14], $0x2800, $0x38;
	[tilespmem:$0x1E480] =	vst v63  }
0x62: {  	_ =	swait.ge [sflag:s22], $0x80  }
0x63: {  	[sflag:s22] =	ssyncset.done $0x0  }
0x64: {  	[sflag:s22] =	ssyncadd.s32 $0xFFFFFF80  }
0x65: {  	_ =	swait.ge [sflag:s23], $0x80  }
0x66: {  	[sflag:s23] =	ssyncset.done $0x0  }
0x67: {  	[sflag:s23] =	ssyncadd.s32 $0xFFFFFF80  }
0x68: {  	[tilespmem:s24], [sflag:$0x9] =	stream.indirect.gather [hbm4b:s26+s17], $0x80, s1, s17, $0xb8;
	[tilespmem:$0x1E480] =	vst v63  }
0x69: {  	_ =	swait.ge [sflag:s6], $0x2800  }
0x6a: {  	[sflag:s6] =	ssyncset.done $0x0  }
0x6b: {  	s25 =	simm.s32 $0xE;
	[sflag:s6] =	ssyncadd.s32 $0xFFFFD800  }
0x6c: {  	_ =	swait.ge [sflag:s25], $0x2800  }
0x6d: {  	[sflag:s25] =	ssyncset.done $0x0  }
0x6e: {  	s3 =	simm.s32 $0xF;
	[sflag:s25] =	ssyncadd.s32 $0xFFFFD800  }
0x6f: {  	_ =	swait.ge [sflag:s3], $0x2800  }
0x70: {  	[sflag:s3] =	ssyncset.done $0x0  }
0x71: {  	s4 =	simm.s32 $0x10;
	[sflag:s3] =	ssyncadd.s32 $0xFFFFD800  }
0x72: {  	_ =	swait.ge [sflag:s4], $0x2800  }
0x73: {  	[sflag:s4] =	ssyncset.done $0x0  }
0x74: {  	s5 =	simm.s32 $0x11;
	[sflag:s4] =	ssyncadd.s32 $0xFFFFD800  }
0x75: {  	_ =	swait.ge [sflag:s5], $0x2800  }
0x76: {  	[sflag:s5] =	ssyncset.done $0x0  }
0x77: {  	s2 =	simm.s32 @!p0 $0x12;
	[sflag:s5] =	ssyncadd.s32 $0xFFFFD800  }
0x78: {  	_ =	swait.ge @!p0 [sflag:s2], $0x2800  }
0x79: {  	[sflag:s2] =	ssyncset.done @!p0 $0x0  }
0x7a: {  	[sflag:s2] =	ssyncadd.s32 @!p0 $0xFFFFD800;
	s2 =	simm.s32 @!p0 $0x13  }
0x7b: {  	_ =	swait.ge @!p0 [sflag:s2], $0x2800  }
0x7c: {  	[sflag:s2] =	ssyncset.done @!p0 $0x0  }
0x7d: {  	[sflag:s2] =	ssyncadd.s32 @!p0 $0xFFFFD800;
	s2 =	simm.s32 @!p0 $0x14  }
0x7e: {  	_ =	swait.ge @!p0 [sflag:s2], $0x2800  }
0x7f: {  	[sflag:s2] =	ssyncset.done @!p0 $0x0  }
0x80: {  	[sflag:s2] =	ssyncadd.s32 @!p0 $0xFFFFD800  }
0x81: {  	[bflag:$0x0] =	sbarrier.arrive $0xFFFF  }
0x82: {  	s2 =	simm.s32 $0x0;
	s6 =	rddreg [dreg:$0x13]  }
0x83: {  	[tilespmem:s7], [sflag:$0x4] =	stream.linear.gather [hbm4b:s6+s2], $0x80, $0x38;
	[tilespmem:$0x1E480] =	vst v63  }
0x84: {  	s25 =	rddreg [dreg:$0x14]  }
0x85: {  	[tilespmem:s16], [sflag:$0x8] =	stream.linear.gather [hbm4b:s25+s2], $0x80, $0x38;
	[tilespmem:$0x1E480] =	vst v63  }
0x86: {  	_ =	swait.ge [sflag:s8], $0x80  }
0x87: {  	[sflag:s8] =	ssyncset.done $0x0  }
0x88: {  	[sflag:s8] =	ssyncadd.s32 $0xFFFFFF80  }
0x89: {  	_ =	swait.ge [sflag:s9], $0x80  }
0x8a: {  	[sflag:s9] =	ssyncset.done $0x0  }
0x8b: {  	[sflag:s9] =	ssyncadd.s32 $0xFFFFFF80  }
0x8c: {  	[tilespmem:s10], [sflag:$0xA] =	stream.indirect.gather [hbm4b:s26+s17], $0x80, s17, s17, $0xb8;
	[tilespmem:$0x1E480] =	vst v63  }
0x8d: {  	_ =	swait.ge [sflag:s0], $0x4000  }
0x8e: {  	[sflag:s0] =	ssyncset.done $0x0  }
0x8f: {  	[sflag:s0] =	ssyncadd.s32 $0xFFFFC000  }
0x90: {  	[spmem:s30] =	stream.indirect.scatter.add.f32 [tilespmem:s24], [sflag:$0xB], $0x80, s20, s17, $0xb8;
	[tilespmem:$0x1E480] =	vst v63  }
0x91: {  	_ =	swait.ge [sflag:s11], $0x4000  }
0x92: {  	[sflag:s11] =	ssyncset.done $0x0  }
0x93: {  	s4 =	rddreg [dreg:$0x15];
	[sflag:s11] =	ssyncadd.s32 $0xFFFFC000  }
0x94: {  	[tilespmem:s2], [sflag:$0x1] =	stream.linear.gather [hbm4b:s4+s2], $0x80, $0x38;
	[tilespmem:$0x1E480] =	vst v63  }
0x95: {  	s5 =	rddreg [dreg:$0x16]  }
0x96: {  	[tilespmem:s20], [sflag:$0x5] =	stream.linear.gather [hbm4b:s5+s2], $0x80, $0x38;
	[tilespmem:$0x1E480] =	vst v63  }
0x97: {  	_ =	swait.ge [sflag:s12], $0x80  }
0x98: {  	[sflag:s12] =	ssyncset.done $0x0  }
0x99: {  	[sflag:s12] =	ssyncadd.s32 $0xFFFFFF80  }
0x9a: {  	_ =	swait.ge [sflag:s13], $0x80  }
0x9b: {  	[sflag:s13] =	ssyncset.done $0x0  }
0x9c: {  	[sflag:s13] =	ssyncadd.s32 $0xFFFFFF80  }
0x9d: {  	[tilespmem:s24], [sflag:$0x9] =	stream.indirect.gather [hbm4b:s26+s17], $0x80, s19, s17, $0xb8;
	[tilespmem:$0x1E480] =	vst v63  }
0x9e: {  	_ =	swait.ge [sflag:s14], $0x4000  }
0x9f: {  	[sflag:s14] =	ssyncset.done $0x0  }
0xa0: {  	[sflag:s14] =	ssyncadd.s32 $0xFFFFC000  }
0xa1: {  	[spmem:s30] =	stream.indirect.scatter.add.f32 [tilespmem:s10], [sflag:$0xC], $0x80, s18, s17, $0xb8;
	[tilespmem:$0x1E480] =	vst v63  }
0xa2: {  	_ =	swait.ge [sflag:s15], $0x4000  }
0xa3: {  	[sflag:s15] =	ssyncset.done $0x0  }
0xa4: {  	s6 =	rddreg [dreg:$0x17];
	[sflag:s15] =	ssyncadd.s32 $0xFFFFC000  }
0xa5: {  	[tilespmem:s17], [sflag:$0x2] =	stream.linear.gather [hbm4b:s6+s2], $0x80, $0x38;
	[tilespmem:$0x1E480] =	vst v63  }
0xa6: {  	s25 =	rddreg [dreg:$0x18]  }
0xa7: {  	[tilespmem:s18], [sflag:$0x6] =	stream.linear.gather [hbm4b:s25+s2], $0x80, $0x38;
	[tilespmem:$0x1E480] =	vst v63  }
0xa8: {  	_ =	swait.ge [sflag:s28], $0x80  }
0xa9: {  	[sflag:s28] =	ssyncset.done $0x0  }
0xaa: {  	[sflag:s28] =	ssyncadd.s32 $0xFFFFFF80  }
0xab: {  	_ =	swait.ge [sflag:s21], $0x80  }
0xac: {  	[sflag:s21] =	ssyncset.done $0x0  }
0xad: {  	[sflag:s21] =	ssyncadd.s32 $0xFFFFFF80  }
0xae: {  	[tilespmem:s10], [sflag:$0xA] =	stream.indirect.gather [hbm4b:s26+s17], $0x80, s7, s17, $0xb8;
	[tilespmem:$0x1E480] =	vst v63  }
0xaf: {  	_ =	swait.ge [sflag:s0], $0x4000  }
0xb0: {  	[sflag:s0] =	ssyncset.done $0x0  }
0xb1: {  	s5 =	simm.s32 $0x300;
	[sflag:s0] =	ssyncadd.s32 $0xFFFFC000  }
0xb2: {  	[spmem:s30] =	stream.indirect.scatter.add.f32 [tilespmem:s24], [sflag:$0xB], $0x80, s5, s17, $0xb8;
	[tilespmem:$0x1E480] =	vst v63  }
0xb3: {  	_ =	swait.ge [sflag:s11], $0x4000  }
0xb4: {  	[sflag:s11] =	ssyncset.done $0x0  }
0xb5: {  	s4 =	rddreg [dreg:$0x19];
	[sflag:s11] =	ssyncadd.s32 $0xFFFFC000  }
0xb6: {  	[tilespmem:s19], [sflag:$0x3] =	stream.linear.gather [hbm4b:s4+s2], $0x80, $0x38;
	[tilespmem:$0x1E480] =	vst v63  }
0xb7: {  	s6 =	rddreg [dreg:$0x1a]  }
0xb8: {  	[tilespmem:s5], [sflag:$0x7] =	stream.linear.gather [hbm4b:s6+s2], $0x80, $0x38;
	[tilespmem:$0x1E480] =	vst v63  }
0xb9: {  	_ =	swait.ge [sflag:s22], $0x80  }
0xba: {  	[sflag:s22] =	ssyncset.done $0x0  }
0xbb: {  	[sflag:s22] =	ssyncadd.s32 $0xFFFFFF80  }
0xbc: {  	_ =	swait.ge [sflag:s23], $0x80  }
0xbd: {  	[sflag:s23] =	ssyncset.done $0x0  }
0xbe: {  	[sflag:s23] =	ssyncadd.s32 $0xFFFFFF80  }
0xbf: {  	[tilespmem:s24], [sflag:$0x9] =	stream.indirect.gather [hbm4b:s26+s17], $0x80, s2, s17, $0xb8;
	[tilespmem:$0x1E480] =	vst v63  }
0xc0: {  	_ =	swait.ge [sflag:s14], $0x4000  }
0xc1: {  	[sflag:s14] =	ssyncset.done $0x0  }
0xc2: {  	[sflag:s14] =	ssyncadd.s32 $0xFFFFC000  }
0xc3: {  	[spmem:s30] =	stream.indirect.scatter.add.f32 [tilespmem:s10], [sflag:$0xC], $0x80, s16, s17, $0xb8;
	[tilespmem:$0x1E480] =	vst v63  }
0xc4: {  	_ =	swait.ge [sflag:s15], $0x4000  }
0xc5: {  	s2 =	sadd.s32 $0x0, s29;
	[sflag:s15] =	ssyncset.done $0x0  }
0xc6: {  	s4 =	sadd.s32 $0x0, s31;
	s25 =	sadd.s32 $0xE0, s2;
	[sflag:s15] =	ssyncadd.s32 $0xFFFFC000  }
0xc7: {  	[tilespmem:s7], [sflag:$0x4] =	stream.linear.gather [hbm4b:s25+s1], $0x80, $0x38;
	[tilespmem:$0x1E480] =	vst v63  }
0xc8: {  	s6 =	sadd.s32 $0xE0, s4  }
0xc9: {  	[tilespmem:s16], [sflag:$0x8] =	stream.linear.gather [hbm4b:s6+s1], $0x80, $0x38;
	[tilespmem:$0x1E480] =	vst v63  }
0xca: {  	_ =	swait.ge [sflag:s8], $0x80  }
0xcb: {  	[sflag:s8] =	ssyncset.done $0x0  }
0xcc: {  	[sflag:s8] =	ssyncadd.s32 $0xFFFFFF80  }
0xcd: {  	_ =	swait.ge [sflag:s9], $0x80  }
0xce: {  	[sflag:s9] =	ssyncset.done $0x0  }
0xcf: {  	[sflag:s9] =	ssyncadd.s32 $0xFFFFFF80  }
0xd0: {  	[tilespmem:s10], [sflag:$0xA] =	stream.indirect.gather [hbm4b:s26+s17], $0x80, s17, s17, $0xb8;
	[tilespmem:$0x1E480] =	vst v63  }
0xd1: {  	_ =	swait.ge [sflag:s0], $0x4000  }
0xd2: {  	[sflag:s0] =	ssyncset.done $0x0  }
0xd3: {  	[sflag:s0] =	ssyncadd.s32 $0xFFFFC000  }
0xd4: {  	[spmem:s30] =	stream.indirect.scatter.add.f32 [tilespmem:s24], [sflag:$0xB], $0x80, s20, s17, $0xb8;
	[tilespmem:$0x1E480] =	vst v63  }
0xd5: {  	_ =	swait.ge [sflag:s11], $0x4000  }
0xd6: {  	[sflag:s11] =	ssyncset.done $0x0  }
0xd7: {  	s25 =	sadd.s32 $0x100, s2;
	[sflag:s11] =	ssyncadd.s32 $0xFFFFC000  }
0xd8: {  	[tilespmem:s1], [sflag:$0x1] =	stream.linear.gather [hbm4b:s25+s1], $0x80, $0x38;
	[tilespmem:$0x1E480] =	vst v63  }
0xd9: {  	s6 =	sadd.s32 $0x100, s4  }
0xda: {  	[tilespmem:s20], [sflag:$0x5] =	stream.linear.gather [hbm4b:s6+s1], $0x80, $0x38;
	[tilespmem:$0x1E480] =	vst v63  }
0xdb: {  	_ =	swait.ge [sflag:s12], $0x80  }
0xdc: {  	[sflag:s12] =	ssyncset.done $0x0  }
0xdd: {  	[sflag:s12] =	ssyncadd.s32 $0xFFFFFF80  }
0xde: {  	_ =	swait.ge [sflag:s13], $0x80  }
0xdf: {  	[sflag:s13] =	ssyncset.done $0x0  }
0xe0: {  	[sflag:s13] =	ssyncadd.s32 $0xFFFFFF80  }
0xe1: {  	[tilespmem:s24], [sflag:$0x9] =	stream.indirect.gather [hbm4b:s26+s17], $0x80, s19, s17, $0xb8;
	[tilespmem:$0x1E480] =	vst v63  }
0xe2: {  	_ =	swait.ge [sflag:s14], $0x4000  }
0xe3: {  	[sflag:s14] =	ssyncset.done $0x0  }
0xe4: {  	[sflag:s14] =	ssyncadd.s32 $0xFFFFC000  }
0xe5: {  	[spmem:s30] =	stream.indirect.scatter.add.f32 [tilespmem:s10], [sflag:$0xC], $0x80, s18, s17, $0xb8;
	[tilespmem:$0x1E480] =	vst v63  }
0xe6: {  	_ =	swait.ge [sflag:s15], $0x4000  }
0xe7: {  	[sflag:s15] =	ssyncset.done $0x0  }
0xe8: {  	s2 =	sadd.s32 $0x120, s2;
	[sflag:s15] =	ssyncadd.s32 $0xFFFFC000  }
0xe9: {  	[tilespmem:s17], [sflag:$0x2] =	stream.linear.gather [hbm4b:s2+s1], $0x80, $0x38;
	[tilespmem:$0x1E480] =	vst v63  }
0xea: {  	s25 =	sadd.s32 $0x120, s4  }
0xeb: {  	[tilespmem:s18], [sflag:$0x6] =	stream.linear.gather [hbm4b:s25+s1], $0x80, $0x38;
	[tilespmem:$0x1E480] =	vst v63  }
0xec: {  	_ =	swait.ge [sflag:s28], $0x80  }
0xed: {  	[sflag:s28] =	ssyncset.done $0x0  }
0xee: {  	[sflag:s28] =	ssyncadd.s32 $0xFFFFFF80  }
0xef: {  	_ =	swait.ge [sflag:s21], $0x80  }
0xf0: {  	[sflag:s21] =	ssyncset.done $0x0  }
0xf1: {  	[sflag:s21] =	ssyncadd.s32 $0xFFFFFF80  }
0xf2: {  	[tilespmem:s10], [sflag:$0xA] =	stream.indirect.gather [hbm4b:s26+s17], $0x80, s7, s17, $0xb8;
	[tilespmem:$0x1E480] =	vst v63  }
0xf3: {  	_ =	swait.ge [sflag:s0], $0x4000  }
0xf4: {  	[sflag:s0] =	ssyncset.done $0x0  }
0xf5: {  	[sflag:s0] =	ssyncadd.s32 $0xFFFFC000  }
0xf6: {  	[spmem:s30] =	stream.indirect.scatter.add.f32 [tilespmem:s24], [sflag:$0xB], $0x80, s5, s17, $0xb8;
	[tilespmem:$0x1E480] =	vst v63  }
0xf7: {  	p2 =	por $0x0, $0x0;
	_ =	swait.ge [sflag:s11], $0x4000  }
0xf8: {  	s3 =	simm.s32 @!p2 $0x0;
	s2 =	sadd.s32 @!p2 $0x0, s29;
	[sflag:s11] =	ssyncset.done $0x0  }
0xf9: {  	s4 =	simm.s32 @!p2 $0x100;
	s2 =	sadd.s32 @!p2 $0x140, s2;
	[sflag:s11] =	ssyncadd.s32 $0xFFFFC000  }
0xfa: {  	[tilespmem:s4], [sflag:$0x3] =	stream.linear.gather @!p2 [hbm4b:s2+s3], $0x80, $0x38;
	[tilespmem:$0x1E480] =	vst v63  }
0xfb: {  	s2 =	sadd.s32 @!p2 $0x0, s31  }
0xfc: {  	s4 =	simm.s32 @!p2 $0x300;
	s2 =	sadd.s32 @!p2 $0x140, s2  }
0xfd: {  	[tilespmem:s4], [sflag:$0x7] =	stream.linear.gather @!p2 [hbm4b:s2+s3], $0x80, $0x38;
	[tilespmem:$0x1E480] =	vst v63  }
0xfe: {  	_ =	swait.ge [sflag:s22], $0x80  }
0xff: {  	[sflag:s22] =	ssyncset.done $0x0  }
0x100: {  	[sflag:s22] =	ssyncadd.s32 $0xFFFFFF80  }
0x101: {  	_ =	swait.ge [sflag:s23], $0x80  }
0x102: {  	[sflag:s23] =	ssyncset.done $0x0  }
0x103: {  	[sflag:s23] =	ssyncadd.s32 $0xFFFFFF80  }
0x104: {  	[tilespmem:s24], [sflag:$0x9] =	stream.indirect.gather [hbm4b:s26+s17], $0x80, s1, s17, $0xb8;
	[tilespmem:$0x1E480] =	vst v63  }
0x105: {  	s6 =	simm.s32 $0x280;
	s20 =	simm.s32 $0x100;
	_ =	swait.ge [sflag:s14], $0x4000  }
0x106: {  	s18 =	simm.s32 $0x200;
	s2 =	simm.s32 $0x80;
	[sflag:s14] =	ssyncset.done $0x0  }
.LBB2_4:
0x107: {  	[sflag:s14] =	ssyncadd.s32 $0xFFFFC000;
	s3 =	smov.u32 s2;
	s2 =	sadd.s32 $0x80, s2  }
0x108: {  	[spmem:s30] =	stream.indirect.scatter.add.f32 [tilespmem:s10], [sflag:$0xC], $0x80, s16, s17, $0xb8;
	[tilespmem:$0x1E480] =	vst v63  }
0x109: {  	s5 =	sadd.s32 s3, s29;
	p2 =	sne.s32 s2, $0x900;
	_ =	swait.ge [sflag:s15], $0x4000  }
0x10a: {  	s4 =	sadd.s32 s3, s31;
	s25 =	sadd.s32 $0xE0, s5;
	[sflag:s15] =	ssyncset.done $0x0  }
0x10b: {  	[sflag:s15] =	ssyncadd.s32 $0xFFFFC000  }
0x10c: {  	[tilespmem:s7], [sflag:$0x4] =	stream.linear.gather [hbm4b:s25+s1], $0x80, $0x38;
	[tilespmem:$0x1E480] =	vst v63  }
0x10d: {  	s25 =	sadd.s32 $0xE0, s4  }
0x10e: {  	[tilespmem:s16], [sflag:$0x8] =	stream.linear.gather [hbm4b:s25+s1], $0x80, $0x38;
	[tilespmem:$0x1E480] =	vst v63  }
0x10f: {  	_ =	swait.ge [sflag:s8], $0x80  }
0x110: {  	[sflag:s8] =	ssyncset.done $0x0  }
0x111: {  	[sflag:s8] =	ssyncadd.s32 $0xFFFFFF80  }
0x112: {  	_ =	swait.ge [sflag:s9], $0x80  }
0x113: {  	[sflag:s9] =	ssyncset.done $0x0  }
0x114: {  	[sflag:s9] =	ssyncadd.s32 $0xFFFFFF80  }
0x115: {  	[tilespmem:s10], [sflag:$0xA] =	stream.indirect.gather [hbm4b:s26+s17], $0x80, s17, s17, $0xb8;
	[tilespmem:$0x1E480] =	vst v63  }
0x116: {  	_ =	swait.ge [sflag:s0], $0x4000  }
0x117: {  	[sflag:s0] =	ssyncset.done $0x0  }
0x118: {  	[sflag:s0] =	ssyncadd.s32 $0xFFFFC000  }
0x119: {  	[spmem:s30] =	stream.indirect.scatter.add.f32 [tilespmem:s24], [sflag:$0xB], $0x80, s18, s17, $0xb8;
	[tilespmem:$0x1E480] =	vst v63  }
0x11a: {  	_ =	swait.ge [sflag:s11], $0x4000  }
0x11b: {  	s25 =	sadd.s32 $0x100, s5;
	[sflag:s11] =	ssyncset.done $0x0  }
0x11c: {  	[sflag:s11] =	ssyncadd.s32 $0xFFFFC000  }
0x11d: {  	[tilespmem:s1], [sflag:$0x1] =	stream.linear.gather [hbm4b:s25+s1], $0x80, $0x38;
	[tilespmem:$0x1E480] =	vst v63  }
0x11e: {  	s25 =	sadd.s32 $0x100, s4  }
0x11f: {  	[tilespmem:s18], [sflag:$0x5] =	stream.linear.gather [hbm4b:s25+s1], $0x80, $0x38;
	[tilespmem:$0x1E480] =	vst v63  }
0x120: {  	_ =	swait.ge [sflag:s12], $0x80  }
0x121: {  	[sflag:s12] =	ssyncset.done $0x0  }
0x122: {  	[sflag:s12] =	ssyncadd.s32 $0xFFFFFF80  }
0x123: {  	_ =	swait.ge [sflag:s13], $0x80  }
0x124: {  	[sflag:s13] =	ssyncset.done $0x0  }
0x125: {  	[sflag:s13] =	ssyncadd.s32 $0xFFFFFF80  }
0x126: {  	[tilespmem:s24], [sflag:$0x9] =	stream.indirect.gather [hbm4b:s26+s17], $0x80, s20, s17, $0xb8;
	[tilespmem:$0x1E480] =	vst v63  }
0x127: {  	_ =	swait.ge [sflag:s14], $0x4000  }
0x128: {  	[sflag:s14] =	ssyncset.done $0x0  }
0x129: {  	[sflag:s14] =	ssyncadd.s32 $0xFFFFC000  }
0x12a: {  	[spmem:s30] =	stream.indirect.scatter.add.f32 [tilespmem:s10], [sflag:$0xC], $0x80, s6, s17, $0xb8;
	[tilespmem:$0x1E480] =	vst v63  }
0x12b: {  	_ =	swait.ge [sflag:s15], $0x4000  }
0x12c: {  	s5 =	sadd.s32 $0x120, s5;
	[sflag:s15] =	ssyncset.done $0x0  }
0x12d: {  	[sflag:s15] =	ssyncadd.s32 $0xFFFFC000  }
0x12e: {  	[tilespmem:s17], [sflag:$0x2] =	stream.linear.gather [hbm4b:s5+s1], $0x80, $0x38;
	[tilespmem:$0x1E480] =	vst v63  }
0x12f: {  	s4 =	sadd.s32 $0x120, s4  }
0x130: {  	[tilespmem:s6], [sflag:$0x6] =	stream.linear.gather [hbm4b:s4+s1], $0x80, $0x38;
	[tilespmem:$0x1E480] =	vst v63  }
0x131: {  	_ =	swait.ge [sflag:s28], $0x80  }
0x132: {  	[sflag:s28] =	ssyncset.done $0x0  }
0x133: {  	[sflag:s28] =	ssyncadd.s32 $0xFFFFFF80  }
0x134: {  	_ =	swait.ge [sflag:s21], $0x80  }
0x135: {  	[sflag:s21] =	ssyncset.done $0x0  }
0x136: {  	[sflag:s21] =	ssyncadd.s32 $0xFFFFFF80  }
0x137: {  	[tilespmem:s10], [sflag:$0xA] =	stream.indirect.gather [hbm4b:s26+s17], $0x80, s7, s17, $0xb8;
	[tilespmem:$0x1E480] =	vst v63  }
0x138: {  	_ =	swait.ge [sflag:s0], $0x4000  }
0x139: {  	[sflag:s0] =	ssyncset.done $0x0  }
0x13a: {  	p3 =	seq.s32 s3, $0x880;
	s4 =	simm.s32 $0x300;
	[sflag:s0] =	ssyncadd.s32 $0xFFFFC000  }
0x13b: {  	[spmem:s30] =	stream.indirect.scatter.add.f32 [tilespmem:s24], [sflag:$0xB], $0x80, s4, s17, $0xb8;
	[tilespmem:$0x1E480] =	vst v63  }
0x13c: {  	s5 =	simm.s32 @!p3 $0x0;
	s4 =	sadd.s32 @!p3 s3, s29;
	_ =	swait.ge [sflag:s11], $0x4000  }
0x13d: {  	s25 =	simm.s32 @!p3 $0x100;
	s4 =	sadd.s32 @!p3 $0x140, s4;
	[sflag:s11] =	ssyncset.done $0x0  }
0x13e: {  	s19 =	simm.s32 @!p3 $0x300;
	s3 =	sadd.s32 @!p3 s3, s31;
	[sflag:s11] =	ssyncadd.s32 $0xFFFFC000  }
0x13f: {  	[tilespmem:s25], [sflag:$0x3] =	stream.linear.gather @!p3 [hbm4b:s4+s5], $0x80, $0x38;
	[tilespmem:$0x1E480] =	vst v63  }
0x140: {  	s3 =	sadd.s32 @!p3 $0x140, s3  }
0x141: {  	[tilespmem:s19], [sflag:$0x7] =	stream.linear.gather @!p3 [hbm4b:s3+s5], $0x80, $0x38;
	[tilespmem:$0x1E480] =	vst v63  }
0x142: {  	_ =	swait.ge [sflag:s22], $0x80  }
0x143: {  	[sflag:s22] =	ssyncset.done $0x0  }
0x144: {  	[sflag:s22] =	ssyncadd.s32 $0xFFFFFF80  }
0x145: {  	_ =	swait.ge [sflag:s23], $0x80  }
.Ltmp1:
0x146: {  	[sflag:s23] =	ssyncset.done $0x0;
	(pc) =	sbr.rel @p2 .LBB2_4-.Ltmp1, $4  }
0x147: {  	[sflag:s23] =	ssyncadd.s32 $0xFFFFFF80  }
0x148: {  	[tilespmem:s24], [sflag:$0x9] =	stream.indirect.gather [hbm4b:s26+s17], $0x80, s1, s17, $0xb8;
	[tilespmem:$0x1E480] =	vst v63  }
0x149: {  	_ =	swait.ge [sflag:s14], $0x4000  }
0x14a: {  	[sflag:s14] =	ssyncset.done $0x0  }
0x14b: {  	[sflag:s14] =	ssyncadd.s32 $0xFFFFC000  }
0x14c: {  	[spmem:s30] =	stream.indirect.scatter.add.f32 [tilespmem:s10], [sflag:$0xC], $0x80, s16, s17, $0xb8;
	[tilespmem:$0x1E480] =	vst v63  }
0x14d: {  	_ =	swait.ge [sflag:s15], $0x4000  }
0x14e: {  	[sflag:s15] =	ssyncset.done $0x0  }
0x14f: {  	[sflag:s15] =	ssyncadd.s32 $0xFFFFC000  }
0x150: {  	_ =	swait.ge [sflag:s8], $0x80  }
0x151: {  	[sflag:s8] =	ssyncset.done $0x0  }
0x152: {  	[sflag:s8] =	ssyncadd.s32 $0xFFFFFF80  }
0x153: {  	_ =	swait.ge [sflag:s9], $0x80  }
0x154: {  	[sflag:s9] =	ssyncset.done $0x0  }
0x155: {  	[sflag:s9] =	ssyncadd.s32 $0xFFFFFF80  }
0x156: {  	[tilespmem:s10], [sflag:$0xA] =	stream.indirect.gather [hbm4b:s26+s17], $0x80, s17, s17, $0xb8;
	[tilespmem:$0x1E480] =	vst v63  }
0x157: {  	_ =	swait.ge [sflag:s0], $0x4000  }
0x158: {  	[sflag:s0] =	ssyncset.done $0x0  }
0x159: {  	[sflag:s0] =	ssyncadd.s32 $0xFFFFC000  }
0x15a: {  	[spmem:s30] =	stream.indirect.scatter.add.f32 [tilespmem:s24], [sflag:$0xB], $0x80, s18, s17, $0xb8;
	[tilespmem:$0x1E480] =	vst v63  }
0x15b: {  	_ =	swait.ge [sflag:s11], $0x4000  }
0x15c: {  	[sflag:s11] =	ssyncset.done $0x0  }
0x15d: {  	[sflag:s11] =	ssyncadd.s32 $0xFFFFC000  }
0x15e: {  	_ =	swait.ge [sflag:s14], $0x4000  }
0x15f: {  	[sflag:s14] =	ssyncset.done $0x0  }
0x160: {  	[sflag:s14] =	ssyncadd.s32 $0xFFFFC000  }
0x161: {  	[spmem:s30] =	stream.indirect.scatter.add.f32 [tilespmem:s10], [sflag:$0xC], $0x80, s6, s17, $0xb8;
	[tilespmem:$0x1E480] =	vst v63  }
0x162: {  	_ =	swait.ge [sflag:s15], $0x4000  }
0x163: {  	s2 =	simm.s32 @!p1 $0x0;
	[sflag:s15] =	ssyncset.done $0x0  }
0x164: {  	s3 =	simm.s32 @!p1 $0x100;
	s4 =	rddreg [dreg:$0x1b];
	[sflag:s15] =	ssyncadd.s32 $0xFFFFC000  }
0x165: {  	[tilespmem:s3], [sflag:$0x3] =	stream.linear.gather @!p1 [hbm4b:s4+s2], $0x80, $0x38;
	[tilespmem:$0x1E480] =	vst v63  }
0x166: {  	s5 =	rddreg [dreg:$0x1c];
	s4 =	simm.s32 @!p1 $0x300  }
0x167: {  	[tilespmem:s4], [sflag:$0x7] =	stream.linear.gather @!p1 [hbm4b:s5+s2], $0x80, $0x38;
	[tilespmem:$0x1E480] =	vst v63  }
0x168: {  	s2 =	simm.s32 @!p1 $0x3  }
0x169: {  	_ =	swait.ge @!p1 [sflag:s2], $0x80  }
0x16a: {  	[sflag:s2] =	ssyncset.done @!p1 $0x0  }
0x16b: {  	[sflag:s2] =	ssyncadd.s32 @!p1 $0xFFFFFF80;
	s2 =	simm.s32 @!p1 $0x7  }
0x16c: {  	_ =	swait.ge @!p1 [sflag:s2], $0x80  }
0x16d: {  	[sflag:s2] =	ssyncset.done @!p1 $0x0  }
0x16e: {  	s5 =	simm.s32 @!p1 $0x400;
	[sflag:s2] =	ssyncadd.s32 @!p1 $0xFFFFFF80;
	s2 =	simm.s32 @!p1 $0x80  }
0x16f: {  	[tilespmem:s5], [sflag:$0x9] =	stream.indirect.gather @!p1 [hbm4b:s26+s2], $0x80, s3, s2, $0xb8;
	[tilespmem:$0x1E480] =	vst v63  }
0x170: {  	s3 =	simm.s32 @!p1 $0x9  }
0x171: {  	_ =	swait.ge @!p1 [sflag:s3], $0x4000  }
0x172: {  	[sflag:s3] =	ssyncset.done @!p1 $0x0  }
0x173: {  	[sflag:s3] =	ssyncadd.s32 @!p1 $0xFFFFC000  }
0x174: {  	[spmem:s30] =	stream.indirect.scatter.add.f32 @!p1 [tilespmem:s5], [sflag:$0xB], $0x80, s4, s2, $0xb8;
	[tilespmem:$0x1E480] =	vst v63  }
0x175: {  	s2 =	simm.s32 @!p1 $0xB  }
0x176: {  	_ =	swait.ge @!p1 [sflag:s2], $0x4000  }
0x177: {  	[sflag:s2] =	ssyncset.done @!p1 $0x0  }
0x178: {  	[sflag:s2] =	ssyncadd.s32 @!p1 $0xFFFFC000  }
0x179: {  	s5 =	stileid.u32;
	[bflag:$0x0] =	sbarrier.arrive $0xFFFF  }
0x17a: {  	s2 =	sshll.u32 s5, $0x6;
	s25 =	rddreg [dreg:$0x1d]  }
0x17b: {  	s6 =	sor.u32 $0x1C0D, s2;
	s19 =	rddreg [dreg:$0x6];
	s18 =	sshrl.u32 s25, $0x3  }
0x17c: {  	[hbm:s19], [sflag:s6] =	dma.local [spmem:s18], $0x500  }
0x17d: {  	s4 =	rddreg [dreg:$0x7]  }
0x17e: {  	s20 =	sor.u32 $0x1C0E, s2;
	s19 =	rddreg [dreg:$0x1f]  }
0x17f: {  	[hbm:s4], [sflag:s20] =	dma.local [spmem:s19], $0x500  }
0x180: {  	s19 =	sld [smem:$0x7F1];
	_ =	sdelay $0x1  }
0x181: {  	s6 =	sor.u32 $0x1C0F, s2;
	s4 =	rddreg [dreg:$0x8]  }
0x182: {  	[hbm:s4], [sflag:s6] =	dma.local [spmem:s19], $0x500  }
0x183: {  	s19 =	sld [smem:$0x7F2];
	_ =	sdelay $0x1  }
0x184: {  	s18 =	sor.u32 $0x1C10, s2;
	s4 =	rddreg [dreg:$0x9]  }
0x185: {  	[hbm:s4], [sflag:s18] =	dma.local [spmem:s19], $0x500  }
0x186: {  	s4 =	sld [smem:$0x7F3];
	_ =	sdelay $0x1  }
0x187: {  	s2 =	sor.u32 $0x1C11, s2;
	s3 =	rddreg [dreg:$0xa]  }
0x188: {  	[hbm:s3], [sflag:s2] =	dma.local [spmem:s4], $0x500  }
0x189: {  	s19 =	sld [smem:$0x7F4]  }
0x18a: {  	s2 =	sshll.u32 @!p0 s5, $0x6  }
0x18b: {  	s3 =	sor.u32 @!p0 $0x1C12, s2;
	s5 =	rddreg [dreg:$0xb]  }
0x18c: {  	[hbm:s5], [sflag:s3] =	dma.local @!p0 [spmem:s19], $0x500  }
0x18d: {  	s19 =	sld [smem:$0x7F5];
	_ =	sdelay $0x1  }
0x18e: {  	s3 =	sor.u32 @!p0 $0x1C13, s2;
	s5 =	rddreg [dreg:$0xc]  }
0x18f: {  	[hbm:s5], [sflag:s3] =	dma.local @!p0 [spmem:s19], $0x500  }
0x190: {  	s5 =	sld [smem:$0x7F6];
	_ =	sdelay $0x1  }
0x191: {  	s6 =	simm.s32 $0xD;
	s2 =	sor.u32 @!p0 $0x1C14, s2;
	s3 =	rddreg [dreg:$0xd]  }
0x192: {  	[hbm:s3], [sflag:s2] =	dma.local @!p0 [spmem:s5], $0x500  }
0x193: {  	_ =	swait.ge [sflag:s6], $0x500  }
0x194: {  	[sflag:s6] =	ssyncset.done $0x0  }
0x195: {  	s20 =	simm.s32 $0xE;
	[sflag:s6] =	ssyncadd.s32 $0xFFFFFB00  }
0x196: {  	_ =	swait.ge [sflag:s20], $0x500  }
0x197: {  	[sflag:s20] =	ssyncset.done $0x0  }
0x198: {  	s3 =	simm.s32 $0xF;
	[sflag:s20] =	ssyncadd.s32 $0xFFFFFB00  }
0x199: {  	_ =	swait.ge [sflag:s3], $0x500  }
0x19a: {  	[sflag:s3] =	ssyncset.done $0x0  }
0x19b: {  	s5 =	simm.s32 $0x10;
	[sflag:s3] =	ssyncadd.s32 $0xFFFFFB00  }
0x19c: {  	_ =	swait.ge [sflag:s5], $0x500  }
0x19d: {  	[sflag:s5] =	ssyncset.done $0x0  }
0x19e: {  	s18 =	simm.s32 $0x11;
	[sflag:s5] =	ssyncadd.s32 $0xFFFFFB00  }
0x19f: {  	_ =	swait.ge [sflag:s18], $0x500  }
0x1a0: {  	[sflag:s18] =	ssyncset.done $0x0  }
0x1a1: {  	s2 =	simm.s32 @!p0 $0x12;
	[sflag:s18] =	ssyncadd.s32 $0xFFFFFB00  }
0x1a2: {  	_ =	swait.ge @!p0 [sflag:s2], $0x500  }
0x1a3: {  	[sflag:s2] =	ssyncset.done @!p0 $0x0  }
0x1a4: {  	[sflag:s2] =	ssyncadd.s32 @!p0 $0xFFFFFB00;
	s2 =	simm.s32 @!p0 $0x13  }
0x1a5: {  	_ =	swait.ge @!p0 [sflag:s2], $0x500  }
0x1a6: {  	[sflag:s2] =	ssyncset.done @!p0 $0x0  }
0x1a7: {  	[sflag:s2] =	ssyncadd.s32 @!p0 $0xFFFFFB00;
	s2 =	simm.s32 @!p0 $0x14  }
0x1a8: {  	_ =	swait.ge @!p0 [sflag:s2], $0x500  }
0x1a9: {  	s19 =	sld [smem:$0x7F0];
	_ =	sdelay $0x2  }
0x1aa: {  	s20 =	rddreg [dreg:$0x1e];
	s5 =	sadd.s32 $0x1, s19  }
0x1ab: {  	p2 =	sne.s32 s5, s20  }
.Ltmp2:
0x1ac: {  	_ = 	snop;
	(pc) =	sbr.rel @p2 .LBB2_1-.Ltmp2, $4  }
0x1ad: {  	_ = 	snop  }
0x1ae: {  	s4 =	stileid.u32  }
0x1af: {  	s3 =	simm.s32 $0x300;
	s18 =	simm.s32 $0x280;
	[sflag:s2] =	ssyncset.done @!p0 $0x0  }
0x1b0: {  	[sflag:s2] =	ssyncadd.s32 @!p0 $0xFFFFFB00;
	s19 =	simm.s32 $0x100;
	s20 =	simm.s32 $0x200  }
0x1b1: {  	_ =	sfence.sel $0x180000  }
0x1b2: {  	[bflag:$0x0] =	sbarrier.arrive $0xFFFF  }
0x1b3: {  	_ =	strace $0x9000004A  }
0x1b4: {  	[bflag:$0x2] =	sbarrier.arrive $0xFFFF  }
0x1b5: {  	p0 =	sne.s32 s4, $0x0;
	s0 =	rddreg [dreg:$0x4]  }
0x1b6: {  	s0 =	sadd.s32 @!p0 $0x100000, s0  }
0x1b7: {  	[sflag:s0] =	ssyncadd.tile.s32 @!p0 $0x1;
	_ =	shalt  }
.Lfunc_end2:
_tile_overlayer_lowered:
.L_overlay_start_2:
0x1b8: {  	(tag) =	ssettag $0x2  }
0x1b9: {  	s0 =	rddreg [dreg:$0x0];
	s2 =	stileid.u32  }
0x1ba: {  	s1 =	rddreg [dreg:$0x1];
	p0 =	sne.s32 s2, $0x0  }
0x1bb: {  	s3 =	rddreg [dreg:$0x2];
	[bflag:$0x3] =	sbarrier.arrive $0xFFFF;
	s2 =	simm.s32 @!p0 $0x1C15  }
0x1bc: {  	[timem:s3], [sflag:s2] =	dma.local @!p0 [hbm:s0], s1  }
0x1bd: {  	s0 =	simm.s32 @!p0 $0x15  }
0x1be: {  	_ =	swait.ge @!p0 [sflag:s0], s1  }
0x1bf: {  	s1 =	ssub.s32 @!p0 $0x0, s1;
	[sflag:s0] =	ssyncset.done @!p0 $0x0  }
0x1c0: {  	[sflag:s0] =	ssyncadd.s32 @!p0 s1  }
0x1c1: {  	[bflag:$0x3] =	sbarrier.arrive $0xFFFF  }
0x1c2: {  	_ =	shalt  }

</sc_bundles>
